<compile_context>
chip_gen: v7x
topology: tpu7x:2x2x1
jax: 0.10.2.dev20260603
libtpu: 0.0.44.dev20260713+nightly
codegen_flags: <defaults>
</compile_context>

<pallas_src>
import numpy as _np

import jax
import jax.numpy as jnp
from jax import lax
from jax.experimental import pallas as pl
from jax.experimental.pallas import tpu as pltpu
from jax.experimental.pallas import tpu_sc as plsc

N = 50000
VOCAB = 512
HID = 64
H1, C1 = 8, 8
H2, C2 = 4, 16
NG = 64
NC = 20

BLK = 128
TAB_ROWS = 50048
NBLK = TAB_ROWS // BLK
QSIZE = 12800
CROWS = QSIZE + BLK
ACC_ROWS = 4 * QSIZE
E_TOT = 800000 + N
GRP = 128
NSUB = 16
G_PER_SUB = -(-E_TOT // (GRP * NSUB))
E_PAD = G_PER_SUB * GRP * NSUB
TG = E_PAD // GRP


def _k1_body(x_ref, wp_ref, bp_ref, w1_ref, as_ref, ad_ref,
             h0_ref, t_ref, adt_ref):
    h0 = jnp.dot(x_ref[...], wp_ref[...], preferred_element_type=jnp.float32) + bp_ref[...]
    hw = jnp.dot(h0, w1_ref[...], preferred_element_type=jnp.float32)
    asrc = jnp.dot(hw, as_ref[...], preferred_element_type=jnp.float32)
    adst = jnp.dot(hw, ad_ref[...], preferred_element_type=jnp.float32)
    h0_ref[...] = h0
    t_ref[...] = jnp.concatenate([hw, asrc], axis=1)
    adt_ref[...] = adst


def _expand_mat(heads, ch):
    hi = lax.broadcasted_iota(jnp.int32, (heads, heads * ch), 0)
    fi = lax.broadcasted_iota(jnp.int32, (heads, heads * ch), 1)
    return (fi // ch == hi).astype(jnp.float32)


def _gat_post(accden, heads, ch, b, hprev, g, be):
    denr = jnp.dot(accden[:, HID:HID + heads], _expand_mat(heads, ch),
                   preferred_element_type=jnp.float32)
    out = accden[:, :HID] / (denr + 1e-16) + b
    a = jnp.where(out > 0, out, jnp.exp(out) - 1.0)
    h = a + hprev
    m = h.mean(axis=1, keepdims=True)
    v = ((h - m) ** 2).mean(axis=1, keepdims=True)
    return (h - m) / jnp.sqrt(v + 1e-5) * g + be


def _mid_body(acc_ref, hprev_ref, b_ref, g_ref, be_ref,
              w_ref, as_ref, ad_ref, hout_ref, t_ref, adt_ref):
    h = _gat_post(acc_ref[...], H1, C1, b_ref[...],
                  hprev_ref[...], g_ref[...], be_ref[...])
    hout_ref[...] = h
    hw = jnp.dot(h, w_ref[...], preferred_element_type=jnp.float32)
    asrc = jnp.dot(hw, as_ref[...], preferred_element_type=jnp.float32)
    adst = jnp.dot(hw, ad_ref[...], preferred_element_type=jnp.float32)
    t_ref[...] = jnp.concatenate([hw, asrc], axis=1)
    adt_ref[...] = adst


def _k5_body(acc_ref, hprev_ref, h0_ref, b_ref, g_ref, be_ref,
             batch_ref, s2_ref, s0_ref, cnt_ref):
    i = pl.program_id(0)
    h2 = _gat_post(acc_ref[...], H2, C2, b_ref[...],
                   hprev_ref[...], g_ref[...], be_ref[...])
    bt = batch_ref[0]
    oht = (lax.broadcasted_iota(jnp.int32, (NG, BLK), 0)
           == jnp.broadcast_to(bt, (NG, BLK))).astype(jnp.float32)
    p2 = jnp.dot(oht, h2, preferred_element_type=jnp.float32)
    p0 = jnp.dot(oht, h0_ref[...], preferred_element_type=jnp.float32)
    pc = jnp.dot(oht, jnp.ones((BLK, HID), jnp.float32),
                 preferred_element_type=jnp.float32)

    @pl.when(i == 0)
    def _():
        s2_ref[...] = p2
        s0_ref[...] = p0
        cnt_ref[...] = pc

    @pl.when(i != 0)
    def _():
        s2_ref[...] += p2
        s0_ref[...] += p0
        cnt_ref[...] += pc


def _k6_body(s2_ref, s0_ref, cnt_ref, wf_ref, bf_ref, wc1_ref, bc1_ref,
             wc2_ref, bc2_ref, o_ref):
    cm = jnp.maximum(cnt_ref[...], 1.0)
    z = jnp.concatenate([s2_ref[...] / cm, s0_ref[...] / cm], axis=1)
    z = jnp.maximum(jnp.dot(z, wf_ref[...], preferred_element_type=jnp.float32)
                    + bf_ref[...], 0.0)
    z = jnp.maximum(jnp.dot(z, wc1_ref[...], preferred_element_type=jnp.float32)
                    + bc1_ref[...], 0.0)
    z = jnp.dot(z, wc2_ref[...], preferred_element_type=jnp.float32) + bc2_ref[...]
    mx = jnp.max(z, axis=1, keepdims=True)
    lse = jnp.log(jnp.sum(jnp.exp(z - mx), axis=1, keepdims=True)) + mx
    o_ref[...] = z - lse


_GDN = lax.GatherDimensionNumbers(
    offset_dims=(), collapsed_slice_dims=(0,), start_index_map=(0,))


def _make_edge_kernel(ch):
    csh = ch.bit_length() - 1

    def body(sd3, table, adt, acc_out,
             sdb0, sdb1, dstl0, dstl1, grow0, grow1,
             adstb0, adstb1, outb0, outb1,
             gsem, isem, ssem, acc_s):
        sdb_ = (sdb0, sdb1)
        dstl_ = (dstl0, dstl1)
        grow_ = (grow0, grow1)
        adstb_ = (adstb0, adstb1)
        outb_ = (outb0, outb1)
        outb = outb0
        c = lax.axis_index("c")
        s = lax.axis_index("s")
        lane = lax.iota(jnp.int32, 16)
        zero16 = jnp.zeros((16,), jnp.float32)

        def _wexpand(w, j):
            idx = ((j * 16 + lane) >> csh).reshape(16, 1)
            return lax.gather(w, idx, _GDN, (1,),
                              mode=lax.GatherScatterMode.PROMISE_IN_BOUNDS)

        for p in range(2):
            q = c + 2 * p
            def _zrow(r, _):
                for j in range(5):
                    outb[r, pl.ds(j * 16, 16)] = zero16
                return 0
            lax.fori_loop(0, GRP, _zrow, 0)
            zbase = s * (CROWS // NSUB)
            def _zcp(r, _):
                pltpu.sync_copy(outb, acc_s.at[pl.ds(zbase + r * GRP, GRP)])
                return 0
            nfull = (CROWS // NSUB) // GRP
            lax.fori_loop(0, nfull, _zcp, 0)
            rem = CROWS // NSUB - nfull * GRP
            pltpu.sync_copy(outb.at[pl.ds(0, rem)],
                            acc_s.at[pl.ds(zbase + nfull * GRP, rem)])
            plsc.subcore_barrier()

            G = G_PER_SUB
            base_row = s * G

            def _start_gather(b):
                pltpu.async_copy(table.at[sdb_[b].at[0]], grow_[b], gsem)
                pltpu.async_copy(adt.at[sdb_[b].at[1]], adstb_[b], gsem)

            def _start_idx(b, g_next):
                pltpu.async_copy(sd3.at[base_row + g_next], sdb_[b], isem)

            def _wait_idx(b):
                pltpu.make_async_copy(sd3.at[base_row], sdb_[b], isem).wait()

            def _wait_scat(b):
                pltpu.make_async_copy(outb_[b], acc_s.at[dstl_[b]], ssem).wait()

            pltpu.sync_copy(sd3.at[base_row], sdb_[0])
            _start_gather(0)
            _start_idx(1, 1)

            def _leg(g, b):
                grow, adstb = grow_[b], adstb_[b]
                outb, dstl, sdb = outb_[b], dstl_[b], sdb_[b]
                pltpu.make_async_copy(table.at[sdb.at[0]], grow, gsem).wait()
                pltpu.make_async_copy(adt.at[sdb.at[1]], adstb, gsem).wait()

                @pl.when(g >= 2)
                def _():
                    _wait_scat(b)

                def _loc(k, _):
                    d16 = sdb[1, pl.ds(k * 16, 16)]
                    ld = d16 - q * QSIZE
                    oob = (ld < 0) | (ld >= QSIZE)
                    dstl[pl.ds(k * 16, 16)] = jnp.where(oob, QSIZE, ld)
                    return 0
                lax.fori_loop(0, GRP // 16, _loc, 0)

                @pl.when(g + 1 < G)
                def _():
                    _wait_idx(1 - b)
                    _start_gather(1 - b)

                @pl.when(g + 2 < G)
                def _():
                    _start_idx(b, g + 2)

                def _edge(e2, _):
                    for u in range(2):
                        e = 2 * e2 + u
                        av = grow[e, pl.ds(HID, 16)]
                        dv = adstb[e, pl.ds(0, 16)]
                        sv = av + dv
                        w = jnp.exp(jnp.maximum(sv, sv * 0.2))
                        outb[e, pl.ds(HID, 16)] = w
                        for j in range(4):
                            hv = grow[e, pl.ds(j * 16, 16)]
                            outb[e, pl.ds(j * 16, 16)] = hv * _wexpand(w, j)
                    return 0
                lax.fori_loop(0, GRP // 2, _edge, 0)
                pltpu.async_copy(outb, acc_s.at[dstl], ssem, add=True)

            def _pair(t, _):
                _leg(2 * t, 0)
                _leg(2 * t + 1, 1)
                return 0
            lax.fori_loop(0, G // 2, _pair, 0)
            _wait_scat(0)
            _wait_scat(1)
            plsc.subcore_barrier()
            nr = QSIZE // NSUB
            pltpu.sync_copy(acc_s.at[pl.ds(s * nr, nr)],
                            acc_out.at[pl.ds(q * QSIZE + s * nr, nr)])
            plsc.subcore_barrier()

    mesh = plsc.VectorSubcoreMesh(core_axis_name="c", subcore_axis_name="s")
    return pl.kernel(
        body,
        compiler_params=pltpu.CompilerParams(use_tc_tiling_on_sc=False),
        out_type=jax.ShapeDtypeStruct((ACC_ROWS, HID + 16), jnp.float32),
        mesh=mesh,
        scratch_types=(
            [pltpu.VMEM((2, GRP), jnp.int32)] * 2
            + [pltpu.VMEM((GRP,), jnp.int32)] * 2
            + [pltpu.VMEM((GRP, HID + 16), jnp.float32)] * 2
            + [pltpu.VMEM((GRP, 16), jnp.float32)] * 2
            + [pltpu.VMEM((GRP, HID + 16), jnp.float32)] * 2
            + [pltpu.SemaphoreType.DMA] * 3
            + [pltpu.VMEM_SHARED((CROWS, HID + 16), jnp.float32)]
        ),
    )


_edge_l1 = _make_edge_kernel(C1)
_edge_l2 = _make_edge_kernel(C2)


def _blockdiag(a, heads, ch):
    flat = a.reshape(heads * ch)
    out = jnp.zeros((HID, 16), jnp.float32)
    return out.at[jnp.arange(HID), jnp.arange(HID) // ch].set(flat)


def kernel(x, edge_index, batch, Wp, bp, W1, as1, ad1, b1, g1, be1,
           W2, as2, ad2, b2, g2, be2, Wf, bf, Wc1, bc1, Wc2, bc2):
    f32 = jnp.float32
    x = x.astype(f32)
    loops = jnp.arange(N, dtype=jnp.int32)
    src = jnp.concatenate([edge_index[0].astype(jnp.int32), loops])
    dst = jnp.concatenate([edge_index[1].astype(jnp.int32), loops])
    pad = E_PAD - E_TOT
    src = jnp.concatenate([src, jnp.full((pad,), N, jnp.int32)]).reshape(TG, GRP)
    dst = jnp.concatenate([dst, jnp.full((pad,), N, jnp.int32)]).reshape(TG, GRP)
    sd3 = jnp.stack([src, dst], axis=1)

    xp = jnp.pad(x, ((0, TAB_ROWS - N), (0, 0)))
    batchp = jnp.pad(batch.astype(jnp.int32), (0, TAB_ROWS - N),
                     constant_values=NG).reshape(NBLK, 1, BLK)

    as1p, ad1p = _blockdiag(as1, H1, C1), _blockdiag(ad1, H1, C1)
    as2p, ad2p = _blockdiag(as2, H2, C2), _blockdiag(ad2, H2, C2)
    row = lambda v: v.reshape(1, -1).astype(f32)

    full = lambda shp: pl.BlockSpec(shp, lambda i: tuple(0 for _ in shp))
    rowblk = lambda w: pl.BlockSpec((BLK, w), lambda i: (i, 0))

    h0, t1, adt1 = pl.pallas_call(
        _k1_body,
        grid=(NBLK,),
        in_specs=[rowblk(VOCAB), full((VOCAB, HID)), full((1, HID)),
                  full((HID, HID)), full((HID, 16)), full((HID, 16))],
        out_specs=[rowblk(HID), rowblk(HID + 16), rowblk(16)],
        out_shape=[jax.ShapeDtypeStruct((TAB_ROWS, HID), f32),
                   jax.ShapeDtypeStruct((TAB_ROWS, HID + 16), f32),
                   jax.ShapeDtypeStruct((TAB_ROWS, 16), f32)],
    )(xp, Wp.astype(f32), row(bp), W1.astype(f32), as1p, ad1p)

    acc1 = _edge_l1(sd3, t1, adt1)

    h1, t2, adt2 = pl.pallas_call(
        _mid_body,
        grid=(NBLK,),
        in_specs=[rowblk(HID + 16), rowblk(HID), full((1, HID)),
                  full((1, HID)), full((1, HID)), full((HID, HID)),
                  full((HID, 16)), full((HID, 16))],
        out_specs=[rowblk(HID), rowblk(HID + 16), rowblk(16)],
        out_shape=[jax.ShapeDtypeStruct((TAB_ROWS, HID), f32),
                   jax.ShapeDtypeStruct((TAB_ROWS, HID + 16), f32),
                   jax.ShapeDtypeStruct((TAB_ROWS, 16), f32)],
    )(acc1, h0, row(b1), row(g1), row(be1), W2.astype(f32), as2p, ad2p)

    acc2 = _edge_l2(sd3, t2, adt2)

    s2, s0, cnt = pl.pallas_call(
        _k5_body,
        grid=(NBLK,),
        in_specs=[rowblk(HID + 16), rowblk(HID), rowblk(HID),
                  full((1, HID)), full((1, HID)), full((1, HID)),
                  pl.BlockSpec((1, 1, BLK), lambda i: (i, 0, 0))],
        out_specs=[full((NG, HID)), full((NG, HID)), full((NG, HID))],
        out_shape=[jax.ShapeDtypeStruct((NG, HID), f32)] * 3,
    )(acc2, h1, h0, row(b2), row(g2), row(be2), batchp)

    return pl.pallas_call(
        _k6_body,
        out_shape=jax.ShapeDtypeStruct((NG, NC), f32),
    )(s2, s0, cnt, Wf.astype(f32), row(bf), Wc1.astype(f32), row(bc1),
      Wc2.astype(f32), row(bc2))

# --- scband reference (transcript-rebuilt; emitter-appended) ---
"""Pipeline reference for scband-document-gat-11785390260817 (READ-ONLY COPY).

The authoritative reference and input builder live on the scoring server;
editing this copy changes nothing except your own understanding.
"""

import jax, jax.numpy as jnp
import numpy as np

N = 50000
E = 800000
VOCAB = 512
HID = 64
H1, C1 = 8, 8
H2, C2 = 4, 16
NG = 64
NC = 20


def _layer_norm(x, g, b, eps=1e-5):
    m = x.mean(-1, keepdims=True)
    v = ((x - m) ** 2).mean(-1, keepdims=True)
    return (x - m) / jnp.sqrt(v + eps) * g + b


def _gat_conv(x, src, dst, W, a_src_p, a_dst_p, bias, heads, out_ch):
    n = x.shape[0]
    h = (x @ W).reshape(n, heads, out_ch)
    a_src = (h * a_src_p).sum(-1)
    a_dst = (h * a_dst_p).sum(-1)
    e = jax.nn.leaky_relu(a_src[src] + a_dst[dst], 0.2)
    e_max = jax.ops.segment_max(e, dst, num_segments=n)
    e_max = jnp.where(jnp.isfinite(e_max), e_max, 0.0)
    ex = jnp.exp(e - e_max[dst])
    denom = jax.ops.segment_sum(ex, dst, num_segments=n)
    alpha = ex / (denom[dst] + 1e-16)
    out = jax.ops.segment_sum(h[src] * alpha[..., None], dst, num_segments=n)
    return out.reshape(n, heads * out_ch) + bias


def _forward(x, edge_index, batch, Wp, bp, W1, as1, ad1, b1, g1, be1, W2, as2, ad2, b2, g2, be2, Wf, bf, Wc1, bc1, Wc2, bc2):
    n = x.shape[0]
    loops = jnp.arange(n)
    src = jnp.concatenate([edge_index[0], loops])
    dst = jnp.concatenate([edge_index[1], loops])
    h = x @ Wp + bp
    input_features = h
    a1 = jax.nn.elu(_gat_conv(h, src, dst, W1, as1, ad1, b1, H1, C1))
    h = _layer_norm(a1 + h, g1, be1)
    a2 = jax.nn.elu(_gat_conv(h, src, dst, W2, as2, ad2, b2, H2, C2))
    h = _layer_norm(a2 + h, g2, be2)
    ones = jnp.ones((n, 1), h.dtype)
    cnt = jnp.maximum(jax.ops.segment_sum(ones, batch, num_segments=NG), 1.0)
    xg = jax.ops.segment_sum(h, batch, num_segments=NG) / cnt
    xs = jax.ops.segment_sum(input_features, batch, num_segments=NG) / cnt
    z = jnp.concatenate([xg, xs], axis=-1)
    z = jax.nn.relu(z @ Wf + bf)
    z = jax.nn.relu(z @ Wc1 + bc1)
    z = z @ Wc2 + bc2
    return jax.nn.log_softmax(z, axis=1)


def setup_inputs(seed: int = 0):
    key = jax.random.key(seed)
    ks = [jax.random.fold_in(key, i) for i in range(30)]

    def rn(k, shape, scale):
        return jax.random.normal(k, shape, jnp.float32) * scale

    inp = {}
    inp['x'] = rn(ks[0], (N, VOCAB), 1.0)
    inp['edge_index'] = jax.random.randint(ks[1], (2, E), 0, N)
    inp['batch'] = jnp.sort(jax.random.randint(ks[2], (N,), 0, NG))
    inp['Wp'] = rn(ks[3], (VOCAB, HID), (2.0 / (VOCAB + HID)) ** 0.5)
    inp['bp'] = jnp.zeros((HID,), jnp.float32)
    inp['W1'] = rn(ks[4], (HID, H1 * C1), 0.1)
    inp['as1'] = rn(ks[5], (H1, C1), 0.1)
    inp['ad1'] = rn(ks[6], (H1, C1), 0.1)
    inp['b1'] = jnp.zeros((H1 * C1,), jnp.float32)
    inp['g1'] = jnp.ones((HID,), jnp.float32)
    inp['be1'] = jnp.zeros((HID,), jnp.float32)
    inp['W2'] = rn(ks[7], (HID, H2 * C2), 0.1)
    inp['as2'] = rn(ks[8], (H2, C2), 0.1)
    inp['ad2'] = rn(ks[9], (H2, C2), 0.1)
    inp['b2'] = jnp.zeros((H2 * C2,), jnp.float32)
    inp['g2'] = jnp.ones((HID,), jnp.float32)
    inp['be2'] = jnp.zeros((HID,), jnp.float32)
    inp['Wf'] = rn(ks[10], (2 * HID, HID), 0.1)
    inp['bf'] = jnp.zeros((HID,), jnp.float32)
    inp['Wc1'] = rn(ks[11], (HID, HID // 2), 0.1)
    inp['bc1'] = jnp.zeros((HID // 2,), jnp.float32)
    inp['Wc2'] = rn(ks[12], (HID // 2, NC), 0.1)
    inp['bc2'] = jnp.zeros((NC,), jnp.float32)
    return inp


def reference(x, edge_index, batch, Wp, bp, W1, as1, ad1, b1, g1, be1, W2, as2, ad2, b2, g2, be2, Wf, bf, Wc1, bc1, Wc2, bc2):
    return _forward(x, edge_index, batch, Wp, bp, W1, as1, ad1, b1, g1, be1, W2, as2, ad2, b2, g2, be2, Wf, bf, Wc1, bc1, Wc2, bc2)

if __name__ == "__main__":
    import jax
    _d = setup_inputs()
    print(jax.jit(kernel)(*tuple(_d.values())))

</pallas_src>

<mosaic_0001>
#map = affine_map<(d0, d1) -> (0, 0, 0)>
#map1 = affine_map<(d0, d1) -> (0, 0)>
module attributes {stable_mosaic.version = 14 : i64} {
  func.func @body(%arg0: i32, %arg1: i32, %arg2: memref<6656x2x128xi32, #tpu.memory_space<hbm>>, %arg3: memref<50048x80xf32, #tpu.memory_space<hbm>>, %arg4: memref<50048x16xf32, #tpu.memory_space<hbm>>, %arg5: memref<51200x80xf32, #tpu.memory_space<hbm>>, %arg6: memref<2x128xi32, #tpu.memory_space<vmem>>, %arg7: memref<2x128xi32, #tpu.memory_space<vmem>>, %arg8: memref<128xi32, #tpu.memory_space<vmem>>, %arg9: memref<128xi32, #tpu.memory_space<vmem>>, %arg10: memref<128x80xf32, #tpu.memory_space<vmem>>, %arg11: memref<128x80xf32, #tpu.memory_space<vmem>>, %arg12: memref<128x16xf32, #tpu.memory_space<vmem>>, %arg13: memref<128x16xf32, #tpu.memory_space<vmem>>, %arg14: memref<128x80xf32, #tpu.memory_space<vmem>>, %arg15: memref<128x80xf32, #tpu.memory_space<vmem>>, %arg16: memref<!tpu.dma_semaphore, #tpu.memory_space<semaphore_mem>>, %arg17: memref<!tpu.dma_semaphore, #tpu.memory_space<semaphore_mem>>, %arg18: memref<!tpu.dma_semaphore, #tpu.memory_space<semaphore_mem>>, %arg19: memref<12928x80xf32, #tpu.memory_space<vmem_shared>>) attributes {dimension_semantics = [#tpu.dimension_semantics<core_parallel>, #tpu.dimension_semantics<subcore_parallel>], iteration_bounds = array<i64: 2, 16>, scalar_prefetch = 0 : i64, scratch_operands = 14 : i64, tpu.core_type = #tpu.core_type<sc_vector_subcore>, window_params = [{transform_indices = #map}, {transform_indices = #map1}, {transform_indices = #map1}, {transform_indices = #map1}]} {
    %iota3A = tpu.iota {dimensions = array<i32: 0>} : vector<16xi32>
    %broadcast_in_dim3A = arith.constant 0.000000e+00 : f32
    %broadcast_in_dim3A_0 = vector.broadcast %broadcast_in_dim3A : f32 to vector<16xf32>
    %add3A = arith.constant 0 : i32
    %add3A_1 = arith.addi %arg0, %add3A : i32
    %scan3A = arith.constant 0 : i32
    %scan3A_2 = arith.constant 0 : i32
    %scan3A_3 = arith.constant 128 : i32
    %scan3A_4 = arith.addi %scan3A_2, %scan3A_3 : i32
    %scan3A_5 = arith.constant 1 : i32
    %scan3A_6 = scf.for %scan3A_133 = %scan3A_2 to %scan3A_4 step %scan3A_5 iter_args(%scan3A_134 = %scan3A) -> (i32)  : i32 {
      %swap3A = arith.index_cast %scan3A_133 : i32 to index
      %swap3A_135 = arith.constant 0 : index
      %swap3A_136 = tpu.vector_load %arg14[%swap3A, %swap3A_135] {strides = array<i32>} : memref<128x80xf32, #tpu.memory_space<vmem>>, vector<1x16xf32>,
      %swap3A_137 = vector.shape_cast %swap3A_136 : vector<1x16xf32> to vector<16xf32>
      %swap3A_138 = vector.shape_cast %broadcast_in_dim3A_0 : vector<16xf32> to vector<1x16xf32>
      tpu.vector_store %arg14[%swap3A, %swap3A_135], %swap3A_138 {strides = array<i32>} : memref<128x80xf32, #tpu.memory_space<vmem>>, vector<1x16xf32>,
      %swap3A_139 = arith.index_cast %scan3A_133 : i32 to index
      %swap3A_140 = arith.constant 16 : index
      %swap3A_141 = tpu.vector_load %arg14[%swap3A_139, %swap3A_140] {strides = array<i32>} : memref<128x80xf32, #tpu.memory_space<vmem>>, vector<1x16xf32>,
      %swap3A_142 = vector.shape_cast %swap3A_141 : vector<1x16xf32> to vector<16xf32>
      %swap3A_143 = vector.shape_cast %broadcast_in_dim3A_0 : vector<16xf32> to vector<1x16xf32>
      tpu.vector_store %arg14[%swap3A_139, %swap3A_140], %swap3A_143 {strides = array<i32>} : memref<128x80xf32, #tpu.memory_space<vmem>>, vector<1x16xf32>,
      %swap3A_144 = arith.index_cast %scan3A_133 : i32 to index
      %swap3A_145 = arith.constant 32 : index
      %swap3A_146 = tpu.vector_load %arg14[%swap3A_144, %swap3A_145] {strides = array<i32>} : memref<128x80xf32, #tpu.memory_space<vmem>>, vector<1x16xf32>,
      %swap3A_147 = vector.shape_cast %swap3A_146 : vector<1x16xf32> to vector<16xf32>
      %swap3A_148 = vector.shape_cast %broadcast_in_dim3A_0 : vector<16xf32> to vector<1x16xf32>
      tpu.vector_store %arg14[%swap3A_144, %swap3A_145], %swap3A_148 {strides = array<i32>} : memref<128x80xf32, #tpu.memory_space<vmem>>, vector<1x16xf32>,
      %swap3A_149 = arith.index_cast %scan3A_133 : i32 to index
      %swap3A_150 = arith.constant 48 : index
      %swap3A_151 = tpu.vector_load %arg14[%swap3A_149, %swap3A_150] {strides = array<i32>} : memref<128x80xf32, #tpu.memory_space<vmem>>, vector<1x16xf32>,
      %swap3A_152 = vector.shape_cast %swap3A_151 : vector<1x16xf32> to vector<16xf32>
      %swap3A_153 = vector.shape_cast %broadcast_in_dim3A_0 : vector<16xf32> to vector<1x16xf32>
      tpu.vector_store %arg14[%swap3A_149, %swap3A_150], %swap3A_153 {strides = array<i32>} : memref<128x80xf32, #tpu.memory_space<vmem>>, vector<1x16xf32>,
      %swap3A_154 = arith.index_cast %scan3A_133 : i32 to index
      %swap3A_155 = arith.constant 64 : index
      %swap3A_156 = tpu.vector_load %arg14[%swap3A_154, %swap3A_155] {strides = array<i32>} : memref<128x80xf32, #tpu.memory_space<vmem>>, vector<1x16xf32>,
      %swap3A_157 = vector.shape_cast %swap3A_156 : vector<1x16xf32> to vector<16xf32>
      %swap3A_158 = vector.shape_cast %broadcast_in_dim3A_0 : vector<16xf32> to vector<1x16xf32>
      tpu.vector_store %arg14[%swap3A_154, %swap3A_155], %swap3A_158 {strides = array<i32>} : memref<128x80xf32, #tpu.memory_space<vmem>>, vector<1x16xf32>,
      %scan3A_159 = arith.constant 0 : i32
      scf.yield %scan3A_159 : i32
    }
    %scan3A_7 = arith.constant 128 : i32
    %mul3A = arith.constant 808 : i32
    %mul3A_8 = arith.muli %arg1, %mul3A : i32
    %scan3A_9 = arith.constant 0 : i32
    %scan3A_10 = arith.constant 0 : i32
    %scan3A_11 = arith.constant 6 : i32
    %scan3A_12 = arith.addi %scan3A_10, %scan3A_11 : i32
    %scan3A_13 = arith.constant 1 : i32
    %scan3A_14 = scf.for %scan3A_133 = %scan3A_10 to %scan3A_12 step %scan3A_13 iter_args(%scan3A_134 = %scan3A_9) -> (i32)  : i32 {
      %mul3A_135 = arith.constant 128 : i32
      %mul3A_136 = arith.muli %scan3A_133, %mul3A_135 : i32
      %add3A_137 = arith.addi %mul3A_8, %mul3A_136 : i32
      "tpu.region"() ({
        %run_scoped3A = tpu.sem_alloc : memref<!tpu.dma_semaphore, #tpu.memory_space<semaphore_mem>>
        %dma_start3A_139 = arith.constant 0 : i32
        %dma_start3A_140 = tpu.memref_slice %arg19[%add3A_137, %dma_start3A_139] : memref<12928x80xf32, #tpu.memory_space<vmem_shared>> -> memref<128x80xf32, #tpu.memory_space<vmem_shared>>
        %dma_start3A_141 = arith.constant 0 : i32
        %dma_start3A_142 = tpu.memref_slice %arg19[%add3A_137, %dma_start3A_141] : memref<12928x80xf32, #tpu.memory_space<vmem_shared>> -> memref<128x80xf32, #tpu.memory_space<vmem_shared>>
        tpu.enqueue_dma source(%arg14 : memref<128x80xf32, #tpu.memory_space<vmem>>) target(%dma_start3A_142 : memref<128x80xf32, #tpu.memory_space<vmem_shared>>) target_semaphore(%run_scoped3A : memref<!tpu.dma_semaphore, #tpu.memory_space<semaphore_mem>>)
        %dma_wait3A_143 = arith.constant 0 : i32
        %dma_wait3A_144 = tpu.memref_slice %arg19[%add3A_137, %dma_wait3A_143] : memref<12928x80xf32, #tpu.memory_space<vmem_shared>> -> memref<128x80xf32, #tpu.memory_space<vmem_shared>>
        %dma_wait3A_145 = arith.constant 0 : i32
        %dma_wait3A_146 = tpu.memref_slice %arg19[%add3A_137, %dma_wait3A_145] : memref<12928x80xf32, #tpu.memory_space<vmem_shared>> -> memref<128x80xf32, #tpu.memory_space<vmem_shared>>
        tpu.wait_dma2 semaphore(%run_scoped3A : memref<!tpu.dma_semaphore, #tpu.memory_space<semaphore_mem>>) src(%arg14 : memref<128x80xf32, #tpu.memory_space<vmem>>) dst(%dma_wait3A_146 : memref<128x80xf32, #tpu.memory_space<vmem_shared>>)
        tpu.yield
      }) : () -> ()
      %scan3A_138 = arith.constant 0 : i32
      scf.yield %scan3A_138 : i32
    }
    %scan3A_15 = arith.constant 6 : i32
    %add3A_16 = arith.constant 768 : i32
    %add3A_17 = arith.addi %mul3A_8, %add3A_16 : i32
    "tpu.region"() ({
      %run_scoped3A = tpu.sem_alloc : memref<!tpu.dma_semaphore, #tpu.memory_space<semaphore_mem>>
      %dma_start3A_133 = arith.constant 0 : i32
      %dma_start3A_134 = arith.constant 0 : i32
      %dma_start3A_135 = tpu.memref_slice %arg14[%dma_start3A_133, %dma_start3A_134] : memref<128x80xf32, #tpu.memory_space<vmem>> -> memref<40x80xf32, #tpu.memory_space<vmem>>
      %dma_start3A_136 = arith.constant 0 : i32
      %dma_start3A_137 = tpu.memref_slice %arg19[%add3A_17, %dma_start3A_136] : memref<12928x80xf32, #tpu.memory_space<vmem_shared>> -> memref<40x80xf32, #tpu.memory_space<vmem_shared>>
      %dma_start3A_138 = arith.constant 0 : i32
      %dma_start3A_139 = tpu.memref_slice %arg19[%add3A_17, %dma_start3A_138] : memref<12928x80xf32, #tpu.memory_space<vmem_shared>> -> memref<40x80xf32, #tpu.memory_space<vmem_shared>>
      %dma_start3A_140 = arith.constant 0 : i32
      %dma_start3A_141 = arith.constant 0 : i32
      %dma_start3A_142 = tpu.memref_slice %arg14[%dma_start3A_140, %dma_start3A_141] : memref<128x80xf32, #tpu.memory_space<vmem>> -> memref<40x80xf32, #tpu.memory_space<vmem>>
      tpu.enqueue_dma source(%dma_start3A_142 : memref<40x80xf32, #tpu.memory_space<vmem>>) target(%dma_start3A_139 : memref<40x80xf32, #tpu.memory_space<vmem_shared>>) target_semaphore(%run_scoped3A : memref<!tpu.dma_semaphore, #tpu.memory_space<semaphore_mem>>)
      %dma_wait3A_143 = arith.constant 0 : i32
      %dma_wait3A_144 = arith.constant 0 : i32
      %dma_wait3A_145 = tpu.memref_slice %arg14[%dma_wait3A_143, %dma_wait3A_144] : memref<128x80xf32, #tpu.memory_space<vmem>> -> memref<40x80xf32, #tpu.memory_space<vmem>>
      %dma_wait3A_146 = arith.constant 0 : i32
      %dma_wait3A_147 = tpu.memref_slice %arg19[%add3A_17, %dma_wait3A_146] : memref<12928x80xf32, #tpu.memory_space<vmem_shared>> -> memref<40x80xf32, #tpu.memory_space<vmem_shared>>
      %dma_wait3A_148 = arith.constant 0 : i32
      %dma_wait3A_149 = tpu.memref_slice %arg19[%add3A_17, %dma_wait3A_148] : memref<12928x80xf32, #tpu.memory_space<vmem_shared>> -> memref<40x80xf32, #tpu.memory_space<vmem_shared>>
      %dma_wait3A_150 = arith.constant 0 : i32
      %dma_wait3A_151 = arith.constant 0 : i32
      %dma_wait3A_152 = tpu.memref_slice %arg14[%dma_wait3A_150, %dma_wait3A_151] : memref<128x80xf32, #tpu.memory_space<vmem>> -> memref<40x80xf32, #tpu.memory_space<vmem>>
      tpu.wait_dma2 semaphore(%run_scoped3A : memref<!tpu.dma_semaphore, #tpu.memory_space<semaphore_mem>>) src(%dma_wait3A_152 : memref<40x80xf32, #tpu.memory_space<vmem>>) dst(%dma_wait3A_149 : memref<40x80xf32, #tpu.memory_space<vmem_shared>>)
      tpu.yield
    }) : () -> ()
    %barrier3A = arith.constant 0 : index
    tpu.barrier barrier_id(%barrier3A)
    %mul3A_18 = arith.constant 416 : i32
    %mul3A_19 = arith.muli %arg1, %mul3A_18 : i32
    "tpu.region"() ({
      %run_scoped3A = tpu.sem_alloc : memref<!tpu.dma_semaphore, #tpu.memory_space<semaphore_mem>>
      %dma_start3A_133 = arith.constant 0 : i32
      %dma_start3A_134 = arith.constant 0 : i32
      %dma_start3A_135 = tpu.memref_slice %arg2[%mul3A_19, %dma_start3A_133, %dma_start3A_134] : memref<6656x2x128xi32, #tpu.memory_space<hbm>> -> memref<1x2x128xi32, #tpu.memory_space<hbm>>
      %dma_start3A_136 = tpu.memref_squeeze %dma_start3A_135 : memref<1x2x128xi32, #tpu.memory_space<hbm>> -> memref<2x128xi32, #tpu.memory_space<hbm>>
      %dma_start3A_137 = arith.constant 0 : i32
      %dma_start3A_138 = arith.constant 0 : i32
      %dma_start3A_139 = tpu.memref_slice %arg2[%mul3A_19, %dma_start3A_137, %dma_start3A_138] : memref<6656x2x128xi32, #tpu.memory_space<hbm>> -> memref<1x2x128xi32, #tpu.memory_space<hbm>>
      %dma_start3A_140 = tpu.memref_squeeze %dma_start3A_139 : memref<1x2x128xi32, #tpu.memory_space<hbm>> -> memref<2x128xi32, #tpu.memory_space<hbm>>
      tpu.enqueue_dma source(%dma_start3A_140 : memref<2x128xi32, #tpu.memory_space<hbm>>) target(%arg6 : memref<2x128xi32, #tpu.memory_space<vmem>>) target_semaphore(%run_scoped3A : memref<!tpu.dma_semaphore, #tpu.memory_space<semaphore_mem>>)
      %dma_wait3A_141 = arith.constant 0 : i32
      %dma_wait3A_142 = arith.constant 0 : i32
      %dma_wait3A_143 = tpu.memref_slice %arg2[%mul3A_19, %dma_wait3A_141, %dma_wait3A_142] : memref<6656x2x128xi32, #tpu.memory_space<hbm>> -> memref<1x2x128xi32, #tpu.memory_space<hbm>>
      %dma_wait3A_144 = tpu.memref_squeeze %dma_wait3A_143 : memref<1x2x128xi32, #tpu.memory_space<hbm>> -> memref<2x128xi32, #tpu.memory_space<hbm>>
      %dma_wait3A_145 = arith.constant 0 : i32
      %dma_wait3A_146 = arith.constant 0 : i32
      %dma_wait3A_147 = tpu.memref_slice %arg2[%mul3A_19, %dma_wait3A_145, %dma_wait3A_146] : memref<6656x2x128xi32, #tpu.memory_space<hbm>> -> memref<1x2x128xi32, #tpu.memory_space<hbm>>
      %dma_wait3A_148 = tpu.memref_squeeze %dma_wait3A_147 : memref<1x2x128xi32, #tpu.memory_space<hbm>> -> memref<2x128xi32, #tpu.memory_space<hbm>>
      tpu.wait_dma2 semaphore(%run_scoped3A : memref<!tpu.dma_semaphore, #tpu.memory_space<semaphore_mem>>) src(%dma_wait3A_148 : memref<2x128xi32, #tpu.memory_space<hbm>>) dst(%arg6 : memref<2x128xi32, #tpu.memory_space<vmem>>)
      tpu.yield
    }) : () -> ()
    %dma_start3A = arith.constant 0 : i32
    %dma_start3A_20 = arith.constant 0 : i32
    %dma_start3A_21 = tpu.memref_slice %arg6[%dma_start3A, %dma_start3A_20] : memref<2x128xi32, #tpu.memory_space<vmem>> -> memref<1x128xi32, #tpu.memory_space<vmem>>
    %dma_start3A_22 = tpu.memref_squeeze %dma_start3A_21 : memref<1x128xi32, #tpu.memory_space<vmem>> -> memref<128xi32, #tpu.memory_space<vmem>>
    %dma_start3A_23 = arith.constant 0 : i32
    %dma_start3A_24 = arith.constant 0 : i32
    %dma_start3A_25 = tpu.memref_slice %arg3[%dma_start3A_23, %dma_start3A_24] : memref<50048x80xf32, #tpu.memory_space<hbm>> -> memref<50048x80xf32, #tpu.memory_space<hbm>>
    tpu.enqueue_indirect_dma source(%dma_start3A_25 : memref<50048x80xf32, #tpu.memory_space<hbm>>) target(%arg10 : memref<128x80xf32, #tpu.memory_space<vmem>>) offsets(%dma_start3A_22 : memref<128xi32, #tpu.memory_space<vmem>>) semaphore(%arg16 : memref<!tpu.dma_semaphore, #tpu.memory_space<semaphore_mem>>)
    %dma_start3A_26 = arith.constant 1 : i32
    %dma_start3A_27 = arith.constant 0 : i32
    %dma_start3A_28 = tpu.memref_slice %arg6[%dma_start3A_26, %dma_start3A_27] : memref<2x128xi32, #tpu.memory_space<vmem>> -> memref<1x128xi32, #tpu.memory_space<vmem>>
    %dma_start3A_29 = tpu.memref_squeeze %dma_start3A_28 : memref<1x128xi32, #tpu.memory_space<vmem>> -> memref<128xi32, #tpu.memory_space<vmem>>
    %dma_start3A_30 = arith.constant 0 : i32
    %dma_start3A_31 = arith.constant 0 : i32
    %dma_start3A_32 = tpu.memref_slice %arg4[%dma_start3A_30, %dma_start3A_31] : memref<50048x16xf32, #tpu.memory_space<hbm>> -> memref<50048x16xf32, #tpu.memory_space<hbm>>
    tpu.enqueue_indirect_dma source(%dma_start3A_32 : memref<50048x16xf32, #tpu.memory_space<hbm>>) target(%arg12 : memref<128x16xf32, #tpu.memory_space<vmem>>) offsets(%dma_start3A_29 : memref<128xi32, #tpu.memory_space<vmem>>) semaphore(%arg16 : memref<!tpu.dma_semaphore, #tpu.memory_space<semaphore_mem>>)
    %add3A_33 = arith.constant 1 : i32
    %add3A_34 = arith.addi %mul3A_19, %add3A_33 : i32
    %dma_start3A_35 = arith.constant 0 : i32
    %dma_start3A_36 = arith.constant 0 : i32
    %dma_start3A_37 = tpu.memref_slice %arg2[%add3A_34, %dma_start3A_35, %dma_start3A_36] : memref<6656x2x128xi32, #tpu.memory_space<hbm>> -> memref<1x2x128xi32, #tpu.memory_space<hbm>>
    %dma_start3A_38 = tpu.memref_squeeze %dma_start3A_37 : memref<1x2x128xi32, #tpu.memory_space<hbm>> -> memref<2x128xi32, #tpu.memory_space<hbm>>
    %dma_start3A_39 = arith.constant 0 : i32
    %dma_start3A_40 = arith.constant 0 : i32
    %dma_start3A_41 = tpu.memref_slice %arg2[%add3A_34, %dma_start3A_39, %dma_start3A_40] : memref<6656x2x128xi32, #tpu.memory_space<hbm>> -> memref<1x2x128xi32, #tpu.memory_space<hbm>>
    %dma_start3A_42 = tpu.memref_squeeze %dma_start3A_41 : memref<1x2x128xi32, #tpu.memory_space<hbm>> -> memref<2x128xi32, #tpu.memory_space<hbm>>
    tpu.enqueue_dma source(%dma_start3A_42 : memref<2x128xi32, #tpu.memory_space<hbm>>) target(%arg7 : memref<2x128xi32, #tpu.memory_space<vmem>>) target_semaphore(%arg17 : memref<!tpu.dma_semaphore, #tpu.memory_space<semaphore_mem>>)
    %scan3A_43 = arith.constant 0 : i32
    %scan3A_44 = arith.constant 0 : i32
    %scan3A_45 = arith.constant 208 : i32
    %scan3A_46 = arith.addi %scan3A_44, %scan3A_45 : i32
    %scan3A_47 = arith.constant 1 : i32
    %scan3A_48 = scf.for %scan3A_133 = %scan3A_44 to %scan3A_46 step %scan3A_47 iter_args(%scan3A_134 = %scan3A_43) -> (i32)  : i32 {
      %mul3A_135 = arith.constant 2 : i32
      %mul3A_136 = arith.muli %mul3A_135, %scan3A_133 : i32
      %dma_wait3A_137 = arith.constant 0 : i32
      %dma_wait3A_138 = arith.constant 0 : i32
      %dma_wait3A_139 = tpu.memref_slice %arg6[%dma_wait3A_137, %dma_wait3A_138] : memref<2x128xi32, #tpu.memory_space<vmem>> -> memref<1x128xi32, #tpu.memory_space<vmem>>
      %dma_wait3A_140 = tpu.memref_squeeze %dma_wait3A_139 : memref<1x128xi32, #tpu.memory_space<vmem>> -> memref<128xi32, #tpu.memory_space<vmem>>
      %dma_wait3A_141 = arith.constant 0 : i32
      %dma_wait3A_142 = arith.constant 0 : i32
      %dma_wait3A_143 = tpu.memref_slice %arg3[%dma_wait3A_141, %dma_wait3A_142] : memref<50048x80xf32, #tpu.memory_space<hbm>> -> memref<50048x80xf32, #tpu.memory_space<hbm>>
      tpu.wait_indirect_dma semaphore(%arg16 : memref<!tpu.dma_semaphore, #tpu.memory_space<semaphore_mem>>) src(%dma_wait3A_143 : memref<50048x80xf32, #tpu.memory_space<hbm>>) dst(%arg10 : memref<128x80xf32, #tpu.memory_space<vmem>>)
      %dma_wait3A_144 = arith.constant 1 : i32
      %dma_wait3A_145 = arith.constant 0 : i32
      %dma_wait3A_146 = tpu.memref_slice %arg6[%dma_wait3A_144, %dma_wait3A_145] : memref<2x128xi32, #tpu.memory_space<vmem>> -> memref<1x128xi32, #tpu.memory_space<vmem>>
      %dma_wait3A_147 = tpu.memref_squeeze %dma_wait3A_146 : memref<1x128xi32, #tpu.memory_space<vmem>> -> memref<128xi32, #tpu.memory_space<vmem>>
      %dma_wait3A_148 = arith.constant 0 : i32
      %dma_wait3A_149 = arith.constant 0 : i32
      %dma_wait3A_150 = tpu.memref_slice %arg4[%dma_wait3A_148, %dma_wait3A_149] : memref<50048x16xf32, #tpu.memory_space<hbm>> -> memref<50048x16xf32, #tpu.memory_space<hbm>>
      tpu.wait_indirect_dma semaphore(%arg16 : memref<!tpu.dma_semaphore, #tpu.memory_space<semaphore_mem>>) src(%dma_wait3A_150 : memref<50048x16xf32, #tpu.memory_space<hbm>>) dst(%arg12 : memref<128x16xf32, #tpu.memory_space<vmem>>)
      %ge3A = arith.constant 2 : i32
      %ge3A_151 = arith.cmpi sge, %mul3A_136, %ge3A : i32
      %convert_element_type3A = arith.extui %ge3A_151 : i1 to i32
      %cond3A = arith.constant 0 : i32
      %cond3A_152 = arith.cmpi ne, %convert_element_type3A, %cond3A : i32
      scf.if %cond3A_152 {
        %dma_wait3A_238 = arith.constant 0 : i32
        %dma_wait3A_239 = arith.constant 0 : i32
        %dma_wait3A_240 = tpu.memref_slice %arg19[%dma_wait3A_238, %dma_wait3A_239] : memref<12928x80xf32, #tpu.memory_space<vmem_shared>> -> memref<12928x80xf32, #tpu.memory_space<vmem_shared>>
        tpu.wait_indirect_dma semaphore(%arg18 : memref<!tpu.dma_semaphore, #tpu.memory_space<semaphore_mem>>) src(%arg14 : memref<128x80xf32, #tpu.memory_space<vmem>>) dst(%dma_wait3A_240 : memref<12928x80xf32, #tpu.memory_space<vmem_shared>>)
      } else {
      }
      %scan3A_153 = arith.constant 0 : i32
      %scan3A_154 = arith.constant 0 : i32
      %scan3A_155 = arith.constant 8 : i32
      %scan3A_156 = arith.addi %scan3A_154, %scan3A_155 : i32
      %scan3A_157 = arith.constant 1 : i32
      %scan3A_158 = scf.for %scan3A_238 = %scan3A_154 to %scan3A_156 step %scan3A_157 iter_args(%scan3A_239 = %scan3A_153) -> (i32)  : i32 {
        %mul3A_240 = arith.constant 16 : i32
        %mul3A_241 = arith.muli %scan3A_238, %mul3A_240 : i32
        %get3A = arith.constant 1 : i32
        %get3A_242 = arith.index_cast %get3A : i32 to index
        %get3A_243 = arith.index_cast %mul3A_241 : i32 to index
        %get3A_244 = tpu.vector_load %arg6[%get3A_242, %get3A_243] {strides = array<i32>} : memref<2x128xi32, #tpu.memory_space<vmem>>, vector<1x16xi32>,
        %get3A_245 = vector.shape_cast %get3A_244 : vector<1x16xi32> to vector<16xi32>
        %mul3A_246 = arith.constant 12800 : i32
        %mul3A_247 = arith.muli %add3A_1, %mul3A_246 : i32
        %sub3A = vector.broadcast %mul3A_247 : i32 to vector<16xi32>
        %sub3A_248 = arith.subi %get3A_245, %sub3A : vector<16xi32>
        %lt3A_249 = arith.constant 0 : i32
        %lt3A_250 = vector.broadcast %lt3A_249 : i32 to vector<16xi32>
        %lt3A_251 = arith.cmpi slt, %sub3A_248, %lt3A_250 : vector<16xi32>
        %ge3A_252 = arith.constant 12800 : i32
        %ge3A_253 = vector.broadcast %ge3A_252 : i32 to vector<16xi32>
        %ge3A_254 = arith.cmpi sge, %sub3A_248, %ge3A_253 : vector<16xi32>
        %or3A = arith.ori %lt3A_251, %ge3A_254 : vector<16xi1>
        %jit3A = arith.constant 12800 : i32
        %broadcast_in_dim3A_255 = vector.broadcast %jit3A : i32 to vector<16xi32>
        %select_n3A = arith.select %or3A, %broadcast_in_dim3A_255, %sub3A_248 : vector<16xi1>, vector<16xi32>
        %mul3A_256 = arith.constant 16 : i32
        %mul3A_257 = arith.muli %scan3A_238, %mul3A_256 : i32
        %swap3A = arith.index_cast %mul3A_257 : i32 to index
        %swap3A_258 = tpu.vector_load %arg8[%swap3A] {strides = array<i32>} : memref<128xi32, #tpu.memory_space<vmem>>, vector<16xi32>,
        %swap3A_259 = vector.shape_cast %swap3A_258 : vector<16xi32> to vector<16xi32>
        %swap3A_260 = vector.shape_cast %select_n3A : vector<16xi32> to vector<16xi32>
        tpu.vector_store %arg8[%swap3A], %swap3A_260 {strides = array<i32>} : memref<128xi32, #tpu.memory_space<vmem>>, vector<16xi32>,
        %scan3A_261 = arith.constant 0 : i32
        scf.yield %scan3A_261 : i32
      }
      %scan3A_159 = arith.constant 8 : i32
      %add3A_160 = arith.constant 1 : i32
      %add3A_161 = arith.addi %mul3A_136, %add3A_160 : i32
      %lt3A = arith.constant 416 : i32
      %lt3A_162 = arith.cmpi slt, %add3A_161, %lt3A : i32
      %convert_element_type3A_163 = arith.extui %lt3A_162 : i1 to i32
      %cond3A_164 = arith.constant 0 : i32
      %cond3A_165 = arith.cmpi ne, %convert_element_type3A_163, %cond3A_164 : i32
      scf.if %cond3A_165 {
        %dma_wait3A_238 = arith.constant 0 : i32
        %dma_wait3A_239 = arith.constant 0 : i32
        %dma_wait3A_240 = tpu.memref_slice %arg2[%mul3A_19, %dma_wait3A_238, %dma_wait3A_239] : memref<6656x2x128xi32, #tpu.memory_space<hbm>> -> memref<1x2x128xi32, #tpu.memory_space<hbm>>
        %dma_wait3A_241 = tpu.memref_squeeze %dma_wait3A_240 : memref<1x2x128xi32, #tpu.memory_space<hbm>> -> memref<2x128xi32, #tpu.memory_space<hbm>>
        %dma_wait3A_242 = arith.constant 0 : i32
        %dma_wait3A_243 = arith.constant 0 : i32
        %dma_wait3A_244 = tpu.memref_slice %arg2[%mul3A_19, %dma_wait3A_242, %dma_wait3A_243] : memref<6656x2x128xi32, #tpu.memory_space<hbm>> -> memref<1x2x128xi32, #tpu.memory_space<hbm>>
        %dma_wait3A_245 = tpu.memref_squeeze %dma_wait3A_244 : memref<1x2x128xi32, #tpu.memory_space<hbm>> -> memref<2x128xi32, #tpu.memory_space<hbm>>
        tpu.wait_dma2 semaphore(%arg17 : memref<!tpu.dma_semaphore, #tpu.memory_space<semaphore_mem>>) src(%dma_wait3A_245 : memref<2x128xi32, #tpu.memory_space<hbm>>) dst(%arg7 : memref<2x128xi32, #tpu.memory_space<vmem>>)
        %dma_start3A_246 = arith.constant 0 : i32
        %dma_start3A_247 = arith.constant 0 : i32
        %dma_start3A_248 = tpu.memref_slice %arg7[%dma_start3A_246, %dma_start3A_247] : memref<2x128xi32, #tpu.memory_space<vmem>> -> memref<1x128xi32, #tpu.memory_space<vmem>>
        %dma_start3A_249 = tpu.memref_squeeze %dma_start3A_248 : memref<1x128xi32, #tpu.memory_space<vmem>> -> memref<128xi32, #tpu.memory_space<vmem>>
        %dma_start3A_250 = arith.constant 0 : i32
        %dma_start3A_251 = arith.constant 0 : i32
        %dma_start3A_252 = tpu.memref_slice %arg3[%dma_start3A_250, %dma_start3A_251] : memref<50048x80xf32, #tpu.memory_space<hbm>> -> memref<50048x80xf32, #tpu.memory_space<hbm>>
        tpu.enqueue_indirect_dma source(%dma_start3A_252 : memref<50048x80xf32, #tpu.memory_space<hbm>>) target(%arg11 : memref<128x80xf32, #tpu.memory_space<vmem>>) offsets(%dma_start3A_249 : memref<128xi32, #tpu.memory_space<vmem>>) semaphore(%arg16 : memref<!tpu.dma_semaphore, #tpu.memory_space<semaphore_mem>>)
        %dma_start3A_253 = arith.constant 1 : i32
        %dma_start3A_254 = arith.constant 0 : i32
        %dma_start3A_255 = tpu.memref_slice %arg7[%dma_start3A_253, %dma_start3A_254] : memref<2x128xi32, #tpu.memory_space<vmem>> -> memref<1x128xi32, #tpu.memory_space<vmem>>
        %dma_start3A_256 = tpu.memref_squeeze %dma_start3A_255 : memref<1x128xi32, #tpu.memory_space<vmem>> -> memref<128xi32, #tpu.memory_space<vmem>>
        %dma_start3A_257 = arith.constant 0 : i32
        %dma_start3A_258 = arith.constant 0 : i32
        %dma_start3A_259 = tpu.memref_slice %arg4[%dma_start3A_257, %dma_start3A_258] : memref<50048x16xf32, #tpu.memory_space<hbm>> -> memref<50048x16xf32, #tpu.memory_space<hbm>>
        tpu.enqueue_indirect_dma source(%dma_start3A_259 : memref<50048x16xf32, #tpu.memory_space<hbm>>) target(%arg13 : memref<128x16xf32, #tpu.memory_space<vmem>>) offsets(%dma_start3A_256 : memref<128xi32, #tpu.memory_space<vmem>>) semaphore(%arg16 : memref<!tpu.dma_semaphore, #tpu.memory_space<semaphore_mem>>)
      } else {
      }
      %add3A_166 = arith.constant 2 : i32
      %add3A_167 = arith.addi %mul3A_136, %add3A_166 : i32
      %lt3A_168 = arith.constant 416 : i32
      %lt3A_169 = arith.cmpi slt, %add3A_167, %lt3A_168 : i32
      %convert_element_type3A_170 = arith.extui %lt3A_169 : i1 to i32
      %cond3A_171 = arith.constant 0 : i32
      %cond3A_172 = arith.cmpi ne, %convert_element_type3A_170, %cond3A_171 : i32
      scf.if %cond3A_172 {
        %add3A_238 = arith.constant 2 : i32
        %add3A_239 = arith.addi %mul3A_136, %add3A_238 : i32
        %add3A_240 = arith.addi %mul3A_19, %add3A_239 : i32
        %dma_start3A_241 = arith.constant 0 : i32
        %dma_start3A_242 = arith.constant 0 : i32
        %dma_start3A_243 = tpu.memref_slice %arg2[%add3A_240, %dma_start3A_241, %dma_start3A_242] : memref<6656x2x128xi32, #tpu.memory_space<hbm>> -> memref<1x2x128xi32, #tpu.memory_space<hbm>>
        %dma_start3A_244 = tpu.memref_squeeze %dma_start3A_243 : memref<1x2x128xi32, #tpu.memory_space<hbm>> -> memref<2x128xi32, #tpu.memory_space<hbm>>
        %dma_start3A_245 = arith.constant 0 : i32
        %dma_start3A_246 = arith.constant 0 : i32
        %dma_start3A_247 = tpu.memref_slice %arg2[%add3A_240, %dma_start3A_245, %dma_start3A_246] : memref<6656x2x128xi32, #tpu.memory_space<hbm>> -> memref<1x2x128xi32, #tpu.memory_space<hbm>>
        %dma_start3A_248 = tpu.memref_squeeze %dma_start3A_247 : memref<1x2x128xi32, #tpu.memory_space<hbm>> -> memref<2x128xi32, #tpu.memory_space<hbm>>
        tpu.enqueue_dma source(%dma_start3A_248 : memref<2x128xi32, #tpu.memory_space<hbm>>) target(%arg6 : memref<2x128xi32, #tpu.memory_space<vmem>>) target_semaphore(%arg17 : memref<!tpu.dma_semaphore, #tpu.memory_space<semaphore_mem>>)
      } else {
      }
      %scan3A_173 = arith.constant 0 : i32
      %scan3A_174 = arith.constant 0 : i32
      %scan3A_175 = arith.constant 64 : i32
      %scan3A_176 = arith.addi %scan3A_174, %scan3A_175 : i32
      %scan3A_177 = arith.constant 1 : i32
      %scan3A_178 = scf.for %scan3A_238 = %scan3A_174 to %scan3A_176 step %scan3A_177 iter_args(%scan3A_239 = %scan3A_173) -> (i32)  : i32 {
        %mul3A_240 = arith.constant 2 : i32
        %mul3A_241 = arith.muli %mul3A_240, %scan3A_238 : i32
        %add3A_242 = arith.constant 0 : i32
        %add3A_243 = arith.addi %mul3A_241, %add3A_242 : i32
        %get3A = arith.index_cast %add3A_243 : i32 to index
        %get3A_244 = arith.constant 64 : index
        %get3A_245 = tpu.vector_load %arg10[%get3A, %get3A_244] {strides = array<i32>} : memref<128x80xf32, #tpu.memory_space<vmem>>, vector<1x16xf32>,
        %get3A_246 = vector.shape_cast %get3A_245 : vector<1x16xf32> to vector<16xf32>
        %get3A_247 = arith.index_cast %add3A_243 : i32 to index
        %get3A_248 = arith.constant 0 : index
        %get3A_249 = tpu.vector_load %arg12[%get3A_247, %get3A_248] {strides = array<i32>} : memref<128x16xf32, #tpu.memory_space<vmem>>, vector<1x16xf32>,
        %get3A_250 = vector.shape_cast %get3A_249 : vector<1x16xf32> to vector<16xf32>
        %add3A_251 = arith.addf %get3A_246, %get3A_250 : vector<16xf32>
        %mul3A_252 = arith.constant 2.000000e-01 : f32
        %mul3A_253 = vector.broadcast %mul3A_252 : f32 to vector<16xf32>
        %mul3A_254 = arith.mulf %add3A_251, %mul3A_253 : vector<16xf32>
        %max3A = arith.maximumf %add3A_251, %mul3A_254 : vector<16xf32>
        %exp3A = math.exp %max3A : vector<16xf32>
        %swap3A = arith.index_cast %add3A_243 : i32 to index
        %swap3A_255 = arith.constant 64 : index
        %swap3A_256 = tpu.vector_load %arg14[%swap3A, %swap3A_255] {strides = array<i32>} : memref<128x80xf32, #tpu.memory_space<vmem>>, vector<1x16xf32>,
        %swap3A_257 = vector.shape_cast %swap3A_256 : vector<1x16xf32> to vector<16xf32>
        %swap3A_258 = vector.shape_cast %exp3A : vector<16xf32> to vector<1x16xf32>
        tpu.vector_store %arg14[%swap3A, %swap3A_255], %swap3A_258 {strides = array<i32>} : memref<128x80xf32, #tpu.memory_space<vmem>>, vector<1x16xf32>,
        %get3A_259 = arith.index_cast %add3A_243 : i32 to index
        %get3A_260 = arith.constant 0 : index
        %get3A_261 = tpu.vector_load %arg10[%get3A_259, %get3A_260] {strides = array<i32>} : memref<128x80xf32, #tpu.memory_space<vmem>>, vector<1x16xf32>,
        %get3A_262 = vector.shape_cast %get3A_261 : vector<1x16xf32> to vector<16xf32>
        %add3A_263 = arith.constant 0 : i32
        %add3A_264 = vector.broadcast %add3A_263 : i32 to vector<16xi32>
        %add3A_265 = arith.addi %add3A_264, %iota3A : vector<16xi32>
        %shift_right_arithmetic3A = arith.constant 4 : i32
        %shift_right_arithmetic3A_266 = vector.broadcast %shift_right_arithmetic3A : i32 to vector<16xi32>
        %shift_right_arithmetic3A_267 = arith.shrsi %add3A_265, %shift_right_arithmetic3A_266 : vector<16xi32>
        %reshape3A = vector.shape_cast %shift_right_arithmetic3A_267 : vector<16xi32> to vector<16x1xi32>
        %gather3A = vector.shape_cast %reshape3A : vector<16x1xi32> to vector<16xi32>
        %gather3A_268 = tpu.dynamic_gather %exp3A[%gather3A] in [0] : vector<16xf32>, vector<16xi32> -> vector<16xf32>
        %mul3A_269 = arith.mulf %get3A_262, %gather3A_268 : vector<16xf32>
        %swap3A_270 = arith.index_cast %add3A_243 : i32 to index
        %swap3A_271 = arith.constant 0 : index
        %swap3A_272 = tpu.vector_load %arg14[%swap3A_270, %swap3A_271] {strides = array<i32>} : memref<128x80xf32, #tpu.memory_space<vmem>>, vector<1x16xf32>,
        %swap3A_273 = vector.shape_cast %swap3A_272 : vector<1x16xf32> to vector<16xf32>
        %swap3A_274 = vector.shape_cast %mul3A_269 : vector<16xf32> to vector<1x16xf32>
        tpu.vector_store %arg14[%swap3A_270, %swap3A_271], %swap3A_274 {strides = array<i32>} : memref<128x80xf32, #tpu.memory_space<vmem>>, vector<1x16xf32>,
        %get3A_275 = arith.index_cast %add3A_243 : i32 to index
        %get3A_276 = arith.constant 16 : index
        %get3A_277 = tpu.vector_load %arg10[%get3A_275, %get3A_276] {strides = array<i32>} : memref<128x80xf32, #tpu.memory_space<vmem>>, vector<1x16xf32>,
        %get3A_278 = vector.shape_cast %get3A_277 : vector<1x16xf32> to vector<16xf32>
        %add3A_279 = arith.constant 16 : i32
        %add3A_280 = vector.broadcast %add3A_279 : i32 to vector<16xi32>
        %add3A_281 = arith.addi %add3A_280, %iota3A : vector<16xi32>
        %shift_right_arithmetic3A_282 = arith.constant 4 : i32
        %shift_right_arithmetic3A_283 = vector.broadcast %shift_right_arithmetic3A_282 : i32 to vector<16xi32>
        %shift_right_arithmetic3A_284 = arith.shrsi %add3A_281, %shift_right_arithmetic3A_283 : vector<16xi32>
        %reshape3A_285 = vector.shape_cast %shift_right_arithmetic3A_284 : vector<16xi32> to vector<16x1xi32>
        %gather3A_286 = vector.shape_cast %reshape3A_285 : vector<16x1xi32> to vector<16xi32>
        %gather3A_287 = tpu.dynamic_gather %exp3A[%gather3A_286] in [0] : vector<16xf32>, vector<16xi32> -> vector<16xf32>
        %mul3A_288 = arith.mulf %get3A_278, %gather3A_287 : vector<16xf32>
        %swap3A_289 = arith.index_cast %add3A_243 : i32 to index
        %swap3A_290 = arith.constant 16 : index
        %swap3A_291 = tpu.vector_load %arg14[%swap3A_289, %swap3A_290] {strides = array<i32>} : memref<128x80xf32, #tpu.memory_space<vmem>>, vector<1x16xf32>,
        %swap3A_292 = vector.shape_cast %swap3A_291 : vector<1x16xf32> to vector<16xf32>
        %swap3A_293 = vector.shape_cast %mul3A_288 : vector<16xf32> to vector<1x16xf32>
        tpu.vector_store %arg14[%swap3A_289, %swap3A_290], %swap3A_293 {strides = array<i32>} : memref<128x80xf32, #tpu.memory_space<vmem>>, vector<1x16xf32>,
        %get3A_294 = arith.index_cast %add3A_243 : i32 to index
        %get3A_295 = arith.constant 32 : index
        %get3A_296 = tpu.vector_load %arg10[%get3A_294, %get3A_295] {strides = array<i32>} : memref<128x80xf32, #tpu.memory_space<vmem>>, vector<1x16xf32>,
        %get3A_297 = vector.shape_cast %get3A_296 : vector<1x16xf32> to vector<16xf32>
        %add3A_298 = arith.constant 32 : i32
        %add3A_299 = vector.broadcast %add3A_298 : i32 to vector<16xi32>
        %add3A_300 = arith.addi %add3A_299, %iota3A : vector<16xi32>
        %shift_right_arithmetic3A_301 = arith.constant 4 : i32
        %shift_right_arithmetic3A_302 = vector.broadcast %shift_right_arithmetic3A_301 : i32 to vector<16xi32>
        %shift_right_arithmetic3A_303 = arith.shrsi %add3A_300, %shift_right_arithmetic3A_302 : vector<16xi32>
        %reshape3A_304 = vector.shape_cast %shift_right_arithmetic3A_303 : vector<16xi32> to vector<16x1xi32>
        %gather3A_305 = vector.shape_cast %reshape3A_304 : vector<16x1xi32> to vector<16xi32>
        %gather3A_306 = tpu.dynamic_gather %exp3A[%gather3A_305] in [0] : vector<16xf32>, vector<16xi32> -> vector<16xf32>
        %mul3A_307 = arith.mulf %get3A_297, %gather3A_306 : vector<16xf32>
        %swap3A_308 = arith.index_cast %add3A_243 : i32 to index
        %swap3A_309 = arith.constant 32 : index
        %swap3A_310 = tpu.vector_load %arg14[%swap3A_308, %swap3A_309] {strides = array<i32>} : memref<128x80xf32, #tpu.memory_space<vmem>>, vector<1x16xf32>,
        %swap3A_311 = vector.shape_cast %swap3A_310 : vector<1x16xf32> to vector<16xf32>
        %swap3A_312 = vector.shape_cast %mul3A_307 : vector<16xf32> to vector<1x16xf32>
        tpu.vector_store %arg14[%swap3A_308, %swap3A_309], %swap3A_312 {strides = array<i32>} : memref<128x80xf32, #tpu.memory_space<vmem>>, vector<1x16xf32>,
        %get3A_313 = arith.index_cast %add3A_243 : i32 to index
        %get3A_314 = arith.constant 48 : index
        %get3A_315 = tpu.vector_load %arg10[%get3A_313, %get3A_314] {strides = array<i32>} : memref<128x80xf32, #tpu.memory_space<vmem>>, vector<1x16xf32>,
        %get3A_316 = vector.shape_cast %get3A_315 : vector<1x16xf32> to vector<16xf32>
        %add3A_317 = arith.constant 48 : i32
        %add3A_318 = vector.broadcast %add3A_317 : i32 to vector<16xi32>
        %add3A_319 = arith.addi %add3A_318, %iota3A : vector<16xi32>
        %shift_right_arithmetic3A_320 = arith.constant 4 : i32
        %shift_right_arithmetic3A_321 = vector.broadcast %shift_right_arithmetic3A_320 : i32 to vector<16xi32>
        %shift_right_arithmetic3A_322 = arith.shrsi %add3A_319, %shift_right_arithmetic3A_321 : vector<16xi32>
        %reshape3A_323 = vector.shape_cast %shift_right_arithmetic3A_322 : vector<16xi32> to vector<16x1xi32>
        %gather3A_324 = vector.shape_cast %reshape3A_323 : vector<16x1xi32> to vector<16xi32>
        %gather3A_325 = tpu.dynamic_gather %exp3A[%gather3A_324] in [0] : vector<16xf32>, vector<16xi32> -> vector<16xf32>
        %mul3A_326 = arith.mulf %get3A_316, %gather3A_325 : vector<16xf32>
        %swap3A_327 = arith.index_cast %add3A_243 : i32 to index
        %swap3A_328 = arith.constant 48 : index
        %swap3A_329 = tpu.vector_load %arg14[%swap3A_327, %swap3A_328] {strides = array<i32>} : memref<128x80xf32, #tpu.memory_space<vmem>>, vector<1x16xf32>,
        %swap3A_330 = vector.shape_cast %swap3A_329 : vector<1x16xf32> to vector<16xf32>
        %swap3A_331 = vector.shape_cast %mul3A_326 : vector<16xf32> to vector<1x16xf32>
        tpu.vector_store %arg14[%swap3A_327, %swap3A_328], %swap3A_331 {strides = array<i32>} : memref<128x80xf32, #tpu.memory_space<vmem>>, vector<1x16xf32>,
        %mul3A_332 = arith.constant 2 : i32
        %mul3A_333 = arith.muli %mul3A_332, %scan3A_238 : i32
        %add3A_334 = arith.constant 1 : i32
        %add3A_335 = arith.addi %mul3A_333, %add3A_334 : i32
        %get3A_336 = arith.index_cast %add3A_335 : i32 to index
        %get3A_337 = arith.constant 64 : index
        %get3A_338 = tpu.vector_load %arg10[%get3A_336, %get3A_337] {strides = array<i32>} : memref<128x80xf32, #tpu.memory_space<vmem>>, vector<1x16xf32>,
        %get3A_339 = vector.shape_cast %get3A_338 : vector<1x16xf32> to vector<16xf32>
        %get3A_340 = arith.index_cast %add3A_335 : i32 to index
        %get3A_341 = arith.constant 0 : index
        %get3A_342 = tpu.vector_load %arg12[%get3A_340, %get3A_341] {strides = array<i32>} : memref<128x16xf32, #tpu.memory_space<vmem>>, vector<1x16xf32>,
        %get3A_343 = vector.shape_cast %get3A_342 : vector<1x16xf32> to vector<16xf32>
        %add3A_344 = arith.addf %get3A_339, %get3A_343 : vector<16xf32>
        %mul3A_345 = arith.constant 2.000000e-01 : f32
        %mul3A_346 = vector.broadcast %mul3A_345 : f32 to vector<16xf32>
        %mul3A_347 = arith.mulf %add3A_344, %mul3A_346 : vector<16xf32>
        %max3A_348 = arith.maximumf %add3A_344, %mul3A_347 : vector<16xf32>
        %exp3A_349 = math.exp %max3A_348 : vector<16xf32>
        %swap3A_350 = arith.index_cast %add3A_335 : i32 to index
        %swap3A_351 = arith.constant 64 : index
        %swap3A_352 = tpu.vector_load %arg14[%swap3A_350, %swap3A_351] {strides = array<i32>} : memref<128x80xf32, #tpu.memory_space<vmem>>, vector<1x16xf32>,
        %swap3A_353 = vector.shape_cast %swap3A_352 : vector<1x16xf32> to vector<16xf32>
        %swap3A_354 = vector.shape_cast %exp3A_349 : vector<16xf32> to vector<1x16xf32>
        tpu.vector_store %arg14[%swap3A_350, %swap3A_351], %swap3A_354 {strides = array<i32>} : memref<128x80xf32, #tpu.memory_space<vmem>>, vector<1x16xf32>,
        %get3A_355 = arith.index_cast %add3A_335 : i32 to index
        %get3A_356 = arith.constant 0 : index
        %get3A_357 = tpu.vector_load %arg10[%get3A_355, %get3A_356] {strides = array<i32>} : memref<128x80xf32, #tpu.memory_space<vmem>>, vector<1x16xf32>,
        %get3A_358 = vector.shape_cast %get3A_357 : vector<1x16xf32> to vector<16xf32>
        %add3A_359 = arith.constant 0 : i32
        %add3A_360 = vector.broadcast %add3A_359 : i32 to vector<16xi32>
        %add3A_361 = arith.addi %add3A_360, %iota3A : vector<16xi32>
        %shift_right_arithmetic3A_362 = arith.constant 4 : i32
        %shift_right_arithmetic3A_363 = vector.broadcast %shift_right_arithmetic3A_362 : i32 to vector<16xi32>
        %shift_right_arithmetic3A_364 = arith.shrsi %add3A_361, %shift_right_arithmetic3A_363 : vector<16xi32>
        %reshape3A_365 = vector.shape_cast %shift_right_arithmetic3A_364 : vector<16xi32> to vector<16x1xi32>
        %gather3A_366 = vector.shape_cast %reshape3A_365 : vector<16x1xi32> to vector<16xi32>
        %gather3A_367 = tpu.dynamic_gather %exp3A_349[%gather3A_366] in [0] : vector<16xf32>, vector<16xi32> -> vector<16xf32>
        %mul3A_368 = arith.mulf %get3A_358, %gather3A_367 : vector<16xf32>
        %swap3A_369 = arith.index_cast %add3A_335 : i32 to index
        %swap3A_370 = arith.constant 0 : index
        %swap3A_371 = tpu.vector_load %arg14[%swap3A_369, %swap3A_370] {strides = array<i32>} : memref<128x80xf32, #tpu.memory_space<vmem>>, vector<1x16xf32>,
        %swap3A_372 = vector.shape_cast %swap3A_371 : vector<1x16xf32> to vector<16xf32>
        %swap3A_373 = vector.shape_cast %mul3A_368 : vector<16xf32> to vector<1x16xf32>
        tpu.vector_store %arg14[%swap3A_369, %swap3A_370], %swap3A_373 {strides = array<i32>} : memref<128x80xf32, #tpu.memory_space<vmem>>, vector<1x16xf32>,
        %get3A_374 = arith.index_cast %add3A_335 : i32 to index
        %get3A_375 = arith.constant 16 : index
        %get3A_376 = tpu.vector_load %arg10[%get3A_374, %get3A_375] {strides = array<i32>} : memref<128x80xf32, #tpu.memory_space<vmem>>, vector<1x16xf32>,
        %get3A_377 = vector.shape_cast %get3A_376 : vector<1x16xf32> to vector<16xf32>
        %add3A_378 = arith.constant 16 : i32
        %add3A_379 = vector.broadcast %add3A_378 : i32 to vector<16xi32>
        %add3A_380 = arith.addi %add3A_379, %iota3A : vector<16xi32>
        %shift_right_arithmetic3A_381 = arith.constant 4 : i32
        %shift_right_arithmetic3A_382 = vector.broadcast %shift_right_arithmetic3A_381 : i32 to vector<16xi32>
        %shift_right_arithmetic3A_383 = arith.shrsi %add3A_380, %shift_right_arithmetic3A_382 : vector<16xi32>
        %reshape3A_384 = vector.shape_cast %shift_right_arithmetic3A_383 : vector<16xi32> to vector<16x1xi32>
        %gather3A_385 = vector.shape_cast %reshape3A_384 : vector<16x1xi32> to vector<16xi32>
        %gather3A_386 = tpu.dynamic_gather %exp3A_349[%gather3A_385] in [0] : vector<16xf32>, vector<16xi32> -> vector<16xf32>
        %mul3A_387 = arith.mulf %get3A_377, %gather3A_386 : vector<16xf32>
        %swap3A_388 = arith.index_cast %add3A_335 : i32 to index
        %swap3A_389 = arith.constant 16 : index
        %swap3A_390 = tpu.vector_load %arg14[%swap3A_388, %swap3A_389] {strides = array<i32>} : memref<128x80xf32, #tpu.memory_space<vmem>>, vector<1x16xf32>,
        %swap3A_391 = vector.shape_cast %swap3A_390 : vector<1x16xf32> to vector<16xf32>
        %swap3A_392 = vector.shape_cast %mul3A_387 : vector<16xf32> to vector<1x16xf32>
        tpu.vector_store %arg14[%swap3A_388, %swap3A_389], %swap3A_392 {strides = array<i32>} : memref<128x80xf32, #tpu.memory_space<vmem>>, vector<1x16xf32>,
        %get3A_393 = arith.index_cast %add3A_335 : i32 to index
        %get3A_394 = arith.constant 32 : index
        %get3A_395 = tpu.vector_load %arg10[%get3A_393, %get3A_394] {strides = array<i32>} : memref<128x80xf32, #tpu.memory_space<vmem>>, vector<1x16xf32>,
        %get3A_396 = vector.shape_cast %get3A_395 : vector<1x16xf32> to vector<16xf32>
        %add3A_397 = arith.constant 32 : i32
        %add3A_398 = vector.broadcast %add3A_397 : i32 to vector<16xi32>
        %add3A_399 = arith.addi %add3A_398, %iota3A : vector<16xi32>
        %shift_right_arithmetic3A_400 = arith.constant 4 : i32
        %shift_right_arithmetic3A_401 = vector.broadcast %shift_right_arithmetic3A_400 : i32 to vector<16xi32>
        %shift_right_arithmetic3A_402 = arith.shrsi %add3A_399, %shift_right_arithmetic3A_401 : vector<16xi32>
        %reshape3A_403 = vector.shape_cast %shift_right_arithmetic3A_402 : vector<16xi32> to vector<16x1xi32>
        %gather3A_404 = vector.shape_cast %reshape3A_403 : vector<16x1xi32> to vector<16xi32>
        %gather3A_405 = tpu.dynamic_gather %exp3A_349[%gather3A_404] in [0] : vector<16xf32>, vector<16xi32> -> vector<16xf32>
        %mul3A_406 = arith.mulf %get3A_396, %gather3A_405 : vector<16xf32>
        %swap3A_407 = arith.index_cast %add3A_335 : i32 to index
        %swap3A_408 = arith.constant 32 : index
        %swap3A_409 = tpu.vector_load %arg14[%swap3A_407, %swap3A_408] {strides = array<i32>} : memref<128x80xf32, #tpu.memory_space<vmem>>, vector<1x16xf32>,
        %swap3A_410 = vector.shape_cast %swap3A_409 : vector<1x16xf32> to vector<16xf32>
        %swap3A_411 = vector.shape_cast %mul3A_406 : vector<16xf32> to vector<1x16xf32>
        tpu.vector_store %arg14[%swap3A_407, %swap3A_408], %swap3A_411 {strides = array<i32>} : memref<128x80xf32, #tpu.memory_space<vmem>>, vector<1x16xf32>,
        %get3A_412 = arith.index_cast %add3A_335 : i32 to index
        %get3A_413 = arith.constant 48 : index
        %get3A_414 = tpu.vector_load %arg10[%get3A_412, %get3A_413] {strides = array<i32>} : memref<128x80xf32, #tpu.memory_space<vmem>>, vector<1x16xf32>,
        %get3A_415 = vector.shape_cast %get3A_414 : vector<1x16xf32> to vector<16xf32>
        %add3A_416 = arith.constant 48 : i32
        %add3A_417 = vector.broadcast %add3A_416 : i32 to vector<16xi32>
        %add3A_418 = arith.addi %add3A_417, %iota3A : vector<16xi32>
        %shift_right_arithmetic3A_419 = arith.constant 4 : i32
        %shift_right_arithmetic3A_420 = vector.broadcast %shift_right_arithmetic3A_419 : i32 to vector<16xi32>
        %shift_right_arithmetic3A_421 = arith.shrsi %add3A_418, %shift_right_arithmetic3A_420 : vector<16xi32>
        %reshape3A_422 = vector.shape_cast %shift_right_arithmetic3A_421 : vector<16xi32> to vector<16x1xi32>
        %gather3A_423 = vector.shape_cast %reshape3A_422 : vector<16x1xi32> to vector<16xi32>
        %gather3A_424 = tpu.dynamic_gather %exp3A_349[%gather3A_423] in [0] : vector<16xf32>, vector<16xi32> -> vector<16xf32>
        %mul3A_425 = arith.mulf %get3A_415, %gather3A_424 : vector<16xf32>
        %swap3A_426 = arith.index_cast %add3A_335 : i32 to index
        %swap3A_427 = arith.constant 48 : index
        %swap3A_428 = tpu.vector_load %arg14[%swap3A_426, %swap3A_427] {strides = array<i32>} : memref<128x80xf32, #tpu.memory_space<vmem>>, vector<1x16xf32>,
        %swap3A_429 = vector.shape_cast %swap3A_428 : vector<1x16xf32> to vector<16xf32>
        %swap3A_430 = vector.shape_cast %mul3A_425 : vector<16xf32> to vector<1x16xf32>
        tpu.vector_store %arg14[%swap3A_426, %swap3A_427], %swap3A_430 {strides = array<i32>} : memref<128x80xf32, #tpu.memory_space<vmem>>, vector<1x16xf32>,
        %scan3A_431 = arith.constant 0 : i32
        scf.yield %scan3A_431 : i32
      }
      %scan3A_179 = arith.constant 64 : i32
      %dma_start3A_180 = arith.constant 0 : i32
      %dma_start3A_181 = arith.constant 0 : i32
      %dma_start3A_182 = tpu.memref_slice %arg19[%dma_start3A_180, %dma_start3A_181] : memref<12928x80xf32, #tpu.memory_space<vmem_shared>> -> memref<12928x80xf32, #tpu.memory_space<vmem_shared>>
      tpu.enqueue_indirect_dma source(%arg14 : memref<128x80xf32, #tpu.memory_space<vmem>>) target(%dma_start3A_182 : memref<12928x80xf32, #tpu.memory_space<vmem_shared>>) offsets(%arg8 : memref<128xi32, #tpu.memory_space<vmem>>) semaphore(%arg18 : memref<!tpu.dma_semaphore, #tpu.memory_space<semaphore_mem>>) {add = true}
      %mul3A_183 = arith.constant 2 : i32
      %mul3A_184 = arith.muli %mul3A_183, %scan3A_133 : i32
      %add3A_185 = arith.constant 1 : i32
      %add3A_186 = arith.addi %mul3A_184, %add3A_185 : i32
      %dma_wait3A_187 = arith.constant 0 : i32
      %dma_wait3A_188 = arith.constant 0 : i32
      %dma_wait3A_189 = tpu.memref_slice %arg7[%dma_wait3A_187, %dma_wait3A_188] : memref<2x128xi32, #tpu.memory_space<vmem>> -> memref<1x128xi32, #tpu.memory_space<vmem>>
      %dma_wait3A_190 = tpu.memref_squeeze %dma_wait3A_189 : memref<1x128xi32, #tpu.memory_space<vmem>> -> memref<128xi32, #tpu.memory_space<vmem>>
      %dma_wait3A_191 = arith.constant 0 : i32
      %dma_wait3A_192 = arith.constant 0 : i32
      %dma_wait3A_193 = tpu.memref_slice %arg3[%dma_wait3A_191, %dma_wait3A_192] : memref<50048x80xf32, #tpu.memory_space<hbm>> -> memref<50048x80xf32, #tpu.memory_space<hbm>>
      tpu.wait_indirect_dma semaphore(%arg16 : memref<!tpu.dma_semaphore, #tpu.memory_space<semaphore_mem>>) src(%dma_wait3A_193 : memref<50048x80xf32, #tpu.memory_space<hbm>>) dst(%arg11 : memref<128x80xf32, #tpu.memory_space<vmem>>)
      %dma_wait3A_194 = arith.constant 1 : i32
      %dma_wait3A_195 = arith.constant 0 : i32
      %dma_wait3A_196 = tpu.memref_slice %arg7[%dma_wait3A_194, %dma_wait3A_195] : memref<2x128xi32, #tpu.memory_space<vmem>> -> memref<1x128xi32, #tpu.memory_space<vmem>>
      %dma_wait3A_197 = tpu.memref_squeeze %dma_wait3A_196 : memref<1x128xi32, #tpu.memory_space<vmem>> -> memref<128xi32, #tpu.memory_space<vmem>>
      %dma_wait3A_198 = arith.constant 0 : i32
      %dma_wait3A_199 = arith.constant 0 : i32
      %dma_wait3A_200 = tpu.memref_slice %arg4[%dma_wait3A_198, %dma_wait3A_199] : memref<50048x16xf32, #tpu.memory_space<hbm>> -> memref<50048x16xf32, #tpu.memory_space<hbm>>
      tpu.wait_indirect_dma semaphore(%arg16 : memref<!tpu.dma_semaphore, #tpu.memory_space<semaphore_mem>>) src(%dma_wait3A_200 : memref<50048x16xf32, #tpu.memory_space<hbm>>) dst(%arg13 : memref<128x16xf32, #tpu.memory_space<vmem>>)
      %ge3A_201 = arith.constant 2 : i32
      %ge3A_202 = arith.cmpi sge, %add3A_186, %ge3A_201 : i32
      %convert_element_type3A_203 = arith.extui %ge3A_202 : i1 to i32
      %cond3A_204 = arith.constant 0 : i32
      %cond3A_205 = arith.cmpi ne, %convert_element_type3A_203, %cond3A_204 : i32
      scf.if %cond3A_205 {
        %dma_wait3A_238 = arith.constant 0 : i32
        %dma_wait3A_239 = arith.constant 0 : i32
        %dma_wait3A_240 = tpu.memref_slice %arg19[%dma_wait3A_238, %dma_wait3A_239] : memref<12928x80xf32, #tpu.memory_space<vmem_shared>> -> memref<12928x80xf32, #tpu.memory_space<vmem_shared>>
        tpu.wait_indirect_dma semaphore(%arg18 : memref<!tpu.dma_semaphore, #tpu.memory_space<semaphore_mem>>) src(%arg15 : memref<128x80xf32, #tpu.memory_space<vmem>>) dst(%dma_wait3A_240 : memref<12928x80xf32, #tpu.memory_space<vmem_shared>>)
      } else {
      }
      %scan3A_206 = arith.constant 0 : i32
      %scan3A_207 = arith.constant 0 : i32
      %scan3A_208 = arith.constant 8 : i32
      %scan3A_209 = arith.addi %scan3A_207, %scan3A_208 : i32
      %scan3A_210 = arith.constant 1 : i32
      %scan3A_211 = scf.for %scan3A_238 = %scan3A_207 to %scan3A_209 step %scan3A_210 iter_args(%scan3A_239 = %scan3A_206) -> (i32)  : i32 {
        %mul3A_240 = arith.constant 16 : i32
        %mul3A_241 = arith.muli %scan3A_238, %mul3A_240 : i32
        %get3A = arith.constant 1 : i32
        %get3A_242 = arith.index_cast %get3A : i32 to index
        %get3A_243 = arith.index_cast %mul3A_241 : i32 to index
        %get3A_244 = tpu.vector_load %arg7[%get3A_242, %get3A_243] {strides = array<i32>} : memref<2x128xi32, #tpu.memory_space<vmem>>, vector<1x16xi32>,
        %get3A_245 = vector.shape_cast %get3A_244 : vector<1x16xi32> to vector<16xi32>
        %mul3A_246 = arith.constant 12800 : i32
        %mul3A_247 = arith.muli %add3A_1, %mul3A_246 : i32
        %sub3A = vector.broadcast %mul3A_247 : i32 to vector<16xi32>
        %sub3A_248 = arith.subi %get3A_245, %sub3A : vector<16xi32>
        %lt3A_249 = arith.constant 0 : i32
        %lt3A_250 = vector.broadcast %lt3A_249 : i32 to vector<16xi32>
        %lt3A_251 = arith.cmpi slt, %sub3A_248, %lt3A_250 : vector<16xi32>
        %ge3A_252 = arith.constant 12800 : i32
        %ge3A_253 = vector.broadcast %ge3A_252 : i32 to vector<16xi32>
        %ge3A_254 = arith.cmpi sge, %sub3A_248, %ge3A_253 : vector<16xi32>
        %or3A = arith.ori %lt3A_251, %ge3A_254 : vector<16xi1>
        %jit3A = arith.constant 12800 : i32
        %broadcast_in_dim3A_255 = vector.broadcast %jit3A : i32 to vector<16xi32>
        %select_n3A = arith.select %or3A, %broadcast_in_dim3A_255, %sub3A_248 : vector<16xi1>, vector<16xi32>
        %mul3A_256 = arith.constant 16 : i32
        %mul3A_257 = arith.muli %scan3A_238, %mul3A_256 : i32
        %swap3A = arith.index_cast %mul3A_257 : i32 to index
        %swap3A_258 = tpu.vector_load %arg9[%swap3A] {strides = array<i32>} : memref<128xi32, #tpu.memory_space<vmem>>, vector<16xi32>,
        %swap3A_259 = vector.shape_cast %swap3A_258 : vector<16xi32> to vector<16xi32>
        %swap3A_260 = vector.shape_cast %select_n3A : vector<16xi32> to vector<16xi32>
        tpu.vector_store %arg9[%swap3A], %swap3A_260 {strides = array<i32>} : memref<128xi32, #tpu.memory_space<vmem>>, vector<16xi32>,
        %scan3A_261 = arith.constant 0 : i32
        scf.yield %scan3A_261 : i32
      }
      %scan3A_212 = arith.constant 8 : i32
      %add3A_213 = arith.constant 1 : i32
      %add3A_214 = arith.addi %add3A_186, %add3A_213 : i32
      %lt3A_215 = arith.constant 416 : i32
      %lt3A_216 = arith.cmpi slt, %add3A_214, %lt3A_215 : i32
      %convert_element_type3A_217 = arith.extui %lt3A_216 : i1 to i32
      %cond3A_218 = arith.constant 0 : i32
      %cond3A_219 = arith.cmpi ne, %convert_element_type3A_217, %cond3A_218 : i32
      scf.if %cond3A_219 {
        %dma_wait3A_238 = arith.constant 0 : i32
        %dma_wait3A_239 = arith.constant 0 : i32
        %dma_wait3A_240 = tpu.memref_slice %arg2[%mul3A_19, %dma_wait3A_238, %dma_wait3A_239] : memref<6656x2x128xi32, #tpu.memory_space<hbm>> -> memref<1x2x128xi32, #tpu.memory_space<hbm>>
        %dma_wait3A_241 = tpu.memref_squeeze %dma_wait3A_240 : memref<1x2x128xi32, #tpu.memory_space<hbm>> -> memref<2x128xi32, #tpu.memory_space<hbm>>
        %dma_wait3A_242 = arith.constant 0 : i32
        %dma_wait3A_243 = arith.constant 0 : i32
        %dma_wait3A_244 = tpu.memref_slice %arg2[%mul3A_19, %dma_wait3A_242, %dma_wait3A_243] : memref<6656x2x128xi32, #tpu.memory_space<hbm>> -> memref<1x2x128xi32, #tpu.memory_space<hbm>>
        %dma_wait3A_245 = tpu.memref_squeeze %dma_wait3A_244 : memref<1x2x128xi32, #tpu.memory_space<hbm>> -> memref<2x128xi32, #tpu.memory_space<hbm>>
        tpu.wait_dma2 semaphore(%arg17 : memref<!tpu.dma_semaphore, #tpu.memory_space<semaphore_mem>>) src(%dma_wait3A_245 : memref<2x128xi32, #tpu.memory_space<hbm>>) dst(%arg6 : memref<2x128xi32, #tpu.memory_space<vmem>>)
        %dma_start3A_246 = arith.constant 0 : i32
        %dma_start3A_247 = arith.constant 0 : i32
        %dma_start3A_248 = tpu.memref_slice %arg6[%dma_start3A_246, %dma_start3A_247] : memref<2x128xi32, #tpu.memory_space<vmem>> -> memref<1x128xi32, #tpu.memory_space<vmem>>
        %dma_start3A_249 = tpu.memref_squeeze %dma_start3A_248 : memref<1x128xi32, #tpu.memory_space<vmem>> -> memref<128xi32, #tpu.memory_space<vmem>>
        %dma_start3A_250 = arith.constant 0 : i32
        %dma_start3A_251 = arith.constant 0 : i32
        %dma_start3A_252 = tpu.memref_slice %arg3[%dma_start3A_250, %dma_start3A_251] : memref<50048x80xf32, #tpu.memory_space<hbm>> -> memref<50048x80xf32, #tpu.memory_space<hbm>>
        tpu.enqueue_indirect_dma source(%dma_start3A_252 : memref<50048x80xf32, #tpu.memory_space<hbm>>) target(%arg10 : memref<128x80xf32, #tpu.memory_space<vmem>>) offsets(%dma_start3A_249 : memref<128xi32, #tpu.memory_space<vmem>>) semaphore(%arg16 : memref<!tpu.dma_semaphore, #tpu.memory_space<semaphore_mem>>)
        %dma_start3A_253 = arith.constant 1 : i32
        %dma_start3A_254 = arith.constant 0 : i32
        %dma_start3A_255 = tpu.memref_slice %arg6[%dma_start3A_253, %dma_start3A_254] : memref<2x128xi32, #tpu.memory_space<vmem>> -> memref<1x128xi32, #tpu.memory_space<vmem>>
        %dma_start3A_256 = tpu.memref_squeeze %dma_start3A_255 : memref<1x128xi32, #tpu.memory_space<vmem>> -> memref<128xi32, #tpu.memory_space<vmem>>
        %dma_start3A_257 = arith.constant 0 : i32
        %dma_start3A_258 = arith.constant 0 : i32
        %dma_start3A_259 = tpu.memref_slice %arg4[%dma_start3A_257, %dma_start3A_258] : memref<50048x16xf32, #tpu.memory_space<hbm>> -> memref<50048x16xf32, #tpu.memory_space<hbm>>
        tpu.enqueue_indirect_dma source(%dma_start3A_259 : memref<50048x16xf32, #tpu.memory_space<hbm>>) target(%arg12 : memref<128x16xf32, #tpu.memory_space<vmem>>) offsets(%dma_start3A_256 : memref<128xi32, #tpu.memory_space<vmem>>) semaphore(%arg16 : memref<!tpu.dma_semaphore, #tpu.memory_space<semaphore_mem>>)
      } else {
      }
      %add3A_220 = arith.constant 2 : i32
      %add3A_221 = arith.addi %add3A_186, %add3A_220 : i32
      %lt3A_222 = arith.constant 416 : i32
      %lt3A_223 = arith.cmpi slt, %add3A_221, %lt3A_222 : i32
      %convert_element_type3A_224 = arith.extui %lt3A_223 : i1 to i32
      %cond3A_225 = arith.constant 0 : i32
      %cond3A_226 = arith.cmpi ne, %convert_element_type3A_224, %cond3A_225 : i32
      scf.if %cond3A_226 {
        %add3A_238 = arith.constant 2 : i32
        %add3A_239 = arith.addi %add3A_186, %add3A_238 : i32
        %add3A_240 = arith.addi %mul3A_19, %add3A_239 : i32
        %dma_start3A_241 = arith.constant 0 : i32
        %dma_start3A_242 = arith.constant 0 : i32
        %dma_start3A_243 = tpu.memref_slice %arg2[%add3A_240, %dma_start3A_241, %dma_start3A_242] : memref<6656x2x128xi32, #tpu.memory_space<hbm>> -> memref<1x2x128xi32, #tpu.memory_space<hbm>>
        %dma_start3A_244 = tpu.memref_squeeze %dma_start3A_243 : memref<1x2x128xi32, #tpu.memory_space<hbm>> -> memref<2x128xi32, #tpu.memory_space<hbm>>
        %dma_start3A_245 = arith.constant 0 : i32
        %dma_start3A_246 = arith.constant 0 : i32
        %dma_start3A_247 = tpu.memref_slice %arg2[%add3A_240, %dma_start3A_245, %dma_start3A_246] : memref<6656x2x128xi32, #tpu.memory_space<hbm>> -> memref<1x2x128xi32, #tpu.memory_space<hbm>>
        %dma_start3A_248 = tpu.memref_squeeze %dma_start3A_247 : memref<1x2x128xi32, #tpu.memory_space<hbm>> -> memref<2x128xi32, #tpu.memory_space<hbm>>
        tpu.enqueue_dma source(%dma_start3A_248 : memref<2x128xi32, #tpu.memory_space<hbm>>) target(%arg7 : memref<2x128xi32, #tpu.memory_space<vmem>>) target_semaphore(%arg17 : memref<!tpu.dma_semaphore, #tpu.memory_space<semaphore_mem>>)
      } else {
      }
      %scan3A_227 = arith.constant 0 : i32
      %scan3A_228 = arith.constant 0 : i32
      %scan3A_229 = arith.constant 64 : i32
      %scan3A_230 = arith.addi %scan3A_228, %scan3A_229 : i32
      %scan3A_231 = arith.constant 1 : i32
      %scan3A_232 = scf.for %scan3A_238 = %scan3A_228 to %scan3A_230 step %scan3A_231 iter_args(%scan3A_239 = %scan3A_227) -> (i32)  : i32 {
        %mul3A_240 = arith.constant 2 : i32
        %mul3A_241 = arith.muli %mul3A_240, %scan3A_238 : i32
        %add3A_242 = arith.constant 0 : i32
        %add3A_243 = arith.addi %mul3A_241, %add3A_242 : i32
        %get3A = arith.index_cast %add3A_243 : i32 to index
        %get3A_244 = arith.constant 64 : index
        %get3A_245 = tpu.vector_load %arg11[%get3A, %get3A_244] {strides = array<i32>} : memref<128x80xf32, #tpu.memory_space<vmem>>, vector<1x16xf32>,
        %get3A_246 = vector.shape_cast %get3A_245 : vector<1x16xf32> to vector<16xf32>
        %get3A_247 = arith.index_cast %add3A_243 : i32 to index
        %get3A_248 = arith.constant 0 : index
        %get3A_249 = tpu.vector_load %arg13[%get3A_247, %get3A_248] {strides = array<i32>} : memref<128x16xf32, #tpu.memory_space<vmem>>, vector<1x16xf32>,
        %get3A_250 = vector.shape_cast %get3A_249 : vector<1x16xf32> to vector<16xf32>
        %add3A_251 = arith.addf %get3A_246, %get3A_250 : vector<16xf32>
        %mul3A_252 = arith.constant 2.000000e-01 : f32
        %mul3A_253 = vector.broadcast %mul3A_252 : f32 to vector<16xf32>
        %mul3A_254 = arith.mulf %add3A_251, %mul3A_253 : vector<16xf32>
        %max3A = arith.maximumf %add3A_251, %mul3A_254 : vector<16xf32>
        %exp3A = math.exp %max3A : vector<16xf32>
        %swap3A = arith.index_cast %add3A_243 : i32 to index
        %swap3A_255 = arith.constant 64 : index
        %swap3A_256 = tpu.vector_load %arg15[%swap3A, %swap3A_255] {strides = array<i32>} : memref<128x80xf32, #tpu.memory_space<vmem>>, vector<1x16xf32>,
        %swap3A_257 = vector.shape_cast %swap3A_256 : vector<1x16xf32> to vector<16xf32>
        %swap3A_258 = vector.shape_cast %exp3A : vector<16xf32> to vector<1x16xf32>
        tpu.vector_store %arg15[%swap3A, %swap3A_255], %swap3A_258 {strides = array<i32>} : memref<128x80xf32, #tpu.memory_space<vmem>>, vector<1x16xf32>,
        %get3A_259 = arith.index_cast %add3A_243 : i32 to index
        %get3A_260 = arith.constant 0 : index
        %get3A_261 = tpu.vector_load %arg11[%get3A_259, %get3A_260] {strides = array<i32>} : memref<128x80xf32, #tpu.memory_space<vmem>>, vector<1x16xf32>,
        %get3A_262 = vector.shape_cast %get3A_261 : vector<1x16xf32> to vector<16xf32>
        %add3A_263 = arith.constant 0 : i32
        %add3A_264 = vector.broadcast %add3A_263 : i32 to vector<16xi32>
        %add3A_265 = arith.addi %add3A_264, %iota3A : vector<16xi32>
        %shift_right_arithmetic3A = arith.constant 4 : i32
        %shift_right_arithmetic3A_266 = vector.broadcast %shift_right_arithmetic3A : i32 to vector<16xi32>
        %shift_right_arithmetic3A_267 = arith.shrsi %add3A_265, %shift_right_arithmetic3A_266 : vector<16xi32>
        %reshape3A = vector.shape_cast %shift_right_arithmetic3A_267 : vector<16xi32> to vector<16x1xi32>
        %gather3A = vector.shape_cast %reshape3A : vector<16x1xi32> to vector<16xi32>
        %gather3A_268 = tpu.dynamic_gather %exp3A[%gather3A] in [0] : vector<16xf32>, vector<16xi32> -> vector<16xf32>
        %mul3A_269 = arith.mulf %get3A_262, %gather3A_268 : vector<16xf32>
        %swap3A_270 = arith.index_cast %add3A_243 : i32 to index
        %swap3A_271 = arith.constant 0 : index
        %swap3A_272 = tpu.vector_load %arg15[%swap3A_270, %swap3A_271] {strides = array<i32>} : memref<128x80xf32, #tpu.memory_space<vmem>>, vector<1x16xf32>,
        %swap3A_273 = vector.shape_cast %swap3A_272 : vector<1x16xf32> to vector<16xf32>
        %swap3A_274 = vector.shape_cast %mul3A_269 : vector<16xf32> to vector<1x16xf32>
        tpu.vector_store %arg15[%swap3A_270, %swap3A_271], %swap3A_274 {strides = array<i32>} : memref<128x80xf32, #tpu.memory_space<vmem>>, vector<1x16xf32>,
        %get3A_275 = arith.index_cast %add3A_243 : i32 to index
        %get3A_276 = arith.constant 16 : index
        %get3A_277 = tpu.vector_load %arg11[%get3A_275, %get3A_276] {strides = array<i32>} : memref<128x80xf32, #tpu.memory_space<vmem>>, vector<1x16xf32>,
        %get3A_278 = vector.shape_cast %get3A_277 : vector<1x16xf32> to vector<16xf32>
        %add3A_279 = arith.constant 16 : i32
        %add3A_280 = vector.broadcast %add3A_279 : i32 to vector<16xi32>
        %add3A_281 = arith.addi %add3A_280, %iota3A : vector<16xi32>
        %shift_right_arithmetic3A_282 = arith.constant 4 : i32
        %shift_right_arithmetic3A_283 = vector.broadcast %shift_right_arithmetic3A_282 : i32 to vector<16xi32>
        %shift_right_arithmetic3A_284 = arith.shrsi %add3A_281, %shift_right_arithmetic3A_283 : vector<16xi32>
        %reshape3A_285 = vector.shape_cast %shift_right_arithmetic3A_284 : vector<16xi32> to vector<16x1xi32>
        %gather3A_286 = vector.shape_cast %reshape3A_285 : vector<16x1xi32> to vector<16xi32>
        %gather3A_287 = tpu.dynamic_gather %exp3A[%gather3A_286] in [0] : vector<16xf32>, vector<16xi32> -> vector<16xf32>
        %mul3A_288 = arith.mulf %get3A_278, %gather3A_287 : vector<16xf32>
        %swap3A_289 = arith.index_cast %add3A_243 : i32 to index
        %swap3A_290 = arith.constant 16 : index
        %swap3A_291 = tpu.vector_load %arg15[%swap3A_289, %swap3A_290] {strides = array<i32>} : memref<128x80xf32, #tpu.memory_space<vmem>>, vector<1x16xf32>,
        %swap3A_292 = vector.shape_cast %swap3A_291 : vector<1x16xf32> to vector<16xf32>
        %swap3A_293 = vector.shape_cast %mul3A_288 : vector<16xf32> to vector<1x16xf32>
        tpu.vector_store %arg15[%swap3A_289, %swap3A_290], %swap3A_293 {strides = array<i32>} : memref<128x80xf32, #tpu.memory_space<vmem>>, vector<1x16xf32>,
        %get3A_294 = arith.index_cast %add3A_243 : i32 to index
        %get3A_295 = arith.constant 32 : index
        %get3A_296 = tpu.vector_load %arg11[%get3A_294, %get3A_295] {strides = array<i32>} : memref<128x80xf32, #tpu.memory_space<vmem>>, vector<1x16xf32>,
        %get3A_297 = vector.shape_cast %get3A_296 : vector<1x16xf32> to vector<16xf32>
        %add3A_298 = arith.constant 32 : i32
        %add3A_299 = vector.broadcast %add3A_298 : i32 to vector<16xi32>
        %add3A_300 = arith.addi %add3A_299, %iota3A : vector<16xi32>
        %shift_right_arithmetic3A_301 = arith.constant 4 : i32
        %shift_right_arithmetic3A_302 = vector.broadcast %shift_right_arithmetic3A_301 : i32 to vector<16xi32>
        %shift_right_arithmetic3A_303 = arith.shrsi %add3A_300, %shift_right_arithmetic3A_302 : vector<16xi32>
        %reshape3A_304 = vector.shape_cast %shift_right_arithmetic3A_303 : vector<16xi32> to vector<16x1xi32>
        %gather3A_305 = vector.shape_cast %reshape3A_304 : vector<16x1xi32> to vector<16xi32>
        %gather3A_306 = tpu.dynamic_gather %exp3A[%gather3A_305] in [0] : vector<16xf32>, vector<16xi32> -> vector<16xf32>
        %mul3A_307 = arith.mulf %get3A_297, %gather3A_306 : vector<16xf32>
        %swap3A_308 = arith.index_cast %add3A_243 : i32 to index
        %swap3A_309 = arith.constant 32 : index
        %swap3A_310 = tpu.vector_load %arg15[%swap3A_308, %swap3A_309] {strides = array<i32>} : memref<128x80xf32, #tpu.memory_space<vmem>>, vector<1x16xf32>,
        %swap3A_311 = vector.shape_cast %swap3A_310 : vector<1x16xf32> to vector<16xf32>
        %swap3A_312 = vector.shape_cast %mul3A_307 : vector<16xf32> to vector<1x16xf32>
        tpu.vector_store %arg15[%swap3A_308, %swap3A_309], %swap3A_312 {strides = array<i32>} : memref<128x80xf32, #tpu.memory_space<vmem>>, vector<1x16xf32>,
        %get3A_313 = arith.index_cast %add3A_243 : i32 to index
        %get3A_314 = arith.constant 48 : index
        %get3A_315 = tpu.vector_load %arg11[%get3A_313, %get3A_314] {strides = array<i32>} : memref<128x80xf32, #tpu.memory_space<vmem>>, vector<1x16xf32>,
        %get3A_316 = vector.shape_cast %get3A_315 : vector<1x16xf32> to vector<16xf32>
        %add3A_317 = arith.constant 48 : i32
        %add3A_318 = vector.broadcast %add3A_317 : i32 to vector<16xi32>
        %add3A_319 = arith.addi %add3A_318, %iota3A : vector<16xi32>
        %shift_right_arithmetic3A_320 = arith.constant 4 : i32
        %shift_right_arithmetic3A_321 = vector.broadcast %shift_right_arithmetic3A_320 : i32 to vector<16xi32>
        %shift_right_arithmetic3A_322 = arith.shrsi %add3A_319, %shift_right_arithmetic3A_321 : vector<16xi32>
        %reshape3A_323 = vector.shape_cast %shift_right_arithmetic3A_322 : vector<16xi32> to vector<16x1xi32>
        %gather3A_324 = vector.shape_cast %reshape3A_323 : vector<16x1xi32> to vector<16xi32>
        %gather3A_325 = tpu.dynamic_gather %exp3A[%gather3A_324] in [0] : vector<16xf32>, vector<16xi32> -> vector<16xf32>
        %mul3A_326 = arith.mulf %get3A_316, %gather3A_325 : vector<16xf32>
        %swap3A_327 = arith.index_cast %add3A_243 : i32 to index
        %swap3A_328 = arith.constant 48 : index
        %swap3A_329 = tpu.vector_load %arg15[%swap3A_327, %swap3A_328] {strides = array<i32>} : memref<128x80xf32, #tpu.memory_space<vmem>>, vector<1x16xf32>,
        %swap3A_330 = vector.shape_cast %swap3A_329 : vector<1x16xf32> to vector<16xf32>
        %swap3A_331 = vector.shape_cast %mul3A_326 : vector<16xf32> to vector<1x16xf32>
        tpu.vector_store %arg15[%swap3A_327, %swap3A_328], %swap3A_331 {strides = array<i32>} : memref<128x80xf32, #tpu.memory_space<vmem>>, vector<1x16xf32>,
        %mul3A_332 = arith.constant 2 : i32
        %mul3A_333 = arith.muli %mul3A_332, %scan3A_238 : i32
        %add3A_334 = arith.constant 1 : i32
        %add3A_335 = arith.addi %mul3A_333, %add3A_334 : i32
        %get3A_336 = arith.index_cast %add3A_335 : i32 to index
        %get3A_337 = arith.constant 64 : index
        %get3A_338 = tpu.vector_load %arg11[%get3A_336, %get3A_337] {strides = array<i32>} : memref<128x80xf32, #tpu.memory_space<vmem>>, vector<1x16xf32>,
        %get3A_339 = vector.shape_cast %get3A_338 : vector<1x16xf32> to vector<16xf32>
        %get3A_340 = arith.index_cast %add3A_335 : i32 to index
        %get3A_341 = arith.constant 0 : index
        %get3A_342 = tpu.vector_load %arg13[%get3A_340, %get3A_341] {strides = array<i32>} : memref<128x16xf32, #tpu.memory_space<vmem>>, vector<1x16xf32>,
        %get3A_343 = vector.shape_cast %get3A_342 : vector<1x16xf32> to vector<16xf32>
        %add3A_344 = arith.addf %get3A_339, %get3A_343 : vector<16xf32>
        %mul3A_345 = arith.constant 2.000000e-01 : f32
        %mul3A_346 = vector.broadcast %mul3A_345 : f32 to vector<16xf32>
        %mul3A_347 = arith.mulf %add3A_344, %mul3A_346 : vector<16xf32>
        %max3A_348 = arith.maximumf %add3A_344, %mul3A_347 : vector<16xf32>
        %exp3A_349 = math.exp %max3A_348 : vector<16xf32>
        %swap3A_350 = arith.index_cast %add3A_335 : i32 to index
        %swap3A_351 = arith.constant 64 : index
        %swap3A_352 = tpu.vector_load %arg15[%swap3A_350, %swap3A_351] {strides = array<i32>} : memref<128x80xf32, #tpu.memory_space<vmem>>, vector<1x16xf32>,
        %swap3A_353 = vector.shape_cast %swap3A_352 : vector<1x16xf32> to vector<16xf32>
        %swap3A_354 = vector.shape_cast %exp3A_349 : vector<16xf32> to vector<1x16xf32>
        tpu.vector_store %arg15[%swap3A_350, %swap3A_351], %swap3A_354 {strides = array<i32>} : memref<128x80xf32, #tpu.memory_space<vmem>>, vector<1x16xf32>,
        %get3A_355 = arith.index_cast %add3A_335 : i32 to index
        %get3A_356 = arith.constant 0 : index
        %get3A_357 = tpu.vector_load %arg11[%get3A_355, %get3A_356] {strides = array<i32>} : memref<128x80xf32, #tpu.memory_space<vmem>>, vector<1x16xf32>,
        %get3A_358 = vector.shape_cast %get3A_357 : vector<1x16xf32> to vector<16xf32>
        %add3A_359 = arith.constant 0 : i32
        %add3A_360 = vector.broadcast %add3A_359 : i32 to vector<16xi32>
        %add3A_361 = arith.addi %add3A_360, %iota3A : vector<16xi32>
        %shift_right_arithmetic3A_362 = arith.constant 4 : i32
        %shift_right_arithmetic3A_363 = vector.broadcast %shift_right_arithmetic3A_362 : i32 to vector<16xi32>
        %shift_right_arithmetic3A_364 = arith.shrsi %add3A_361, %shift_right_arithmetic3A_363 : vector<16xi32>
        %reshape3A_365 = vector.shape_cast %shift_right_arithmetic3A_364 : vector<16xi32> to vector<16x1xi32>
        %gather3A_366 = vector.shape_cast %reshape3A_365 : vector<16x1xi32> to vector<16xi32>
        %gather3A_367 = tpu.dynamic_gather %exp3A_349[%gather3A_366] in [0] : vector<16xf32>, vector<16xi32> -> vector<16xf32>
        %mul3A_368 = arith.mulf %get3A_358, %gather3A_367 : vector<16xf32>
        %swap3A_369 = arith.index_cast %add3A_335 : i32 to index
        %swap3A_370 = arith.constant 0 : index
        %swap3A_371 = tpu.vector_load %arg15[%swap3A_369, %swap3A_370] {strides = array<i32>} : memref<128x80xf32, #tpu.memory_space<vmem>>, vector<1x16xf32>,
        %swap3A_372 = vector.shape_cast %swap3A_371 : vector<1x16xf32> to vector<16xf32>
        %swap3A_373 = vector.shape_cast %mul3A_368 : vector<16xf32> to vector<1x16xf32>
        tpu.vector_store %arg15[%swap3A_369, %swap3A_370], %swap3A_373 {strides = array<i32>} : memref<128x80xf32, #tpu.memory_space<vmem>>, vector<1x16xf32>,
        %get3A_374 = arith.index_cast %add3A_335 : i32 to index
        %get3A_375 = arith.constant 16 : index
        %get3A_376 = tpu.vector_load %arg11[%get3A_374, %get3A_375] {strides = array<i32>} : memref<128x80xf32, #tpu.memory_space<vmem>>, vector<1x16xf32>,
        %get3A_377 = vector.shape_cast %get3A_376 : vector<1x16xf32> to vector<16xf32>
        %add3A_378 = arith.constant 16 : i32
        %add3A_379 = vector.broadcast %add3A_378 : i32 to vector<16xi32>
        %add3A_380 = arith.addi %add3A_379, %iota3A : vector<16xi32>
        %shift_right_arithmetic3A_381 = arith.constant 4 : i32
        %shift_right_arithmetic3A_382 = vector.broadcast %shift_right_arithmetic3A_381 : i32 to vector<16xi32>
        %shift_right_arithmetic3A_383 = arith.shrsi %add3A_380, %shift_right_arithmetic3A_382 : vector<16xi32>
        %reshape3A_384 = vector.shape_cast %shift_right_arithmetic3A_383 : vector<16xi32> to vector<16x1xi32>
        %gather3A_385 = vector.shape_cast %reshape3A_384 : vector<16x1xi32> to vector<16xi32>
        %gather3A_386 = tpu.dynamic_gather %exp3A_349[%gather3A_385] in [0] : vector<16xf32>, vector<16xi32> -> vector<16xf32>
        %mul3A_387 = arith.mulf %get3A_377, %gather3A_386 : vector<16xf32>
        %swap3A_388 = arith.index_cast %add3A_335 : i32 to index
        %swap3A_389 = arith.constant 16 : index
        %swap3A_390 = tpu.vector_load %arg15[%swap3A_388, %swap3A_389] {strides = array<i32>} : memref<128x80xf32, #tpu.memory_space<vmem>>, vector<1x16xf32>,
        %swap3A_391 = vector.shape_cast %swap3A_390 : vector<1x16xf32> to vector<16xf32>
        %swap3A_392 = vector.shape_cast %mul3A_387 : vector<16xf32> to vector<1x16xf32>
        tpu.vector_store %arg15[%swap3A_388, %swap3A_389], %swap3A_392 {strides = array<i32>} : memref<128x80xf32, #tpu.memory_space<vmem>>, vector<1x16xf32>,
        %get3A_393 = arith.index_cast %add3A_335 : i32 to index
        %get3A_394 = arith.constant 32 : index
        %get3A_395 = tpu.vector_load %arg11[%get3A_393, %get3A_394] {strides = array<i32>} : memref<128x80xf32, #tpu.memory_space<vmem>>, vector<1x16xf32>,
        %get3A_396 = vector.shape_cast %get3A_395 : vector<1x16xf32> to vector<16xf32>
        %add3A_397 = arith.constant 32 : i32
        %add3A_398 = vector.broadcast %add3A_397 : i32 to vector<16xi32>
        %add3A_399 = arith.addi %add3A_398, %iota3A : vector<16xi32>
        %shift_right_arithmetic3A_400 = arith.constant 4 : i32
        %shift_right_arithmetic3A_401 = vector.broadcast %shift_right_arithmetic3A_400 : i32 to vector<16xi32>
        %shift_right_arithmetic3A_402 = arith.shrsi %add3A_399, %shift_right_arithmetic3A_401 : vector<16xi32>
        %reshape3A_403 = vector.shape_cast %shift_right_arithmetic3A_402 : vector<16xi32> to vector<16x1xi32>
        %gather3A_404 = vector.shape_cast %reshape3A_403 : vector<16x1xi32> to vector<16xi32>
        %gather3A_405 = tpu.dynamic_gather %exp3A_349[%gather3A_404] in [0] : vector<16xf32>, vector<16xi32> -> vector<16xf32>
        %mul3A_406 = arith.mulf %get3A_396, %gather3A_405 : vector<16xf32>
        %swap3A_407 = arith.index_cast %add3A_335 : i32 to index
        %swap3A_408 = arith.constant 32 : index
        %swap3A_409 = tpu.vector_load %arg15[%swap3A_407, %swap3A_408] {strides = array<i32>} : memref<128x80xf32, #tpu.memory_space<vmem>>, vector<1x16xf32>,
        %swap3A_410 = vector.shape_cast %swap3A_409 : vector<1x16xf32> to vector<16xf32>
        %swap3A_411 = vector.shape_cast %mul3A_406 : vector<16xf32> to vector<1x16xf32>
        tpu.vector_store %arg15[%swap3A_407, %swap3A_408], %swap3A_411 {strides = array<i32>} : memref<128x80xf32, #tpu.memory_space<vmem>>, vector<1x16xf32>,
        %get3A_412 = arith.index_cast %add3A_335 : i32 to index
        %get3A_413 = arith.constant 48 : index
        %get3A_414 = tpu.vector_load %arg11[%get3A_412, %get3A_413] {strides = array<i32>} : memref<128x80xf32, #tpu.memory_space<vmem>>, vector<1x16xf32>,
        %get3A_415 = vector.shape_cast %get3A_414 : vector<1x16xf32> to vector<16xf32>
        %add3A_416 = arith.constant 48 : i32
        %add3A_417 = vector.broadcast %add3A_416 : i32 to vector<16xi32>
        %add3A_418 = arith.addi %add3A_417, %iota3A : vector<16xi32>
        %shift_right_arithmetic3A_419 = arith.constant 4 : i32
        %shift_right_arithmetic3A_420 = vector.broadcast %shift_right_arithmetic3A_419 : i32 to vector<16xi32>
        %shift_right_arithmetic3A_421 = arith.shrsi %add3A_418, %shift_right_arithmetic3A_420 : vector<16xi32>
        %reshape3A_422 = vector.shape_cast %shift_right_arithmetic3A_421 : vector<16xi32> to vector<16x1xi32>
        %gather3A_423 = vector.shape_cast %reshape3A_422 : vector<16x1xi32> to vector<16xi32>
        %gather3A_424 = tpu.dynamic_gather %exp3A_349[%gather3A_423] in [0] : vector<16xf32>, vector<16xi32> -> vector<16xf32>
        %mul3A_425 = arith.mulf %get3A_415, %gather3A_424 : vector<16xf32>
        %swap3A_426 = arith.index_cast %add3A_335 : i32 to index
        %swap3A_427 = arith.constant 48 : index
        %swap3A_428 = tpu.vector_load %arg15[%swap3A_426, %swap3A_427] {strides = array<i32>} : memref<128x80xf32, #tpu.memory_space<vmem>>, vector<1x16xf32>,
        %swap3A_429 = vector.shape_cast %swap3A_428 : vector<1x16xf32> to vector<16xf32>
        %swap3A_430 = vector.shape_cast %mul3A_425 : vector<16xf32> to vector<1x16xf32>
        tpu.vector_store %arg15[%swap3A_426, %swap3A_427], %swap3A_430 {strides = array<i32>} : memref<128x80xf32, #tpu.memory_space<vmem>>, vector<1x16xf32>,
        %scan3A_431 = arith.constant 0 : i32
        scf.yield %scan3A_431 : i32
      }
      %scan3A_233 = arith.constant 64 : i32
      %dma_start3A_234 = arith.constant 0 : i32
      %dma_start3A_235 = arith.constant 0 : i32
      %dma_start3A_236 = tpu.memref_slice %arg19[%dma_start3A_234, %dma_start3A_235] : memref<12928x80xf32, #tpu.memory_space<vmem_shared>> -> memref<12928x80xf32, #tpu.memory_space<vmem_shared>>
      tpu.enqueue_indirect_dma source(%arg15 : memref<128x80xf32, #tpu.memory_space<vmem>>) target(%dma_start3A_236 : memref<12928x80xf32, #tpu.memory_space<vmem_shared>>) offsets(%arg9 : memref<128xi32, #tpu.memory_space<vmem>>) semaphore(%arg18 : memref<!tpu.dma_semaphore, #tpu.memory_space<semaphore_mem>>) {add = true}
      %scan3A_237 = arith.constant 0 : i32
      scf.yield %scan3A_237 : i32
    }
    %scan3A_49 = arith.constant 208 : i32
    %dma_wait3A = arith.constant 0 : i32
    %dma_wait3A_50 = arith.constant 0 : i32
    %dma_wait3A_51 = tpu.memref_slice %arg19[%dma_wait3A, %dma_wait3A_50] : memref<12928x80xf32, #tpu.memory_space<vmem_shared>> -> memref<12928x80xf32, #tpu.memory_space<vmem_shared>>
    tpu.wait_indirect_dma semaphore(%arg18 : memref<!tpu.dma_semaphore, #tpu.memory_space<semaphore_mem>>) src(%arg14 : memref<128x80xf32, #tpu.memory_space<vmem>>) dst(%dma_wait3A_51 : memref<12928x80xf32, #tpu.memory_space<vmem_shared>>)
    %dma_wait3A_52 = arith.constant 0 : i32
    %dma_wait3A_53 = arith.constant 0 : i32
    %dma_wait3A_54 = tpu.memref_slice %arg19[%dma_wait3A_52, %dma_wait3A_53] : memref<12928x80xf32, #tpu.memory_space<vmem_shared>> -> memref<12928x80xf32, #tpu.memory_space<vmem_shared>>
    tpu.wait_indirect_dma semaphore(%arg18 : memref<!tpu.dma_semaphore, #tpu.memory_space<semaphore_mem>>) src(%arg15 : memref<128x80xf32, #tpu.memory_space<vmem>>) dst(%dma_wait3A_54 : memref<12928x80xf32, #tpu.memory_space<vmem_shared>>)
    %barrier3A_55 = arith.constant 0 : index
    tpu.barrier barrier_id(%barrier3A_55)
    %mul3A_56 = arith.constant 800 : i32
    %mul3A_57 = arith.muli %arg1, %mul3A_56 : i32
    %mul3A_58 = arith.constant 12800 : i32
    %mul3A_59 = arith.muli %add3A_1, %mul3A_58 : i32
    %mul3A_60 = arith.constant 800 : i32
    %mul3A_61 = arith.muli %arg1, %mul3A_60 : i32
    %add3A_62 = arith.addi %mul3A_59, %mul3A_61 : i32
    "tpu.region"() ({
      %run_scoped3A = tpu.sem_alloc : memref<!tpu.dma_semaphore, #tpu.memory_space<semaphore_mem>>
      %dma_start3A_133 = arith.constant 0 : i32
      %dma_start3A_134 = tpu.memref_slice %arg5[%add3A_62, %dma_start3A_133] : memref<51200x80xf32, #tpu.memory_space<hbm>> -> memref<800x80xf32, #tpu.memory_space<hbm>>
      %dma_start3A_135 = arith.constant 0 : i32
      %dma_start3A_136 = tpu.memref_slice %arg19[%mul3A_57, %dma_start3A_135] : memref<12928x80xf32, #tpu.memory_space<vmem_shared>> -> memref<800x80xf32, #tpu.memory_space<vmem_shared>>
      tpu.enqueue_dma source(%dma_start3A_136 : memref<800x80xf32, #tpu.memory_space<vmem_shared>>) target(%dma_start3A_134 : memref<800x80xf32, #tpu.memory_space<hbm>>) target_semaphore(%run_scoped3A : memref<!tpu.dma_semaphore, #tpu.memory_space<semaphore_mem>>)
      %dma_wait3A_137 = arith.constant 0 : i32
      %dma_wait3A_138 = tpu.memref_slice %arg5[%add3A_62, %dma_wait3A_137] : memref<51200x80xf32, #tpu.memory_space<hbm>> -> memref<800x80xf32, #tpu.memory_space<hbm>>
      %dma_wait3A_139 = arith.constant 0 : i32
      %dma_wait3A_140 = tpu.memref_slice %arg19[%mul3A_57, %dma_wait3A_139] : memref<12928x80xf32, #tpu.memory_space<vmem_shared>> -> memref<800x80xf32, #tpu.memory_space<vmem_shared>>
      tpu.wait_dma2 semaphore(%run_scoped3A : memref<!tpu.dma_semaphore, #tpu.memory_space<semaphore_mem>>) src(%dma_wait3A_140 : memref<800x80xf32, #tpu.memory_space<vmem_shared>>) dst(%dma_wait3A_138 : memref<800x80xf32, #tpu.memory_space<hbm>>)
      tpu.yield
    }) : () -> ()
    %barrier3A_63 = arith.constant 0 : index
    tpu.barrier barrier_id(%barrier3A_63)
    %add3A_64 = arith.constant 2 : i32
    %add3A_65 = arith.addi %arg0, %add3A_64 : i32
    %scan3A_66 = arith.constant 0 : i32
    %scan3A_67 = arith.constant 0 : i32
    %scan3A_68 = arith.constant 128 : i32
    %scan3A_69 = arith.addi %scan3A_67, %scan3A_68 : i32
    %scan3A_70 = arith.constant 1 : i32
    %scan3A_71 = scf.for %scan3A_133 = %scan3A_67 to %scan3A_69 step %scan3A_70 iter_args(%scan3A_134 = %scan3A_66) -> (i32)  : i32 {
      %swap3A = arith.index_cast %scan3A_133 : i32 to index
      %swap3A_135 = arith.constant 0 : index
      %swap3A_136 = tpu.vector_load %arg14[%swap3A, %swap3A_135] {strides = array<i32>} : memref<128x80xf32, #tpu.memory_space<vmem>>, vector<1x16xf32>,
      %swap3A_137 = vector.shape_cast %swap3A_136 : vector<1x16xf32> to vector<16xf32>
      %swap3A_138 = vector.shape_cast %broadcast_in_dim3A_0 : vector<16xf32> to vector<1x16xf32>
      tpu.vector_store %arg14[%swap3A, %swap3A_135], %swap3A_138 {strides = array<i32>} : memref<128x80xf32, #tpu.memory_space<vmem>>, vector<1x16xf32>,
      %swap3A_139 = arith.index_cast %scan3A_133 : i32 to index
      %swap3A_140 = arith.constant 16 : index
      %swap3A_141 = tpu.vector_load %arg14[%swap3A_139, %swap3A_140] {strides = array<i32>} : memref<128x80xf32, #tpu.memory_space<vmem>>, vector<1x16xf32>,
      %swap3A_142 = vector.shape_cast %swap3A_141 : vector<1x16xf32> to vector<16xf32>
      %swap3A_143 = vector.shape_cast %broadcast_in_dim3A_0 : vector<16xf32> to vector<1x16xf32>
      tpu.vector_store %arg14[%swap3A_139, %swap3A_140], %swap3A_143 {strides = array<i32>} : memref<128x80xf32, #tpu.memory_space<vmem>>, vector<1x16xf32>,
      %swap3A_144 = arith.index_cast %scan3A_133 : i32 to index
      %swap3A_145 = arith.constant 32 : index
      %swap3A_146 = tpu.vector_load %arg14[%swap3A_144, %swap3A_145] {strides = array<i32>} : memref<128x80xf32, #tpu.memory_space<vmem>>, vector<1x16xf32>,
      %swap3A_147 = vector.shape_cast %swap3A_146 : vector<1x16xf32> to vector<16xf32>
      %swap3A_148 = vector.shape_cast %broadcast_in_dim3A_0 : vector<16xf32> to vector<1x16xf32>
      tpu.vector_store %arg14[%swap3A_144, %swap3A_145], %swap3A_148 {strides = array<i32>} : memref<128x80xf32, #tpu.memory_space<vmem>>, vector<1x16xf32>,
      %swap3A_149 = arith.index_cast %scan3A_133 : i32 to index
      %swap3A_150 = arith.constant 48 : index
      %swap3A_151 = tpu.vector_load %arg14[%swap3A_149, %swap3A_150] {strides = array<i32>} : memref<128x80xf32, #tpu.memory_space<vmem>>, vector<1x16xf32>,
      %swap3A_152 = vector.shape_cast %swap3A_151 : vector<1x16xf32> to vector<16xf32>
      %swap3A_153 = vector.shape_cast %broadcast_in_dim3A_0 : vector<16xf32> to vector<1x16xf32>
      tpu.vector_store %arg14[%swap3A_149, %swap3A_150], %swap3A_153 {strides = array<i32>} : memref<128x80xf32, #tpu.memory_space<vmem>>, vector<1x16xf32>,
      %swap3A_154 = arith.index_cast %scan3A_133 : i32 to index
      %swap3A_155 = arith.constant 64 : index
      %swap3A_156 = tpu.vector_load %arg14[%swap3A_154, %swap3A_155] {strides = array<i32>} : memref<128x80xf32, #tpu.memory_space<vmem>>, vector<1x16xf32>,
      %swap3A_157 = vector.shape_cast %swap3A_156 : vector<1x16xf32> to vector<16xf32>
      %swap3A_158 = vector.shape_cast %broadcast_in_dim3A_0 : vector<16xf32> to vector<1x16xf32>
      tpu.vector_store %arg14[%swap3A_154, %swap3A_155], %swap3A_158 {strides = array<i32>} : memref<128x80xf32, #tpu.memory_space<vmem>>, vector<1x16xf32>,
      %scan3A_159 = arith.constant 0 : i32
      scf.yield %scan3A_159 : i32
    }
    %scan3A_72 = arith.constant 128 : i32
    %mul3A_73 = arith.constant 808 : i32
    %mul3A_74 = arith.muli %arg1, %mul3A_73 : i32
    %scan3A_75 = arith.constant 0 : i32
    %scan3A_76 = arith.constant 0 : i32
    %scan3A_77 = arith.constant 6 : i32
    %scan3A_78 = arith.addi %scan3A_76, %scan3A_77 : i32
    %scan3A_79 = arith.constant 1 : i32
    %scan3A_80 = scf.for %scan3A_133 = %scan3A_76 to %scan3A_78 step %scan3A_79 iter_args(%scan3A_134 = %scan3A_75) -> (i32)  : i32 {
      %mul3A_135 = arith.constant 128 : i32
      %mul3A_136 = arith.muli %scan3A_133, %mul3A_135 : i32
      %add3A_137 = arith.addi %mul3A_74, %mul3A_136 : i32
      "tpu.region"() ({
        %run_scoped3A = tpu.sem_alloc : memref<!tpu.dma_semaphore, #tpu.memory_space<semaphore_mem>>
        %dma_start3A_139 = arith.constant 0 : i32
        %dma_start3A_140 = tpu.memref_slice %arg19[%add3A_137, %dma_start3A_139] : memref<12928x80xf32, #tpu.memory_space<vmem_shared>> -> memref<128x80xf32, #tpu.memory_space<vmem_shared>>
        %dma_start3A_141 = arith.constant 0 : i32
        %dma_start3A_142 = tpu.memref_slice %arg19[%add3A_137, %dma_start3A_141] : memref<12928x80xf32, #tpu.memory_space<vmem_shared>> -> memref<128x80xf32, #tpu.memory_space<vmem_shared>>
        tpu.enqueue_dma source(%arg14 : memref<128x80xf32, #tpu.memory_space<vmem>>) target(%dma_start3A_142 : memref<128x80xf32, #tpu.memory_space<vmem_shared>>) target_semaphore(%run_scoped3A : memref<!tpu.dma_semaphore, #tpu.memory_space<semaphore_mem>>)
        %dma_wait3A_143 = arith.constant 0 : i32
        %dma_wait3A_144 = tpu.memref_slice %arg19[%add3A_137, %dma_wait3A_143] : memref<12928x80xf32, #tpu.memory_space<vmem_shared>> -> memref<128x80xf32, #tpu.memory_space<vmem_shared>>
        %dma_wait3A_145 = arith.constant 0 : i32
        %dma_wait3A_146 = tpu.memref_slice %arg19[%add3A_137, %dma_wait3A_145] : memref<12928x80xf32, #tpu.memory_space<vmem_shared>> -> memref<128x80xf32, #tpu.memory_space<vmem_shared>>
        tpu.wait_dma2 semaphore(%run_scoped3A : memref<!tpu.dma_semaphore, #tpu.memory_space<semaphore_mem>>) src(%arg14 : memref<128x80xf32, #tpu.memory_space<vmem>>) dst(%dma_wait3A_146 : memref<128x80xf32, #tpu.memory_space<vmem_shared>>)
        tpu.yield
      }) : () -> ()
      %scan3A_138 = arith.constant 0 : i32
      scf.yield %scan3A_138 : i32
    }
    %scan3A_81 = arith.constant 6 : i32
    %add3A_82 = arith.constant 768 : i32
    %add3A_83 = arith.addi %mul3A_74, %add3A_82 : i32
    "tpu.region"() ({
      %run_scoped3A = tpu.sem_alloc : memref<!tpu.dma_semaphore, #tpu.memory_space<semaphore_mem>>
      %dma_start3A_133 = arith.constant 0 : i32
      %dma_start3A_134 = arith.constant 0 : i32
      %dma_start3A_135 = tpu.memref_slice %arg14[%dma_start3A_133, %dma_start3A_134] : memref<128x80xf32, #tpu.memory_space<vmem>> -> memref<40x80xf32, #tpu.memory_space<vmem>>
      %dma_start3A_136 = arith.constant 0 : i32
      %dma_start3A_137 = tpu.memref_slice %arg19[%add3A_83, %dma_start3A_136] : memref<12928x80xf32, #tpu.memory_space<vmem_shared>> -> memref<40x80xf32, #tpu.memory_space<vmem_shared>>
      %dma_start3A_138 = arith.constant 0 : i32
      %dma_start3A_139 = tpu.memref_slice %arg19[%add3A_83, %dma_start3A_138] : memref<12928x80xf32, #tpu.memory_space<vmem_shared>> -> memref<40x80xf32, #tpu.memory_space<vmem_shared>>
      %dma_start3A_140 = arith.constant 0 : i32
      %dma_start3A_141 = arith.constant 0 : i32
      %dma_start3A_142 = tpu.memref_slice %arg14[%dma_start3A_140, %dma_start3A_141] : memref<128x80xf32, #tpu.memory_space<vmem>> -> memref<40x80xf32, #tpu.memory_space<vmem>>
      tpu.enqueue_dma source(%dma_start3A_142 : memref<40x80xf32, #tpu.memory_space<vmem>>) target(%dma_start3A_139 : memref<40x80xf32, #tpu.memory_space<vmem_shared>>) target_semaphore(%run_scoped3A : memref<!tpu.dma_semaphore, #tpu.memory_space<semaphore_mem>>)
      %dma_wait3A_143 = arith.constant 0 : i32
      %dma_wait3A_144 = arith.constant 0 : i32
      %dma_wait3A_145 = tpu.memref_slice %arg14[%dma_wait3A_143, %dma_wait3A_144] : memref<128x80xf32, #tpu.memory_space<vmem>> -> memref<40x80xf32, #tpu.memory_space<vmem>>
      %dma_wait3A_146 = arith.constant 0 : i32
      %dma_wait3A_147 = tpu.memref_slice %arg19[%add3A_83, %dma_wait3A_146] : memref<12928x80xf32, #tpu.memory_space<vmem_shared>> -> memref<40x80xf32, #tpu.memory_space<vmem_shared>>
      %dma_wait3A_148 = arith.constant 0 : i32
      %dma_wait3A_149 = tpu.memref_slice %arg19[%add3A_83, %dma_wait3A_148] : memref<12928x80xf32, #tpu.memory_space<vmem_shared>> -> memref<40x80xf32, #tpu.memory_space<vmem_shared>>
      %dma_wait3A_150 = arith.constant 0 : i32
      %dma_wait3A_151 = arith.constant 0 : i32
      %dma_wait3A_152 = tpu.memref_slice %arg14[%dma_wait3A_150, %dma_wait3A_151] : memref<128x80xf32, #tpu.memory_space<vmem>> -> memref<40x80xf32, #tpu.memory_space<vmem>>
      tpu.wait_dma2 semaphore(%run_scoped3A : memref<!tpu.dma_semaphore, #tpu.memory_space<semaphore_mem>>) src(%dma_wait3A_152 : memref<40x80xf32, #tpu.memory_space<vmem>>) dst(%dma_wait3A_149 : memref<40x80xf32, #tpu.memory_space<vmem_shared>>)
      tpu.yield
    }) : () -> ()
    %barrier3A_84 = arith.constant 0 : index
    tpu.barrier barrier_id(%barrier3A_84)
    %mul3A_85 = arith.constant 416 : i32
    %mul3A_86 = arith.muli %arg1, %mul3A_85 : i32
    "tpu.region"() ({
      %run_scoped3A = tpu.sem_alloc : memref<!tpu.dma_semaphore, #tpu.memory_space<semaphore_mem>>
      %dma_start3A_133 = arith.constant 0 : i32
      %dma_start3A_134 = arith.constant 0 : i32
      %dma_start3A_135 = tpu.memref_slice %arg2[%mul3A_86, %dma_start3A_133, %dma_start3A_134] : memref<6656x2x128xi32, #tpu.memory_space<hbm>> -> memref<1x2x128xi32, #tpu.memory_space<hbm>>
      %dma_start3A_136 = tpu.memref_squeeze %dma_start3A_135 : memref<1x2x128xi32, #tpu.memory_space<hbm>> -> memref<2x128xi32, #tpu.memory_space<hbm>>
      %dma_start3A_137 = arith.constant 0 : i32
      %dma_start3A_138 = arith.constant 0 : i32
      %dma_start3A_139 = tpu.memref_slice %arg2[%mul3A_86, %dma_start3A_137, %dma_start3A_138] : memref<6656x2x128xi32, #tpu.memory_space<hbm>> -> memref<1x2x128xi32, #tpu.memory_space<hbm>>
      %dma_start3A_140 = tpu.memref_squeeze %dma_start3A_139 : memref<1x2x128xi32, #tpu.memory_space<hbm>> -> memref<2x128xi32, #tpu.memory_space<hbm>>
      tpu.enqueue_dma source(%dma_start3A_140 : memref<2x128xi32, #tpu.memory_space<hbm>>) target(%arg6 : memref<2x128xi32, #tpu.memory_space<vmem>>) target_semaphore(%run_scoped3A : memref<!tpu.dma_semaphore, #tpu.memory_space<semaphore_mem>>)
      %dma_wait3A_141 = arith.constant 0 : i32
      %dma_wait3A_142 = arith.constant 0 : i32
      %dma_wait3A_143 = tpu.memref_slice %arg2[%mul3A_86, %dma_wait3A_141, %dma_wait3A_142] : memref<6656x2x128xi32, #tpu.memory_space<hbm>> -> memref<1x2x128xi32, #tpu.memory_space<hbm>>
      %dma_wait3A_144 = tpu.memref_squeeze %dma_wait3A_143 : memref<1x2x128xi32, #tpu.memory_space<hbm>> -> memref<2x128xi32, #tpu.memory_space<hbm>>
      %dma_wait3A_145 = arith.constant 0 : i32
      %dma_wait3A_146 = arith.constant 0 : i32
      %dma_wait3A_147 = tpu.memref_slice %arg2[%mul3A_86, %dma_wait3A_145, %dma_wait3A_146] : memref<6656x2x128xi32, #tpu.memory_space<hbm>> -> memref<1x2x128xi32, #tpu.memory_space<hbm>>
      %dma_wait3A_148 = tpu.memref_squeeze %dma_wait3A_147 : memref<1x2x128xi32, #tpu.memory_space<hbm>> -> memref<2x128xi32, #tpu.memory_space<hbm>>
      tpu.wait_dma2 semaphore(%run_scoped3A : memref<!tpu.dma_semaphore, #tpu.memory_space<semaphore_mem>>) src(%dma_wait3A_148 : memref<2x128xi32, #tpu.memory_space<hbm>>) dst(%arg6 : memref<2x128xi32, #tpu.memory_space<vmem>>)
      tpu.yield
    }) : () -> ()
    %dma_start3A_87 = arith.constant 0 : i32
    %dma_start3A_88 = arith.constant 0 : i32
    %dma_start3A_89 = tpu.memref_slice %arg6[%dma_start3A_87, %dma_start3A_88] : memref<2x128xi32, #tpu.memory_space<vmem>> -> memref<1x128xi32, #tpu.memory_space<vmem>>
    %dma_start3A_90 = tpu.memref_squeeze %dma_start3A_89 : memref<1x128xi32, #tpu.memory_space<vmem>> -> memref<128xi32, #tpu.memory_space<vmem>>
    %dma_start3A_91 = arith.constant 0 : i32
    %dma_start3A_92 = arith.constant 0 : i32
    %dma_start3A_93 = tpu.memref_slice %arg3[%dma_start3A_91, %dma_start3A_92] : memref<50048x80xf32, #tpu.memory_space<hbm>> -> memref<50048x80xf32, #tpu.memory_space<hbm>>
    tpu.enqueue_indirect_dma source(%dma_start3A_93 : memref<50048x80xf32, #tpu.memory_space<hbm>>) target(%arg10 : memref<128x80xf32, #tpu.memory_space<vmem>>) offsets(%dma_start3A_90 : memref<128xi32, #tpu.memory_space<vmem>>) semaphore(%arg16 : memref<!tpu.dma_semaphore, #tpu.memory_space<semaphore_mem>>)
    %dma_start3A_94 = arith.constant 1 : i32
    %dma_start3A_95 = arith.constant 0 : i32
    %dma_start3A_96 = tpu.memref_slice %arg6[%dma_start3A_94, %dma_start3A_95] : memref<2x128xi32, #tpu.memory_space<vmem>> -> memref<1x128xi32, #tpu.memory_space<vmem>>
    %dma_start3A_97 = tpu.memref_squeeze %dma_start3A_96 : memref<1x128xi32, #tpu.memory_space<vmem>> -> memref<128xi32, #tpu.memory_space<vmem>>
    %dma_start3A_98 = arith.constant 0 : i32
    %dma_start3A_99 = arith.constant 0 : i32
    %dma_start3A_100 = tpu.memref_slice %arg4[%dma_start3A_98, %dma_start3A_99] : memref<50048x16xf32, #tpu.memory_space<hbm>> -> memref<50048x16xf32, #tpu.memory_space<hbm>>
    tpu.enqueue_indirect_dma source(%dma_start3A_100 : memref<50048x16xf32, #tpu.memory_space<hbm>>) target(%arg12 : memref<128x16xf32, #tpu.memory_space<vmem>>) offsets(%dma_start3A_97 : memref<128xi32, #tpu.memory_space<vmem>>) semaphore(%arg16 : memref<!tpu.dma_semaphore, #tpu.memory_space<semaphore_mem>>)
    %add3A_101 = arith.constant 1 : i32
    %add3A_102 = arith.addi %mul3A_86, %add3A_101 : i32
    %dma_start3A_103 = arith.constant 0 : i32
    %dma_start3A_104 = arith.constant 0 : i32
    %dma_start3A_105 = tpu.memref_slice %arg2[%add3A_102, %dma_start3A_103, %dma_start3A_104] : memref<6656x2x128xi32, #tpu.memory_space<hbm>> -> memref<1x2x128xi32, #tpu.memory_space<hbm>>
    %dma_start3A_106 = tpu.memref_squeeze %dma_start3A_105 : memref<1x2x128xi32, #tpu.memory_space<hbm>> -> memref<2x128xi32, #tpu.memory_space<hbm>>
    %dma_start3A_107 = arith.constant 0 : i32
    %dma_start3A_108 = arith.constant 0 : i32
    %dma_start3A_109 = tpu.memref_slice %arg2[%add3A_102, %dma_start3A_107, %dma_start3A_108] : memref<6656x2x128xi32, #tpu.memory_space<hbm>> -> memref<1x2x128xi32, #tpu.memory_space<hbm>>
    %dma_start3A_110 = tpu.memref_squeeze %dma_start3A_109 : memref<1x2x128xi32, #tpu.memory_space<hbm>> -> memref<2x128xi32, #tpu.memory_space<hbm>>
    tpu.enqueue_dma source(%dma_start3A_110 : memref<2x128xi32, #tpu.memory_space<hbm>>) target(%arg7 : memref<2x128xi32, #tpu.memory_space<vmem>>) target_semaphore(%arg17 : memref<!tpu.dma_semaphore, #tpu.memory_space<semaphore_mem>>)
    %scan3A_111 = arith.constant 0 : i32
    %scan3A_112 = arith.constant 0 : i32
    %scan3A_113 = arith.constant 208 : i32
    %scan3A_114 = arith.addi %scan3A_112, %scan3A_113 : i32
    %scan3A_115 = arith.constant 1 : i32
    %scan3A_116 = scf.for %scan3A_133 = %scan3A_112 to %scan3A_114 step %scan3A_115 iter_args(%scan3A_134 = %scan3A_111) -> (i32)  : i32 {
      %mul3A_135 = arith.constant 2 : i32
      %mul3A_136 = arith.muli %mul3A_135, %scan3A_133 : i32
      %dma_wait3A_137 = arith.constant 0 : i32
      %dma_wait3A_138 = arith.constant 0 : i32
      %dma_wait3A_139 = tpu.memref_slice %arg6[%dma_wait3A_137, %dma_wait3A_138] : memref<2x128xi32, #tpu.memory_space<vmem>> -> memref<1x128xi32, #tpu.memory_space<vmem>>
      %dma_wait3A_140 = tpu.memref_squeeze %dma_wait3A_139 : memref<1x128xi32, #tpu.memory_space<vmem>> -> memref<128xi32, #tpu.memory_space<vmem>>
      %dma_wait3A_141 = arith.constant 0 : i32
      %dma_wait3A_142 = arith.constant 0 : i32
      %dma_wait3A_143 = tpu.memref_slice %arg3[%dma_wait3A_141, %dma_wait3A_142] : memref<50048x80xf32, #tpu.memory_space<hbm>> -> memref<50048x80xf32, #tpu.memory_space<hbm>>
      tpu.wait_indirect_dma semaphore(%arg16 : memref<!tpu.dma_semaphore, #tpu.memory_space<semaphore_mem>>) src(%dma_wait3A_143 : memref<50048x80xf32, #tpu.memory_space<hbm>>) dst(%arg10 : memref<128x80xf32, #tpu.memory_space<vmem>>)
      %dma_wait3A_144 = arith.constant 1 : i32
      %dma_wait3A_145 = arith.constant 0 : i32
      %dma_wait3A_146 = tpu.memref_slice %arg6[%dma_wait3A_144, %dma_wait3A_145] : memref<2x128xi32, #tpu.memory_space<vmem>> -> memref<1x128xi32, #tpu.memory_space<vmem>>
      %dma_wait3A_147 = tpu.memref_squeeze %dma_wait3A_146 : memref<1x128xi32, #tpu.memory_space<vmem>> -> memref<128xi32, #tpu.memory_space<vmem>>
      %dma_wait3A_148 = arith.constant 0 : i32
      %dma_wait3A_149 = arith.constant 0 : i32
      %dma_wait3A_150 = tpu.memref_slice %arg4[%dma_wait3A_148, %dma_wait3A_149] : memref<50048x16xf32, #tpu.memory_space<hbm>> -> memref<50048x16xf32, #tpu.memory_space<hbm>>
      tpu.wait_indirect_dma semaphore(%arg16 : memref<!tpu.dma_semaphore, #tpu.memory_space<semaphore_mem>>) src(%dma_wait3A_150 : memref<50048x16xf32, #tpu.memory_space<hbm>>) dst(%arg12 : memref<128x16xf32, #tpu.memory_space<vmem>>)
      %ge3A = arith.constant 2 : i32
      %ge3A_151 = arith.cmpi sge, %mul3A_136, %ge3A : i32
      %convert_element_type3A = arith.extui %ge3A_151 : i1 to i32
      %cond3A = arith.constant 0 : i32
      %cond3A_152 = arith.cmpi ne, %convert_element_type3A, %cond3A : i32
      scf.if %cond3A_152 {
        %dma_wait3A_238 = arith.constant 0 : i32
        %dma_wait3A_239 = arith.constant 0 : i32
        %dma_wait3A_240 = tpu.memref_slice %arg19[%dma_wait3A_238, %dma_wait3A_239] : memref<12928x80xf32, #tpu.memory_space<vmem_shared>> -> memref<12928x80xf32, #tpu.memory_space<vmem_shared>>
        tpu.wait_indirect_dma semaphore(%arg18 : memref<!tpu.dma_semaphore, #tpu.memory_space<semaphore_mem>>) src(%arg14 : memref<128x80xf32, #tpu.memory_space<vmem>>) dst(%dma_wait3A_240 : memref<12928x80xf32, #tpu.memory_space<vmem_shared>>)
      } else {
      }
      %scan3A_153 = arith.constant 0 : i32
      %scan3A_154 = arith.constant 0 : i32
      %scan3A_155 = arith.constant 8 : i32
      %scan3A_156 = arith.addi %scan3A_154, %scan3A_155 : i32
      %scan3A_157 = arith.constant 1 : i32
      %scan3A_158 = scf.for %scan3A_238 = %scan3A_154 to %scan3A_156 step %scan3A_157 iter_args(%scan3A_239 = %scan3A_153) -> (i32)  : i32 {
        %mul3A_240 = arith.constant 16 : i32
        %mul3A_241 = arith.muli %scan3A_238, %mul3A_240 : i32
        %get3A = arith.constant 1 : i32
        %get3A_242 = arith.index_cast %get3A : i32 to index
        %get3A_243 = arith.index_cast %mul3A_241 : i32 to index
        %get3A_244 = tpu.vector_load %arg6[%get3A_242, %get3A_243] {strides = array<i32>} : memref<2x128xi32, #tpu.memory_space<vmem>>, vector<1x16xi32>,
        %get3A_245 = vector.shape_cast %get3A_244 : vector<1x16xi32> to vector<16xi32>
        %mul3A_246 = arith.constant 12800 : i32
        %mul3A_247 = arith.muli %add3A_65, %mul3A_246 : i32
        %sub3A = vector.broadcast %mul3A_247 : i32 to vector<16xi32>
        %sub3A_248 = arith.subi %get3A_245, %sub3A : vector<16xi32>
        %lt3A_249 = arith.constant 0 : i32
        %lt3A_250 = vector.broadcast %lt3A_249 : i32 to vector<16xi32>
        %lt3A_251 = arith.cmpi slt, %sub3A_248, %lt3A_250 : vector<16xi32>
        %ge3A_252 = arith.constant 12800 : i32
        %ge3A_253 = vector.broadcast %ge3A_252 : i32 to vector<16xi32>
        %ge3A_254 = arith.cmpi sge, %sub3A_248, %ge3A_253 : vector<16xi32>
        %or3A = arith.ori %lt3A_251, %ge3A_254 : vector<16xi1>
        %jit3A = arith.constant 12800 : i32
        %broadcast_in_dim3A_255 = vector.broadcast %jit3A : i32 to vector<16xi32>
        %select_n3A = arith.select %or3A, %broadcast_in_dim3A_255, %sub3A_248 : vector<16xi1>, vector<16xi32>
        %mul3A_256 = arith.constant 16 : i32
        %mul3A_257 = arith.muli %scan3A_238, %mul3A_256 : i32
        %swap3A = arith.index_cast %mul3A_257 : i32 to index
        %swap3A_258 = tpu.vector_load %arg8[%swap3A] {strides = array<i32>} : memref<128xi32, #tpu.memory_space<vmem>>, vector<16xi32>,
        %swap3A_259 = vector.shape_cast %swap3A_258 : vector<16xi32> to vector<16xi32>
        %swap3A_260 = vector.shape_cast %select_n3A : vector<16xi32> to vector<16xi32>
        tpu.vector_store %arg8[%swap3A], %swap3A_260 {strides = array<i32>} : memref<128xi32, #tpu.memory_space<vmem>>, vector<16xi32>,
        %scan3A_261 = arith.constant 0 : i32
        scf.yield %scan3A_261 : i32
      }
      %scan3A_159 = arith.constant 8 : i32
      %add3A_160 = arith.constant 1 : i32
      %add3A_161 = arith.addi %mul3A_136, %add3A_160 : i32
      %lt3A = arith.constant 416 : i32
      %lt3A_162 = arith.cmpi slt, %add3A_161, %lt3A : i32
      %convert_element_type3A_163 = arith.extui %lt3A_162 : i1 to i32
      %cond3A_164 = arith.constant 0 : i32
      %cond3A_165 = arith.cmpi ne, %convert_element_type3A_163, %cond3A_164 : i32
      scf.if %cond3A_165 {
        %dma_wait3A_238 = arith.constant 0 : i32
        %dma_wait3A_239 = arith.constant 0 : i32
        %dma_wait3A_240 = tpu.memref_slice %arg2[%mul3A_86, %dma_wait3A_238, %dma_wait3A_239] : memref<6656x2x128xi32, #tpu.memory_space<hbm>> -> memref<1x2x128xi32, #tpu.memory_space<hbm>>
        %dma_wait3A_241 = tpu.memref_squeeze %dma_wait3A_240 : memref<1x2x128xi32, #tpu.memory_space<hbm>> -> memref<2x128xi32, #tpu.memory_space<hbm>>
        %dma_wait3A_242 = arith.constant 0 : i32
        %dma_wait3A_243 = arith.constant 0 : i32
        %dma_wait3A_244 = tpu.memref_slice %arg2[%mul3A_86, %dma_wait3A_242, %dma_wait3A_243] : memref<6656x2x128xi32, #tpu.memory_space<hbm>> -> memref<1x2x128xi32, #tpu.memory_space<hbm>>
        %dma_wait3A_245 = tpu.memref_squeeze %dma_wait3A_244 : memref<1x2x128xi32, #tpu.memory_space<hbm>> -> memref<2x128xi32, #tpu.memory_space<hbm>>
        tpu.wait_dma2 semaphore(%arg17 : memref<!tpu.dma_semaphore, #tpu.memory_space<semaphore_mem>>) src(%dma_wait3A_245 : memref<2x128xi32, #tpu.memory_space<hbm>>) dst(%arg7 : memref<2x128xi32, #tpu.memory_space<vmem>>)
        %dma_start3A_246 = arith.constant 0 : i32
        %dma_start3A_247 = arith.constant 0 : i32
        %dma_start3A_248 = tpu.memref_slice %arg7[%dma_start3A_246, %dma_start3A_247] : memref<2x128xi32, #tpu.memory_space<vmem>> -> memref<1x128xi32, #tpu.memory_space<vmem>>
        %dma_start3A_249 = tpu.memref_squeeze %dma_start3A_248 : memref<1x128xi32, #tpu.memory_space<vmem>> -> memref<128xi32, #tpu.memory_space<vmem>>
        %dma_start3A_250 = arith.constant 0 : i32
        %dma_start3A_251 = arith.constant 0 : i32
        %dma_start3A_252 = tpu.memref_slice %arg3[%dma_start3A_250, %dma_start3A_251] : memref<50048x80xf32, #tpu.memory_space<hbm>> -> memref<50048x80xf32, #tpu.memory_space<hbm>>
        tpu.enqueue_indirect_dma source(%dma_start3A_252 : memref<50048x80xf32, #tpu.memory_space<hbm>>) target(%arg11 : memref<128x80xf32, #tpu.memory_space<vmem>>) offsets(%dma_start3A_249 : memref<128xi32, #tpu.memory_space<vmem>>) semaphore(%arg16 : memref<!tpu.dma_semaphore, #tpu.memory_space<semaphore_mem>>)
        %dma_start3A_253 = arith.constant 1 : i32
        %dma_start3A_254 = arith.constant 0 : i32
        %dma_start3A_255 = tpu.memref_slice %arg7[%dma_start3A_253, %dma_start3A_254] : memref<2x128xi32, #tpu.memory_space<vmem>> -> memref<1x128xi32, #tpu.memory_space<vmem>>
        %dma_start3A_256 = tpu.memref_squeeze %dma_start3A_255 : memref<1x128xi32, #tpu.memory_space<vmem>> -> memref<128xi32, #tpu.memory_space<vmem>>
        %dma_start3A_257 = arith.constant 0 : i32
        %dma_start3A_258 = arith.constant 0 : i32
        %dma_start3A_259 = tpu.memref_slice %arg4[%dma_start3A_257, %dma_start3A_258] : memref<50048x16xf32, #tpu.memory_space<hbm>> -> memref<50048x16xf32, #tpu.memory_space<hbm>>
        tpu.enqueue_indirect_dma source(%dma_start3A_259 : memref<50048x16xf32, #tpu.memory_space<hbm>>) target(%arg13 : memref<128x16xf32, #tpu.memory_space<vmem>>) offsets(%dma_start3A_256 : memref<128xi32, #tpu.memory_space<vmem>>) semaphore(%arg16 : memref<!tpu.dma_semaphore, #tpu.memory_space<semaphore_mem>>)
      } else {
      }
      %add3A_166 = arith.constant 2 : i32
      %add3A_167 = arith.addi %mul3A_136, %add3A_166 : i32
      %lt3A_168 = arith.constant 416 : i32
      %lt3A_169 = arith.cmpi slt, %add3A_167, %lt3A_168 : i32
      %convert_element_type3A_170 = arith.extui %lt3A_169 : i1 to i32
      %cond3A_171 = arith.constant 0 : i32
      %cond3A_172 = arith.cmpi ne, %convert_element_type3A_170, %cond3A_171 : i32
      scf.if %cond3A_172 {
        %add3A_238 = arith.constant 2 : i32
        %add3A_239 = arith.addi %mul3A_136, %add3A_238 : i32
        %add3A_240 = arith.addi %mul3A_86, %add3A_239 : i32
        %dma_start3A_241 = arith.constant 0 : i32
        %dma_start3A_242 = arith.constant 0 : i32
        %dma_start3A_243 = tpu.memref_slice %arg2[%add3A_240, %dma_start3A_241, %dma_start3A_242] : memref<6656x2x128xi32, #tpu.memory_space<hbm>> -> memref<1x2x128xi32, #tpu.memory_space<hbm>>
        %dma_start3A_244 = tpu.memref_squeeze %dma_start3A_243 : memref<1x2x128xi32, #tpu.memory_space<hbm>> -> memref<2x128xi32, #tpu.memory_space<hbm>>
        %dma_start3A_245 = arith.constant 0 : i32
        %dma_start3A_246 = arith.constant 0 : i32
        %dma_start3A_247 = tpu.memref_slice %arg2[%add3A_240, %dma_start3A_245, %dma_start3A_246] : memref<6656x2x128xi32, #tpu.memory_space<hbm>> -> memref<1x2x128xi32, #tpu.memory_space<hbm>>
        %dma_start3A_248 = tpu.memref_squeeze %dma_start3A_247 : memref<1x2x128xi32, #tpu.memory_space<hbm>> -> memref<2x128xi32, #tpu.memory_space<hbm>>
        tpu.enqueue_dma source(%dma_start3A_248 : memref<2x128xi32, #tpu.memory_space<hbm>>) target(%arg6 : memref<2x128xi32, #tpu.memory_space<vmem>>) target_semaphore(%arg17 : memref<!tpu.dma_semaphore, #tpu.memory_space<semaphore_mem>>)
      } else {
      }
      %scan3A_173 = arith.constant 0 : i32
      %scan3A_174 = arith.constant 0 : i32
      %scan3A_175 = arith.constant 64 : i32
      %scan3A_176 = arith.addi %scan3A_174, %scan3A_175 : i32
      %scan3A_177 = arith.constant 1 : i32
      %scan3A_178 = scf.for %scan3A_238 = %scan3A_174 to %scan3A_176 step %scan3A_177 iter_args(%scan3A_239 = %scan3A_173) -> (i32)  : i32 {
        %mul3A_240 = arith.constant 2 : i32
        %mul3A_241 = arith.muli %mul3A_240, %scan3A_238 : i32
        %add3A_242 = arith.constant 0 : i32
        %add3A_243 = arith.addi %mul3A_241, %add3A_242 : i32
        %get3A = arith.index_cast %add3A_243 : i32 to index
        %get3A_244 = arith.constant 64 : index
        %get3A_245 = tpu.vector_load %arg10[%get3A, %get3A_244] {strides = array<i32>} : memref<128x80xf32, #tpu.memory_space<vmem>>, vector<1x16xf32>,
        %get3A_246 = vector.shape_cast %get3A_245 : vector<1x16xf32> to vector<16xf32>
        %get3A_247 = arith.index_cast %add3A_243 : i32 to index
        %get3A_248 = arith.constant 0 : index
        %get3A_249 = tpu.vector_load %arg12[%get3A_247, %get3A_248] {strides = array<i32>} : memref<128x16xf32, #tpu.memory_space<vmem>>, vector<1x16xf32>,
        %get3A_250 = vector.shape_cast %get3A_249 : vector<1x16xf32> to vector<16xf32>
        %add3A_251 = arith.addf %get3A_246, %get3A_250 : vector<16xf32>
        %mul3A_252 = arith.constant 2.000000e-01 : f32
        %mul3A_253 = vector.broadcast %mul3A_252 : f32 to vector<16xf32>
        %mul3A_254 = arith.mulf %add3A_251, %mul3A_253 : vector<16xf32>
        %max3A = arith.maximumf %add3A_251, %mul3A_254 : vector<16xf32>
        %exp3A = math.exp %max3A : vector<16xf32>
        %swap3A = arith.index_cast %add3A_243 : i32 to index
        %swap3A_255 = arith.constant 64 : index
        %swap3A_256 = tpu.vector_load %arg14[%swap3A, %swap3A_255] {strides = array<i32>} : memref<128x80xf32, #tpu.memory_space<vmem>>, vector<1x16xf32>,
        %swap3A_257 = vector.shape_cast %swap3A_256 : vector<1x16xf32> to vector<16xf32>
        %swap3A_258 = vector.shape_cast %exp3A : vector<16xf32> to vector<1x16xf32>
        tpu.vector_store %arg14[%swap3A, %swap3A_255], %swap3A_258 {strides = array<i32>} : memref<128x80xf32, #tpu.memory_space<vmem>>, vector<1x16xf32>,
        %get3A_259 = arith.index_cast %add3A_243 : i32 to index
        %get3A_260 = arith.constant 0 : index
        %get3A_261 = tpu.vector_load %arg10[%get3A_259, %get3A_260] {strides = array<i32>} : memref<128x80xf32, #tpu.memory_space<vmem>>, vector<1x16xf32>,
        %get3A_262 = vector.shape_cast %get3A_261 : vector<1x16xf32> to vector<16xf32>
        %add3A_263 = arith.constant 0 : i32
        %add3A_264 = vector.broadcast %add3A_263 : i32 to vector<16xi32>
        %add3A_265 = arith.addi %add3A_264, %iota3A : vector<16xi32>
        %shift_right_arithmetic3A = arith.constant 4 : i32
        %shift_right_arithmetic3A_266 = vector.broadcast %shift_right_arithmetic3A : i32 to vector<16xi32>
        %shift_right_arithmetic3A_267 = arith.shrsi %add3A_265, %shift_right_arithmetic3A_266 : vector<16xi32>
        %reshape3A = vector.shape_cast %shift_right_arithmetic3A_267 : vector<16xi32> to vector<16x1xi32>
        %gather3A = vector.shape_cast %reshape3A : vector<16x1xi32> to vector<16xi32>
        %gather3A_268 = tpu.dynamic_gather %exp3A[%gather3A] in [0] : vector<16xf32>, vector<16xi32> -> vector<16xf32>
        %mul3A_269 = arith.mulf %get3A_262, %gather3A_268 : vector<16xf32>
        %swap3A_270 = arith.index_cast %add3A_243 : i32 to index
        %swap3A_271 = arith.constant 0 : index
        %swap3A_272 = tpu.vector_load %arg14[%swap3A_270, %swap3A_271] {strides = array<i32>} : memref<128x80xf32, #tpu.memory_space<vmem>>, vector<1x16xf32>,
        %swap3A_273 = vector.shape_cast %swap3A_272 : vector<1x16xf32> to vector<16xf32>
        %swap3A_274 = vector.shape_cast %mul3A_269 : vector<16xf32> to vector<1x16xf32>
        tpu.vector_store %arg14[%swap3A_270, %swap3A_271], %swap3A_274 {strides = array<i32>} : memref<128x80xf32, #tpu.memory_space<vmem>>, vector<1x16xf32>,
        %get3A_275 = arith.index_cast %add3A_243 : i32 to index
        %get3A_276 = arith.constant 16 : index
        %get3A_277 = tpu.vector_load %arg10[%get3A_275, %get3A_276] {strides = array<i32>} : memref<128x80xf32, #tpu.memory_space<vmem>>, vector<1x16xf32>,
        %get3A_278 = vector.shape_cast %get3A_277 : vector<1x16xf32> to vector<16xf32>
        %add3A_279 = arith.constant 16 : i32
        %add3A_280 = vector.broadcast %add3A_279 : i32 to vector<16xi32>
        %add3A_281 = arith.addi %add3A_280, %iota3A : vector<16xi32>
        %shift_right_arithmetic3A_282 = arith.constant 4 : i32
        %shift_right_arithmetic3A_283 = vector.broadcast %shift_right_arithmetic3A_282 : i32 to vector<16xi32>
        %shift_right_arithmetic3A_284 = arith.shrsi %add3A_281, %shift_right_arithmetic3A_283 : vector<16xi32>
        %reshape3A_285 = vector.shape_cast %shift_right_arithmetic3A_284 : vector<16xi32> to vector<16x1xi32>
        %gather3A_286 = vector.shape_cast %reshape3A_285 : vector<16x1xi32> to vector<16xi32>
        %gather3A_287 = tpu.dynamic_gather %exp3A[%gather3A_286] in [0] : vector<16xf32>, vector<16xi32> -> vector<16xf32>
        %mul3A_288 = arith.mulf %get3A_278, %gather3A_287 : vector<16xf32>
        %swap3A_289 = arith.index_cast %add3A_243 : i32 to index
        %swap3A_290 = arith.constant 16 : index
        %swap3A_291 = tpu.vector_load %arg14[%swap3A_289, %swap3A_290] {strides = array<i32>} : memref<128x80xf32, #tpu.memory_space<vmem>>, vector<1x16xf32>,
        %swap3A_292 = vector.shape_cast %swap3A_291 : vector<1x16xf32> to vector<16xf32>
        %swap3A_293 = vector.shape_cast %mul3A_288 : vector<16xf32> to vector<1x16xf32>
        tpu.vector_store %arg14[%swap3A_289, %swap3A_290], %swap3A_293 {strides = array<i32>} : memref<128x80xf32, #tpu.memory_space<vmem>>, vector<1x16xf32>,
        %get3A_294 = arith.index_cast %add3A_243 : i32 to index
        %get3A_295 = arith.constant 32 : index
        %get3A_296 = tpu.vector_load %arg10[%get3A_294, %get3A_295] {strides = array<i32>} : memref<128x80xf32, #tpu.memory_space<vmem>>, vector<1x16xf32>,
        %get3A_297 = vector.shape_cast %get3A_296 : vector<1x16xf32> to vector<16xf32>
        %add3A_298 = arith.constant 32 : i32
        %add3A_299 = vector.broadcast %add3A_298 : i32 to vector<16xi32>
        %add3A_300 = arith.addi %add3A_299, %iota3A : vector<16xi32>
        %shift_right_arithmetic3A_301 = arith.constant 4 : i32
        %shift_right_arithmetic3A_302 = vector.broadcast %shift_right_arithmetic3A_301 : i32 to vector<16xi32>
        %shift_right_arithmetic3A_303 = arith.shrsi %add3A_300, %shift_right_arithmetic3A_302 : vector<16xi32>
        %reshape3A_304 = vector.shape_cast %shift_right_arithmetic3A_303 : vector<16xi32> to vector<16x1xi32>
        %gather3A_305 = vector.shape_cast %reshape3A_304 : vector<16x1xi32> to vector<16xi32>
        %gather3A_306 = tpu.dynamic_gather %exp3A[%gather3A_305] in [0] : vector<16xf32>, vector<16xi32> -> vector<16xf32>
        %mul3A_307 = arith.mulf %get3A_297, %gather3A_306 : vector<16xf32>
        %swap3A_308 = arith.index_cast %add3A_243 : i32 to index
        %swap3A_309 = arith.constant 32 : index
        %swap3A_310 = tpu.vector_load %arg14[%swap3A_308, %swap3A_309] {strides = array<i32>} : memref<128x80xf32, #tpu.memory_space<vmem>>, vector<1x16xf32>,
        %swap3A_311 = vector.shape_cast %swap3A_310 : vector<1x16xf32> to vector<16xf32>
        %swap3A_312 = vector.shape_cast %mul3A_307 : vector<16xf32> to vector<1x16xf32>
        tpu.vector_store %arg14[%swap3A_308, %swap3A_309], %swap3A_312 {strides = array<i32>} : memref<128x80xf32, #tpu.memory_space<vmem>>, vector<1x16xf32>,
        %get3A_313 = arith.index_cast %add3A_243 : i32 to index
        %get3A_314 = arith.constant 48 : index
        %get3A_315 = tpu.vector_load %arg10[%get3A_313, %get3A_314] {strides = array<i32>} : memref<128x80xf32, #tpu.memory_space<vmem>>, vector<1x16xf32>,
        %get3A_316 = vector.shape_cast %get3A_315 : vector<1x16xf32> to vector<16xf32>
        %add3A_317 = arith.constant 48 : i32
        %add3A_318 = vector.broadcast %add3A_317 : i32 to vector<16xi32>
        %add3A_319 = arith.addi %add3A_318, %iota3A : vector<16xi32>
        %shift_right_arithmetic3A_320 = arith.constant 4 : i32
        %shift_right_arithmetic3A_321 = vector.broadcast %shift_right_arithmetic3A_320 : i32 to vector<16xi32>
        %shift_right_arithmetic3A_322 = arith.shrsi %add3A_319, %shift_right_arithmetic3A_321 : vector<16xi32>
        %reshape3A_323 = vector.shape_cast %shift_right_arithmetic3A_322 : vector<16xi32> to vector<16x1xi32>
        %gather3A_324 = vector.shape_cast %reshape3A_323 : vector<16x1xi32> to vector<16xi32>
        %gather3A_325 = tpu.dynamic_gather %exp3A[%gather3A_324] in [0] : vector<16xf32>, vector<16xi32> -> vector<16xf32>
        %mul3A_326 = arith.mulf %get3A_316, %gather3A_325 : vector<16xf32>
        %swap3A_327 = arith.index_cast %add3A_243 : i32 to index
        %swap3A_328 = arith.constant 48 : index
        %swap3A_329 = tpu.vector_load %arg14[%swap3A_327, %swap3A_328] {strides = array<i32>} : memref<128x80xf32, #tpu.memory_space<vmem>>, vector<1x16xf32>,
        %swap3A_330 = vector.shape_cast %swap3A_329 : vector<1x16xf32> to vector<16xf32>
        %swap3A_331 = vector.shape_cast %mul3A_326 : vector<16xf32> to vector<1x16xf32>
        tpu.vector_store %arg14[%swap3A_327, %swap3A_328], %swap3A_331 {strides = array<i32>} : memref<128x80xf32, #tpu.memory_space<vmem>>, vector<1x16xf32>,
        %mul3A_332 = arith.constant 2 : i32
        %mul3A_333 = arith.muli %mul3A_332, %scan3A_238 : i32
        %add3A_334 = arith.constant 1 : i32
        %add3A_335 = arith.addi %mul3A_333, %add3A_334 : i32
        %get3A_336 = arith.index_cast %add3A_335 : i32 to index
        %get3A_337 = arith.constant 64 : index
        %get3A_338 = tpu.vector_load %arg10[%get3A_336, %get3A_337] {strides = array<i32>} : memref<128x80xf32, #tpu.memory_space<vmem>>, vector<1x16xf32>,
        %get3A_339 = vector.shape_cast %get3A_338 : vector<1x16xf32> to vector<16xf32>
        %get3A_340 = arith.index_cast %add3A_335 : i32 to index
        %get3A_341 = arith.constant 0 : index
        %get3A_342 = tpu.vector_load %arg12[%get3A_340, %get3A_341] {strides = array<i32>} : memref<128x16xf32, #tpu.memory_space<vmem>>, vector<1x16xf32>,
        %get3A_343 = vector.shape_cast %get3A_342 : vector<1x16xf32> to vector<16xf32>
        %add3A_344 = arith.addf %get3A_339, %get3A_343 : vector<16xf32>
        %mul3A_345 = arith.constant 2.000000e-01 : f32
        %mul3A_346 = vector.broadcast %mul3A_345 : f32 to vector<16xf32>
        %mul3A_347 = arith.mulf %add3A_344, %mul3A_346 : vector<16xf32>
        %max3A_348 = arith.maximumf %add3A_344, %mul3A_347 : vector<16xf32>
        %exp3A_349 = math.exp %max3A_348 : vector<16xf32>
        %swap3A_350 = arith.index_cast %add3A_335 : i32 to index
        %swap3A_351 = arith.constant 64 : index
        %swap3A_352 = tpu.vector_load %arg14[%swap3A_350, %swap3A_351] {strides = array<i32>} : memref<128x80xf32, #tpu.memory_space<vmem>>, vector<1x16xf32>,
        %swap3A_353 = vector.shape_cast %swap3A_352 : vector<1x16xf32> to vector<16xf32>
        %swap3A_354 = vector.shape_cast %exp3A_349 : vector<16xf32> to vector<1x16xf32>
        tpu.vector_store %arg14[%swap3A_350, %swap3A_351], %swap3A_354 {strides = array<i32>} : memref<128x80xf32, #tpu.memory_space<vmem>>, vector<1x16xf32>,
        %get3A_355 = arith.index_cast %add3A_335 : i32 to index
        %get3A_356 = arith.constant 0 : index
        %get3A_357 = tpu.vector_load %arg10[%get3A_355, %get3A_356] {strides = array<i32>} : memref<128x80xf32, #tpu.memory_space<vmem>>, vector<1x16xf32>,
        %get3A_358 = vector.shape_cast %get3A_357 : vector<1x16xf32> to vector<16xf32>
        %add3A_359 = arith.constant 0 : i32
        %add3A_360 = vector.broadcast %add3A_359 : i32 to vector<16xi32>
        %add3A_361 = arith.addi %add3A_360, %iota3A : vector<16xi32>
        %shift_right_arithmetic3A_362 = arith.constant 4 : i32
        %shift_right_arithmetic3A_363 = vector.broadcast %shift_right_arithmetic3A_362 : i32 to vector<16xi32>
        %shift_right_arithmetic3A_364 = arith.shrsi %add3A_361, %shift_right_arithmetic3A_363 : vector<16xi32>
        %reshape3A_365 = vector.shape_cast %shift_right_arithmetic3A_364 : vector<16xi32> to vector<16x1xi32>
        %gather3A_366 = vector.shape_cast %reshape3A_365 : vector<16x1xi32> to vector<16xi32>
        %gather3A_367 = tpu.dynamic_gather %exp3A_349[%gather3A_366] in [0] : vector<16xf32>, vector<16xi32> -> vector<16xf32>
        %mul3A_368 = arith.mulf %get3A_358, %gather3A_367 : vector<16xf32>
        %swap3A_369 = arith.index_cast %add3A_335 : i32 to index
        %swap3A_370 = arith.constant 0 : index
        %swap3A_371 = tpu.vector_load %arg14[%swap3A_369, %swap3A_370] {strides = array<i32>} : memref<128x80xf32, #tpu.memory_space<vmem>>, vector<1x16xf32>,
        %swap3A_372 = vector.shape_cast %swap3A_371 : vector<1x16xf32> to vector<16xf32>
        %swap3A_373 = vector.shape_cast %mul3A_368 : vector<16xf32> to vector<1x16xf32>
        tpu.vector_store %arg14[%swap3A_369, %swap3A_370], %swap3A_373 {strides = array<i32>} : memref<128x80xf32, #tpu.memory_space<vmem>>, vector<1x16xf32>,
        %get3A_374 = arith.index_cast %add3A_335 : i32 to index
        %get3A_375 = arith.constant 16 : index
        %get3A_376 = tpu.vector_load %arg10[%get3A_374, %get3A_375] {strides = array<i32>} : memref<128x80xf32, #tpu.memory_space<vmem>>, vector<1x16xf32>,
        %get3A_377 = vector.shape_cast %get3A_376 : vector<1x16xf32> to vector<16xf32>
        %add3A_378 = arith.constant 16 : i32
        %add3A_379 = vector.broadcast %add3A_378 : i32 to vector<16xi32>
        %add3A_380 = arith.addi %add3A_379, %iota3A : vector<16xi32>
        %shift_right_arithmetic3A_381 = arith.constant 4 : i32
        %shift_right_arithmetic3A_382 = vector.broadcast %shift_right_arithmetic3A_381 : i32 to vector<16xi32>
        %shift_right_arithmetic3A_383 = arith.shrsi %add3A_380, %shift_right_arithmetic3A_382 : vector<16xi32>
        %reshape3A_384 = vector.shape_cast %shift_right_arithmetic3A_383 : vector<16xi32> to vector<16x1xi32>
        %gather3A_385 = vector.shape_cast %reshape3A_384 : vector<16x1xi32> to vector<16xi32>
        %gather3A_386 = tpu.dynamic_gather %exp3A_349[%gather3A_385] in [0] : vector<16xf32>, vector<16xi32> -> vector<16xf32>
        %mul3A_387 = arith.mulf %get3A_377, %gather3A_386 : vector<16xf32>
        %swap3A_388 = arith.index_cast %add3A_335 : i32 to index
        %swap3A_389 = arith.constant 16 : index
        %swap3A_390 = tpu.vector_load %arg14[%swap3A_388, %swap3A_389] {strides = array<i32>} : memref<128x80xf32, #tpu.memory_space<vmem>>, vector<1x16xf32>,
        %swap3A_391 = vector.shape_cast %swap3A_390 : vector<1x16xf32> to vector<16xf32>
        %swap3A_392 = vector.shape_cast %mul3A_387 : vector<16xf32> to vector<1x16xf32>
        tpu.vector_store %arg14[%swap3A_388, %swap3A_389], %swap3A_392 {strides = array<i32>} : memref<128x80xf32, #tpu.memory_space<vmem>>, vector<1x16xf32>,
        %get3A_393 = arith.index_cast %add3A_335 : i32 to index
        %get3A_394 = arith.constant 32 : index
        %get3A_395 = tpu.vector_load %arg10[%get3A_393, %get3A_394] {strides = array<i32>} : memref<128x80xf32, #tpu.memory_space<vmem>>, vector<1x16xf32>,
        %get3A_396 = vector.shape_cast %get3A_395 : vector<1x16xf32> to vector<16xf32>
        %add3A_397 = arith.constant 32 : i32
        %add3A_398 = vector.broadcast %add3A_397 : i32 to vector<16xi32>
        %add3A_399 = arith.addi %add3A_398, %iota3A : vector<16xi32>
        %shift_right_arithmetic3A_400 = arith.constant 4 : i32
        %shift_right_arithmetic3A_401 = vector.broadcast %shift_right_arithmetic3A_400 : i32 to vector<16xi32>
        %shift_right_arithmetic3A_402 = arith.shrsi %add3A_399, %shift_right_arithmetic3A_401 : vector<16xi32>
        %reshape3A_403 = vector.shape_cast %shift_right_arithmetic3A_402 : vector<16xi32> to vector<16x1xi32>
        %gather3A_404 = vector.shape_cast %reshape3A_403 : vector<16x1xi32> to vector<16xi32>
        %gather3A_405 = tpu.dynamic_gather %exp3A_349[%gather3A_404] in [0] : vector<16xf32>, vector<16xi32> -> vector<16xf32>
        %mul3A_406 = arith.mulf %get3A_396, %gather3A_405 : vector<16xf32>
        %swap3A_407 = arith.index_cast %add3A_335 : i32 to index
        %swap3A_408 = arith.constant 32 : index
        %swap3A_409 = tpu.vector_load %arg14[%swap3A_407, %swap3A_408] {strides = array<i32>} : memref<128x80xf32, #tpu.memory_space<vmem>>, vector<1x16xf32>,
        %swap3A_410 = vector.shape_cast %swap3A_409 : vector<1x16xf32> to vector<16xf32>
        %swap3A_411 = vector.shape_cast %mul3A_406 : vector<16xf32> to vector<1x16xf32>
        tpu.vector_store %arg14[%swap3A_407, %swap3A_408], %swap3A_411 {strides = array<i32>} : memref<128x80xf32, #tpu.memory_space<vmem>>, vector<1x16xf32>,
        %get3A_412 = arith.index_cast %add3A_335 : i32 to index
        %get3A_413 = arith.constant 48 : index
        %get3A_414 = tpu.vector_load %arg10[%get3A_412, %get3A_413] {strides = array<i32>} : memref<128x80xf32, #tpu.memory_space<vmem>>, vector<1x16xf32>,
        %get3A_415 = vector.shape_cast %get3A_414 : vector<1x16xf32> to vector<16xf32>
        %add3A_416 = arith.constant 48 : i32
        %add3A_417 = vector.broadcast %add3A_416 : i32 to vector<16xi32>
        %add3A_418 = arith.addi %add3A_417, %iota3A : vector<16xi32>
        %shift_right_arithmetic3A_419 = arith.constant 4 : i32
        %shift_right_arithmetic3A_420 = vector.broadcast %shift_right_arithmetic3A_419 : i32 to vector<16xi32>
        %shift_right_arithmetic3A_421 = arith.shrsi %add3A_418, %shift_right_arithmetic3A_420 : vector<16xi32>
        %reshape3A_422 = vector.shape_cast %shift_right_arithmetic3A_421 : vector<16xi32> to vector<16x1xi32>
        %gather3A_423 = vector.shape_cast %reshape3A_422 : vector<16x1xi32> to vector<16xi32>
        %gather3A_424 = tpu.dynamic_gather %exp3A_349[%gather3A_423] in [0] : vector<16xf32>, vector<16xi32> -> vector<16xf32>
        %mul3A_425 = arith.mulf %get3A_415, %gather3A_424 : vector<16xf32>
        %swap3A_426 = arith.index_cast %add3A_335 : i32 to index
        %swap3A_427 = arith.constant 48 : index
        %swap3A_428 = tpu.vector_load %arg14[%swap3A_426, %swap3A_427] {strides = array<i32>} : memref<128x80xf32, #tpu.memory_space<vmem>>, vector<1x16xf32>,
        %swap3A_429 = vector.shape_cast %swap3A_428 : vector<1x16xf32> to vector<16xf32>
        %swap3A_430 = vector.shape_cast %mul3A_425 : vector<16xf32> to vector<1x16xf32>
        tpu.vector_store %arg14[%swap3A_426, %swap3A_427], %swap3A_430 {strides = array<i32>} : memref<128x80xf32, #tpu.memory_space<vmem>>, vector<1x16xf32>,
        %scan3A_431 = arith.constant 0 : i32
        scf.yield %scan3A_431 : i32
      }
      %scan3A_179 = arith.constant 64 : i32
      %dma_start3A_180 = arith.constant 0 : i32
      %dma_start3A_181 = arith.constant 0 : i32
      %dma_start3A_182 = tpu.memref_slice %arg19[%dma_start3A_180, %dma_start3A_181] : memref<12928x80xf32, #tpu.memory_space<vmem_shared>> -> memref<12928x80xf32, #tpu.memory_space<vmem_shared>>
      tpu.enqueue_indirect_dma source(%arg14 : memref<128x80xf32, #tpu.memory_space<vmem>>) target(%dma_start3A_182 : memref<12928x80xf32, #tpu.memory_space<vmem_shared>>) offsets(%arg8 : memref<128xi32, #tpu.memory_space<vmem>>) semaphore(%arg18 : memref<!tpu.dma_semaphore, #tpu.memory_space<semaphore_mem>>) {add = true}
      %mul3A_183 = arith.constant 2 : i32
      %mul3A_184 = arith.muli %mul3A_183, %scan3A_133 : i32
      %add3A_185 = arith.constant 1 : i32
      %add3A_186 = arith.addi %mul3A_184, %add3A_185 : i32
      %dma_wait3A_187 = arith.constant 0 : i32
      %dma_wait3A_188 = arith.constant 0 : i32
      %dma_wait3A_189 = tpu.memref_slice %arg7[%dma_wait3A_187, %dma_wait3A_188] : memref<2x128xi32, #tpu.memory_space<vmem>> -> memref<1x128xi32, #tpu.memory_space<vmem>>
      %dma_wait3A_190 = tpu.memref_squeeze %dma_wait3A_189 : memref<1x128xi32, #tpu.memory_space<vmem>> -> memref<128xi32, #tpu.memory_space<vmem>>
      %dma_wait3A_191 = arith.constant 0 : i32
      %dma_wait3A_192 = arith.constant 0 : i32
      %dma_wait3A_193 = tpu.memref_slice %arg3[%dma_wait3A_191, %dma_wait3A_192] : memref<50048x80xf32, #tpu.memory_space<hbm>> -> memref<50048x80xf32, #tpu.memory_space<hbm>>
      tpu.wait_indirect_dma semaphore(%arg16 : memref<!tpu.dma_semaphore, #tpu.memory_space<semaphore_mem>>) src(%dma_wait3A_193 : memref<50048x80xf32, #tpu.memory_space<hbm>>) dst(%arg11 : memref<128x80xf32, #tpu.memory_space<vmem>>)
      %dma_wait3A_194 = arith.constant 1 : i32
      %dma_wait3A_195 = arith.constant 0 : i32
      %dma_wait3A_196 = tpu.memref_slice %arg7[%dma_wait3A_194, %dma_wait3A_195] : memref<2x128xi32, #tpu.memory_space<vmem>> -> memref<1x128xi32, #tpu.memory_space<vmem>>
      %dma_wait3A_197 = tpu.memref_squeeze %dma_wait3A_196 : memref<1x128xi32, #tpu.memory_space<vmem>> -> memref<128xi32, #tpu.memory_space<vmem>>
      %dma_wait3A_198 = arith.constant 0 : i32
      %dma_wait3A_199 = arith.constant 0 : i32
      %dma_wait3A_200 = tpu.memref_slice %arg4[%dma_wait3A_198, %dma_wait3A_199] : memref<50048x16xf32, #tpu.memory_space<hbm>> -> memref<50048x16xf32, #tpu.memory_space<hbm>>
      tpu.wait_indirect_dma semaphore(%arg16 : memref<!tpu.dma_semaphore, #tpu.memory_space<semaphore_mem>>) src(%dma_wait3A_200 : memref<50048x16xf32, #tpu.memory_space<hbm>>) dst(%arg13 : memref<128x16xf32, #tpu.memory_space<vmem>>)
      %ge3A_201 = arith.constant 2 : i32
      %ge3A_202 = arith.cmpi sge, %add3A_186, %ge3A_201 : i32
      %convert_element_type3A_203 = arith.extui %ge3A_202 : i1 to i32
      %cond3A_204 = arith.constant 0 : i32
      %cond3A_205 = arith.cmpi ne, %convert_element_type3A_203, %cond3A_204 : i32
      scf.if %cond3A_205 {
        %dma_wait3A_238 = arith.constant 0 : i32
        %dma_wait3A_239 = arith.constant 0 : i32
        %dma_wait3A_240 = tpu.memref_slice %arg19[%dma_wait3A_238, %dma_wait3A_239] : memref<12928x80xf32, #tpu.memory_space<vmem_shared>> -> memref<12928x80xf32, #tpu.memory_space<vmem_shared>>
        tpu.wait_indirect_dma semaphore(%arg18 : memref<!tpu.dma_semaphore, #tpu.memory_space<semaphore_mem>>) src(%arg15 : memref<128x80xf32, #tpu.memory_space<vmem>>) dst(%dma_wait3A_240 : memref<12928x80xf32, #tpu.memory_space<vmem_shared>>)
      } else {
      }
      %scan3A_206 = arith.constant 0 : i32
      %scan3A_207 = arith.constant 0 : i32
      %scan3A_208 = arith.constant 8 : i32
      %scan3A_209 = arith.addi %scan3A_207, %scan3A_208 : i32
      %scan3A_210 = arith.constant 1 : i32
      %scan3A_211 = scf.for %scan3A_238 = %scan3A_207 to %scan3A_209 step %scan3A_210 iter_args(%scan3A_239 = %scan3A_206) -> (i32)  : i32 {
        %mul3A_240 = arith.constant 16 : i32
        %mul3A_241 = arith.muli %scan3A_238, %mul3A_240 : i32
        %get3A = arith.constant 1 : i32
        %get3A_242 = arith.index_cast %get3A : i32 to index
        %get3A_243 = arith.index_cast %mul3A_241 : i32 to index
        %get3A_244 = tpu.vector_load %arg7[%get3A_242, %get3A_243] {strides = array<i32>} : memref<2x128xi32, #tpu.memory_space<vmem>>, vector<1x16xi32>,
        %get3A_245 = vector.shape_cast %get3A_244 : vector<1x16xi32> to vector<16xi32>
        %mul3A_246 = arith.constant 12800 : i32
        %mul3A_247 = arith.muli %add3A_65, %mul3A_246 : i32
        %sub3A = vector.broadcast %mul3A_247 : i32 to vector<16xi32>
        %sub3A_248 = arith.subi %get3A_245, %sub3A : vector<16xi32>
        %lt3A_249 = arith.constant 0 : i32
        %lt3A_250 = vector.broadcast %lt3A_249 : i32 to vector<16xi32>
        %lt3A_251 = arith.cmpi slt, %sub3A_248, %lt3A_250 : vector<16xi32>
        %ge3A_252 = arith.constant 12800 : i32
        %ge3A_253 = vector.broadcast %ge3A_252 : i32 to vector<16xi32>
        %ge3A_254 = arith.cmpi sge, %sub3A_248, %ge3A_253 : vector<16xi32>
        %or3A = arith.ori %lt3A_251, %ge3A_254 : vector<16xi1>
        %jit3A = arith.constant 12800 : i32
        %broadcast_in_dim3A_255 = vector.broadcast %jit3A : i32 to vector<16xi32>
        %select_n3A = arith.select %or3A, %broadcast_in_dim3A_255, %sub3A_248 : vector<16xi1>, vector<16xi32>
        %mul3A_256 = arith.constant 16 : i32
        %mul3A_257 = arith.muli %scan3A_238, %mul3A_256 : i32
        %swap3A = arith.index_cast %mul3A_257 : i32 to index
        %swap3A_258 = tpu.vector_load %arg9[%swap3A] {strides = array<i32>} : memref<128xi32, #tpu.memory_space<vmem>>, vector<16xi32>,
        %swap3A_259 = vector.shape_cast %swap3A_258 : vector<16xi32> to vector<16xi32>
        %swap3A_260 = vector.shape_cast %select_n3A : vector<16xi32> to vector<16xi32>
        tpu.vector_store %arg9[%swap3A], %swap3A_260 {strides = array<i32>} : memref<128xi32, #tpu.memory_space<vmem>>, vector<16xi32>,
        %scan3A_261 = arith.constant 0 : i32
        scf.yield %scan3A_261 : i32
      }
      %scan3A_212 = arith.constant 8 : i32
      %add3A_213 = arith.constant 1 : i32
      %add3A_214 = arith.addi %add3A_186, %add3A_213 : i32
      %lt3A_215 = arith.constant 416 : i32
      %lt3A_216 = arith.cmpi slt, %add3A_214, %lt3A_215 : i32
      %convert_element_type3A_217 = arith.extui %lt3A_216 : i1 to i32
      %cond3A_218 = arith.constant 0 : i32
      %cond3A_219 = arith.cmpi ne, %convert_element_type3A_217, %cond3A_218 : i32
      scf.if %cond3A_219 {
        %dma_wait3A_238 = arith.constant 0 : i32
        %dma_wait3A_239 = arith.constant 0 : i32
        %dma_wait3A_240 = tpu.memref_slice %arg2[%mul3A_86, %dma_wait3A_238, %dma_wait3A_239] : memref<6656x2x128xi32, #tpu.memory_space<hbm>> -> memref<1x2x128xi32, #tpu.memory_space<hbm>>
        %dma_wait3A_241 = tpu.memref_squeeze %dma_wait3A_240 : memref<1x2x128xi32, #tpu.memory_space<hbm>> -> memref<2x128xi32, #tpu.memory_space<hbm>>
        %dma_wait3A_242 = arith.constant 0 : i32
        %dma_wait3A_243 = arith.constant 0 : i32
        %dma_wait3A_244 = tpu.memref_slice %arg2[%mul3A_86, %dma_wait3A_242, %dma_wait3A_243] : memref<6656x2x128xi32, #tpu.memory_space<hbm>> -> memref<1x2x128xi32, #tpu.memory_space<hbm>>
        %dma_wait3A_245 = tpu.memref_squeeze %dma_wait3A_244 : memref<1x2x128xi32, #tpu.memory_space<hbm>> -> memref<2x128xi32, #tpu.memory_space<hbm>>
        tpu.wait_dma2 semaphore(%arg17 : memref<!tpu.dma_semaphore, #tpu.memory_space<semaphore_mem>>) src(%dma_wait3A_245 : memref<2x128xi32, #tpu.memory_space<hbm>>) dst(%arg6 : memref<2x128xi32, #tpu.memory_space<vmem>>)
        %dma_start3A_246 = arith.constant 0 : i32
        %dma_start3A_247 = arith.constant 0 : i32
        %dma_start3A_248 = tpu.memref_slice %arg6[%dma_start3A_246, %dma_start3A_247] : memref<2x128xi32, #tpu.memory_space<vmem>> -> memref<1x128xi32, #tpu.memory_space<vmem>>
        %dma_start3A_249 = tpu.memref_squeeze %dma_start3A_248 : memref<1x128xi32, #tpu.memory_space<vmem>> -> memref<128xi32, #tpu.memory_space<vmem>>
        %dma_start3A_250 = arith.constant 0 : i32
        %dma_start3A_251 = arith.constant 0 : i32
        %dma_start3A_252 = tpu.memref_slice %arg3[%dma_start3A_250, %dma_start3A_251] : memref<50048x80xf32, #tpu.memory_space<hbm>> -> memref<50048x80xf32, #tpu.memory_space<hbm>>
        tpu.enqueue_indirect_dma source(%dma_start3A_252 : memref<50048x80xf32, #tpu.memory_space<hbm>>) target(%arg10 : memref<128x80xf32, #tpu.memory_space<vmem>>) offsets(%dma_start3A_249 : memref<128xi32, #tpu.memory_space<vmem>>) semaphore(%arg16 : memref<!tpu.dma_semaphore, #tpu.memory_space<semaphore_mem>>)
        %dma_start3A_253 = arith.constant 1 : i32
        %dma_start3A_254 = arith.constant 0 : i32
        %dma_start3A_255 = tpu.memref_slice %arg6[%dma_start3A_253, %dma_start3A_254] : memref<2x128xi32, #tpu.memory_space<vmem>> -> memref<1x128xi32, #tpu.memory_space<vmem>>
        %dma_start3A_256 = tpu.memref_squeeze %dma_start3A_255 : memref<1x128xi32, #tpu.memory_space<vmem>> -> memref<128xi32, #tpu.memory_space<vmem>>
        %dma_start3A_257 = arith.constant 0 : i32
        %dma_start3A_258 = arith.constant 0 : i32
        %dma_start3A_259 = tpu.memref_slice %arg4[%dma_start3A_257, %dma_start3A_258] : memref<50048x16xf32, #tpu.memory_space<hbm>> -> memref<50048x16xf32, #tpu.memory_space<hbm>>
        tpu.enqueue_indirect_dma source(%dma_start3A_259 : memref<50048x16xf32, #tpu.memory_space<hbm>>) target(%arg12 : memref<128x16xf32, #tpu.memory_space<vmem>>) offsets(%dma_start3A_256 : memref<128xi32, #tpu.memory_space<vmem>>) semaphore(%arg16 : memref<!tpu.dma_semaphore, #tpu.memory_space<semaphore_mem>>)
      } else {
      }
      %add3A_220 = arith.constant 2 : i32
      %add3A_221 = arith.addi %add3A_186, %add3A_220 : i32
      %lt3A_222 = arith.constant 416 : i32
      %lt3A_223 = arith.cmpi slt, %add3A_221, %lt3A_222 : i32
      %convert_element_type3A_224 = arith.extui %lt3A_223 : i1 to i32
      %cond3A_225 = arith.constant 0 : i32
      %cond3A_226 = arith.cmpi ne, %convert_element_type3A_224, %cond3A_225 : i32
      scf.if %cond3A_226 {
        %add3A_238 = arith.constant 2 : i32
        %add3A_239 = arith.addi %add3A_186, %add3A_238 : i32
        %add3A_240 = arith.addi %mul3A_86, %add3A_239 : i32
        %dma_start3A_241 = arith.constant 0 : i32
        %dma_start3A_242 = arith.constant 0 : i32
        %dma_start3A_243 = tpu.memref_slice %arg2[%add3A_240, %dma_start3A_241, %dma_start3A_242] : memref<6656x2x128xi32, #tpu.memory_space<hbm>> -> memref<1x2x128xi32, #tpu.memory_space<hbm>>
        %dma_start3A_244 = tpu.memref_squeeze %dma_start3A_243 : memref<1x2x128xi32, #tpu.memory_space<hbm>> -> memref<2x128xi32, #tpu.memory_space<hbm>>
        %dma_start3A_245 = arith.constant 0 : i32
        %dma_start3A_246 = arith.constant 0 : i32
        %dma_start3A_247 = tpu.memref_slice %arg2[%add3A_240, %dma_start3A_245, %dma_start3A_246] : memref<6656x2x128xi32, #tpu.memory_space<hbm>> -> memref<1x2x128xi32, #tpu.memory_space<hbm>>
        %dma_start3A_248 = tpu.memref_squeeze %dma_start3A_247 : memref<1x2x128xi32, #tpu.memory_space<hbm>> -> memref<2x128xi32, #tpu.memory_space<hbm>>
        tpu.enqueue_dma source(%dma_start3A_248 : memref<2x128xi32, #tpu.memory_space<hbm>>) target(%arg7 : memref<2x128xi32, #tpu.memory_space<vmem>>) target_semaphore(%arg17 : memref<!tpu.dma_semaphore, #tpu.memory_space<semaphore_mem>>)
      } else {
      }
      %scan3A_227 = arith.constant 0 : i32
      %scan3A_228 = arith.constant 0 : i32
      %scan3A_229 = arith.constant 64 : i32
      %scan3A_230 = arith.addi %scan3A_228, %scan3A_229 : i32
      %scan3A_231 = arith.constant 1 : i32
      %scan3A_232 = scf.for %scan3A_238 = %scan3A_228 to %scan3A_230 step %scan3A_231 iter_args(%scan3A_239 = %scan3A_227) -> (i32)  : i32 {
        %mul3A_240 = arith.constant 2 : i32
        %mul3A_241 = arith.muli %mul3A_240, %scan3A_238 : i32
        %add3A_242 = arith.constant 0 : i32
        %add3A_243 = arith.addi %mul3A_241, %add3A_242 : i32
        %get3A = arith.index_cast %add3A_243 : i32 to index
        %get3A_244 = arith.constant 64 : index
        %get3A_245 = tpu.vector_load %arg11[%get3A, %get3A_244] {strides = array<i32>} : memref<128x80xf32, #tpu.memory_space<vmem>>, vector<1x16xf32>,
        %get3A_246 = vector.shape_cast %get3A_245 : vector<1x16xf32> to vector<16xf32>
        %get3A_247 = arith.index_cast %add3A_243 : i32 to index
        %get3A_248 = arith.constant 0 : index
        %get3A_249 = tpu.vector_load %arg13[%get3A_247, %get3A_248] {strides = array<i32>} : memref<128x16xf32, #tpu.memory_space<vmem>>, vector<1x16xf32>,
        %get3A_250 = vector.shape_cast %get3A_249 : vector<1x16xf32> to vector<16xf32>
        %add3A_251 = arith.addf %get3A_246, %get3A_250 : vector<16xf32>
        %mul3A_252 = arith.constant 2.000000e-01 : f32
        %mul3A_253 = vector.broadcast %mul3A_252 : f32 to vector<16xf32>
        %mul3A_254 = arith.mulf %add3A_251, %mul3A_253 : vector<16xf32>
        %max3A = arith.maximumf %add3A_251, %mul3A_254 : vector<16xf32>
        %exp3A = math.exp %max3A : vector<16xf32>
        %swap3A = arith.index_cast %add3A_243 : i32 to index
        %swap3A_255 = arith.constant 64 : index
        %swap3A_256 = tpu.vector_load %arg15[%swap3A, %swap3A_255] {strides = array<i32>} : memref<128x80xf32, #tpu.memory_space<vmem>>, vector<1x16xf32>,
        %swap3A_257 = vector.shape_cast %swap3A_256 : vector<1x16xf32> to vector<16xf32>
        %swap3A_258 = vector.shape_cast %exp3A : vector<16xf32> to vector<1x16xf32>
        tpu.vector_store %arg15[%swap3A, %swap3A_255], %swap3A_258 {strides = array<i32>} : memref<128x80xf32, #tpu.memory_space<vmem>>, vector<1x16xf32>,
        %get3A_259 = arith.index_cast %add3A_243 : i32 to index
        %get3A_260 = arith.constant 0 : index
        %get3A_261 = tpu.vector_load %arg11[%get3A_259, %get3A_260] {strides = array<i32>} : memref<128x80xf32, #tpu.memory_space<vmem>>, vector<1x16xf32>,
        %get3A_262 = vector.shape_cast %get3A_261 : vector<1x16xf32> to vector<16xf32>
        %add3A_263 = arith.constant 0 : i32
        %add3A_264 = vector.broadcast %add3A_263 : i32 to vector<16xi32>
        %add3A_265 = arith.addi %add3A_264, %iota3A : vector<16xi32>
        %shift_right_arithmetic3A = arith.constant 4 : i32
        %shift_right_arithmetic3A_266 = vector.broadcast %shift_right_arithmetic3A : i32 to vector<16xi32>
        %shift_right_arithmetic3A_267 = arith.shrsi %add3A_265, %shift_right_arithmetic3A_266 : vector<16xi32>
        %reshape3A = vector.shape_cast %shift_right_arithmetic3A_267 : vector<16xi32> to vector<16x1xi32>
        %gather3A = vector.shape_cast %reshape3A : vector<16x1xi32> to vector<16xi32>
        %gather3A_268 = tpu.dynamic_gather %exp3A[%gather3A] in [0] : vector<16xf32>, vector<16xi32> -> vector<16xf32>
        %mul3A_269 = arith.mulf %get3A_262, %gather3A_268 : vector<16xf32>
        %swap3A_270 = arith.index_cast %add3A_243 : i32 to index
        %swap3A_271 = arith.constant 0 : index
        %swap3A_272 = tpu.vector_load %arg15[%swap3A_270, %swap3A_271] {strides = array<i32>} : memref<128x80xf32, #tpu.memory_space<vmem>>, vector<1x16xf32>,
        %swap3A_273 = vector.shape_cast %swap3A_272 : vector<1x16xf32> to vector<16xf32>
        %swap3A_274 = vector.shape_cast %mul3A_269 : vector<16xf32> to vector<1x16xf32>
        tpu.vector_store %arg15[%swap3A_270, %swap3A_271], %swap3A_274 {strides = array<i32>} : memref<128x80xf32, #tpu.memory_space<vmem>>, vector<1x16xf32>,
        %get3A_275 = arith.index_cast %add3A_243 : i32 to index
        %get3A_276 = arith.constant 16 : index
        %get3A_277 = tpu.vector_load %arg11[%get3A_275, %get3A_276] {strides = array<i32>} : memref<128x80xf32, #tpu.memory_space<vmem>>, vector<1x16xf32>,
        %get3A_278 = vector.shape_cast %get3A_277 : vector<1x16xf32> to vector<16xf32>
        %add3A_279 = arith.constant 16 : i32
        %add3A_280 = vector.broadcast %add3A_279 : i32 to vector<16xi32>
        %add3A_281 = arith.addi %add3A_280, %iota3A : vector<16xi32>
        %shift_right_arithmetic3A_282 = arith.constant 4 : i32
        %shift_right_arithmetic3A_283 = vector.broadcast %shift_right_arithmetic3A_282 : i32 to vector<16xi32>
        %shift_right_arithmetic3A_284 = arith.shrsi %add3A_281, %shift_right_arithmetic3A_283 : vector<16xi32>
        %reshape3A_285 = vector.shape_cast %shift_right_arithmetic3A_284 : vector<16xi32> to vector<16x1xi32>
        %gather3A_286 = vector.shape_cast %reshape3A_285 : vector<16x1xi32> to vector<16xi32>
        %gather3A_287 = tpu.dynamic_gather %exp3A[%gather3A_286] in [0] : vector<16xf32>, vector<16xi32> -> vector<16xf32>
        %mul3A_288 = arith.mulf %get3A_278, %gather3A_287 : vector<16xf32>
        %swap3A_289 = arith.index_cast %add3A_243 : i32 to index
        %swap3A_290 = arith.constant 16 : index
        %swap3A_291 = tpu.vector_load %arg15[%swap3A_289, %swap3A_290] {strides = array<i32>} : memref<128x80xf32, #tpu.memory_space<vmem>>, vector<1x16xf32>,
        %swap3A_292 = vector.shape_cast %swap3A_291 : vector<1x16xf32> to vector<16xf32>
        %swap3A_293 = vector.shape_cast %mul3A_288 : vector<16xf32> to vector<1x16xf32>
        tpu.vector_store %arg15[%swap3A_289, %swap3A_290], %swap3A_293 {strides = array<i32>} : memref<128x80xf32, #tpu.memory_space<vmem>>, vector<1x16xf32>,
        %get3A_294 = arith.index_cast %add3A_243 : i32 to index
        %get3A_295 = arith.constant 32 : index
        %get3A_296 = tpu.vector_load %arg11[%get3A_294, %get3A_295] {strides = array<i32>} : memref<128x80xf32, #tpu.memory_space<vmem>>, vector<1x16xf32>,
        %get3A_297 = vector.shape_cast %get3A_296 : vector<1x16xf32> to vector<16xf32>
        %add3A_298 = arith.constant 32 : i32
        %add3A_299 = vector.broadcast %add3A_298 : i32 to vector<16xi32>
        %add3A_300 = arith.addi %add3A_299, %iota3A : vector<16xi32>
        %shift_right_arithmetic3A_301 = arith.constant 4 : i32
        %shift_right_arithmetic3A_302 = vector.broadcast %shift_right_arithmetic3A_301 : i32 to vector<16xi32>
        %shift_right_arithmetic3A_303 = arith.shrsi %add3A_300, %shift_right_arithmetic3A_302 : vector<16xi32>
        %reshape3A_304 = vector.shape_cast %shift_right_arithmetic3A_303 : vector<16xi32> to vector<16x1xi32>
        %gather3A_305 = vector.shape_cast %reshape3A_304 : vector<16x1xi32> to vector<16xi32>
        %gather3A_306 = tpu.dynamic_gather %exp3A[%gather3A_305] in [0] : vector<16xf32>, vector<16xi32> -> vector<16xf32>
        %mul3A_307 = arith.mulf %get3A_297, %gather3A_306 : vector<16xf32>
        %swap3A_308 = arith.index_cast %add3A_243 : i32 to index
        %swap3A_309 = arith.constant 32 : index
        %swap3A_310 = tpu.vector_load %arg15[%swap3A_308, %swap3A_309] {strides = array<i32>} : memref<128x80xf32, #tpu.memory_space<vmem>>, vector<1x16xf32>,
        %swap3A_311 = vector.shape_cast %swap3A_310 : vector<1x16xf32> to vector<16xf32>
        %swap3A_312 = vector.shape_cast %mul3A_307 : vector<16xf32> to vector<1x16xf32>
        tpu.vector_store %arg15[%swap3A_308, %swap3A_309], %swap3A_312 {strides = array<i32>} : memref<128x80xf32, #tpu.memory_space<vmem>>, vector<1x16xf32>,
        %get3A_313 = arith.index_cast %add3A_243 : i32 to index
        %get3A_314 = arith.constant 48 : index
        %get3A_315 = tpu.vector_load %arg11[%get3A_313, %get3A_314] {strides = array<i32>} : memref<128x80xf32, #tpu.memory_space<vmem>>, vector<1x16xf32>,
        %get3A_316 = vector.shape_cast %get3A_315 : vector<1x16xf32> to vector<16xf32>
        %add3A_317 = arith.constant 48 : i32
        %add3A_318 = vector.broadcast %add3A_317 : i32 to vector<16xi32>
        %add3A_319 = arith.addi %add3A_318, %iota3A : vector<16xi32>
        %shift_right_arithmetic3A_320 = arith.constant 4 : i32
        %shift_right_arithmetic3A_321 = vector.broadcast %shift_right_arithmetic3A_320 : i32 to vector<16xi32>
        %shift_right_arithmetic3A_322 = arith.shrsi %add3A_319, %shift_right_arithmetic3A_321 : vector<16xi32>
        %reshape3A_323 = vector.shape_cast %shift_right_arithmetic3A_322 : vector<16xi32> to vector<16x1xi32>
        %gather3A_324 = vector.shape_cast %reshape3A_323 : vector<16x1xi32> to vector<16xi32>
        %gather3A_325 = tpu.dynamic_gather %exp3A[%gather3A_324] in [0] : vector<16xf32>, vector<16xi32> -> vector<16xf32>
        %mul3A_326 = arith.mulf %get3A_316, %gather3A_325 : vector<16xf32>
        %swap3A_327 = arith.index_cast %add3A_243 : i32 to index
        %swap3A_328 = arith.constant 48 : index
        %swap3A_329 = tpu.vector_load %arg15[%swap3A_327, %swap3A_328] {strides = array<i32>} : memref<128x80xf32, #tpu.memory_space<vmem>>, vector<1x16xf32>,
        %swap3A_330 = vector.shape_cast %swap3A_329 : vector<1x16xf32> to vector<16xf32>
        %swap3A_331 = vector.shape_cast %mul3A_326 : vector<16xf32> to vector<1x16xf32>
        tpu.vector_store %arg15[%swap3A_327, %swap3A_328], %swap3A_331 {strides = array<i32>} : memref<128x80xf32, #tpu.memory_space<vmem>>, vector<1x16xf32>,
        %mul3A_332 = arith.constant 2 : i32
        %mul3A_333 = arith.muli %mul3A_332, %scan3A_238 : i32
        %add3A_334 = arith.constant 1 : i32
        %add3A_335 = arith.addi %mul3A_333, %add3A_334 : i32
        %get3A_336 = arith.index_cast %add3A_335 : i32 to index
        %get3A_337 = arith.constant 64 : index
        %get3A_338 = tpu.vector_load %arg11[%get3A_336, %get3A_337] {strides = array<i32>} : memref<128x80xf32, #tpu.memory_space<vmem>>, vector<1x16xf32>,
        %get3A_339 = vector.shape_cast %get3A_338 : vector<1x16xf32> to vector<16xf32>
        %get3A_340 = arith.index_cast %add3A_335 : i32 to index
        %get3A_341 = arith.constant 0 : index
        %get3A_342 = tpu.vector_load %arg13[%get3A_340, %get3A_341] {strides = array<i32>} : memref<128x16xf32, #tpu.memory_space<vmem>>, vector<1x16xf32>,
        %get3A_343 = vector.shape_cast %get3A_342 : vector<1x16xf32> to vector<16xf32>
        %add3A_344 = arith.addf %get3A_339, %get3A_343 : vector<16xf32>
        %mul3A_345 = arith.constant 2.000000e-01 : f32
        %mul3A_346 = vector.broadcast %mul3A_345 : f32 to vector<16xf32>
        %mul3A_347 = arith.mulf %add3A_344, %mul3A_346 : vector<16xf32>
        %max3A_348 = arith.maximumf %add3A_344, %mul3A_347 : vector<16xf32>
        %exp3A_349 = math.exp %max3A_348 : vector<16xf32>
        %swap3A_350 = arith.index_cast %add3A_335 : i32 to index
        %swap3A_351 = arith.constant 64 : index
        %swap3A_352 = tpu.vector_load %arg15[%swap3A_350, %swap3A_351] {strides = array<i32>} : memref<128x80xf32, #tpu.memory_space<vmem>>, vector<1x16xf32>,
        %swap3A_353 = vector.shape_cast %swap3A_352 : vector<1x16xf32> to vector<16xf32>
        %swap3A_354 = vector.shape_cast %exp3A_349 : vector<16xf32> to vector<1x16xf32>
        tpu.vector_store %arg15[%swap3A_350, %swap3A_351], %swap3A_354 {strides = array<i32>} : memref<128x80xf32, #tpu.memory_space<vmem>>, vector<1x16xf32>,
        %get3A_355 = arith.index_cast %add3A_335 : i32 to index
        %get3A_356 = arith.constant 0 : index
        %get3A_357 = tpu.vector_load %arg11[%get3A_355, %get3A_356] {strides = array<i32>} : memref<128x80xf32, #tpu.memory_space<vmem>>, vector<1x16xf32>,
        %get3A_358 = vector.shape_cast %get3A_357 : vector<1x16xf32> to vector<16xf32>
        %add3A_359 = arith.constant 0 : i32
        %add3A_360 = vector.broadcast %add3A_359 : i32 to vector<16xi32>
        %add3A_361 = arith.addi %add3A_360, %iota3A : vector<16xi32>
        %shift_right_arithmetic3A_362 = arith.constant 4 : i32
        %shift_right_arithmetic3A_363 = vector.broadcast %shift_right_arithmetic3A_362 : i32 to vector<16xi32>
        %shift_right_arithmetic3A_364 = arith.shrsi %add3A_361, %shift_right_arithmetic3A_363 : vector<16xi32>
        %reshape3A_365 = vector.shape_cast %shift_right_arithmetic3A_364 : vector<16xi32> to vector<16x1xi32>
        %gather3A_366 = vector.shape_cast %reshape3A_365 : vector<16x1xi32> to vector<16xi32>
        %gather3A_367 = tpu.dynamic_gather %exp3A_349[%gather3A_366] in [0] : vector<16xf32>, vector<16xi32> -> vector<16xf32>
        %mul3A_368 = arith.mulf %get3A_358, %gather3A_367 : vector<16xf32>
        %swap3A_369 = arith.index_cast %add3A_335 : i32 to index
        %swap3A_370 = arith.constant 0 : index
        %swap3A_371 = tpu.vector_load %arg15[%swap3A_369, %swap3A_370] {strides = array<i32>} : memref<128x80xf32, #tpu.memory_space<vmem>>, vector<1x16xf32>,
        %swap3A_372 = vector.shape_cast %swap3A_371 : vector<1x16xf32> to vector<16xf32>
        %swap3A_373 = vector.shape_cast %mul3A_368 : vector<16xf32> to vector<1x16xf32>
        tpu.vector_store %arg15[%swap3A_369, %swap3A_370], %swap3A_373 {strides = array<i32>} : memref<128x80xf32, #tpu.memory_space<vmem>>, vector<1x16xf32>,
        %get3A_374 = arith.index_cast %add3A_335 : i32 to index
        %get3A_375 = arith.constant 16 : index
        %get3A_376 = tpu.vector_load %arg11[%get3A_374, %get3A_375] {strides = array<i32>} : memref<128x80xf32, #tpu.memory_space<vmem>>, vector<1x16xf32>,
        %get3A_377 = vector.shape_cast %get3A_376 : vector<1x16xf32> to vector<16xf32>
        %add3A_378 = arith.constant 16 : i32
        %add3A_379 = vector.broadcast %add3A_378 : i32 to vector<16xi32>
        %add3A_380 = arith.addi %add3A_379, %iota3A : vector<16xi32>
        %shift_right_arithmetic3A_381 = arith.constant 4 : i32
        %shift_right_arithmetic3A_382 = vector.broadcast %shift_right_arithmetic3A_381 : i32 to vector<16xi32>
        %shift_right_arithmetic3A_383 = arith.shrsi %add3A_380, %shift_right_arithmetic3A_382 : vector<16xi32>
        %reshape3A_384 = vector.shape_cast %shift_right_arithmetic3A_383 : vector<16xi32> to vector<16x1xi32>
        %gather3A_385 = vector.shape_cast %reshape3A_384 : vector<16x1xi32> to vector<16xi32>
        %gather3A_386 = tpu.dynamic_gather %exp3A_349[%gather3A_385] in [0] : vector<16xf32>, vector<16xi32> -> vector<16xf32>
        %mul3A_387 = arith.mulf %get3A_377, %gather3A_386 : vector<16xf32>
        %swap3A_388 = arith.index_cast %add3A_335 : i32 to index
        %swap3A_389 = arith.constant 16 : index
        %swap3A_390 = tpu.vector_load %arg15[%swap3A_388, %swap3A_389] {strides = array<i32>} : memref<128x80xf32, #tpu.memory_space<vmem>>, vector<1x16xf32>,
        %swap3A_391 = vector.shape_cast %swap3A_390 : vector<1x16xf32> to vector<16xf32>
        %swap3A_392 = vector.shape_cast %mul3A_387 : vector<16xf32> to vector<1x16xf32>
        tpu.vector_store %arg15[%swap3A_388, %swap3A_389], %swap3A_392 {strides = array<i32>} : memref<128x80xf32, #tpu.memory_space<vmem>>, vector<1x16xf32>,
        %get3A_393 = arith.index_cast %add3A_335 : i32 to index
        %get3A_394 = arith.constant 32 : index
        %get3A_395 = tpu.vector_load %arg11[%get3A_393, %get3A_394] {strides = array<i32>} : memref<128x80xf32, #tpu.memory_space<vmem>>, vector<1x16xf32>,
        %get3A_396 = vector.shape_cast %get3A_395 : vector<1x16xf32> to vector<16xf32>
        %add3A_397 = arith.constant 32 : i32
        %add3A_398 = vector.broadcast %add3A_397 : i32 to vector<16xi32>
        %add3A_399 = arith.addi %add3A_398, %iota3A : vector<16xi32>
        %shift_right_arithmetic3A_400 = arith.constant 4 : i32
        %shift_right_arithmetic3A_401 = vector.broadcast %shift_right_arithmetic3A_400 : i32 to vector<16xi32>
        %shift_right_arithmetic3A_402 = arith.shrsi %add3A_399, %shift_right_arithmetic3A_401 : vector<16xi32>
        %reshape3A_403 = vector.shape_cast %shift_right_arithmetic3A_402 : vector<16xi32> to vector<16x1xi32>
        %gather3A_404 = vector.shape_cast %reshape3A_403 : vector<16x1xi32> to vector<16xi32>
        %gather3A_405 = tpu.dynamic_gather %exp3A_349[%gather3A_404] in [0] : vector<16xf32>, vector<16xi32> -> vector<16xf32>
        %mul3A_406 = arith.mulf %get3A_396, %gather3A_405 : vector<16xf32>
        %swap3A_407 = arith.index_cast %add3A_335 : i32 to index
        %swap3A_408 = arith.constant 32 : index
        %swap3A_409 = tpu.vector_load %arg15[%swap3A_407, %swap3A_408] {strides = array<i32>} : memref<128x80xf32, #tpu.memory_space<vmem>>, vector<1x16xf32>,
        %swap3A_410 = vector.shape_cast %swap3A_409 : vector<1x16xf32> to vector<16xf32>
        %swap3A_411 = vector.shape_cast %mul3A_406 : vector<16xf32> to vector<1x16xf32>
        tpu.vector_store %arg15[%swap3A_407, %swap3A_408], %swap3A_411 {strides = array<i32>} : memref<128x80xf32, #tpu.memory_space<vmem>>, vector<1x16xf32>,
        %get3A_412 = arith.index_cast %add3A_335 : i32 to index
        %get3A_413 = arith.constant 48 : index
        %get3A_414 = tpu.vector_load %arg11[%get3A_412, %get3A_413] {strides = array<i32>} : memref<128x80xf32, #tpu.memory_space<vmem>>, vector<1x16xf32>,
        %get3A_415 = vector.shape_cast %get3A_414 : vector<1x16xf32> to vector<16xf32>
        %add3A_416 = arith.constant 48 : i32
        %add3A_417 = vector.broadcast %add3A_416 : i32 to vector<16xi32>
        %add3A_418 = arith.addi %add3A_417, %iota3A : vector<16xi32>
        %shift_right_arithmetic3A_419 = arith.constant 4 : i32
        %shift_right_arithmetic3A_420 = vector.broadcast %shift_right_arithmetic3A_419 : i32 to vector<16xi32>
        %shift_right_arithmetic3A_421 = arith.shrsi %add3A_418, %shift_right_arithmetic3A_420 : vector<16xi32>
        %reshape3A_422 = vector.shape_cast %shift_right_arithmetic3A_421 : vector<16xi32> to vector<16x1xi32>
        %gather3A_423 = vector.shape_cast %reshape3A_422 : vector<16x1xi32> to vector<16xi32>
        %gather3A_424 = tpu.dynamic_gather %exp3A_349[%gather3A_423] in [0] : vector<16xf32>, vector<16xi32> -> vector<16xf32>
        %mul3A_425 = arith.mulf %get3A_415, %gather3A_424 : vector<16xf32>
        %swap3A_426 = arith.index_cast %add3A_335 : i32 to index
        %swap3A_427 = arith.constant 48 : index
        %swap3A_428 = tpu.vector_load %arg15[%swap3A_426, %swap3A_427] {strides = array<i32>} : memref<128x80xf32, #tpu.memory_space<vmem>>, vector<1x16xf32>,
        %swap3A_429 = vector.shape_cast %swap3A_428 : vector<1x16xf32> to vector<16xf32>
        %swap3A_430 = vector.shape_cast %mul3A_425 : vector<16xf32> to vector<1x16xf32>
        tpu.vector_store %arg15[%swap3A_426, %swap3A_427], %swap3A_430 {strides = array<i32>} : memref<128x80xf32, #tpu.memory_space<vmem>>, vector<1x16xf32>,
        %scan3A_431 = arith.constant 0 : i32
        scf.yield %scan3A_431 : i32
      }
      %scan3A_233 = arith.constant 64 : i32
      %dma_start3A_234 = arith.constant 0 : i32
      %dma_start3A_235 = arith.constant 0 : i32
      %dma_start3A_236 = tpu.memref_slice %arg19[%dma_start3A_234, %dma_start3A_235] : memref<12928x80xf32, #tpu.memory_space<vmem_shared>> -> memref<12928x80xf32, #tpu.memory_space<vmem_shared>>
      tpu.enqueue_indirect_dma source(%arg15 : memref<128x80xf32, #tpu.memory_space<vmem>>) target(%dma_start3A_236 : memref<12928x80xf32, #tpu.memory_space<vmem_shared>>) offsets(%arg9 : memref<128xi32, #tpu.memory_space<vmem>>) semaphore(%arg18 : memref<!tpu.dma_semaphore, #tpu.memory_space<semaphore_mem>>) {add = true}
      %scan3A_237 = arith.constant 0 : i32
      scf.yield %scan3A_237 : i32
    }
    %scan3A_117 = arith.constant 208 : i32
    %dma_wait3A_118 = arith.constant 0 : i32
    %dma_wait3A_119 = arith.constant 0 : i32
    %dma_wait3A_120 = tpu.memref_slice %arg19[%dma_wait3A_118, %dma_wait3A_119] : memref<12928x80xf32, #tpu.memory_space<vmem_shared>> -> memref<12928x80xf32, #tpu.memory_space<vmem_shared>>
    tpu.wait_indirect_dma semaphore(%arg18 : memref<!tpu.dma_semaphore, #tpu.memory_space<semaphore_mem>>) src(%arg14 : memref<128x80xf32, #tpu.memory_space<vmem>>) dst(%dma_wait3A_120 : memref<12928x80xf32, #tpu.memory_space<vmem_shared>>)
    %dma_wait3A_121 = arith.constant 0 : i32
    %dma_wait3A_122 = arith.constant 0 : i32
    %dma_wait3A_123 = tpu.memref_slice %arg19[%dma_wait3A_121, %dma_wait3A_122] : memref<12928x80xf32, #tpu.memory_space<vmem_shared>> -> memref<12928x80xf32, #tpu.memory_space<vmem_shared>>
    tpu.wait_indirect_dma semaphore(%arg18 : memref<!tpu.dma_semaphore, #tpu.memory_space<semaphore_mem>>) src(%arg15 : memref<128x80xf32, #tpu.memory_space<vmem>>) dst(%dma_wait3A_123 : memref<12928x80xf32, #tpu.memory_space<vmem_shared>>)
    %barrier3A_124 = arith.constant 0 : index
    tpu.barrier barrier_id(%barrier3A_124)
    %mul3A_125 = arith.constant 800 : i32
    %mul3A_126 = arith.muli %arg1, %mul3A_125 : i32
    %mul3A_127 = arith.constant 12800 : i32
    %mul3A_128 = arith.muli %add3A_65, %mul3A_127 : i32
    %mul3A_129 = arith.constant 800 : i32
    %mul3A_130 = arith.muli %arg1, %mul3A_129 : i32
    %add3A_131 = arith.addi %mul3A_128, %mul3A_130 : i32
    "tpu.region"() ({
      %run_scoped3A = tpu.sem_alloc : memref<!tpu.dma_semaphore, #tpu.memory_space<semaphore_mem>>
      %dma_start3A_133 = arith.constant 0 : i32
      %dma_start3A_134 = tpu.memref_slice %arg5[%add3A_131, %dma_start3A_133] : memref<51200x80xf32, #tpu.memory_space<hbm>> -> memref<800x80xf32, #tpu.memory_space<hbm>>
      %dma_start3A_135 = arith.constant 0 : i32
      %dma_start3A_136 = tpu.memref_slice %arg19[%mul3A_126, %dma_start3A_135] : memref<12928x80xf32, #tpu.memory_space<vmem_shared>> -> memref<800x80xf32, #tpu.memory_space<vmem_shared>>
      tpu.enqueue_dma source(%dma_start3A_136 : memref<800x80xf32, #tpu.memory_space<vmem_shared>>) target(%dma_start3A_134 : memref<800x80xf32, #tpu.memory_space<hbm>>) target_semaphore(%run_scoped3A : memref<!tpu.dma_semaphore, #tpu.memory_space<semaphore_mem>>)
      %dma_wait3A_137 = arith.constant 0 : i32
      %dma_wait3A_138 = tpu.memref_slice %arg5[%add3A_131, %dma_wait3A_137] : memref<51200x80xf32, #tpu.memory_space<hbm>> -> memref<800x80xf32, #tpu.memory_space<hbm>>
      %dma_wait3A_139 = arith.constant 0 : i32
      %dma_wait3A_140 = tpu.memref_slice %arg19[%mul3A_126, %dma_wait3A_139] : memref<12928x80xf32, #tpu.memory_space<vmem_shared>> -> memref<800x80xf32, #tpu.memory_space<vmem_shared>>
      tpu.wait_dma2 semaphore(%run_scoped3A : memref<!tpu.dma_semaphore, #tpu.memory_space<semaphore_mem>>) src(%dma_wait3A_140 : memref<800x80xf32, #tpu.memory_space<vmem_shared>>) dst(%dma_wait3A_138 : memref<800x80xf32, #tpu.memory_space<hbm>>)
      tpu.yield
    }) : () -> ()
    %barrier3A_132 = arith.constant 0 : index
    tpu.barrier barrier_id(%barrier3A_132)
    return
  }
}

#map = affine_map<(d0, d1) -> (0, 0, 0)>
#map1 = affine_map<(d0, d1) -> (0, 0)>
module attributes {stable_mosaic.version = 14 : i64} {
  func.func @body(%arg0: i32, %arg1: i32, %arg2: memref<6656x2x128xi32, #tpu.memory_space<hbm>>, %arg3: memref<50048x80xf32, #tpu.memory_space<hbm>>, %arg4: memref<50048x16xf32, #tpu.memory_space<hbm>>, %arg5: memref<51200x80xf32, #tpu.memory_space<hbm>>, %arg6: memref<2x128xi32, #tpu.memory_space<vmem>>, %arg7: memref<2x128xi32, #tpu.memory_space<vmem>>, %arg8: memref<128xi32, #tpu.memory_space<vmem>>, %arg9: memref<128xi32, #tpu.memory_space<vmem>>, %arg10: memref<128x80xf32, #tpu.memory_space<vmem>>, %arg11: memref<128x80xf32, #tpu.memory_space<vmem>>, %arg12: memref<128x16xf32, #tpu.memory_space<vmem>>, %arg13: memref<128x16xf32, #tpu.memory_space<vmem>>, %arg14: memref<128x80xf32, #tpu.memory_space<vmem>>, %arg15: memref<128x80xf32, #tpu.memory_space<vmem>>, %arg16: memref<!tpu.dma_semaphore, #tpu.memory_space<semaphore_mem>>, %arg17: memref<!tpu.dma_semaphore, #tpu.memory_space<semaphore_mem>>, %arg18: memref<!tpu.dma_semaphore, #tpu.memory_space<semaphore_mem>>, %arg19: memref<12928x80xf32, #tpu.memory_space<vmem_shared>>) attributes {dimension_semantics = [#tpu.dimension_semantics<core_parallel>, #tpu.dimension_semantics<subcore_parallel>], iteration_bounds = array<i64: 2, 16>, scalar_prefetch = 0 : i64, scratch_operands = 14 : i64, tpu.core_type = #tpu.core_type<sc_vector_subcore>, window_params = [{transform_indices = #map}, {transform_indices = #map1}, {transform_indices = #map1}, {transform_indices = #map1}]} {
    %iota3A = tpu.iota {dimensions = array<i32: 0>} : vector<16xi32>
    %broadcast_in_dim3A = arith.constant 0.000000e+00 : f32
    %broadcast_in_dim3A_0 = vector.broadcast %broadcast_in_dim3A : f32 to vector<16xf32>
    %add3A = arith.constant 0 : i32
    %add3A_1 = arith.addi %arg0, %add3A : i32
    %scan3A = arith.constant 0 : i32
    %scan3A_2 = arith.constant 0 : i32
    %scan3A_3 = arith.constant 128 : i32
    %scan3A_4 = arith.addi %scan3A_2, %scan3A_3 : i32
    %scan3A_5 = arith.constant 1 : i32
    %scan3A_6 = scf.for %scan3A_133 = %scan3A_2 to %scan3A_4 step %scan3A_5 iter_args(%scan3A_134 = %scan3A) -> (i32)  : i32 {
      %swap3A = arith.index_cast %scan3A_133 : i32 to index
      %swap3A_135 = arith.constant 0 : index
      %swap3A_136 = tpu.vector_load %arg14[%swap3A, %swap3A_135] {strides = array<i32>} : memref<128x80xf32, #tpu.memory_space<vmem>>, vector<1x16xf32>,
      %swap3A_137 = vector.shape_cast %swap3A_136 : vector<1x16xf32> to vector<16xf32>
      %swap3A_138 = vector.shape_cast %broadcast_in_dim3A_0 : vector<16xf32> to vector<1x16xf32>
      tpu.vector_store %arg14[%swap3A, %swap3A_135], %swap3A_138 {strides = array<i32>} : memref<128x80xf32, #tpu.memory_space<vmem>>, vector<1x16xf32>,
      %swap3A_139 = arith.index_cast %scan3A_133 : i32 to index
      %swap3A_140 = arith.constant 16 : index
      %swap3A_141 = tpu.vector_load %arg14[%swap3A_139, %swap3A_140] {strides = array<i32>} : memref<128x80xf32, #tpu.memory_space<vmem>>, vector<1x16xf32>,
      %swap3A_142 = vector.shape_cast %swap3A_141 : vector<1x16xf32> to vector<16xf32>
      %swap3A_143 = vector.shape_cast %broadcast_in_dim3A_0 : vector<16xf32> to vector<1x16xf32>
      tpu.vector_store %arg14[%swap3A_139, %swap3A_140], %swap3A_143 {strides = array<i32>} : memref<128x80xf32, #tpu.memory_space<vmem>>, vector<1x16xf32>,
      %swap3A_144 = arith.index_cast %scan3A_133 : i32 to index
      %swap3A_145 = arith.constant 32 : index
      %swap3A_146 = tpu.vector_load %arg14[%swap3A_144, %swap3A_145] {strides = array<i32>} : memref<128x80xf32, #tpu.memory_space<vmem>>, vector<1x16xf32>,
      %swap3A_147 = vector.shape_cast %swap3A_146 : vector<1x16xf32> to vector<16xf32>
      %swap3A_148 = vector.shape_cast %broadcast_in_dim3A_0 : vector<16xf32> to vector<1x16xf32>
      tpu.vector_store %arg14[%swap3A_144, %swap3A_145], %swap3A_148 {strides = array<i32>} : memref<128x80xf32, #tpu.memory_space<vmem>>, vector<1x16xf32>,
      %swap3A_149 = arith.index_cast %scan3A_133 : i32 to index
      %swap3A_150 = arith.constant 48 : index
      %swap3A_151 = tpu.vector_load %arg14[%swap3A_149, %swap3A_150] {strides = array<i32>} : memref<128x80xf32, #tpu.memory_space<vmem>>, vector<1x16xf32>,
      %swap3A_152 = vector.shape_cast %swap3A_151 : vector<1x16xf32> to vector<16xf32>
      %swap3A_153 = vector.shape_cast %broadcast_in_dim3A_0 : vector<16xf32> to vector<1x16xf32>
      tpu.vector_store %arg14[%swap3A_149, %swap3A_150], %swap3A_153 {strides = array<i32>} : memref<128x80xf32, #tpu.memory_space<vmem>>, vector<1x16xf32>,
      %swap3A_154 = arith.index_cast %scan3A_133 : i32 to index
      %swap3A_155 = arith.constant 64 : index
      %swap3A_156 = tpu.vector_load %arg14[%swap3A_154, %swap3A_155] {strides = array<i32>} : memref<128x80xf32, #tpu.memory_space<vmem>>, vector<1x16xf32>,
      %swap3A_157 = vector.shape_cast %swap3A_156 : vector<1x16xf32> to vector<16xf32>
      %swap3A_158 = vector.shape_cast %broadcast_in_dim3A_0 : vector<16xf32> to vector<1x16xf32>
      tpu.vector_store %arg14[%swap3A_154, %swap3A_155], %swap3A_158 {strides = array<i32>} : memref<128x80xf32, #tpu.memory_space<vmem>>, vector<1x16xf32>,
      %scan3A_159 = arith.constant 0 : i32
      scf.yield %scan3A_159 : i32
    }
    %scan3A_7 = arith.constant 128 : i32
    %mul3A = arith.constant 808 : i32
    %mul3A_8 = arith.muli %arg1, %mul3A : i32
    %scan3A_9 = arith.constant 0 : i32
    %scan3A_10 = arith.constant 0 : i32
    %scan3A_11 = arith.constant 6 : i32
    %scan3A_12 = arith.addi %scan3A_10, %scan3A_11 : i32
    %scan3A_13 = arith.constant 1 : i32
    %scan3A_14 = scf.for %scan3A_133 = %scan3A_10 to %scan3A_12 step %scan3A_13 iter_args(%scan3A_134 = %scan3A_9) -> (i32)  : i32 {
      %mul3A_135 = arith.constant 128 : i32
      %mul3A_136 = arith.muli %scan3A_133, %mul3A_135 : i32
      %add3A_137 = arith.addi %mul3A_8, %mul3A_136 : i32
      "tpu.region"() ({
        %run_scoped3A = tpu.sem_alloc : memref<!tpu.dma_semaphore, #tpu.memory_space<semaphore_mem>>
        %dma_start3A_139 = arith.constant 0 : i32
        %dma_start3A_140 = tpu.memref_slice %arg19[%add3A_137, %dma_start3A_139] : memref<12928x80xf32, #tpu.memory_space<vmem_shared>> -> memref<128x80xf32, #tpu.memory_space<vmem_shared>>
        %dma_start3A_141 = arith.constant 0 : i32
        %dma_start3A_142 = tpu.memref_slice %arg19[%add3A_137, %dma_start3A_141] : memref<12928x80xf32, #tpu.memory_space<vmem_shared>> -> memref<128x80xf32, #tpu.memory_space<vmem_shared>>
        tpu.enqueue_dma source(%arg14 : memref<128x80xf32, #tpu.memory_space<vmem>>) target(%dma_start3A_142 : memref<128x80xf32, #tpu.memory_space<vmem_shared>>) target_semaphore(%run_scoped3A : memref<!tpu.dma_semaphore, #tpu.memory_space<semaphore_mem>>)
        %dma_wait3A_143 = arith.constant 0 : i32
        %dma_wait3A_144 = tpu.memref_slice %arg19[%add3A_137, %dma_wait3A_143] : memref<12928x80xf32, #tpu.memory_space<vmem_shared>> -> memref<128x80xf32, #tpu.memory_space<vmem_shared>>
        %dma_wait3A_145 = arith.constant 0 : i32
        %dma_wait3A_146 = tpu.memref_slice %arg19[%add3A_137, %dma_wait3A_145] : memref<12928x80xf32, #tpu.memory_space<vmem_shared>> -> memref<128x80xf32, #tpu.memory_space<vmem_shared>>
        tpu.wait_dma2 semaphore(%run_scoped3A : memref<!tpu.dma_semaphore, #tpu.memory_space<semaphore_mem>>) src(%arg14 : memref<128x80xf32, #tpu.memory_space<vmem>>) dst(%dma_wait3A_146 : memref<128x80xf32, #tpu.memory_space<vmem_shared>>)
        tpu.yield
      }) : () -> ()
      %scan3A_138 = arith.constant 0 : i32
      scf.yield %scan3A_138 : i32
    }
    %scan3A_15 = arith.constant 6 : i32
    %add3A_16 = arith.constant 768 : i32
    %add3A_17 = arith.addi %mul3A_8, %add3A_16 : i32
    "tpu.region"() ({
      %run_scoped3A = tpu.sem_alloc : memref<!tpu.dma_semaphore, #tpu.memory_space<semaphore_mem>>
      %dma_start3A_133 = arith.constant 0 : i32
      %dma_start3A_134 = arith.constant 0 : i32
      %dma_start3A_135 = tpu.memref_slice %arg14[%dma_start3A_133, %dma_start3A_134] : memref<128x80xf32, #tpu.memory_space<vmem>> -> memref<40x80xf32, #tpu.memory_space<vmem>>
      %dma_start3A_136 = arith.constant 0 : i32
      %dma_start3A_137 = tpu.memref_slice %arg19[%add3A_17, %dma_start3A_136] : memref<12928x80xf32, #tpu.memory_space<vmem_shared>> -> memref<40x80xf32, #tpu.memory_space<vmem_shared>>
      %dma_start3A_138 = arith.constant 0 : i32
      %dma_start3A_139 = tpu.memref_slice %arg19[%add3A_17, %dma_start3A_138] : memref<12928x80xf32, #tpu.memory_space<vmem_shared>> -> memref<40x80xf32, #tpu.memory_space<vmem_shared>>
      %dma_start3A_140 = arith.constant 0 : i32
      %dma_start3A_141 = arith.constant 0 : i32
      %dma_start3A_142 = tpu.memref_slice %arg14[%dma_start3A_140, %dma_start3A_141] : memref<128x80xf32, #tpu.memory_space<vmem>> -> memref<40x80xf32, #tpu.memory_space<vmem>>
      tpu.enqueue_dma source(%dma_start3A_142 : memref<40x80xf32, #tpu.memory_space<vmem>>) target(%dma_start3A_139 : memref<40x80xf32, #tpu.memory_space<vmem_shared>>) target_semaphore(%run_scoped3A : memref<!tpu.dma_semaphore, #tpu.memory_space<semaphore_mem>>)
      %dma_wait3A_143 = arith.constant 0 : i32
      %dma_wait3A_144 = arith.constant 0 : i32
      %dma_wait3A_145 = tpu.memref_slice %arg14[%dma_wait3A_143, %dma_wait3A_144] : memref<128x80xf32, #tpu.memory_space<vmem>> -> memref<40x80xf32, #tpu.memory_space<vmem>>
      %dma_wait3A_146 = arith.constant 0 : i32
      %dma_wait3A_147 = tpu.memref_slice %arg19[%add3A_17, %dma_wait3A_146] : memref<12928x80xf32, #tpu.memory_space<vmem_shared>> -> memref<40x80xf32, #tpu.memory_space<vmem_shared>>
      %dma_wait3A_148 = arith.constant 0 : i32
      %dma_wait3A_149 = tpu.memref_slice %arg19[%add3A_17, %dma_wait3A_148] : memref<12928x80xf32, #tpu.memory_space<vmem_shared>> -> memref<40x80xf32, #tpu.memory_space<vmem_shared>>
      %dma_wait3A_150 = arith.constant 0 : i32
      %dma_wait3A_151 = arith.constant 0 : i32
      %dma_wait3A_152 = tpu.memref_slice %arg14[%dma_wait3A_150, %dma_wait3A_151] : memref<128x80xf32, #tpu.memory_space<vmem>> -> memref<40x80xf32, #tpu.memory_space<vmem>>
      tpu.wait_dma2 semaphore(%run_scoped3A : memref<!tpu.dma_semaphore, #tpu.memory_space<semaphore_mem>>) src(%dma_wait3A_152 : memref<40x80xf32, #tpu.memory_space<vmem>>) dst(%dma_wait3A_149 : memref<40x80xf32, #tpu.memory_space<vmem_shared>>)
      tpu.yield
    }) : () -> ()
    %barrier3A = arith.constant 0 : index
    tpu.barrier barrier_id(%barrier3A)
    %mul3A_18 = arith.constant 416 : i32
    %mul3A_19 = arith.muli %arg1, %mul3A_18 : i32
    "tpu.region"() ({
      %run_scoped3A = tpu.sem_alloc : memref<!tpu.dma_semaphore, #tpu.memory_space<semaphore_mem>>
      %dma_start3A_133 = arith.constant 0 : i32
      %dma_start3A_134 = arith.constant 0 : i32
      %dma_start3A_135 = tpu.memref_slice %arg2[%mul3A_19, %dma_start3A_133, %dma_start3A_134] : memref<6656x2x128xi32, #tpu.memory_space<hbm>> -> memref<1x2x128xi32, #tpu.memory_space<hbm>>
      %dma_start3A_136 = tpu.memref_squeeze %dma_start3A_135 : memref<1x2x128xi32, #tpu.memory_space<hbm>> -> memref<2x128xi32, #tpu.memory_space<hbm>>
      %dma_start3A_137 = arith.constant 0 : i32
      %dma_start3A_138 = arith.constant 0 : i32
      %dma_start3A_139 = tpu.memref_slice %arg2[%mul3A_19, %dma_start3A_137, %dma_start3A_138] : memref<6656x2x128xi32, #tpu.memory_space<hbm>> -> memref<1x2x128xi32, #tpu.memory_space<hbm>>
      %dma_start3A_140 = tpu.memref_squeeze %dma_start3A_139 : memref<1x2x128xi32, #tpu.memory_space<hbm>> -> memref<2x128xi32, #tpu.memory_space<hbm>>
      tpu.enqueue_dma source(%dma_start3A_140 : memref<2x128xi32, #tpu.memory_space<hbm>>) target(%arg6 : memref<2x128xi32, #tpu.memory_space<vmem>>) target_semaphore(%run_scoped3A : memref<!tpu.dma_semaphore, #tpu.memory_space<semaphore_mem>>)
      %dma_wait3A_141 = arith.constant 0 : i32
      %dma_wait3A_142 = arith.constant 0 : i32
      %dma_wait3A_143 = tpu.memref_slice %arg2[%mul3A_19, %dma_wait3A_141, %dma_wait3A_142] : memref<6656x2x128xi32, #tpu.memory_space<hbm>> -> memref<1x2x128xi32, #tpu.memory_space<hbm>>
      %dma_wait3A_144 = tpu.memref_squeeze %dma_wait3A_143 : memref<1x2x128xi32, #tpu.memory_space<hbm>> -> memref<2x128xi32, #tpu.memory_space<hbm>>
      %dma_wait3A_145 = arith.constant 0 : i32
      %dma_wait3A_146 = arith.constant 0 : i32
      %dma_wait3A_147 = tpu.memref_slice %arg2[%mul3A_19, %dma_wait3A_145, %dma_wait3A_146] : memref<6656x2x128xi32, #tpu.memory_space<hbm>> -> memref<1x2x128xi32, #tpu.memory_space<hbm>>
      %dma_wait3A_148 = tpu.memref_squeeze %dma_wait3A_147 : memref<1x2x128xi32, #tpu.memory_space<hbm>> -> memref<2x128xi32, #tpu.memory_space<hbm>>
      tpu.wait_dma2 semaphore(%run_scoped3A : memref<!tpu.dma_semaphore, #tpu.memory_space<semaphore_mem>>) src(%dma_wait3A_148 : memref<2x128xi32, #tpu.memory_space<hbm>>) dst(%arg6 : memref<2x128xi32, #tpu.memory_space<vmem>>)
      tpu.yield
    }) : () -> ()
    %dma_start3A = arith.constant 0 : i32
    %dma_start3A_20 = arith.constant 0 : i32
    %dma_start3A_21 = tpu.memref_slice %arg6[%dma_start3A, %dma_start3A_20] : memref<2x128xi32, #tpu.memory_space<vmem>> -> memref<1x128xi32, #tpu.memory_space<vmem>>
    %dma_start3A_22 = tpu.memref_squeeze %dma_start3A_21 : memref<1x128xi32, #tpu.memory_space<vmem>> -> memref<128xi32, #tpu.memory_space<vmem>>
    %dma_start3A_23 = arith.constant 0 : i32
    %dma_start3A_24 = arith.constant 0 : i32
    %dma_start3A_25 = tpu.memref_slice %arg3[%dma_start3A_23, %dma_start3A_24] : memref<50048x80xf32, #tpu.memory_space<hbm>> -> memref<50048x80xf32, #tpu.memory_space<hbm>>
    tpu.enqueue_indirect_dma source(%dma_start3A_25 : memref<50048x80xf32, #tpu.memory_space<hbm>>) target(%arg10 : memref<128x80xf32, #tpu.memory_space<vmem>>) offsets(%dma_start3A_22 : memref<128xi32, #tpu.memory_space<vmem>>) semaphore(%arg16 : memref<!tpu.dma_semaphore, #tpu.memory_space<semaphore_mem>>)
    %dma_start3A_26 = arith.constant 1 : i32
    %dma_start3A_27 = arith.constant 0 : i32
    %dma_start3A_28 = tpu.memref_slice %arg6[%dma_start3A_26, %dma_start3A_27] : memref<2x128xi32, #tpu.memory_space<vmem>> -> memref<1x128xi32, #tpu.memory_space<vmem>>
    %dma_start3A_29 = tpu.memref_squeeze %dma_start3A_28 : memref<1x128xi32, #tpu.memory_space<vmem>> -> memref<128xi32, #tpu.memory_space<vmem>>
    %dma_start3A_30 = arith.constant 0 : i32
    %dma_start3A_31 = arith.constant 0 : i32
    %dma_start3A_32 = tpu.memref_slice %arg4[%dma_start3A_30, %dma_start3A_31] : memref<50048x16xf32, #tpu.memory_space<hbm>> -> memref<50048x16xf32, #tpu.memory_space<hbm>>
    tpu.enqueue_indirect_dma source(%dma_start3A_32 : memref<50048x16xf32, #tpu.memory_space<hbm>>) target(%arg12 : memref<128x16xf32, #tpu.memory_space<vmem>>) offsets(%dma_start3A_29 : memref<128xi32, #tpu.memory_space<vmem>>) semaphore(%arg16 : memref<!tpu.dma_semaphore, #tpu.memory_space<semaphore_mem>>)
    %add3A_33 = arith.constant 1 : i32
    %add3A_34 = arith.addi %mul3A_19, %add3A_33 : i32
    %dma_start3A_35 = arith.constant 0 : i32
    %dma_start3A_36 = arith.constant 0 : i32
    %dma_start3A_37 = tpu.memref_slice %arg2[%add3A_34, %dma_start3A_35, %dma_start3A_36] : memref<6656x2x128xi32, #tpu.memory_space<hbm>> -> memref<1x2x128xi32, #tpu.memory_space<hbm>>
    %dma_start3A_38 = tpu.memref_squeeze %dma_start3A_37 : memref<1x2x128xi32, #tpu.memory_space<hbm>> -> memref<2x128xi32, #tpu.memory_space<hbm>>
    %dma_start3A_39 = arith.constant 0 : i32
    %dma_start3A_40 = arith.constant 0 : i32
    %dma_start3A_41 = tpu.memref_slice %arg2[%add3A_34, %dma_start3A_39, %dma_start3A_40] : memref<6656x2x128xi32, #tpu.memory_space<hbm>> -> memref<1x2x128xi32, #tpu.memory_space<hbm>>
    %dma_start3A_42 = tpu.memref_squeeze %dma_start3A_41 : memref<1x2x128xi32, #tpu.memory_space<hbm>> -> memref<2x128xi32, #tpu.memory_space<hbm>>
    tpu.enqueue_dma source(%dma_start3A_42 : memref<2x128xi32, #tpu.memory_space<hbm>>) target(%arg7 : memref<2x128xi32, #tpu.memory_space<vmem>>) target_semaphore(%arg17 : memref<!tpu.dma_semaphore, #tpu.memory_space<semaphore_mem>>)
    %scan3A_43 = arith.constant 0 : i32
    %scan3A_44 = arith.constant 0 : i32
    %scan3A_45 = arith.constant 208 : i32
    %scan3A_46 = arith.addi %scan3A_44, %scan3A_45 : i32
    %scan3A_47 = arith.constant 1 : i32
    %scan3A_48 = scf.for %scan3A_133 = %scan3A_44 to %scan3A_46 step %scan3A_47 iter_args(%scan3A_134 = %scan3A_43) -> (i32)  : i32 {
      %mul3A_135 = arith.constant 2 : i32
      %mul3A_136 = arith.muli %mul3A_135, %scan3A_133 : i32
      %dma_wait3A_137 = arith.constant 0 : i32
      %dma_wait3A_138 = arith.constant 0 : i32
      %dma_wait3A_139 = tpu.memref_slice %arg6[%dma_wait3A_137, %dma_wait3A_138] : memref<2x128xi32, #tpu.memory_space<vmem>> -> memref<1x128xi32, #tpu.memory_space<vmem>>
      %dma_wait3A_140 = tpu.memref_squeeze %dma_wait3A_139 : memref<1x128xi32, #tpu.memory_space<vmem>> -> memref<128xi32, #tpu.memory_space<vmem>>
      %dma_wait3A_141 = arith.constant 0 : i32
      %dma_wait3A_142 = arith.constant 0 : i32
      %dma_wait3A_143 = tpu.memref_slice %arg3[%dma_wait3A_141, %dma_wait3A_142] : memref<50048x80xf32, #tpu.memory_space<hbm>> -> memref<50048x80xf32, #tpu.memory_space<hbm>>
      tpu.wait_indirect_dma semaphore(%arg16 : memref<!tpu.dma_semaphore, #tpu.memory_space<semaphore_mem>>) src(%dma_wait3A_143 : memref<50048x80xf32, #tpu.memory_space<hbm>>) dst(%arg10 : memref<128x80xf32, #tpu.memory_space<vmem>>)
      %dma_wait3A_144 = arith.constant 1 : i32
      %dma_wait3A_145 = arith.constant 0 : i32
      %dma_wait3A_146 = tpu.memref_slice %arg6[%dma_wait3A_144, %dma_wait3A_145] : memref<2x128xi32, #tpu.memory_space<vmem>> -> memref<1x128xi32, #tpu.memory_space<vmem>>
      %dma_wait3A_147 = tpu.memref_squeeze %dma_wait3A_146 : memref<1x128xi32, #tpu.memory_space<vmem>> -> memref<128xi32, #tpu.memory_space<vmem>>
      %dma_wait3A_148 = arith.constant 0 : i32
      %dma_wait3A_149 = arith.constant 0 : i32
      %dma_wait3A_150 = tpu.memref_slice %arg4[%dma_wait3A_148, %dma_wait3A_149] : memref<50048x16xf32, #tpu.memory_space<hbm>> -> memref<50048x16xf32, #tpu.memory_space<hbm>>
      tpu.wait_indirect_dma semaphore(%arg16 : memref<!tpu.dma_semaphore, #tpu.memory_space<semaphore_mem>>) src(%dma_wait3A_150 : memref<50048x16xf32, #tpu.memory_space<hbm>>) dst(%arg12 : memref<128x16xf32, #tpu.memory_space<vmem>>)
      %ge3A = arith.constant 2 : i32
      %ge3A_151 = arith.cmpi sge, %mul3A_136, %ge3A : i32
      %convert_element_type3A = arith.extui %ge3A_151 : i1 to i32
      %cond3A = arith.constant 0 : i32
      %cond3A_152 = arith.cmpi ne, %convert_element_type3A, %cond3A : i32
      scf.if %cond3A_152 {
        %dma_wait3A_238 = arith.constant 0 : i32
        %dma_wait3A_239 = arith.constant 0 : i32
        %dma_wait3A_240 = tpu.memref_slice %arg19[%dma_wait3A_238, %dma_wait3A_239] : memref<12928x80xf32, #tpu.memory_space<vmem_shared>> -> memref<12928x80xf32, #tpu.memory_space<vmem_shared>>
        tpu.wait_indirect_dma semaphore(%arg18 : memref<!tpu.dma_semaphore, #tpu.memory_space<semaphore_mem>>) src(%arg14 : memref<128x80xf32, #tpu.memory_space<vmem>>) dst(%dma_wait3A_240 : memref<12928x80xf32, #tpu.memory_space<vmem_shared>>)
      } else {
      }
      %scan3A_153 = arith.constant 0 : i32
      %scan3A_154 = arith.constant 0 : i32
      %scan3A_155 = arith.constant 8 : i32
      %scan3A_156 = arith.addi %scan3A_154, %scan3A_155 : i32
      %scan3A_157 = arith.constant 1 : i32
      %scan3A_158 = scf.for %scan3A_238 = %scan3A_154 to %scan3A_156 step %scan3A_157 iter_args(%scan3A_239 = %scan3A_153) -> (i32)  : i32 {
        %mul3A_240 = arith.constant 16 : i32
        %mul3A_241 = arith.muli %scan3A_238, %mul3A_240 : i32
        %get3A = arith.constant 1 : i32
        %get3A_242 = arith.index_cast %get3A : i32 to index
        %get3A_243 = arith.index_cast %mul3A_241 : i32 to index
        %get3A_244 = tpu.vector_load %arg6[%get3A_242, %get3A_243] {strides = array<i32>} : memref<2x128xi32, #tpu.memory_space<vmem>>, vector<1x16xi32>,
        %get3A_245 = vector.shape_cast %get3A_244 : vector<1x16xi32> to vector<16xi32>
        %mul3A_246 = arith.constant 12800 : i32
        %mul3A_247 = arith.muli %add3A_1, %mul3A_246 : i32
        %sub3A = vector.broadcast %mul3A_247 : i32 to vector<16xi32>
        %sub3A_248 = arith.subi %get3A_245, %sub3A : vector<16xi32>
        %lt3A_249 = arith.constant 0 : i32
        %lt3A_250 = vector.broadcast %lt3A_249 : i32 to vector<16xi32>
        %lt3A_251 = arith.cmpi slt, %sub3A_248, %lt3A_250 : vector<16xi32>
        %ge3A_252 = arith.constant 12800 : i32
        %ge3A_253 = vector.broadcast %ge3A_252 : i32 to vector<16xi32>
        %ge3A_254 = arith.cmpi sge, %sub3A_248, %ge3A_253 : vector<16xi32>
        %or3A = arith.ori %lt3A_251, %ge3A_254 : vector<16xi1>
        %jit3A = arith.constant 12800 : i32
        %broadcast_in_dim3A_255 = vector.broadcast %jit3A : i32 to vector<16xi32>
        %select_n3A = arith.select %or3A, %broadcast_in_dim3A_255, %sub3A_248 : vector<16xi1>, vector<16xi32>
        %mul3A_256 = arith.constant 16 : i32
        %mul3A_257 = arith.muli %scan3A_238, %mul3A_256 : i32
        %swap3A = arith.index_cast %mul3A_257 : i32 to index
        %swap3A_258 = tpu.vector_load %arg8[%swap3A] {strides = array<i32>} : memref<128xi32, #tpu.memory_space<vmem>>, vector<16xi32>,
        %swap3A_259 = vector.shape_cast %swap3A_258 : vector<16xi32> to vector<16xi32>
        %swap3A_260 = vector.shape_cast %select_n3A : vector<16xi32> to vector<16xi32>
        tpu.vector_store %arg8[%swap3A], %swap3A_260 {strides = array<i32>} : memref<128xi32, #tpu.memory_space<vmem>>, vector<16xi32>,
        %scan3A_261 = arith.constant 0 : i32
        scf.yield %scan3A_261 : i32
      }
      %scan3A_159 = arith.constant 8 : i32
      %add3A_160 = arith.constant 1 : i32
      %add3A_161 = arith.addi %mul3A_136, %add3A_160 : i32
      %lt3A = arith.constant 416 : i32
      %lt3A_162 = arith.cmpi slt, %add3A_161, %lt3A : i32
      %convert_element_type3A_163 = arith.extui %lt3A_162 : i1 to i32
      %cond3A_164 = arith.constant 0 : i32
      %cond3A_165 = arith.cmpi ne, %convert_element_type3A_163, %cond3A_164 : i32
      scf.if %cond3A_165 {
        %dma_wait3A_238 = arith.constant 0 : i32
        %dma_wait3A_239 = arith.constant 0 : i32
        %dma_wait3A_240 = tpu.memref_slice %arg2[%mul3A_19, %dma_wait3A_238, %dma_wait3A_239] : memref<6656x2x128xi32, #tpu.memory_space<hbm>> -> memref<1x2x128xi32, #tpu.memory_space<hbm>>
        %dma_wait3A_241 = tpu.memref_squeeze %dma_wait3A_240 : memref<1x2x128xi32, #tpu.memory_space<hbm>> -> memref<2x128xi32, #tpu.memory_space<hbm>>
        %dma_wait3A_242 = arith.constant 0 : i32
        %dma_wait3A_243 = arith.constant 0 : i32
        %dma_wait3A_244 = tpu.memref_slice %arg2[%mul3A_19, %dma_wait3A_242, %dma_wait3A_243] : memref<6656x2x128xi32, #tpu.memory_space<hbm>> -> memref<1x2x128xi32, #tpu.memory_space<hbm>>
        %dma_wait3A_245 = tpu.memref_squeeze %dma_wait3A_244 : memref<1x2x128xi32, #tpu.memory_space<hbm>> -> memref<2x128xi32, #tpu.memory_space<hbm>>
        tpu.wait_dma2 semaphore(%arg17 : memref<!tpu.dma_semaphore, #tpu.memory_space<semaphore_mem>>) src(%dma_wait3A_245 : memref<2x128xi32, #tpu.memory_space<hbm>>) dst(%arg7 : memref<2x128xi32, #tpu.memory_space<vmem>>)
        %dma_start3A_246 = arith.constant 0 : i32
        %dma_start3A_247 = arith.constant 0 : i32
        %dma_start3A_248 = tpu.memref_slice %arg7[%dma_start3A_246, %dma_start3A_247] : memref<2x128xi32, #tpu.memory_space<vmem>> -> memref<1x128xi32, #tpu.memory_space<vmem>>
        %dma_start3A_249 = tpu.memref_squeeze %dma_start3A_248 : memref<1x128xi32, #tpu.memory_space<vmem>> -> memref<128xi32, #tpu.memory_space<vmem>>
        %dma_start3A_250 = arith.constant 0 : i32
        %dma_start3A_251 = arith.constant 0 : i32
        %dma_start3A_252 = tpu.memref_slice %arg3[%dma_start3A_250, %dma_start3A_251] : memref<50048x80xf32, #tpu.memory_space<hbm>> -> memref<50048x80xf32, #tpu.memory_space<hbm>>
        tpu.enqueue_indirect_dma source(%dma_start3A_252 : memref<50048x80xf32, #tpu.memory_space<hbm>>) target(%arg11 : memref<128x80xf32, #tpu.memory_space<vmem>>) offsets(%dma_start3A_249 : memref<128xi32, #tpu.memory_space<vmem>>) semaphore(%arg16 : memref<!tpu.dma_semaphore, #tpu.memory_space<semaphore_mem>>)
        %dma_start3A_253 = arith.constant 1 : i32
        %dma_start3A_254 = arith.constant 0 : i32
        %dma_start3A_255 = tpu.memref_slice %arg7[%dma_start3A_253, %dma_start3A_254] : memref<2x128xi32, #tpu.memory_space<vmem>> -> memref<1x128xi32, #tpu.memory_space<vmem>>
        %dma_start3A_256 = tpu.memref_squeeze %dma_start3A_255 : memref<1x128xi32, #tpu.memory_space<vmem>> -> memref<128xi32, #tpu.memory_space<vmem>>
        %dma_start3A_257 = arith.constant 0 : i32
        %dma_start3A_258 = arith.constant 0 : i32
        %dma_start3A_259 = tpu.memref_slice %arg4[%dma_start3A_257, %dma_start3A_258] : memref<50048x16xf32, #tpu.memory_space<hbm>> -> memref<50048x16xf32, #tpu.memory_space<hbm>>
        tpu.enqueue_indirect_dma source(%dma_start3A_259 : memref<50048x16xf32, #tpu.memory_space<hbm>>) target(%arg13 : memref<128x16xf32, #tpu.memory_space<vmem>>) offsets(%dma_start3A_256 : memref<128xi32, #tpu.memory_space<vmem>>) semaphore(%arg16 : memref<!tpu.dma_semaphore, #tpu.memory_space<semaphore_mem>>)
      } else {
      }
      %add3A_166 = arith.constant 2 : i32
      %add3A_167 = arith.addi %mul3A_136, %add3A_166 : i32
      %lt3A_168 = arith.constant 416 : i32
      %lt3A_169 = arith.cmpi slt, %add3A_167, %lt3A_168 : i32
      %convert_element_type3A_170 = arith.extui %lt3A_169 : i1 to i32
      %cond3A_171 = arith.constant 0 : i32
      %cond3A_172 = arith.cmpi ne, %convert_element_type3A_170, %cond3A_171 : i32
      scf.if %cond3A_172 {
        %add3A_238 = arith.constant 2 : i32
        %add3A_239 = arith.addi %mul3A_136, %add3A_238 : i32
        %add3A_240 = arith.addi %mul3A_19, %add3A_239 : i32
        %dma_start3A_241 = arith.constant 0 : i32
        %dma_start3A_242 = arith.constant 0 : i32
        %dma_start3A_243 = tpu.memref_slice %arg2[%add3A_240, %dma_start3A_241, %dma_start3A_242] : memref<6656x2x128xi32, #tpu.memory_space<hbm>> -> memref<1x2x128xi32, #tpu.memory_space<hbm>>
        %dma_start3A_244 = tpu.memref_squeeze %dma_start3A_243 : memref<1x2x128xi32, #tpu.memory_space<hbm>> -> memref<2x128xi32, #tpu.memory_space<hbm>>
        %dma_start3A_245 = arith.constant 0 : i32
        %dma_start3A_246 = arith.constant 0 : i32
        %dma_start3A_247 = tpu.memref_slice %arg2[%add3A_240, %dma_start3A_245, %dma_start3A_246] : memref<6656x2x128xi32, #tpu.memory_space<hbm>> -> memref<1x2x128xi32, #tpu.memory_space<hbm>>
        %dma_start3A_248 = tpu.memref_squeeze %dma_start3A_247 : memref<1x2x128xi32, #tpu.memory_space<hbm>> -> memref<2x128xi32, #tpu.memory_space<hbm>>
        tpu.enqueue_dma source(%dma_start3A_248 : memref<2x128xi32, #tpu.memory_space<hbm>>) target(%arg6 : memref<2x128xi32, #tpu.memory_space<vmem>>) target_semaphore(%arg17 : memref<!tpu.dma_semaphore, #tpu.memory_space<semaphore_mem>>)
      } else {
      }
      %scan3A_173 = arith.constant 0 : i32
      %scan3A_174 = arith.constant 0 : i32
      %scan3A_175 = arith.constant 64 : i32
      %scan3A_176 = arith.addi %scan3A_174, %scan3A_175 : i32
      %scan3A_177 = arith.constant 1 : i32
      %scan3A_178 = scf.for %scan3A_238 = %scan3A_174 to %scan3A_176 step %scan3A_177 iter_args(%scan3A_239 = %scan3A_173) -> (i32)  : i32 {
        %mul3A_240 = arith.constant 2 : i32
        %mul3A_241 = arith.muli %mul3A_240, %scan3A_238 : i32
        %add3A_242 = arith.constant 0 : i32
        %add3A_243 = arith.addi %mul3A_241, %add3A_242 : i32
        %get3A = arith.index_cast %add3A_243 : i32 to index
        %get3A_244 = arith.constant 64 : index
        %get3A_245 = tpu.vector_load %arg10[%get3A, %get3A_244] {strides = array<i32>} : memref<128x80xf32, #tpu.memory_space<vmem>>, vector<1x16xf32>,
        %get3A_246 = vector.shape_cast %get3A_245 : vector<1x16xf32> to vector<16xf32>
        %get3A_247 = arith.index_cast %add3A_243 : i32 to index
        %get3A_248 = arith.constant 0 : index
        %get3A_249 = tpu.vector_load %arg12[%get3A_247, %get3A_248] {strides = array<i32>} : memref<128x16xf32, #tpu.memory_space<vmem>>, vector<1x16xf32>,
        %get3A_250 = vector.shape_cast %get3A_249 : vector<1x16xf32> to vector<16xf32>
        %add3A_251 = arith.addf %get3A_246, %get3A_250 : vector<16xf32>
        %mul3A_252 = arith.constant 2.000000e-01 : f32
        %mul3A_253 = vector.broadcast %mul3A_252 : f32 to vector<16xf32>
        %mul3A_254 = arith.mulf %add3A_251, %mul3A_253 : vector<16xf32>
        %max3A = arith.maximumf %add3A_251, %mul3A_254 : vector<16xf32>
        %exp3A = math.exp %max3A : vector<16xf32>
        %swap3A = arith.index_cast %add3A_243 : i32 to index
        %swap3A_255 = arith.constant 64 : index
        %swap3A_256 = tpu.vector_load %arg14[%swap3A, %swap3A_255] {strides = array<i32>} : memref<128x80xf32, #tpu.memory_space<vmem>>, vector<1x16xf32>,
        %swap3A_257 = vector.shape_cast %swap3A_256 : vector<1x16xf32> to vector<16xf32>
        %swap3A_258 = vector.shape_cast %exp3A : vector<16xf32> to vector<1x16xf32>
        tpu.vector_store %arg14[%swap3A, %swap3A_255], %swap3A_258 {strides = array<i32>} : memref<128x80xf32, #tpu.memory_space<vmem>>, vector<1x16xf32>,
        %get3A_259 = arith.index_cast %add3A_243 : i32 to index
        %get3A_260 = arith.constant 0 : index
        %get3A_261 = tpu.vector_load %arg10[%get3A_259, %get3A_260] {strides = array<i32>} : memref<128x80xf32, #tpu.memory_space<vmem>>, vector<1x16xf32>,
        %get3A_262 = vector.shape_cast %get3A_261 : vector<1x16xf32> to vector<16xf32>
        %add3A_263 = arith.constant 0 : i32
        %add3A_264 = vector.broadcast %add3A_263 : i32 to vector<16xi32>
        %add3A_265 = arith.addi %add3A_264, %iota3A : vector<16xi32>
        %shift_right_arithmetic3A = arith.constant 3 : i32
        %shift_right_arithmetic3A_266 = vector.broadcast %shift_right_arithmetic3A : i32 to vector<16xi32>
        %shift_right_arithmetic3A_267 = arith.shrsi %add3A_265, %shift_right_arithmetic3A_266 : vector<16xi32>
        %reshape3A = vector.shape_cast %shift_right_arithmetic3A_267 : vector<16xi32> to vector<16x1xi32>
        %gather3A = vector.shape_cast %reshape3A : vector<16x1xi32> to vector<16xi32>
        %gather3A_268 = tpu.dynamic_gather %exp3A[%gather3A] in [0] : vector<16xf32>, vector<16xi32> -> vector<16xf32>
        %mul3A_269 = arith.mulf %get3A_262, %gather3A_268 : vector<16xf32>
        %swap3A_270 = arith.index_cast %add3A_243 : i32 to index
        %swap3A_271 = arith.constant 0 : index
        %swap3A_272 = tpu.vector_load %arg14[%swap3A_270, %swap3A_271] {strides = array<i32>} : memref<128x80xf32, #tpu.memory_space<vmem>>, vector<1x16xf32>,
        %swap3A_273 = vector.shape_cast %swap3A_272 : vector<1x16xf32> to vector<16xf32>
        %swap3A_274 = vector.shape_cast %mul3A_269 : vector<16xf32> to vector<1x16xf32>
        tpu.vector_store %arg14[%swap3A_270, %swap3A_271], %swap3A_274 {strides = array<i32>} : memref<128x80xf32, #tpu.memory_space<vmem>>, vector<1x16xf32>,
        %get3A_275 = arith.index_cast %add3A_243 : i32 to index
        %get3A_276 = arith.constant 16 : index
        %get3A_277 = tpu.vector_load %arg10[%get3A_275, %get3A_276] {strides = array<i32>} : memref<128x80xf32, #tpu.memory_space<vmem>>, vector<1x16xf32>,
        %get3A_278 = vector.shape_cast %get3A_277 : vector<1x16xf32> to vector<16xf32>
        %add3A_279 = arith.constant 16 : i32
        %add3A_280 = vector.broadcast %add3A_279 : i32 to vector<16xi32>
        %add3A_281 = arith.addi %add3A_280, %iota3A : vector<16xi32>
        %shift_right_arithmetic3A_282 = arith.constant 3 : i32
        %shift_right_arithmetic3A_283 = vector.broadcast %shift_right_arithmetic3A_282 : i32 to vector<16xi32>
        %shift_right_arithmetic3A_284 = arith.shrsi %add3A_281, %shift_right_arithmetic3A_283 : vector<16xi32>
        %reshape3A_285 = vector.shape_cast %shift_right_arithmetic3A_284 : vector<16xi32> to vector<16x1xi32>
        %gather3A_286 = vector.shape_cast %reshape3A_285 : vector<16x1xi32> to vector<16xi32>
        %gather3A_287 = tpu.dynamic_gather %exp3A[%gather3A_286] in [0] : vector<16xf32>, vector<16xi32> -> vector<16xf32>
        %mul3A_288 = arith.mulf %get3A_278, %gather3A_287 : vector<16xf32>
        %swap3A_289 = arith.index_cast %add3A_243 : i32 to index
        %swap3A_290 = arith.constant 16 : index
        %swap3A_291 = tpu.vector_load %arg14[%swap3A_289, %swap3A_290] {strides = array<i32>} : memref<128x80xf32, #tpu.memory_space<vmem>>, vector<1x16xf32>,
        %swap3A_292 = vector.shape_cast %swap3A_291 : vector<1x16xf32> to vector<16xf32>
        %swap3A_293 = vector.shape_cast %mul3A_288 : vector<16xf32> to vector<1x16xf32>
        tpu.vector_store %arg14[%swap3A_289, %swap3A_290], %swap3A_293 {strides = array<i32>} : memref<128x80xf32, #tpu.memory_space<vmem>>, vector<1x16xf32>,
        %get3A_294 = arith.index_cast %add3A_243 : i32 to index
        %get3A_295 = arith.constant 32 : index
        %get3A_296 = tpu.vector_load %arg10[%get3A_294, %get3A_295] {strides = array<i32>} : memref<128x80xf32, #tpu.memory_space<vmem>>, vector<1x16xf32>,
        %get3A_297 = vector.shape_cast %get3A_296 : vector<1x16xf32> to vector<16xf32>
        %add3A_298 = arith.constant 32 : i32
        %add3A_299 = vector.broadcast %add3A_298 : i32 to vector<16xi32>
        %add3A_300 = arith.addi %add3A_299, %iota3A : vector<16xi32>
        %shift_right_arithmetic3A_301 = arith.constant 3 : i32
        %shift_right_arithmetic3A_302 = vector.broadcast %shift_right_arithmetic3A_301 : i32 to vector<16xi32>
        %shift_right_arithmetic3A_303 = arith.shrsi %add3A_300, %shift_right_arithmetic3A_302 : vector<16xi32>
        %reshape3A_304 = vector.shape_cast %shift_right_arithmetic3A_303 : vector<16xi32> to vector<16x1xi32>
        %gather3A_305 = vector.shape_cast %reshape3A_304 : vector<16x1xi32> to vector<16xi32>
        %gather3A_306 = tpu.dynamic_gather %exp3A[%gather3A_305] in [0] : vector<16xf32>, vector<16xi32> -> vector<16xf32>
        %mul3A_307 = arith.mulf %get3A_297, %gather3A_306 : vector<16xf32>
        %swap3A_308 = arith.index_cast %add3A_243 : i32 to index
        %swap3A_309 = arith.constant 32 : index
        %swap3A_310 = tpu.vector_load %arg14[%swap3A_308, %swap3A_309] {strides = array<i32>} : memref<128x80xf32, #tpu.memory_space<vmem>>, vector<1x16xf32>,
        %swap3A_311 = vector.shape_cast %swap3A_310 : vector<1x16xf32> to vector<16xf32>
        %swap3A_312 = vector.shape_cast %mul3A_307 : vector<16xf32> to vector<1x16xf32>
        tpu.vector_store %arg14[%swap3A_308, %swap3A_309], %swap3A_312 {strides = array<i32>} : memref<128x80xf32, #tpu.memory_space<vmem>>, vector<1x16xf32>,
        %get3A_313 = arith.index_cast %add3A_243 : i32 to index
        %get3A_314 = arith.constant 48 : index
        %get3A_315 = tpu.vector_load %arg10[%get3A_313, %get3A_314] {strides = array<i32>} : memref<128x80xf32, #tpu.memory_space<vmem>>, vector<1x16xf32>,
        %get3A_316 = vector.shape_cast %get3A_315 : vector<1x16xf32> to vector<16xf32>
        %add3A_317 = arith.constant 48 : i32
        %add3A_318 = vector.broadcast %add3A_317 : i32 to vector<16xi32>
        %add3A_319 = arith.addi %add3A_318, %iota3A : vector<16xi32>
        %shift_right_arithmetic3A_320 = arith.constant 3 : i32
        %shift_right_arithmetic3A_321 = vector.broadcast %shift_right_arithmetic3A_320 : i32 to vector<16xi32>
        %shift_right_arithmetic3A_322 = arith.shrsi %add3A_319, %shift_right_arithmetic3A_321 : vector<16xi32>
        %reshape3A_323 = vector.shape_cast %shift_right_arithmetic3A_322 : vector<16xi32> to vector<16x1xi32>
        %gather3A_324 = vector.shape_cast %reshape3A_323 : vector<16x1xi32> to vector<16xi32>
        %gather3A_325 = tpu.dynamic_gather %exp3A[%gather3A_324] in [0] : vector<16xf32>, vector<16xi32> -> vector<16xf32>
        %mul3A_326 = arith.mulf %get3A_316, %gather3A_325 : vector<16xf32>
        %swap3A_327 = arith.index_cast %add3A_243 : i32 to index
        %swap3A_328 = arith.constant 48 : index
        %swap3A_329 = tpu.vector_load %arg14[%swap3A_327, %swap3A_328] {strides = array<i32>} : memref<128x80xf32, #tpu.memory_space<vmem>>, vector<1x16xf32>,
        %swap3A_330 = vector.shape_cast %swap3A_329 : vector<1x16xf32> to vector<16xf32>
        %swap3A_331 = vector.shape_cast %mul3A_326 : vector<16xf32> to vector<1x16xf32>
        tpu.vector_store %arg14[%swap3A_327, %swap3A_328], %swap3A_331 {strides = array<i32>} : memref<128x80xf32, #tpu.memory_space<vmem>>, vector<1x16xf32>,
        %mul3A_332 = arith.constant 2 : i32
        %mul3A_333 = arith.muli %mul3A_332, %scan3A_238 : i32
        %add3A_334 = arith.constant 1 : i32
        %add3A_335 = arith.addi %mul3A_333, %add3A_334 : i32
        %get3A_336 = arith.index_cast %add3A_335 : i32 to index
        %get3A_337 = arith.constant 64 : index
        %get3A_338 = tpu.vector_load %arg10[%get3A_336, %get3A_337] {strides = array<i32>} : memref<128x80xf32, #tpu.memory_space<vmem>>, vector<1x16xf32>,
        %get3A_339 = vector.shape_cast %get3A_338 : vector<1x16xf32> to vector<16xf32>
        %get3A_340 = arith.index_cast %add3A_335 : i32 to index
        %get3A_341 = arith.constant 0 : index
        %get3A_342 = tpu.vector_load %arg12[%get3A_340, %get3A_341] {strides = array<i32>} : memref<128x16xf32, #tpu.memory_space<vmem>>, vector<1x16xf32>,
        %get3A_343 = vector.shape_cast %get3A_342 : vector<1x16xf32> to vector<16xf32>
        %add3A_344 = arith.addf %get3A_339, %get3A_343 : vector<16xf32>
        %mul3A_345 = arith.constant 2.000000e-01 : f32
        %mul3A_346 = vector.broadcast %mul3A_345 : f32 to vector<16xf32>
        %mul3A_347 = arith.mulf %add3A_344, %mul3A_346 : vector<16xf32>
        %max3A_348 = arith.maximumf %add3A_344, %mul3A_347 : vector<16xf32>
        %exp3A_349 = math.exp %max3A_348 : vector<16xf32>
        %swap3A_350 = arith.index_cast %add3A_335 : i32 to index
        %swap3A_351 = arith.constant 64 : index
        %swap3A_352 = tpu.vector_load %arg14[%swap3A_350, %swap3A_351] {strides = array<i32>} : memref<128x80xf32, #tpu.memory_space<vmem>>, vector<1x16xf32>,
        %swap3A_353 = vector.shape_cast %swap3A_352 : vector<1x16xf32> to vector<16xf32>
        %swap3A_354 = vector.shape_cast %exp3A_349 : vector<16xf32> to vector<1x16xf32>
        tpu.vector_store %arg14[%swap3A_350, %swap3A_351], %swap3A_354 {strides = array<i32>} : memref<128x80xf32, #tpu.memory_space<vmem>>, vector<1x16xf32>,
        %get3A_355 = arith.index_cast %add3A_335 : i32 to index
        %get3A_356 = arith.constant 0 : index
        %get3A_357 = tpu.vector_load %arg10[%get3A_355, %get3A_356] {strides = array<i32>} : memref<128x80xf32, #tpu.memory_space<vmem>>, vector<1x16xf32>,
        %get3A_358 = vector.shape_cast %get3A_357 : vector<1x16xf32> to vector<16xf32>
        %add3A_359 = arith.constant 0 : i32
        %add3A_360 = vector.broadcast %add3A_359 : i32 to vector<16xi32>
        %add3A_361 = arith.addi %add3A_360, %iota3A : vector<16xi32>
        %shift_right_arithmetic3A_362 = arith.constant 3 : i32
        %shift_right_arithmetic3A_363 = vector.broadcast %shift_right_arithmetic3A_362 : i32 to vector<16xi32>
        %shift_right_arithmetic3A_364 = arith.shrsi %add3A_361, %shift_right_arithmetic3A_363 : vector<16xi32>
        %reshape3A_365 = vector.shape_cast %shift_right_arithmetic3A_364 : vector<16xi32> to vector<16x1xi32>
        %gather3A_366 = vector.shape_cast %reshape3A_365 : vector<16x1xi32> to vector<16xi32>
        %gather3A_367 = tpu.dynamic_gather %exp3A_349[%gather3A_366] in [0] : vector<16xf32>, vector<16xi32> -> vector<16xf32>
        %mul3A_368 = arith.mulf %get3A_358, %gather3A_367 : vector<16xf32>
        %swap3A_369 = arith.index_cast %add3A_335 : i32 to index
        %swap3A_370 = arith.constant 0 : index
        %swap3A_371 = tpu.vector_load %arg14[%swap3A_369, %swap3A_370] {strides = array<i32>} : memref<128x80xf32, #tpu.memory_space<vmem>>, vector<1x16xf32>,
        %swap3A_372 = vector.shape_cast %swap3A_371 : vector<1x16xf32> to vector<16xf32>
        %swap3A_373 = vector.shape_cast %mul3A_368 : vector<16xf32> to vector<1x16xf32>
        tpu.vector_store %arg14[%swap3A_369, %swap3A_370], %swap3A_373 {strides = array<i32>} : memref<128x80xf32, #tpu.memory_space<vmem>>, vector<1x16xf32>,
        %get3A_374 = arith.index_cast %add3A_335 : i32 to index
        %get3A_375 = arith.constant 16 : index
        %get3A_376 = tpu.vector_load %arg10[%get3A_374, %get3A_375] {strides = array<i32>} : memref<128x80xf32, #tpu.memory_space<vmem>>, vector<1x16xf32>,
        %get3A_377 = vector.shape_cast %get3A_376 : vector<1x16xf32> to vector<16xf32>
        %add3A_378 = arith.constant 16 : i32
        %add3A_379 = vector.broadcast %add3A_378 : i32 to vector<16xi32>
        %add3A_380 = arith.addi %add3A_379, %iota3A : vector<16xi32>
        %shift_right_arithmetic3A_381 = arith.constant 3 : i32
        %shift_right_arithmetic3A_382 = vector.broadcast %shift_right_arithmetic3A_381 : i32 to vector<16xi32>
        %shift_right_arithmetic3A_383 = arith.shrsi %add3A_380, %shift_right_arithmetic3A_382 : vector<16xi32>
        %reshape3A_384 = vector.shape_cast %shift_right_arithmetic3A_383 : vector<16xi32> to vector<16x1xi32>
        %gather3A_385 = vector.shape_cast %reshape3A_384 : vector<16x1xi32> to vector<16xi32>
        %gather3A_386 = tpu.dynamic_gather %exp3A_349[%gather3A_385] in [0] : vector<16xf32>, vector<16xi32> -> vector<16xf32>
        %mul3A_387 = arith.mulf %get3A_377, %gather3A_386 : vector<16xf32>
        %swap3A_388 = arith.index_cast %add3A_335 : i32 to index
        %swap3A_389 = arith.constant 16 : index
        %swap3A_390 = tpu.vector_load %arg14[%swap3A_388, %swap3A_389] {strides = array<i32>} : memref<128x80xf32, #tpu.memory_space<vmem>>, vector<1x16xf32>,
        %swap3A_391 = vector.shape_cast %swap3A_390 : vector<1x16xf32> to vector<16xf32>
        %swap3A_392 = vector.shape_cast %mul3A_387 : vector<16xf32> to vector<1x16xf32>
        tpu.vector_store %arg14[%swap3A_388, %swap3A_389], %swap3A_392 {strides = array<i32>} : memref<128x80xf32, #tpu.memory_space<vmem>>, vector<1x16xf32>,
        %get3A_393 = arith.index_cast %add3A_335 : i32 to index
        %get3A_394 = arith.constant 32 : index
        %get3A_395 = tpu.vector_load %arg10[%get3A_393, %get3A_394] {strides = array<i32>} : memref<128x80xf32, #tpu.memory_space<vmem>>, vector<1x16xf32>,
        %get3A_396 = vector.shape_cast %get3A_395 : vector<1x16xf32> to vector<16xf32>
        %add3A_397 = arith.constant 32 : i32
        %add3A_398 = vector.broadcast %add3A_397 : i32 to vector<16xi32>
        %add3A_399 = arith.addi %add3A_398, %iota3A : vector<16xi32>
        %shift_right_arithmetic3A_400 = arith.constant 3 : i32
        %shift_right_arithmetic3A_401 = vector.broadcast %shift_right_arithmetic3A_400 : i32 to vector<16xi32>
        %shift_right_arithmetic3A_402 = arith.shrsi %add3A_399, %shift_right_arithmetic3A_401 : vector<16xi32>
        %reshape3A_403 = vector.shape_cast %shift_right_arithmetic3A_402 : vector<16xi32> to vector<16x1xi32>
        %gather3A_404 = vector.shape_cast %reshape3A_403 : vector<16x1xi32> to vector<16xi32>
        %gather3A_405 = tpu.dynamic_gather %exp3A_349[%gather3A_404] in [0] : vector<16xf32>, vector<16xi32> -> vector<16xf32>
        %mul3A_406 = arith.mulf %get3A_396, %gather3A_405 : vector<16xf32>
        %swap3A_407 = arith.index_cast %add3A_335 : i32 to index
        %swap3A_408 = arith.constant 32 : index
        %swap3A_409 = tpu.vector_load %arg14[%swap3A_407, %swap3A_408] {strides = array<i32>} : memref<128x80xf32, #tpu.memory_space<vmem>>, vector<1x16xf32>,
        %swap3A_410 = vector.shape_cast %swap3A_409 : vector<1x16xf32> to vector<16xf32>
        %swap3A_411 = vector.shape_cast %mul3A_406 : vector<16xf32> to vector<1x16xf32>
        tpu.vector_store %arg14[%swap3A_407, %swap3A_408], %swap3A_411 {strides = array<i32>} : memref<128x80xf32, #tpu.memory_space<vmem>>, vector<1x16xf32>,
        %get3A_412 = arith.index_cast %add3A_335 : i32 to index
        %get3A_413 = arith.constant 48 : index
        %get3A_414 = tpu.vector_load %arg10[%get3A_412, %get3A_413] {strides = array<i32>} : memref<128x80xf32, #tpu.memory_space<vmem>>, vector<1x16xf32>,
        %get3A_415 = vector.shape_cast %get3A_414 : vector<1x16xf32> to vector<16xf32>
        %add3A_416 = arith.constant 48 : i32
        %add3A_417 = vector.broadcast %add3A_416 : i32 to vector<16xi32>
        %add3A_418 = arith.addi %add3A_417, %iota3A : vector<16xi32>
        %shift_right_arithmetic3A_419 = arith.constant 3 : i32
        %shift_right_arithmetic3A_420 = vector.broadcast %shift_right_arithmetic3A_419 : i32 to vector<16xi32>
        %shift_right_arithmetic3A_421 = arith.shrsi %add3A_418, %shift_right_arithmetic3A_420 : vector<16xi32>
        %reshape3A_422 = vector.shape_cast %shift_right_arithmetic3A_421 : vector<16xi32> to vector<16x1xi32>
        %gather3A_423 = vector.shape_cast %reshape3A_422 : vector<16x1xi32> to vector<16xi32>
        %gather3A_424 = tpu.dynamic_gather %exp3A_349[%gather3A_423] in [0] : vector<16xf32>, vector<16xi32> -> vector<16xf32>
        %mul3A_425 = arith.mulf %get3A_415, %gather3A_424 : vector<16xf32>
        %swap3A_426 = arith.index_cast %add3A_335 : i32 to index
        %swap3A_427 = arith.constant 48 : index
        %swap3A_428 = tpu.vector_load %arg14[%swap3A_426, %swap3A_427] {strides = array<i32>} : memref<128x80xf32, #tpu.memory_space<vmem>>, vector<1x16xf32>,
        %swap3A_429 = vector.shape_cast %swap3A_428 : vector<1x16xf32> to vector<16xf32>
        %swap3A_430 = vector.shape_cast %mul3A_425 : vector<16xf32> to vector<1x16xf32>
        tpu.vector_store %arg14[%swap3A_426, %swap3A_427], %swap3A_430 {strides = array<i32>} : memref<128x80xf32, #tpu.memory_space<vmem>>, vector<1x16xf32>,
        %scan3A_431 = arith.constant 0 : i32
        scf.yield %scan3A_431 : i32
      }
      %scan3A_179 = arith.constant 64 : i32
      %dma_start3A_180 = arith.constant 0 : i32
      %dma_start3A_181 = arith.constant 0 : i32
      %dma_start3A_182 = tpu.memref_slice %arg19[%dma_start3A_180, %dma_start3A_181] : memref<12928x80xf32, #tpu.memory_space<vmem_shared>> -> memref<12928x80xf32, #tpu.memory_space<vmem_shared>>
      tpu.enqueue_indirect_dma source(%arg14 : memref<128x80xf32, #tpu.memory_space<vmem>>) target(%dma_start3A_182 : memref<12928x80xf32, #tpu.memory_space<vmem_shared>>) offsets(%arg8 : memref<128xi32, #tpu.memory_space<vmem>>) semaphore(%arg18 : memref<!tpu.dma_semaphore, #tpu.memory_space<semaphore_mem>>) {add = true}
      %mul3A_183 = arith.constant 2 : i32
      %mul3A_184 = arith.muli %mul3A_183, %scan3A_133 : i32
      %add3A_185 = arith.constant 1 : i32
      %add3A_186 = arith.addi %mul3A_184, %add3A_185 : i32
      %dma_wait3A_187 = arith.constant 0 : i32
      %dma_wait3A_188 = arith.constant 0 : i32
      %dma_wait3A_189 = tpu.memref_slice %arg7[%dma_wait3A_187, %dma_wait3A_188] : memref<2x128xi32, #tpu.memory_space<vmem>> -> memref<1x128xi32, #tpu.memory_space<vmem>>
      %dma_wait3A_190 = tpu.memref_squeeze %dma_wait3A_189 : memref<1x128xi32, #tpu.memory_space<vmem>> -> memref<128xi32, #tpu.memory_space<vmem>>
      %dma_wait3A_191 = arith.constant 0 : i32
      %dma_wait3A_192 = arith.constant 0 : i32
      %dma_wait3A_193 = tpu.memref_slice %arg3[%dma_wait3A_191, %dma_wait3A_192] : memref<50048x80xf32, #tpu.memory_space<hbm>> -> memref<50048x80xf32, #tpu.memory_space<hbm>>
      tpu.wait_indirect_dma semaphore(%arg16 : memref<!tpu.dma_semaphore, #tpu.memory_space<semaphore_mem>>) src(%dma_wait3A_193 : memref<50048x80xf32, #tpu.memory_space<hbm>>) dst(%arg11 : memref<128x80xf32, #tpu.memory_space<vmem>>)
      %dma_wait3A_194 = arith.constant 1 : i32
      %dma_wait3A_195 = arith.constant 0 : i32
      %dma_wait3A_196 = tpu.memref_slice %arg7[%dma_wait3A_194, %dma_wait3A_195] : memref<2x128xi32, #tpu.memory_space<vmem>> -> memref<1x128xi32, #tpu.memory_space<vmem>>
      %dma_wait3A_197 = tpu.memref_squeeze %dma_wait3A_196 : memref<1x128xi32, #tpu.memory_space<vmem>> -> memref<128xi32, #tpu.memory_space<vmem>>
      %dma_wait3A_198 = arith.constant 0 : i32
      %dma_wait3A_199 = arith.constant 0 : i32
      %dma_wait3A_200 = tpu.memref_slice %arg4[%dma_wait3A_198, %dma_wait3A_199] : memref<50048x16xf32, #tpu.memory_space<hbm>> -> memref<50048x16xf32, #tpu.memory_space<hbm>>
      tpu.wait_indirect_dma semaphore(%arg16 : memref<!tpu.dma_semaphore, #tpu.memory_space<semaphore_mem>>) src(%dma_wait3A_200 : memref<50048x16xf32, #tpu.memory_space<hbm>>) dst(%arg13 : memref<128x16xf32, #tpu.memory_space<vmem>>)
      %ge3A_201 = arith.constant 2 : i32
      %ge3A_202 = arith.cmpi sge, %add3A_186, %ge3A_201 : i32
      %convert_element_type3A_203 = arith.extui %ge3A_202 : i1 to i32
      %cond3A_204 = arith.constant 0 : i32
      %cond3A_205 = arith.cmpi ne, %convert_element_type3A_203, %cond3A_204 : i32
      scf.if %cond3A_205 {
        %dma_wait3A_238 = arith.constant 0 : i32
        %dma_wait3A_239 = arith.constant 0 : i32
        %dma_wait3A_240 = tpu.memref_slice %arg19[%dma_wait3A_238, %dma_wait3A_239] : memref<12928x80xf32, #tpu.memory_space<vmem_shared>> -> memref<12928x80xf32, #tpu.memory_space<vmem_shared>>
        tpu.wait_indirect_dma semaphore(%arg18 : memref<!tpu.dma_semaphore, #tpu.memory_space<semaphore_mem>>) src(%arg15 : memref<128x80xf32, #tpu.memory_space<vmem>>) dst(%dma_wait3A_240 : memref<12928x80xf32, #tpu.memory_space<vmem_shared>>)
      } else {
      }
      %scan3A_206 = arith.constant 0 : i32
      %scan3A_207 = arith.constant 0 : i32
      %scan3A_208 = arith.constant 8 : i32
      %scan3A_209 = arith.addi %scan3A_207, %scan3A_208 : i32
      %scan3A_210 = arith.constant 1 : i32
      %scan3A_211 = scf.for %scan3A_238 = %scan3A_207 to %scan3A_209 step %scan3A_210 iter_args(%scan3A_239 = %scan3A_206) -> (i32)  : i32 {
        %mul3A_240 = arith.constant 16 : i32
        %mul3A_241 = arith.muli %scan3A_238, %mul3A_240 : i32
        %get3A = arith.constant 1 : i32
        %get3A_242 = arith.index_cast %get3A : i32 to index
        %get3A_243 = arith.index_cast %mul3A_241 : i32 to index
        %get3A_244 = tpu.vector_load %arg7[%get3A_242, %get3A_243] {strides = array<i32>} : memref<2x128xi32, #tpu.memory_space<vmem>>, vector<1x16xi32>,
        %get3A_245 = vector.shape_cast %get3A_244 : vector<1x16xi32> to vector<16xi32>
        %mul3A_246 = arith.constant 12800 : i32
        %mul3A_247 = arith.muli %add3A_1, %mul3A_246 : i32
        %sub3A = vector.broadcast %mul3A_247 : i32 to vector<16xi32>
        %sub3A_248 = arith.subi %get3A_245, %sub3A : vector<16xi32>
        %lt3A_249 = arith.constant 0 : i32
        %lt3A_250 = vector.broadcast %lt3A_249 : i32 to vector<16xi32>
        %lt3A_251 = arith.cmpi slt, %sub3A_248, %lt3A_250 : vector<16xi32>
        %ge3A_252 = arith.constant 12800 : i32
        %ge3A_253 = vector.broadcast %ge3A_252 : i32 to vector<16xi32>
        %ge3A_254 = arith.cmpi sge, %sub3A_248, %ge3A_253 : vector<16xi32>
        %or3A = arith.ori %lt3A_251, %ge3A_254 : vector<16xi1>
        %jit3A = arith.constant 12800 : i32
        %broadcast_in_dim3A_255 = vector.broadcast %jit3A : i32 to vector<16xi32>
        %select_n3A = arith.select %or3A, %broadcast_in_dim3A_255, %sub3A_248 : vector<16xi1>, vector<16xi32>
        %mul3A_256 = arith.constant 16 : i32
        %mul3A_257 = arith.muli %scan3A_238, %mul3A_256 : i32
        %swap3A = arith.index_cast %mul3A_257 : i32 to index
        %swap3A_258 = tpu.vector_load %arg9[%swap3A] {strides = array<i32>} : memref<128xi32, #tpu.memory_space<vmem>>, vector<16xi32>,
        %swap3A_259 = vector.shape_cast %swap3A_258 : vector<16xi32> to vector<16xi32>
        %swap3A_260 = vector.shape_cast %select_n3A : vector<16xi32> to vector<16xi32>
        tpu.vector_store %arg9[%swap3A], %swap3A_260 {strides = array<i32>} : memref<128xi32, #tpu.memory_space<vmem>>, vector<16xi32>,
        %scan3A_261 = arith.constant 0 : i32
        scf.yield %scan3A_261 : i32
      }
      %scan3A_212 = arith.constant 8 : i32
      %add3A_213 = arith.constant 1 : i32
      %add3A_214 = arith.addi %add3A_186, %add3A_213 : i32
      %lt3A_215 = arith.constant 416 : i32
      %lt3A_216 = arith.cmpi slt, %add3A_214, %lt3A_215 : i32
      %convert_element_type3A_217 = arith.extui %lt3A_216 : i1 to i32
      %cond3A_218 = arith.constant 0 : i32
      %cond3A_219 = arith.cmpi ne, %convert_element_type3A_217, %cond3A_218 : i32
      scf.if %cond3A_219 {
        %dma_wait3A_238 = arith.constant 0 : i32
        %dma_wait3A_239 = arith.constant 0 : i32
        %dma_wait3A_240 = tpu.memref_slice %arg2[%mul3A_19, %dma_wait3A_238, %dma_wait3A_239] : memref<6656x2x128xi32, #tpu.memory_space<hbm>> -> memref<1x2x128xi32, #tpu.memory_space<hbm>>
        %dma_wait3A_241 = tpu.memref_squeeze %dma_wait3A_240 : memref<1x2x128xi32, #tpu.memory_space<hbm>> -> memref<2x128xi32, #tpu.memory_space<hbm>>
        %dma_wait3A_242 = arith.constant 0 : i32
        %dma_wait3A_243 = arith.constant 0 : i32
        %dma_wait3A_244 = tpu.memref_slice %arg2[%mul3A_19, %dma_wait3A_242, %dma_wait3A_243] : memref<6656x2x128xi32, #tpu.memory_space<hbm>> -> memref<1x2x128xi32, #tpu.memory_space<hbm>>
        %dma_wait3A_245 = tpu.memref_squeeze %dma_wait3A_244 : memref<1x2x128xi32, #tpu.memory_space<hbm>> -> memref<2x128xi32, #tpu.memory_space<hbm>>
        tpu.wait_dma2 semaphore(%arg17 : memref<!tpu.dma_semaphore, #tpu.memory_space<semaphore_mem>>) src(%dma_wait3A_245 : memref<2x128xi32, #tpu.memory_space<hbm>>) dst(%arg6 : memref<2x128xi32, #tpu.memory_space<vmem>>)
        %dma_start3A_246 = arith.constant 0 : i32
        %dma_start3A_247 = arith.constant 0 : i32
        %dma_start3A_248 = tpu.memref_slice %arg6[%dma_start3A_246, %dma_start3A_247] : memref<2x128xi32, #tpu.memory_space<vmem>> -> memref<1x128xi32, #tpu.memory_space<vmem>>
        %dma_start3A_249 = tpu.memref_squeeze %dma_start3A_248 : memref<1x128xi32, #tpu.memory_space<vmem>> -> memref<128xi32, #tpu.memory_space<vmem>>
        %dma_start3A_250 = arith.constant 0 : i32
        %dma_start3A_251 = arith.constant 0 : i32
        %dma_start3A_252 = tpu.memref_slice %arg3[%dma_start3A_250, %dma_start3A_251] : memref<50048x80xf32, #tpu.memory_space<hbm>> -> memref<50048x80xf32, #tpu.memory_space<hbm>>
        tpu.enqueue_indirect_dma source(%dma_start3A_252 : memref<50048x80xf32, #tpu.memory_space<hbm>>) target(%arg10 : memref<128x80xf32, #tpu.memory_space<vmem>>) offsets(%dma_start3A_249 : memref<128xi32, #tpu.memory_space<vmem>>) semaphore(%arg16 : memref<!tpu.dma_semaphore, #tpu.memory_space<semaphore_mem>>)
        %dma_start3A_253 = arith.constant 1 : i32
        %dma_start3A_254 = arith.constant 0 : i32
        %dma_start3A_255 = tpu.memref_slice %arg6[%dma_start3A_253, %dma_start3A_254] : memref<2x128xi32, #tpu.memory_space<vmem>> -> memref<1x128xi32, #tpu.memory_space<vmem>>
        %dma_start3A_256 = tpu.memref_squeeze %dma_start3A_255 : memref<1x128xi32, #tpu.memory_space<vmem>> -> memref<128xi32, #tpu.memory_space<vmem>>
        %dma_start3A_257 = arith.constant 0 : i32
        %dma_start3A_258 = arith.constant 0 : i32
        %dma_start3A_259 = tpu.memref_slice %arg4[%dma_start3A_257, %dma_start3A_258] : memref<50048x16xf32, #tpu.memory_space<hbm>> -> memref<50048x16xf32, #tpu.memory_space<hbm>>
        tpu.enqueue_indirect_dma source(%dma_start3A_259 : memref<50048x16xf32, #tpu.memory_space<hbm>>) target(%arg12 : memref<128x16xf32, #tpu.memory_space<vmem>>) offsets(%dma_start3A_256 : memref<128xi32, #tpu.memory_space<vmem>>) semaphore(%arg16 : memref<!tpu.dma_semaphore, #tpu.memory_space<semaphore_mem>>)
      } else {
      }
      %add3A_220 = arith.constant 2 : i32
      %add3A_221 = arith.addi %add3A_186, %add3A_220 : i32
      %lt3A_222 = arith.constant 416 : i32
      %lt3A_223 = arith.cmpi slt, %add3A_221, %lt3A_222 : i32
      %convert_element_type3A_224 = arith.extui %lt3A_223 : i1 to i32
      %cond3A_225 = arith.constant 0 : i32
      %cond3A_226 = arith.cmpi ne, %convert_element_type3A_224, %cond3A_225 : i32
      scf.if %cond3A_226 {
        %add3A_238 = arith.constant 2 : i32
        %add3A_239 = arith.addi %add3A_186, %add3A_238 : i32
        %add3A_240 = arith.addi %mul3A_19, %add3A_239 : i32
        %dma_start3A_241 = arith.constant 0 : i32
        %dma_start3A_242 = arith.constant 0 : i32
        %dma_start3A_243 = tpu.memref_slice %arg2[%add3A_240, %dma_start3A_241, %dma_start3A_242] : memref<6656x2x128xi32, #tpu.memory_space<hbm>> -> memref<1x2x128xi32, #tpu.memory_space<hbm>>
        %dma_start3A_244 = tpu.memref_squeeze %dma_start3A_243 : memref<1x2x128xi32, #tpu.memory_space<hbm>> -> memref<2x128xi32, #tpu.memory_space<hbm>>
        %dma_start3A_245 = arith.constant 0 : i32
        %dma_start3A_246 = arith.constant 0 : i32
        %dma_start3A_247 = tpu.memref_slice %arg2[%add3A_240, %dma_start3A_245, %dma_start3A_246] : memref<6656x2x128xi32, #tpu.memory_space<hbm>> -> memref<1x2x128xi32, #tpu.memory_space<hbm>>
        %dma_start3A_248 = tpu.memref_squeeze %dma_start3A_247 : memref<1x2x128xi32, #tpu.memory_space<hbm>> -> memref<2x128xi32, #tpu.memory_space<hbm>>
        tpu.enqueue_dma source(%dma_start3A_248 : memref<2x128xi32, #tpu.memory_space<hbm>>) target(%arg7 : memref<2x128xi32, #tpu.memory_space<vmem>>) target_semaphore(%arg17 : memref<!tpu.dma_semaphore, #tpu.memory_space<semaphore_mem>>)
      } else {
      }
      %scan3A_227 = arith.constant 0 : i32
      %scan3A_228 = arith.constant 0 : i32
      %scan3A_229 = arith.constant 64 : i32
      %scan3A_230 = arith.addi %scan3A_228, %scan3A_229 : i32
      %scan3A_231 = arith.constant 1 : i32
      %scan3A_232 = scf.for %scan3A_238 = %scan3A_228 to %scan3A_230 step %scan3A_231 iter_args(%scan3A_239 = %scan3A_227) -> (i32)  : i32 {
        %mul3A_240 = arith.constant 2 : i32
        %mul3A_241 = arith.muli %mul3A_240, %scan3A_238 : i32
        %add3A_242 = arith.constant 0 : i32
        %add3A_243 = arith.addi %mul3A_241, %add3A_242 : i32
        %get3A = arith.index_cast %add3A_243 : i32 to index
        %get3A_244 = arith.constant 64 : index
        %get3A_245 = tpu.vector_load %arg11[%get3A, %get3A_244] {strides = array<i32>} : memref<128x80xf32, #tpu.memory_space<vmem>>, vector<1x16xf32>,
        %get3A_246 = vector.shape_cast %get3A_245 : vector<1x16xf32> to vector<16xf32>
        %get3A_247 = arith.index_cast %add3A_243 : i32 to index
        %get3A_248 = arith.constant 0 : index
        %get3A_249 = tpu.vector_load %arg13[%get3A_247, %get3A_248] {strides = array<i32>} : memref<128x16xf32, #tpu.memory_space<vmem>>, vector<1x16xf32>,
        %get3A_250 = vector.shape_cast %get3A_249 : vector<1x16xf32> to vector<16xf32>
        %add3A_251 = arith.addf %get3A_246, %get3A_250 : vector<16xf32>
        %mul3A_252 = arith.constant 2.000000e-01 : f32
        %mul3A_253 = vector.broadcast %mul3A_252 : f32 to vector<16xf32>
        %mul3A_254 = arith.mulf %add3A_251, %mul3A_253 : vector<16xf32>
        %max3A = arith.maximumf %add3A_251, %mul3A_254 : vector<16xf32>
        %exp3A = math.exp %max3A : vector<16xf32>
        %swap3A = arith.index_cast %add3A_243 : i32 to index
        %swap3A_255 = arith.constant 64 : index
        %swap3A_256 = tpu.vector_load %arg15[%swap3A, %swap3A_255] {strides = array<i32>} : memref<128x80xf32, #tpu.memory_space<vmem>>, vector<1x16xf32>,
        %swap3A_257 = vector.shape_cast %swap3A_256 : vector<1x16xf32> to vector<16xf32>
        %swap3A_258 = vector.shape_cast %exp3A : vector<16xf32> to vector<1x16xf32>
        tpu.vector_store %arg15[%swap3A, %swap3A_255], %swap3A_258 {strides = array<i32>} : memref<128x80xf32, #tpu.memory_space<vmem>>, vector<1x16xf32>,
        %get3A_259 = arith.index_cast %add3A_243 : i32 to index
        %get3A_260 = arith.constant 0 : index
        %get3A_261 = tpu.vector_load %arg11[%get3A_259, %get3A_260] {strides = array<i32>} : memref<128x80xf32, #tpu.memory_space<vmem>>, vector<1x16xf32>,
        %get3A_262 = vector.shape_cast %get3A_261 : vector<1x16xf32> to vector<16xf32>
        %add3A_263 = arith.constant 0 : i32
        %add3A_264 = vector.broadcast %add3A_263 : i32 to vector<16xi32>
        %add3A_265 = arith.addi %add3A_264, %iota3A : vector<16xi32>
        %shift_right_arithmetic3A = arith.constant 3 : i32
        %shift_right_arithmetic3A_266 = vector.broadcast %shift_right_arithmetic3A : i32 to vector<16xi32>
        %shift_right_arithmetic3A_267 = arith.shrsi %add3A_265, %shift_right_arithmetic3A_266 : vector<16xi32>
        %reshape3A = vector.shape_cast %shift_right_arithmetic3A_267 : vector<16xi32> to vector<16x1xi32>
        %gather3A = vector.shape_cast %reshape3A : vector<16x1xi32> to vector<16xi32>
        %gather3A_268 = tpu.dynamic_gather %exp3A[%gather3A] in [0] : vector<16xf32>, vector<16xi32> -> vector<16xf32>
        %mul3A_269 = arith.mulf %get3A_262, %gather3A_268 : vector<16xf32>
        %swap3A_270 = arith.index_cast %add3A_243 : i32 to index
        %swap3A_271 = arith.constant 0 : index
        %swap3A_272 = tpu.vector_load %arg15[%swap3A_270, %swap3A_271] {strides = array<i32>} : memref<128x80xf32, #tpu.memory_space<vmem>>, vector<1x16xf32>,
        %swap3A_273 = vector.shape_cast %swap3A_272 : vector<1x16xf32> to vector<16xf32>
        %swap3A_274 = vector.shape_cast %mul3A_269 : vector<16xf32> to vector<1x16xf32>
        tpu.vector_store %arg15[%swap3A_270, %swap3A_271], %swap3A_274 {strides = array<i32>} : memref<128x80xf32, #tpu.memory_space<vmem>>, vector<1x16xf32>,
        %get3A_275 = arith.index_cast %add3A_243 : i32 to index
        %get3A_276 = arith.constant 16 : index
        %get3A_277 = tpu.vector_load %arg11[%get3A_275, %get3A_276] {strides = array<i32>} : memref<128x80xf32, #tpu.memory_space<vmem>>, vector<1x16xf32>,
        %get3A_278 = vector.shape_cast %get3A_277 : vector<1x16xf32> to vector<16xf32>
        %add3A_279 = arith.constant 16 : i32
        %add3A_280 = vector.broadcast %add3A_279 : i32 to vector<16xi32>
        %add3A_281 = arith.addi %add3A_280, %iota3A : vector<16xi32>
        %shift_right_arithmetic3A_282 = arith.constant 3 : i32
        %shift_right_arithmetic3A_283 = vector.broadcast %shift_right_arithmetic3A_282 : i32 to vector<16xi32>
        %shift_right_arithmetic3A_284 = arith.shrsi %add3A_281, %shift_right_arithmetic3A_283 : vector<16xi32>
        %reshape3A_285 = vector.shape_cast %shift_right_arithmetic3A_284 : vector<16xi32> to vector<16x1xi32>
        %gather3A_286 = vector.shape_cast %reshape3A_285 : vector<16x1xi32> to vector<16xi32>
        %gather3A_287 = tpu.dynamic_gather %exp3A[%gather3A_286] in [0] : vector<16xf32>, vector<16xi32> -> vector<16xf32>
        %mul3A_288 = arith.mulf %get3A_278, %gather3A_287 : vector<16xf32>
        %swap3A_289 = arith.index_cast %add3A_243 : i32 to index
        %swap3A_290 = arith.constant 16 : index
        %swap3A_291 = tpu.vector_load %arg15[%swap3A_289, %swap3A_290] {strides = array<i32>} : memref<128x80xf32, #tpu.memory_space<vmem>>, vector<1x16xf32>,
        %swap3A_292 = vector.shape_cast %swap3A_291 : vector<1x16xf32> to vector<16xf32>
        %swap3A_293 = vector.shape_cast %mul3A_288 : vector<16xf32> to vector<1x16xf32>
        tpu.vector_store %arg15[%swap3A_289, %swap3A_290], %swap3A_293 {strides = array<i32>} : memref<128x80xf32, #tpu.memory_space<vmem>>, vector<1x16xf32>,
        %get3A_294 = arith.index_cast %add3A_243 : i32 to index
        %get3A_295 = arith.constant 32 : index
        %get3A_296 = tpu.vector_load %arg11[%get3A_294, %get3A_295] {strides = array<i32>} : memref<128x80xf32, #tpu.memory_space<vmem>>, vector<1x16xf32>,
        %get3A_297 = vector.shape_cast %get3A_296 : vector<1x16xf32> to vector<16xf32>
        %add3A_298 = arith.constant 32 : i32
        %add3A_299 = vector.broadcast %add3A_298 : i32 to vector<16xi32>
        %add3A_300 = arith.addi %add3A_299, %iota3A : vector<16xi32>
        %shift_right_arithmetic3A_301 = arith.constant 3 : i32
        %shift_right_arithmetic3A_302 = vector.broadcast %shift_right_arithmetic3A_301 : i32 to vector<16xi32>
        %shift_right_arithmetic3A_303 = arith.shrsi %add3A_300, %shift_right_arithmetic3A_302 : vector<16xi32>
        %reshape3A_304 = vector.shape_cast %shift_right_arithmetic3A_303 : vector<16xi32> to vector<16x1xi32>
        %gather3A_305 = vector.shape_cast %reshape3A_304 : vector<16x1xi32> to vector<16xi32>
        %gather3A_306 = tpu.dynamic_gather %exp3A[%gather3A_305] in [0] : vector<16xf32>, vector<16xi32> -> vector<16xf32>
        %mul3A_307 = arith.mulf %get3A_297, %gather3A_306 : vector<16xf32>
        %swap3A_308 = arith.index_cast %add3A_243 : i32 to index
        %swap3A_309 = arith.constant 32 : index
        %swap3A_310 = tpu.vector_load %arg15[%swap3A_308, %swap3A_309] {strides = array<i32>} : memref<128x80xf32, #tpu.memory_space<vmem>>, vector<1x16xf32>,
        %swap3A_311 = vector.shape_cast %swap3A_310 : vector<1x16xf32> to vector<16xf32>
        %swap3A_312 = vector.shape_cast %mul3A_307 : vector<16xf32> to vector<1x16xf32>
        tpu.vector_store %arg15[%swap3A_308, %swap3A_309], %swap3A_312 {strides = array<i32>} : memref<128x80xf32, #tpu.memory_space<vmem>>, vector<1x16xf32>,
        %get3A_313 = arith.index_cast %add3A_243 : i32 to index
        %get3A_314 = arith.constant 48 : index
        %get3A_315 = tpu.vector_load %arg11[%get3A_313, %get3A_314] {strides = array<i32>} : memref<128x80xf32, #tpu.memory_space<vmem>>, vector<1x16xf32>,
        %get3A_316 = vector.shape_cast %get3A_315 : vector<1x16xf32> to vector<16xf32>
        %add3A_317 = arith.constant 48 : i32
        %add3A_318 = vector.broadcast %add3A_317 : i32 to vector<16xi32>
        %add3A_319 = arith.addi %add3A_318, %iota3A : vector<16xi32>
        %shift_right_arithmetic3A_320 = arith.constant 3 : i32
        %shift_right_arithmetic3A_321 = vector.broadcast %shift_right_arithmetic3A_320 : i32 to vector<16xi32>
        %shift_right_arithmetic3A_322 = arith.shrsi %add3A_319, %shift_right_arithmetic3A_321 : vector<16xi32>
        %reshape3A_323 = vector.shape_cast %shift_right_arithmetic3A_322 : vector<16xi32> to vector<16x1xi32>
        %gather3A_324 = vector.shape_cast %reshape3A_323 : vector<16x1xi32> to vector<16xi32>
        %gather3A_325 = tpu.dynamic_gather %exp3A[%gather3A_324] in [0] : vector<16xf32>, vector<16xi32> -> vector<16xf32>
        %mul3A_326 = arith.mulf %get3A_316, %gather3A_325 : vector<16xf32>
        %swap3A_327 = arith.index_cast %add3A_243 : i32 to index
        %swap3A_328 = arith.constant 48 : index
        %swap3A_329 = tpu.vector_load %arg15[%swap3A_327, %swap3A_328] {strides = array<i32>} : memref<128x80xf32, #tpu.memory_space<vmem>>, vector<1x16xf32>,
        %swap3A_330 = vector.shape_cast %swap3A_329 : vector<1x16xf32> to vector<16xf32>
        %swap3A_331 = vector.shape_cast %mul3A_326 : vector<16xf32> to vector<1x16xf32>
        tpu.vector_store %arg15[%swap3A_327, %swap3A_328], %swap3A_331 {strides = array<i32>} : memref<128x80xf32, #tpu.memory_space<vmem>>, vector<1x16xf32>,
        %mul3A_332 = arith.constant 2 : i32
        %mul3A_333 = arith.muli %mul3A_332, %scan3A_238 : i32
        %add3A_334 = arith.constant 1 : i32
        %add3A_335 = arith.addi %mul3A_333, %add3A_334 : i32
        %get3A_336 = arith.index_cast %add3A_335 : i32 to index
        %get3A_337 = arith.constant 64 : index
        %get3A_338 = tpu.vector_load %arg11[%get3A_336, %get3A_337] {strides = array<i32>} : memref<128x80xf32, #tpu.memory_space<vmem>>, vector<1x16xf32>,
        %get3A_339 = vector.shape_cast %get3A_338 : vector<1x16xf32> to vector<16xf32>
        %get3A_340 = arith.index_cast %add3A_335 : i32 to index
        %get3A_341 = arith.constant 0 : index
        %get3A_342 = tpu.vector_load %arg13[%get3A_340, %get3A_341] {strides = array<i32>} : memref<128x16xf32, #tpu.memory_space<vmem>>, vector<1x16xf32>,
        %get3A_343 = vector.shape_cast %get3A_342 : vector<1x16xf32> to vector<16xf32>
        %add3A_344 = arith.addf %get3A_339, %get3A_343 : vector<16xf32>
        %mul3A_345 = arith.constant 2.000000e-01 : f32
        %mul3A_346 = vector.broadcast %mul3A_345 : f32 to vector<16xf32>
        %mul3A_347 = arith.mulf %add3A_344, %mul3A_346 : vector<16xf32>
        %max3A_348 = arith.maximumf %add3A_344, %mul3A_347 : vector<16xf32>
        %exp3A_349 = math.exp %max3A_348 : vector<16xf32>
        %swap3A_350 = arith.index_cast %add3A_335 : i32 to index
        %swap3A_351 = arith.constant 64 : index
        %swap3A_352 = tpu.vector_load %arg15[%swap3A_350, %swap3A_351] {strides = array<i32>} : memref<128x80xf32, #tpu.memory_space<vmem>>, vector<1x16xf32>,
        %swap3A_353 = vector.shape_cast %swap3A_352 : vector<1x16xf32> to vector<16xf32>
        %swap3A_354 = vector.shape_cast %exp3A_349 : vector<16xf32> to vector<1x16xf32>
        tpu.vector_store %arg15[%swap3A_350, %swap3A_351], %swap3A_354 {strides = array<i32>} : memref<128x80xf32, #tpu.memory_space<vmem>>, vector<1x16xf32>,
        %get3A_355 = arith.index_cast %add3A_335 : i32 to index
        %get3A_356 = arith.constant 0 : index
        %get3A_357 = tpu.vector_load %arg11[%get3A_355, %get3A_356] {strides = array<i32>} : memref<128x80xf32, #tpu.memory_space<vmem>>, vector<1x16xf32>,
        %get3A_358 = vector.shape_cast %get3A_357 : vector<1x16xf32> to vector<16xf32>
        %add3A_359 = arith.constant 0 : i32
        %add3A_360 = vector.broadcast %add3A_359 : i32 to vector<16xi32>
        %add3A_361 = arith.addi %add3A_360, %iota3A : vector<16xi32>
        %shift_right_arithmetic3A_362 = arith.constant 3 : i32
        %shift_right_arithmetic3A_363 = vector.broadcast %shift_right_arithmetic3A_362 : i32 to vector<16xi32>
        %shift_right_arithmetic3A_364 = arith.shrsi %add3A_361, %shift_right_arithmetic3A_363 : vector<16xi32>
        %reshape3A_365 = vector.shape_cast %shift_right_arithmetic3A_364 : vector<16xi32> to vector<16x1xi32>
        %gather3A_366 = vector.shape_cast %reshape3A_365 : vector<16x1xi32> to vector<16xi32>
        %gather3A_367 = tpu.dynamic_gather %exp3A_349[%gather3A_366] in [0] : vector<16xf32>, vector<16xi32> -> vector<16xf32>
        %mul3A_368 = arith.mulf %get3A_358, %gather3A_367 : vector<16xf32>
        %swap3A_369 = arith.index_cast %add3A_335 : i32 to index
        %swap3A_370 = arith.constant 0 : index
        %swap3A_371 = tpu.vector_load %arg15[%swap3A_369, %swap3A_370] {strides = array<i32>} : memref<128x80xf32, #tpu.memory_space<vmem>>, vector<1x16xf32>,
        %swap3A_372 = vector.shape_cast %swap3A_371 : vector<1x16xf32> to vector<16xf32>
        %swap3A_373 = vector.shape_cast %mul3A_368 : vector<16xf32> to vector<1x16xf32>
        tpu.vector_store %arg15[%swap3A_369, %swap3A_370], %swap3A_373 {strides = array<i32>} : memref<128x80xf32, #tpu.memory_space<vmem>>, vector<1x16xf32>,
        %get3A_374 = arith.index_cast %add3A_335 : i32 to index
        %get3A_375 = arith.constant 16 : index
        %get3A_376 = tpu.vector_load %arg11[%get3A_374, %get3A_375] {strides = array<i32>} : memref<128x80xf32, #tpu.memory_space<vmem>>, vector<1x16xf32>,
        %get3A_377 = vector.shape_cast %get3A_376 : vector<1x16xf32> to vector<16xf32>
        %add3A_378 = arith.constant 16 : i32
        %add3A_379 = vector.broadcast %add3A_378 : i32 to vector<16xi32>
        %add3A_380 = arith.addi %add3A_379, %iota3A : vector<16xi32>
        %shift_right_arithmetic3A_381 = arith.constant 3 : i32
        %shift_right_arithmetic3A_382 = vector.broadcast %shift_right_arithmetic3A_381 : i32 to vector<16xi32>
        %shift_right_arithmetic3A_383 = arith.shrsi %add3A_380, %shift_right_arithmetic3A_382 : vector<16xi32>
        %reshape3A_384 = vector.shape_cast %shift_right_arithmetic3A_383 : vector<16xi32> to vector<16x1xi32>
        %gather3A_385 = vector.shape_cast %reshape3A_384 : vector<16x1xi32> to vector<16xi32>
        %gather3A_386 = tpu.dynamic_gather %exp3A_349[%gather3A_385] in [0] : vector<16xf32>, vector<16xi32> -> vector<16xf32>
        %mul3A_387 = arith.mulf %get3A_377, %gather3A_386 : vector<16xf32>
        %swap3A_388 = arith.index_cast %add3A_335 : i32 to index
        %swap3A_389 = arith.constant 16 : index
        %swap3A_390 = tpu.vector_load %arg15[%swap3A_388, %swap3A_389] {strides = array<i32>} : memref<128x80xf32, #tpu.memory_space<vmem>>, vector<1x16xf32>,
        %swap3A_391 = vector.shape_cast %swap3A_390 : vector<1x16xf32> to vector<16xf32>
        %swap3A_392 = vector.shape_cast %mul3A_387 : vector<16xf32> to vector<1x16xf32>
        tpu.vector_store %arg15[%swap3A_388, %swap3A_389], %swap3A_392 {strides = array<i32>} : memref<128x80xf32, #tpu.memory_space<vmem>>, vector<1x16xf32>,
        %get3A_393 = arith.index_cast %add3A_335 : i32 to index
        %get3A_394 = arith.constant 32 : index
        %get3A_395 = tpu.vector_load %arg11[%get3A_393, %get3A_394] {strides = array<i32>} : memref<128x80xf32, #tpu.memory_space<vmem>>, vector<1x16xf32>,
        %get3A_396 = vector.shape_cast %get3A_395 : vector<1x16xf32> to vector<16xf32>
        %add3A_397 = arith.constant 32 : i32
        %add3A_398 = vector.broadcast %add3A_397 : i32 to vector<16xi32>
        %add3A_399 = arith.addi %add3A_398, %iota3A : vector<16xi32>
        %shift_right_arithmetic3A_400 = arith.constant 3 : i32
        %shift_right_arithmetic3A_401 = vector.broadcast %shift_right_arithmetic3A_400 : i32 to vector<16xi32>
        %shift_right_arithmetic3A_402 = arith.shrsi %add3A_399, %shift_right_arithmetic3A_401 : vector<16xi32>
        %reshape3A_403 = vector.shape_cast %shift_right_arithmetic3A_402 : vector<16xi32> to vector<16x1xi32>
        %gather3A_404 = vector.shape_cast %reshape3A_403 : vector<16x1xi32> to vector<16xi32>
        %gather3A_405 = tpu.dynamic_gather %exp3A_349[%gather3A_404] in [0] : vector<16xf32>, vector<16xi32> -> vector<16xf32>
        %mul3A_406 = arith.mulf %get3A_396, %gather3A_405 : vector<16xf32>
        %swap3A_407 = arith.index_cast %add3A_335 : i32 to index
        %swap3A_408 = arith.constant 32 : index
        %swap3A_409 = tpu.vector_load %arg15[%swap3A_407, %swap3A_408] {strides = array<i32>} : memref<128x80xf32, #tpu.memory_space<vmem>>, vector<1x16xf32>,
        %swap3A_410 = vector.shape_cast %swap3A_409 : vector<1x16xf32> to vector<16xf32>
        %swap3A_411 = vector.shape_cast %mul3A_406 : vector<16xf32> to vector<1x16xf32>
        tpu.vector_store %arg15[%swap3A_407, %swap3A_408], %swap3A_411 {strides = array<i32>} : memref<128x80xf32, #tpu.memory_space<vmem>>, vector<1x16xf32>,
        %get3A_412 = arith.index_cast %add3A_335 : i32 to index
        %get3A_413 = arith.constant 48 : index
        %get3A_414 = tpu.vector_load %arg11[%get3A_412, %get3A_413] {strides = array<i32>} : memref<128x80xf32, #tpu.memory_space<vmem>>, vector<1x16xf32>,
        %get3A_415 = vector.shape_cast %get3A_414 : vector<1x16xf32> to vector<16xf32>
        %add3A_416 = arith.constant 48 : i32
        %add3A_417 = vector.broadcast %add3A_416 : i32 to vector<16xi32>
        %add3A_418 = arith.addi %add3A_417, %iota3A : vector<16xi32>
        %shift_right_arithmetic3A_419 = arith.constant 3 : i32
        %shift_right_arithmetic3A_420 = vector.broadcast %shift_right_arithmetic3A_419 : i32 to vector<16xi32>
        %shift_right_arithmetic3A_421 = arith.shrsi %add3A_418, %shift_right_arithmetic3A_420 : vector<16xi32>
        %reshape3A_422 = vector.shape_cast %shift_right_arithmetic3A_421 : vector<16xi32> to vector<16x1xi32>
        %gather3A_423 = vector.shape_cast %reshape3A_422 : vector<16x1xi32> to vector<16xi32>
        %gather3A_424 = tpu.dynamic_gather %exp3A_349[%gather3A_423] in [0] : vector<16xf32>, vector<16xi32> -> vector<16xf32>
        %mul3A_425 = arith.mulf %get3A_415, %gather3A_424 : vector<16xf32>
        %swap3A_426 = arith.index_cast %add3A_335 : i32 to index
        %swap3A_427 = arith.constant 48 : index
        %swap3A_428 = tpu.vector_load %arg15[%swap3A_426, %swap3A_427] {strides = array<i32>} : memref<128x80xf32, #tpu.memory_space<vmem>>, vector<1x16xf32>,
        %swap3A_429 = vector.shape_cast %swap3A_428 : vector<1x16xf32> to vector<16xf32>
        %swap3A_430 = vector.shape_cast %mul3A_425 : vector<16xf32> to vector<1x16xf32>
        tpu.vector_store %arg15[%swap3A_426, %swap3A_427], %swap3A_430 {strides = array<i32>} : memref<128x80xf32, #tpu.memory_space<vmem>>, vector<1x16xf32>,
        %scan3A_431 = arith.constant 0 : i32
        scf.yield %scan3A_431 : i32
      }
      %scan3A_233 = arith.constant 64 : i32
      %dma_start3A_234 = arith.constant 0 : i32
      %dma_start3A_235 = arith.constant 0 : i32
      %dma_start3A_236 = tpu.memref_slice %arg19[%dma_start3A_234, %dma_start3A_235] : memref<12928x80xf32, #tpu.memory_space<vmem_shared>> -> memref<12928x80xf32, #tpu.memory_space<vmem_shared>>
      tpu.enqueue_indirect_dma source(%arg15 : memref<128x80xf32, #tpu.memory_space<vmem>>) target(%dma_start3A_236 : memref<12928x80xf32, #tpu.memory_space<vmem_shared>>) offsets(%arg9 : memref<128xi32, #tpu.memory_space<vmem>>) semaphore(%arg18 : memref<!tpu.dma_semaphore, #tpu.memory_space<semaphore_mem>>) {add = true}
      %scan3A_237 = arith.constant 0 : i32
      scf.yield %scan3A_237 : i32
    }
    %scan3A_49 = arith.constant 208 : i32
    %dma_wait3A = arith.constant 0 : i32
    %dma_wait3A_50 = arith.constant 0 : i32
    %dma_wait3A_51 = tpu.memref_slice %arg19[%dma_wait3A, %dma_wait3A_50] : memref<12928x80xf32, #tpu.memory_space<vmem_shared>> -> memref<12928x80xf32, #tpu.memory_space<vmem_shared>>
    tpu.wait_indirect_dma semaphore(%arg18 : memref<!tpu.dma_semaphore, #tpu.memory_space<semaphore_mem>>) src(%arg14 : memref<128x80xf32, #tpu.memory_space<vmem>>) dst(%dma_wait3A_51 : memref<12928x80xf32, #tpu.memory_space<vmem_shared>>)
    %dma_wait3A_52 = arith.constant 0 : i32
    %dma_wait3A_53 = arith.constant 0 : i32
    %dma_wait3A_54 = tpu.memref_slice %arg19[%dma_wait3A_52, %dma_wait3A_53] : memref<12928x80xf32, #tpu.memory_space<vmem_shared>> -> memref<12928x80xf32, #tpu.memory_space<vmem_shared>>
    tpu.wait_indirect_dma semaphore(%arg18 : memref<!tpu.dma_semaphore, #tpu.memory_space<semaphore_mem>>) src(%arg15 : memref<128x80xf32, #tpu.memory_space<vmem>>) dst(%dma_wait3A_54 : memref<12928x80xf32, #tpu.memory_space<vmem_shared>>)
    %barrier3A_55 = arith.constant 0 : index
    tpu.barrier barrier_id(%barrier3A_55)
    %mul3A_56 = arith.constant 800 : i32
    %mul3A_57 = arith.muli %arg1, %mul3A_56 : i32
    %mul3A_58 = arith.constant 12800 : i32
    %mul3A_59 = arith.muli %add3A_1, %mul3A_58 : i32
    %mul3A_60 = arith.constant 800 : i32
    %mul3A_61 = arith.muli %arg1, %mul3A_60 : i32
    %add3A_62 = arith.addi %mul3A_59, %mul3A_61 : i32
    "tpu.region"() ({
      %run_scoped3A = tpu.sem_alloc : memref<!tpu.dma_semaphore, #tpu.memory_space<semaphore_mem>>
      %dma_start3A_133 = arith.constant 0 : i32
      %dma_start3A_134 = tpu.memref_slice %arg5[%add3A_62, %dma_start3A_133] : memref<51200x80xf32, #tpu.memory_space<hbm>> -> memref<800x80xf32, #tpu.memory_space<hbm>>
      %dma_start3A_135 = arith.constant 0 : i32
      %dma_start3A_136 = tpu.memref_slice %arg19[%mul3A_57, %dma_start3A_135] : memref<12928x80xf32, #tpu.memory_space<vmem_shared>> -> memref<800x80xf32, #tpu.memory_space<vmem_shared>>
      tpu.enqueue_dma source(%dma_start3A_136 : memref<800x80xf32, #tpu.memory_space<vmem_shared>>) target(%dma_start3A_134 : memref<800x80xf32, #tpu.memory_space<hbm>>) target_semaphore(%run_scoped3A : memref<!tpu.dma_semaphore, #tpu.memory_space<semaphore_mem>>)
      %dma_wait3A_137 = arith.constant 0 : i32
      %dma_wait3A_138 = tpu.memref_slice %arg5[%add3A_62, %dma_wait3A_137] : memref<51200x80xf32, #tpu.memory_space<hbm>> -> memref<800x80xf32, #tpu.memory_space<hbm>>
      %dma_wait3A_139 = arith.constant 0 : i32
      %dma_wait3A_140 = tpu.memref_slice %arg19[%mul3A_57, %dma_wait3A_139] : memref<12928x80xf32, #tpu.memory_space<vmem_shared>> -> memref<800x80xf32, #tpu.memory_space<vmem_shared>>
      tpu.wait_dma2 semaphore(%run_scoped3A : memref<!tpu.dma_semaphore, #tpu.memory_space<semaphore_mem>>) src(%dma_wait3A_140 : memref<800x80xf32, #tpu.memory_space<vmem_shared>>) dst(%dma_wait3A_138 : memref<800x80xf32, #tpu.memory_space<hbm>>)
      tpu.yield
    }) : () -> ()
    %barrier3A_63 = arith.constant 0 : index
    tpu.barrier barrier_id(%barrier3A_63)
    %add3A_64 = arith.constant 2 : i32
    %add3A_65 = arith.addi %arg0, %add3A_64 : i32
    %scan3A_66 = arith.constant 0 : i32
    %scan3A_67 = arith.constant 0 : i32
    %scan3A_68 = arith.constant 128 : i32
    %scan3A_69 = arith.addi %scan3A_67, %scan3A_68 : i32
    %scan3A_70 = arith.constant 1 : i32
    %scan3A_71 = scf.for %scan3A_133 = %scan3A_67 to %scan3A_69 step %scan3A_70 iter_args(%scan3A_134 = %scan3A_66) -> (i32)  : i32 {
      %swap3A = arith.index_cast %scan3A_133 : i32 to index
      %swap3A_135 = arith.constant 0 : index
      %swap3A_136 = tpu.vector_load %arg14[%swap3A, %swap3A_135] {strides = array<i32>} : memref<128x80xf32, #tpu.memory_space<vmem>>, vector<1x16xf32>,
      %swap3A_137 = vector.shape_cast %swap3A_136 : vector<1x16xf32> to vector<16xf32>
      %swap3A_138 = vector.shape_cast %broadcast_in_dim3A_0 : vector<16xf32> to vector<1x16xf32>
      tpu.vector_store %arg14[%swap3A, %swap3A_135], %swap3A_138 {strides = array<i32>} : memref<128x80xf32, #tpu.memory_space<vmem>>, vector<1x16xf32>,
      %swap3A_139 = arith.index_cast %scan3A_133 : i32 to index
      %swap3A_140 = arith.constant 16 : index
      %swap3A_141 = tpu.vector_load %arg14[%swap3A_139, %swap3A_140] {strides = array<i32>} : memref<128x80xf32, #tpu.memory_space<vmem>>, vector<1x16xf32>,
      %swap3A_142 = vector.shape_cast %swap3A_141 : vector<1x16xf32> to vector<16xf32>
      %swap3A_143 = vector.shape_cast %broadcast_in_dim3A_0 : vector<16xf32> to vector<1x16xf32>
      tpu.vector_store %arg14[%swap3A_139, %swap3A_140], %swap3A_143 {strides = array<i32>} : memref<128x80xf32, #tpu.memory_space<vmem>>, vector<1x16xf32>,
      %swap3A_144 = arith.index_cast %scan3A_133 : i32 to index
      %swap3A_145 = arith.constant 32 : index
      %swap3A_146 = tpu.vector_load %arg14[%swap3A_144, %swap3A_145] {strides = array<i32>} : memref<128x80xf32, #tpu.memory_space<vmem>>, vector<1x16xf32>,
      %swap3A_147 = vector.shape_cast %swap3A_146 : vector<1x16xf32> to vector<16xf32>
      %swap3A_148 = vector.shape_cast %broadcast_in_dim3A_0 : vector<16xf32> to vector<1x16xf32>
      tpu.vector_store %arg14[%swap3A_144, %swap3A_145], %swap3A_148 {strides = array<i32>} : memref<128x80xf32, #tpu.memory_space<vmem>>, vector<1x16xf32>,
      %swap3A_149 = arith.index_cast %scan3A_133 : i32 to index
      %swap3A_150 = arith.constant 48 : index
      %swap3A_151 = tpu.vector_load %arg14[%swap3A_149, %swap3A_150] {strides = array<i32>} : memref<128x80xf32, #tpu.memory_space<vmem>>, vector<1x16xf32>,
      %swap3A_152 = vector.shape_cast %swap3A_151 : vector<1x16xf32> to vector<16xf32>
      %swap3A_153 = vector.shape_cast %broadcast_in_dim3A_0 : vector<16xf32> to vector<1x16xf32>
      tpu.vector_store %arg14[%swap3A_149, %swap3A_150], %swap3A_153 {strides = array<i32>} : memref<128x80xf32, #tpu.memory_space<vmem>>, vector<1x16xf32>,
      %swap3A_154 = arith.index_cast %scan3A_133 : i32 to index
      %swap3A_155 = arith.constant 64 : index
      %swap3A_156 = tpu.vector_load %arg14[%swap3A_154, %swap3A_155] {strides = array<i32>} : memref<128x80xf32, #tpu.memory_space<vmem>>, vector<1x16xf32>,
      %swap3A_157 = vector.shape_cast %swap3A_156 : vector<1x16xf32> to vector<16xf32>
      %swap3A_158 = vector.shape_cast %broadcast_in_dim3A_0 : vector<16xf32> to vector<1x16xf32>
      tpu.vector_store %arg14[%swap3A_154, %swap3A_155], %swap3A_158 {strides = array<i32>} : memref<128x80xf32, #tpu.memory_space<vmem>>, vector<1x16xf32>,
      %scan3A_159 = arith.constant 0 : i32
      scf.yield %scan3A_159 : i32
    }
    %scan3A_72 = arith.constant 128 : i32
    %mul3A_73 = arith.constant 808 : i32
    %mul3A_74 = arith.muli %arg1, %mul3A_73 : i32
    %scan3A_75 = arith.constant 0 : i32
    %scan3A_76 = arith.constant 0 : i32
    %scan3A_77 = arith.constant 6 : i32
    %scan3A_78 = arith.addi %scan3A_76, %scan3A_77 : i32
    %scan3A_79 = arith.constant 1 : i32
    %scan3A_80 = scf.for %scan3A_133 = %scan3A_76 to %scan3A_78 step %scan3A_79 iter_args(%scan3A_134 = %scan3A_75) -> (i32)  : i32 {
      %mul3A_135 = arith.constant 128 : i32
      %mul3A_136 = arith.muli %scan3A_133, %mul3A_135 : i32
      %add3A_137 = arith.addi %mul3A_74, %mul3A_136 : i32
      "tpu.region"() ({
        %run_scoped3A = tpu.sem_alloc : memref<!tpu.dma_semaphore, #tpu.memory_space<semaphore_mem>>
        %dma_start3A_139 = arith.constant 0 : i32
        %dma_start3A_140 = tpu.memref_slice %arg19[%add3A_137, %dma_start3A_139] : memref<12928x80xf32, #tpu.memory_space<vmem_shared>> -> memref<128x80xf32, #tpu.memory_space<vmem_shared>>
        %dma_start3A_141 = arith.constant 0 : i32
        %dma_start3A_142 = tpu.memref_slice %arg19[%add3A_137, %dma_start3A_141] : memref<12928x80xf32, #tpu.memory_space<vmem_shared>> -> memref<128x80xf32, #tpu.memory_space<vmem_shared>>
        tpu.enqueue_dma source(%arg14 : memref<128x80xf32, #tpu.memory_space<vmem>>) target(%dma_start3A_142 : memref<128x80xf32, #tpu.memory_space<vmem_shared>>) target_semaphore(%run_scoped3A : memref<!tpu.dma_semaphore, #tpu.memory_space<semaphore_mem>>)
        %dma_wait3A_143 = arith.constant 0 : i32
        %dma_wait3A_144 = tpu.memref_slice %arg19[%add3A_137, %dma_wait3A_143] : memref<12928x80xf32, #tpu.memory_space<vmem_shared>> -> memref<128x80xf32, #tpu.memory_space<vmem_shared>>
        %dma_wait3A_145 = arith.constant 0 : i32
        %dma_wait3A_146 = tpu.memref_slice %arg19[%add3A_137, %dma_wait3A_145] : memref<12928x80xf32, #tpu.memory_space<vmem_shared>> -> memref<128x80xf32, #tpu.memory_space<vmem_shared>>
        tpu.wait_dma2 semaphore(%run_scoped3A : memref<!tpu.dma_semaphore, #tpu.memory_space<semaphore_mem>>) src(%arg14 : memref<128x80xf32, #tpu.memory_space<vmem>>) dst(%dma_wait3A_146 : memref<128x80xf32, #tpu.memory_space<vmem_shared>>)
        tpu.yield
      }) : () -> ()
      %scan3A_138 = arith.constant 0 : i32
      scf.yield %scan3A_138 : i32
    }
    %scan3A_81 = arith.constant 6 : i32
    %add3A_82 = arith.constant 768 : i32
    %add3A_83 = arith.addi %mul3A_74, %add3A_82 : i32
    "tpu.region"() ({
      %run_scoped3A = tpu.sem_alloc : memref<!tpu.dma_semaphore, #tpu.memory_space<semaphore_mem>>
      %dma_start3A_133 = arith.constant 0 : i32
      %dma_start3A_134 = arith.constant 0 : i32
      %dma_start3A_135 = tpu.memref_slice %arg14[%dma_start3A_133, %dma_start3A_134] : memref<128x80xf32, #tpu.memory_space<vmem>> -> memref<40x80xf32, #tpu.memory_space<vmem>>
      %dma_start3A_136 = arith.constant 0 : i32
      %dma_start3A_137 = tpu.memref_slice %arg19[%add3A_83, %dma_start3A_136] : memref<12928x80xf32, #tpu.memory_space<vmem_shared>> -> memref<40x80xf32, #tpu.memory_space<vmem_shared>>
      %dma_start3A_138 = arith.constant 0 : i32
      %dma_start3A_139 = tpu.memref_slice %arg19[%add3A_83, %dma_start3A_138] : memref<12928x80xf32, #tpu.memory_space<vmem_shared>> -> memref<40x80xf32, #tpu.memory_space<vmem_shared>>
      %dma_start3A_140 = arith.constant 0 : i32
      %dma_start3A_141 = arith.constant 0 : i32
      %dma_start3A_142 = tpu.memref_slice %arg14[%dma_start3A_140, %dma_start3A_141] : memref<128x80xf32, #tpu.memory_space<vmem>> -> memref<40x80xf32, #tpu.memory_space<vmem>>
      tpu.enqueue_dma source(%dma_start3A_142 : memref<40x80xf32, #tpu.memory_space<vmem>>) target(%dma_start3A_139 : memref<40x80xf32, #tpu.memory_space<vmem_shared>>) target_semaphore(%run_scoped3A : memref<!tpu.dma_semaphore, #tpu.memory_space<semaphore_mem>>)
      %dma_wait3A_143 = arith.constant 0 : i32
      %dma_wait3A_144 = arith.constant 0 : i32
      %dma_wait3A_145 = tpu.memref_slice %arg14[%dma_wait3A_143, %dma_wait3A_144] : memref<128x80xf32, #tpu.memory_space<vmem>> -> memref<40x80xf32, #tpu.memory_space<vmem>>
      %dma_wait3A_146 = arith.constant 0 : i32
      %dma_wait3A_147 = tpu.memref_slice %arg19[%add3A_83, %dma_wait3A_146] : memref<12928x80xf32, #tpu.memory_space<vmem_shared>> -> memref<40x80xf32, #tpu.memory_space<vmem_shared>>
      %dma_wait3A_148 = arith.constant 0 : i32
      %dma_wait3A_149 = tpu.memref_slice %arg19[%add3A_83, %dma_wait3A_148] : memref<12928x80xf32, #tpu.memory_space<vmem_shared>> -> memref<40x80xf32, #tpu.memory_space<vmem_shared>>
      %dma_wait3A_150 = arith.constant 0 : i32
      %dma_wait3A_151 = arith.constant 0 : i32
      %dma_wait3A_152 = tpu.memref_slice %arg14[%dma_wait3A_150, %dma_wait3A_151] : memref<128x80xf32, #tpu.memory_space<vmem>> -> memref<40x80xf32, #tpu.memory_space<vmem>>
      tpu.wait_dma2 semaphore(%run_scoped3A : memref<!tpu.dma_semaphore, #tpu.memory_space<semaphore_mem>>) src(%dma_wait3A_152 : memref<40x80xf32, #tpu.memory_space<vmem>>) dst(%dma_wait3A_149 : memref<40x80xf32, #tpu.memory_space<vmem_shared>>)
      tpu.yield
    }) : () -> ()
    %barrier3A_84 = arith.constant 0 : index
    tpu.barrier barrier_id(%barrier3A_84)
    %mul3A_85 = arith.constant 416 : i32
    %mul3A_86 = arith.muli %arg1, %mul3A_85 : i32
    "tpu.region"() ({
      %run_scoped3A = tpu.sem_alloc : memref<!tpu.dma_semaphore, #tpu.memory_space<semaphore_mem>>
      %dma_start3A_133 = arith.constant 0 : i32
      %dma_start3A_134 = arith.constant 0 : i32
      %dma_start3A_135 = tpu.memref_slice %arg2[%mul3A_86, %dma_start3A_133, %dma_start3A_134] : memref<6656x2x128xi32, #tpu.memory_space<hbm>> -> memref<1x2x128xi32, #tpu.memory_space<hbm>>
      %dma_start3A_136 = tpu.memref_squeeze %dma_start3A_135 : memref<1x2x128xi32, #tpu.memory_space<hbm>> -> memref<2x128xi32, #tpu.memory_space<hbm>>
      %dma_start3A_137 = arith.constant 0 : i32
      %dma_start3A_138 = arith.constant 0 : i32
      %dma_start3A_139 = tpu.memref_slice %arg2[%mul3A_86, %dma_start3A_137, %dma_start3A_138] : memref<6656x2x128xi32, #tpu.memory_space<hbm>> -> memref<1x2x128xi32, #tpu.memory_space<hbm>>
      %dma_start3A_140 = tpu.memref_squeeze %dma_start3A_139 : memref<1x2x128xi32, #tpu.memory_space<hbm>> -> memref<2x128xi32, #tpu.memory_space<hbm>>
      tpu.enqueue_dma source(%dma_start3A_140 : memref<2x128xi32, #tpu.memory_space<hbm>>) target(%arg6 : memref<2x128xi32, #tpu.memory_space<vmem>>) target_semaphore(%run_scoped3A : memref<!tpu.dma_semaphore, #tpu.memory_space<semaphore_mem>>)
      %dma_wait3A_141 = arith.constant 0 : i32
      %dma_wait3A_142 = arith.constant 0 : i32
      %dma_wait3A_143 = tpu.memref_slice %arg2[%mul3A_86, %dma_wait3A_141, %dma_wait3A_142] : memref<6656x2x128xi32, #tpu.memory_space<hbm>> -> memref<1x2x128xi32, #tpu.memory_space<hbm>>
      %dma_wait3A_144 = tpu.memref_squeeze %dma_wait3A_143 : memref<1x2x128xi32, #tpu.memory_space<hbm>> -> memref<2x128xi32, #tpu.memory_space<hbm>>
      %dma_wait3A_145 = arith.constant 0 : i32
      %dma_wait3A_146 = arith.constant 0 : i32
      %dma_wait3A_147 = tpu.memref_slice %arg2[%mul3A_86, %dma_wait3A_145, %dma_wait3A_146] : memref<6656x2x128xi32, #tpu.memory_space<hbm>> -> memref<1x2x128xi32, #tpu.memory_space<hbm>>
      %dma_wait3A_148 = tpu.memref_squeeze %dma_wait3A_147 : memref<1x2x128xi32, #tpu.memory_space<hbm>> -> memref<2x128xi32, #tpu.memory_space<hbm>>
      tpu.wait_dma2 semaphore(%run_scoped3A : memref<!tpu.dma_semaphore, #tpu.memory_space<semaphore_mem>>) src(%dma_wait3A_148 : memref<2x128xi32, #tpu.memory_space<hbm>>) dst(%arg6 : memref<2x128xi32, #tpu.memory_space<vmem>>)
      tpu.yield
    }) : () -> ()
    %dma_start3A_87 = arith.constant 0 : i32
    %dma_start3A_88 = arith.constant 0 : i32
    %dma_start3A_89 = tpu.memref_slice %arg6[%dma_start3A_87, %dma_start3A_88] : memref<2x128xi32, #tpu.memory_space<vmem>> -> memref<1x128xi32, #tpu.memory_space<vmem>>
    %dma_start3A_90 = tpu.memref_squeeze %dma_start3A_89 : memref<1x128xi32, #tpu.memory_space<vmem>> -> memref<128xi32, #tpu.memory_space<vmem>>
    %dma_start3A_91 = arith.constant 0 : i32
    %dma_start3A_92 = arith.constant 0 : i32
    %dma_start3A_93 = tpu.memref_slice %arg3[%dma_start3A_91, %dma_start3A_92] : memref<50048x80xf32, #tpu.memory_space<hbm>> -> memref<50048x80xf32, #tpu.memory_space<hbm>>
    tpu.enqueue_indirect_dma source(%dma_start3A_93 : memref<50048x80xf32, #tpu.memory_space<hbm>>) target(%arg10 : memref<128x80xf32, #tpu.memory_space<vmem>>) offsets(%dma_start3A_90 : memref<128xi32, #tpu.memory_space<vmem>>) semaphore(%arg16 : memref<!tpu.dma_semaphore, #tpu.memory_space<semaphore_mem>>)
    %dma_start3A_94 = arith.constant 1 : i32
    %dma_start3A_95 = arith.constant 0 : i32
    %dma_start3A_96 = tpu.memref_slice %arg6[%dma_start3A_94, %dma_start3A_95] : memref<2x128xi32, #tpu.memory_space<vmem>> -> memref<1x128xi32, #tpu.memory_space<vmem>>
    %dma_start3A_97 = tpu.memref_squeeze %dma_start3A_96 : memref<1x128xi32, #tpu.memory_space<vmem>> -> memref<128xi32, #tpu.memory_space<vmem>>
    %dma_start3A_98 = arith.constant 0 : i32
    %dma_start3A_99 = arith.constant 0 : i32
    %dma_start3A_100 = tpu.memref_slice %arg4[%dma_start3A_98, %dma_start3A_99] : memref<50048x16xf32, #tpu.memory_space<hbm>> -> memref<50048x16xf32, #tpu.memory_space<hbm>>
    tpu.enqueue_indirect_dma source(%dma_start3A_100 : memref<50048x16xf32, #tpu.memory_space<hbm>>) target(%arg12 : memref<128x16xf32, #tpu.memory_space<vmem>>) offsets(%dma_start3A_97 : memref<128xi32, #tpu.memory_space<vmem>>) semaphore(%arg16 : memref<!tpu.dma_semaphore, #tpu.memory_space<semaphore_mem>>)
    %add3A_101 = arith.constant 1 : i32
    %add3A_102 = arith.addi %mul3A_86, %add3A_101 : i32
    %dma_start3A_103 = arith.constant 0 : i32
    %dma_start3A_104 = arith.constant 0 : i32
    %dma_start3A_105 = tpu.memref_slice %arg2[%add3A_102, %dma_start3A_103, %dma_start3A_104] : memref<6656x2x128xi32, #tpu.memory_space<hbm>> -> memref<1x2x128xi32, #tpu.memory_space<hbm>>
    %dma_start3A_106 = tpu.memref_squeeze %dma_start3A_105 : memref<1x2x128xi32, #tpu.memory_space<hbm>> -> memref<2x128xi32, #tpu.memory_space<hbm>>
    %dma_start3A_107 = arith.constant 0 : i32
    %dma_start3A_108 = arith.constant 0 : i32
    %dma_start3A_109 = tpu.memref_slice %arg2[%add3A_102, %dma_start3A_107, %dma_start3A_108] : memref<6656x2x128xi32, #tpu.memory_space<hbm>> -> memref<1x2x128xi32, #tpu.memory_space<hbm>>
    %dma_start3A_110 = tpu.memref_squeeze %dma_start3A_109 : memref<1x2x128xi32, #tpu.memory_space<hbm>> -> memref<2x128xi32, #tpu.memory_space<hbm>>
    tpu.enqueue_dma source(%dma_start3A_110 : memref<2x128xi32, #tpu.memory_space<hbm>>) target(%arg7 : memref<2x128xi32, #tpu.memory_space<vmem>>) target_semaphore(%arg17 : memref<!tpu.dma_semaphore, #tpu.memory_space<semaphore_mem>>)
    %scan3A_111 = arith.constant 0 : i32
    %scan3A_112 = arith.constant 0 : i32
    %scan3A_113 = arith.constant 208 : i32
    %scan3A_114 = arith.addi %scan3A_112, %scan3A_113 : i32
    %scan3A_115 = arith.constant 1 : i32
    %scan3A_116 = scf.for %scan3A_133 = %scan3A_112 to %scan3A_114 step %scan3A_115 iter_args(%scan3A_134 = %scan3A_111) -> (i32)  : i32 {
      %mul3A_135 = arith.constant 2 : i32
      %mul3A_136 = arith.muli %mul3A_135, %scan3A_133 : i32
      %dma_wait3A_137 = arith.constant 0 : i32
      %dma_wait3A_138 = arith.constant 0 : i32
      %dma_wait3A_139 = tpu.memref_slice %arg6[%dma_wait3A_137, %dma_wait3A_138] : memref<2x128xi32, #tpu.memory_space<vmem>> -> memref<1x128xi32, #tpu.memory_space<vmem>>
      %dma_wait3A_140 = tpu.memref_squeeze %dma_wait3A_139 : memref<1x128xi32, #tpu.memory_space<vmem>> -> memref<128xi32, #tpu.memory_space<vmem>>
      %dma_wait3A_141 = arith.constant 0 : i32
      %dma_wait3A_142 = arith.constant 0 : i32
      %dma_wait3A_143 = tpu.memref_slice %arg3[%dma_wait3A_141, %dma_wait3A_142] : memref<50048x80xf32, #tpu.memory_space<hbm>> -> memref<50048x80xf32, #tpu.memory_space<hbm>>
      tpu.wait_indirect_dma semaphore(%arg16 : memref<!tpu.dma_semaphore, #tpu.memory_space<semaphore_mem>>) src(%dma_wait3A_143 : memref<50048x80xf32, #tpu.memory_space<hbm>>) dst(%arg10 : memref<128x80xf32, #tpu.memory_space<vmem>>)
      %dma_wait3A_144 = arith.constant 1 : i32
      %dma_wait3A_145 = arith.constant 0 : i32
      %dma_wait3A_146 = tpu.memref_slice %arg6[%dma_wait3A_144, %dma_wait3A_145] : memref<2x128xi32, #tpu.memory_space<vmem>> -> memref<1x128xi32, #tpu.memory_space<vmem>>
      %dma_wait3A_147 = tpu.memref_squeeze %dma_wait3A_146 : memref<1x128xi32, #tpu.memory_space<vmem>> -> memref<128xi32, #tpu.memory_space<vmem>>
      %dma_wait3A_148 = arith.constant 0 : i32
      %dma_wait3A_149 = arith.constant 0 : i32
      %dma_wait3A_150 = tpu.memref_slice %arg4[%dma_wait3A_148, %dma_wait3A_149] : memref<50048x16xf32, #tpu.memory_space<hbm>> -> memref<50048x16xf32, #tpu.memory_space<hbm>>
      tpu.wait_indirect_dma semaphore(%arg16 : memref<!tpu.dma_semaphore, #tpu.memory_space<semaphore_mem>>) src(%dma_wait3A_150 : memref<50048x16xf32, #tpu.memory_space<hbm>>) dst(%arg12 : memref<128x16xf32, #tpu.memory_space<vmem>>)
      %ge3A = arith.constant 2 : i32
      %ge3A_151 = arith.cmpi sge, %mul3A_136, %ge3A : i32
      %convert_element_type3A = arith.extui %ge3A_151 : i1 to i32
      %cond3A = arith.constant 0 : i32
      %cond3A_152 = arith.cmpi ne, %convert_element_type3A, %cond3A : i32
      scf.if %cond3A_152 {
        %dma_wait3A_238 = arith.constant 0 : i32
        %dma_wait3A_239 = arith.constant 0 : i32
        %dma_wait3A_240 = tpu.memref_slice %arg19[%dma_wait3A_238, %dma_wait3A_239] : memref<12928x80xf32, #tpu.memory_space<vmem_shared>> -> memref<12928x80xf32, #tpu.memory_space<vmem_shared>>
        tpu.wait_indirect_dma semaphore(%arg18 : memref<!tpu.dma_semaphore, #tpu.memory_space<semaphore_mem>>) src(%arg14 : memref<128x80xf32, #tpu.memory_space<vmem>>) dst(%dma_wait3A_240 : memref<12928x80xf32, #tpu.memory_space<vmem_shared>>)
      } else {
      }
      %scan3A_153 = arith.constant 0 : i32
      %scan3A_154 = arith.constant 0 : i32
      %scan3A_155 = arith.constant 8 : i32
      %scan3A_156 = arith.addi %scan3A_154, %scan3A_155 : i32
      %scan3A_157 = arith.constant 1 : i32
      %scan3A_158 = scf.for %scan3A_238 = %scan3A_154 to %scan3A_156 step %scan3A_157 iter_args(%scan3A_239 = %scan3A_153) -> (i32)  : i32 {
        %mul3A_240 = arith.constant 16 : i32
        %mul3A_241 = arith.muli %scan3A_238, %mul3A_240 : i32
        %get3A = arith.constant 1 : i32
        %get3A_242 = arith.index_cast %get3A : i32 to index
        %get3A_243 = arith.index_cast %mul3A_241 : i32 to index
        %get3A_244 = tpu.vector_load %arg6[%get3A_242, %get3A_243] {strides = array<i32>} : memref<2x128xi32, #tpu.memory_space<vmem>>, vector<1x16xi32>,
        %get3A_245 = vector.shape_cast %get3A_244 : vector<1x16xi32> to vector<16xi32>
        %mul3A_246 = arith.constant 12800 : i32
        %mul3A_247 = arith.muli %add3A_65, %mul3A_246 : i32
        %sub3A = vector.broadcast %mul3A_247 : i32 to vector<16xi32>
        %sub3A_248 = arith.subi %get3A_245, %sub3A : vector<16xi32>
        %lt3A_249 = arith.constant 0 : i32
        %lt3A_250 = vector.broadcast %lt3A_249 : i32 to vector<16xi32>
        %lt3A_251 = arith.cmpi slt, %sub3A_248, %lt3A_250 : vector<16xi32>
        %ge3A_252 = arith.constant 12800 : i32
        %ge3A_253 = vector.broadcast %ge3A_252 : i32 to vector<16xi32>
        %ge3A_254 = arith.cmpi sge, %sub3A_248, %ge3A_253 : vector<16xi32>
        %or3A = arith.ori %lt3A_251, %ge3A_254 : vector<16xi1>
        %jit3A = arith.constant 12800 : i32
        %broadcast_in_dim3A_255 = vector.broadcast %jit3A : i32 to vector<16xi32>
        %select_n3A = arith.select %or3A, %broadcast_in_dim3A_255, %sub3A_248 : vector<16xi1>, vector<16xi32>
        %mul3A_256 = arith.constant 16 : i32
        %mul3A_257 = arith.muli %scan3A_238, %mul3A_256 : i32
        %swap3A = arith.index_cast %mul3A_257 : i32 to index
        %swap3A_258 = tpu.vector_load %arg8[%swap3A] {strides = array<i32>} : memref<128xi32, #tpu.memory_space<vmem>>, vector<16xi32>,
        %swap3A_259 = vector.shape_cast %swap3A_258 : vector<16xi32> to vector<16xi32>
        %swap3A_260 = vector.shape_cast %select_n3A : vector<16xi32> to vector<16xi32>
        tpu.vector_store %arg8[%swap3A], %swap3A_260 {strides = array<i32>} : memref<128xi32, #tpu.memory_space<vmem>>, vector<16xi32>,
        %scan3A_261 = arith.constant 0 : i32
        scf.yield %scan3A_261 : i32
      }
      %scan3A_159 = arith.constant 8 : i32
      %add3A_160 = arith.constant 1 : i32
      %add3A_161 = arith.addi %mul3A_136, %add3A_160 : i32
      %lt3A = arith.constant 416 : i32
      %lt3A_162 = arith.cmpi slt, %add3A_161, %lt3A : i32
      %convert_element_type3A_163 = arith.extui %lt3A_162 : i1 to i32
      %cond3A_164 = arith.constant 0 : i32
      %cond3A_165 = arith.cmpi ne, %convert_element_type3A_163, %cond3A_164 : i32
      scf.if %cond3A_165 {
        %dma_wait3A_238 = arith.constant 0 : i32
        %dma_wait3A_239 = arith.constant 0 : i32
        %dma_wait3A_240 = tpu.memref_slice %arg2[%mul3A_86, %dma_wait3A_238, %dma_wait3A_239] : memref<6656x2x128xi32, #tpu.memory_space<hbm>> -> memref<1x2x128xi32, #tpu.memory_space<hbm>>
        %dma_wait3A_241 = tpu.memref_squeeze %dma_wait3A_240 : memref<1x2x128xi32, #tpu.memory_space<hbm>> -> memref<2x128xi32, #tpu.memory_space<hbm>>
        %dma_wait3A_242 = arith.constant 0 : i32
        %dma_wait3A_243 = arith.constant 0 : i32
        %dma_wait3A_244 = tpu.memref_slice %arg2[%mul3A_86, %dma_wait3A_242, %dma_wait3A_243] : memref<6656x2x128xi32, #tpu.memory_space<hbm>> -> memref<1x2x128xi32, #tpu.memory_space<hbm>>
        %dma_wait3A_245 = tpu.memref_squeeze %dma_wait3A_244 : memref<1x2x128xi32, #tpu.memory_space<hbm>> -> memref<2x128xi32, #tpu.memory_space<hbm>>
        tpu.wait_dma2 semaphore(%arg17 : memref<!tpu.dma_semaphore, #tpu.memory_space<semaphore_mem>>) src(%dma_wait3A_245 : memref<2x128xi32, #tpu.memory_space<hbm>>) dst(%arg7 : memref<2x128xi32, #tpu.memory_space<vmem>>)
        %dma_start3A_246 = arith.constant 0 : i32
        %dma_start3A_247 = arith.constant 0 : i32
        %dma_start3A_248 = tpu.memref_slice %arg7[%dma_start3A_246, %dma_start3A_247] : memref<2x128xi32, #tpu.memory_space<vmem>> -> memref<1x128xi32, #tpu.memory_space<vmem>>
        %dma_start3A_249 = tpu.memref_squeeze %dma_start3A_248 : memref<1x128xi32, #tpu.memory_space<vmem>> -> memref<128xi32, #tpu.memory_space<vmem>>
        %dma_start3A_250 = arith.constant 0 : i32
        %dma_start3A_251 = arith.constant 0 : i32
        %dma_start3A_252 = tpu.memref_slice %arg3[%dma_start3A_250, %dma_start3A_251] : memref<50048x80xf32, #tpu.memory_space<hbm>> -> memref<50048x80xf32, #tpu.memory_space<hbm>>
        tpu.enqueue_indirect_dma source(%dma_start3A_252 : memref<50048x80xf32, #tpu.memory_space<hbm>>) target(%arg11 : memref<128x80xf32, #tpu.memory_space<vmem>>) offsets(%dma_start3A_249 : memref<128xi32, #tpu.memory_space<vmem>>) semaphore(%arg16 : memref<!tpu.dma_semaphore, #tpu.memory_space<semaphore_mem>>)
        %dma_start3A_253 = arith.constant 1 : i32
        %dma_start3A_254 = arith.constant 0 : i32
        %dma_start3A_255 = tpu.memref_slice %arg7[%dma_start3A_253, %dma_start3A_254] : memref<2x128xi32, #tpu.memory_space<vmem>> -> memref<1x128xi32, #tpu.memory_space<vmem>>
        %dma_start3A_256 = tpu.memref_squeeze %dma_start3A_255 : memref<1x128xi32, #tpu.memory_space<vmem>> -> memref<128xi32, #tpu.memory_space<vmem>>
        %dma_start3A_257 = arith.constant 0 : i32
        %dma_start3A_258 = arith.constant 0 : i32
        %dma_start3A_259 = tpu.memref_slice %arg4[%dma_start3A_257, %dma_start3A_258] : memref<50048x16xf32, #tpu.memory_space<hbm>> -> memref<50048x16xf32, #tpu.memory_space<hbm>>
        tpu.enqueue_indirect_dma source(%dma_start3A_259 : memref<50048x16xf32, #tpu.memory_space<hbm>>) target(%arg13 : memref<128x16xf32, #tpu.memory_space<vmem>>) offsets(%dma_start3A_256 : memref<128xi32, #tpu.memory_space<vmem>>) semaphore(%arg16 : memref<!tpu.dma_semaphore, #tpu.memory_space<semaphore_mem>>)
      } else {
      }
      %add3A_166 = arith.constant 2 : i32
      %add3A_167 = arith.addi %mul3A_136, %add3A_166 : i32
      %lt3A_168 = arith.constant 416 : i32
      %lt3A_169 = arith.cmpi slt, %add3A_167, %lt3A_168 : i32
      %convert_element_type3A_170 = arith.extui %lt3A_169 : i1 to i32
      %cond3A_171 = arith.constant 0 : i32
      %cond3A_172 = arith.cmpi ne, %convert_element_type3A_170, %cond3A_171 : i32
      scf.if %cond3A_172 {
        %add3A_238 = arith.constant 2 : i32
        %add3A_239 = arith.addi %mul3A_136, %add3A_238 : i32
        %add3A_240 = arith.addi %mul3A_86, %add3A_239 : i32
        %dma_start3A_241 = arith.constant 0 : i32
        %dma_start3A_242 = arith.constant 0 : i32
        %dma_start3A_243 = tpu.memref_slice %arg2[%add3A_240, %dma_start3A_241, %dma_start3A_242] : memref<6656x2x128xi32, #tpu.memory_space<hbm>> -> memref<1x2x128xi32, #tpu.memory_space<hbm>>
        %dma_start3A_244 = tpu.memref_squeeze %dma_start3A_243 : memref<1x2x128xi32, #tpu.memory_space<hbm>> -> memref<2x128xi32, #tpu.memory_space<hbm>>
        %dma_start3A_245 = arith.constant 0 : i32
        %dma_start3A_246 = arith.constant 0 : i32
        %dma_start3A_247 = tpu.memref_slice %arg2[%add3A_240, %dma_start3A_245, %dma_start3A_246] : memref<6656x2x128xi32, #tpu.memory_space<hbm>> -> memref<1x2x128xi32, #tpu.memory_space<hbm>>
        %dma_start3A_248 = tpu.memref_squeeze %dma_start3A_247 : memref<1x2x128xi32, #tpu.memory_space<hbm>> -> memref<2x128xi32, #tpu.memory_space<hbm>>
        tpu.enqueue_dma source(%dma_start3A_248 : memref<2x128xi32, #tpu.memory_space<hbm>>) target(%arg6 : memref<2x128xi32, #tpu.memory_space<vmem>>) target_semaphore(%arg17 : memref<!tpu.dma_semaphore, #tpu.memory_space<semaphore_mem>>)
      } else {
      }
      %scan3A_173 = arith.constant 0 : i32
      %scan3A_174 = arith.constant 0 : i32
      %scan3A_175 = arith.constant 64 : i32
      %scan3A_176 = arith.addi %scan3A_174, %scan3A_175 : i32
      %scan3A_177 = arith.constant 1 : i32
      %scan3A_178 = scf.for %scan3A_238 = %scan3A_174 to %scan3A_176 step %scan3A_177 iter_args(%scan3A_239 = %scan3A_173) -> (i32)  : i32 {
        %mul3A_240 = arith.constant 2 : i32
        %mul3A_241 = arith.muli %mul3A_240, %scan3A_238 : i32
        %add3A_242 = arith.constant 0 : i32
        %add3A_243 = arith.addi %mul3A_241, %add3A_242 : i32
        %get3A = arith.index_cast %add3A_243 : i32 to index
        %get3A_244 = arith.constant 64 : index
        %get3A_245 = tpu.vector_load %arg10[%get3A, %get3A_244] {strides = array<i32>} : memref<128x80xf32, #tpu.memory_space<vmem>>, vector<1x16xf32>,
        %get3A_246 = vector.shape_cast %get3A_245 : vector<1x16xf32> to vector<16xf32>
        %get3A_247 = arith.index_cast %add3A_243 : i32 to index
        %get3A_248 = arith.constant 0 : index
        %get3A_249 = tpu.vector_load %arg12[%get3A_247, %get3A_248] {strides = array<i32>} : memref<128x16xf32, #tpu.memory_space<vmem>>, vector<1x16xf32>,
        %get3A_250 = vector.shape_cast %get3A_249 : vector<1x16xf32> to vector<16xf32>
        %add3A_251 = arith.addf %get3A_246, %get3A_250 : vector<16xf32>
        %mul3A_252 = arith.constant 2.000000e-01 : f32
        %mul3A_253 = vector.broadcast %mul3A_252 : f32 to vector<16xf32>
        %mul3A_254 = arith.mulf %add3A_251, %mul3A_253 : vector<16xf32>
        %max3A = arith.maximumf %add3A_251, %mul3A_254 : vector<16xf32>
        %exp3A = math.exp %max3A : vector<16xf32>
        %swap3A = arith.index_cast %add3A_243 : i32 to index
        %swap3A_255 = arith.constant 64 : index
        %swap3A_256 = tpu.vector_load %arg14[%swap3A, %swap3A_255] {strides = array<i32>} : memref<128x80xf32, #tpu.memory_space<vmem>>, vector<1x16xf32>,
        %swap3A_257 = vector.shape_cast %swap3A_256 : vector<1x16xf32> to vector<16xf32>
        %swap3A_258 = vector.shape_cast %exp3A : vector<16xf32> to vector<1x16xf32>
        tpu.vector_store %arg14[%swap3A, %swap3A_255], %swap3A_258 {strides = array<i32>} : memref<128x80xf32, #tpu.memory_space<vmem>>, vector<1x16xf32>,
        %get3A_259 = arith.index_cast %add3A_243 : i32 to index
        %get3A_260 = arith.constant 0 : index
        %get3A_261 = tpu.vector_load %arg10[%get3A_259, %get3A_260] {strides = array<i32>} : memref<128x80xf32, #tpu.memory_space<vmem>>, vector<1x16xf32>,
        %get3A_262 = vector.shape_cast %get3A_261 : vector<1x16xf32> to vector<16xf32>
        %add3A_263 = arith.constant 0 : i32
        %add3A_264 = vector.broadcast %add3A_263 : i32 to vector<16xi32>
        %add3A_265 = arith.addi %add3A_264, %iota3A : vector<16xi32>
        %shift_right_arithmetic3A = arith.constant 3 : i32
        %shift_right_arithmetic3A_266 = vector.broadcast %shift_right_arithmetic3A : i32 to vector<16xi32>
        %shift_right_arithmetic3A_267 = arith.shrsi %add3A_265, %shift_right_arithmetic3A_266 : vector<16xi32>
        %reshape3A = vector.shape_cast %shift_right_arithmetic3A_267 : vector<16xi32> to vector<16x1xi32>
        %gather3A = vector.shape_cast %reshape3A : vector<16x1xi32> to vector<16xi32>
        %gather3A_268 = tpu.dynamic_gather %exp3A[%gather3A] in [0] : vector<16xf32>, vector<16xi32> -> vector<16xf32>
        %mul3A_269 = arith.mulf %get3A_262, %gather3A_268 : vector<16xf32>
        %swap3A_270 = arith.index_cast %add3A_243 : i32 to index
        %swap3A_271 = arith.constant 0 : index
        %swap3A_272 = tpu.vector_load %arg14[%swap3A_270, %swap3A_271] {strides = array<i32>} : memref<128x80xf32, #tpu.memory_space<vmem>>, vector<1x16xf32>,
        %swap3A_273 = vector.shape_cast %swap3A_272 : vector<1x16xf32> to vector<16xf32>
        %swap3A_274 = vector.shape_cast %mul3A_269 : vector<16xf32> to vector<1x16xf32>
        tpu.vector_store %arg14[%swap3A_270, %swap3A_271], %swap3A_274 {strides = array<i32>} : memref<128x80xf32, #tpu.memory_space<vmem>>, vector<1x16xf32>,
        %get3A_275 = arith.index_cast %add3A_243 : i32 to index
        %get3A_276 = arith.constant 16 : index
        %get3A_277 = tpu.vector_load %arg10[%get3A_275, %get3A_276] {strides = array<i32>} : memref<128x80xf32, #tpu.memory_space<vmem>>, vector<1x16xf32>,
        %get3A_278 = vector.shape_cast %get3A_277 : vector<1x16xf32> to vector<16xf32>
        %add3A_279 = arith.constant 16 : i32
        %add3A_280 = vector.broadcast %add3A_279 : i32 to vector<16xi32>
        %add3A_281 = arith.addi %add3A_280, %iota3A : vector<16xi32>
        %shift_right_arithmetic3A_282 = arith.constant 3 : i32
        %shift_right_arithmetic3A_283 = vector.broadcast %shift_right_arithmetic3A_282 : i32 to vector<16xi32>
        %shift_right_arithmetic3A_284 = arith.shrsi %add3A_281, %shift_right_arithmetic3A_283 : vector<16xi32>
        %reshape3A_285 = vector.shape_cast %shift_right_arithmetic3A_284 : vector<16xi32> to vector<16x1xi32>
        %gather3A_286 = vector.shape_cast %reshape3A_285 : vector<16x1xi32> to vector<16xi32>
        %gather3A_287 = tpu.dynamic_gather %exp3A[%gather3A_286] in [0] : vector<16xf32>, vector<16xi32> -> vector<16xf32>
        %mul3A_288 = arith.mulf %get3A_278, %gather3A_287 : vector<16xf32>
        %swap3A_289 = arith.index_cast %add3A_243 : i32 to index
        %swap3A_290 = arith.constant 16 : index
        %swap3A_291 = tpu.vector_load %arg14[%swap3A_289, %swap3A_290] {strides = array<i32>} : memref<128x80xf32, #tpu.memory_space<vmem>>, vector<1x16xf32>,
        %swap3A_292 = vector.shape_cast %swap3A_291 : vector<1x16xf32> to vector<16xf32>
        %swap3A_293 = vector.shape_cast %mul3A_288 : vector<16xf32> to vector<1x16xf32>
        tpu.vector_store %arg14[%swap3A_289, %swap3A_290], %swap3A_293 {strides = array<i32>} : memref<128x80xf32, #tpu.memory_space<vmem>>, vector<1x16xf32>,
        %get3A_294 = arith.index_cast %add3A_243 : i32 to index
        %get3A_295 = arith.constant 32 : index
        %get3A_296 = tpu.vector_load %arg10[%get3A_294, %get3A_295] {strides = array<i32>} : memref<128x80xf32, #tpu.memory_space<vmem>>, vector<1x16xf32>,
        %get3A_297 = vector.shape_cast %get3A_296 : vector<1x16xf32> to vector<16xf32>
        %add3A_298 = arith.constant 32 : i32
        %add3A_299 = vector.broadcast %add3A_298 : i32 to vector<16xi32>
        %add3A_300 = arith.addi %add3A_299, %iota3A : vector<16xi32>
        %shift_right_arithmetic3A_301 = arith.constant 3 : i32
        %shift_right_arithmetic3A_302 = vector.broadcast %shift_right_arithmetic3A_301 : i32 to vector<16xi32>
        %shift_right_arithmetic3A_303 = arith.shrsi %add3A_300, %shift_right_arithmetic3A_302 : vector<16xi32>
        %reshape3A_304 = vector.shape_cast %shift_right_arithmetic3A_303 : vector<16xi32> to vector<16x1xi32>
        %gather3A_305 = vector.shape_cast %reshape3A_304 : vector<16x1xi32> to vector<16xi32>
        %gather3A_306 = tpu.dynamic_gather %exp3A[%gather3A_305] in [0] : vector<16xf32>, vector<16xi32> -> vector<16xf32>
        %mul3A_307 = arith.mulf %get3A_297, %gather3A_306 : vector<16xf32>
        %swap3A_308 = arith.index_cast %add3A_243 : i32 to index
        %swap3A_309 = arith.constant 32 : index
        %swap3A_310 = tpu.vector_load %arg14[%swap3A_308, %swap3A_309] {strides = array<i32>} : memref<128x80xf32, #tpu.memory_space<vmem>>, vector<1x16xf32>,
        %swap3A_311 = vector.shape_cast %swap3A_310 : vector<1x16xf32> to vector<16xf32>
        %swap3A_312 = vector.shape_cast %mul3A_307 : vector<16xf32> to vector<1x16xf32>
        tpu.vector_store %arg14[%swap3A_308, %swap3A_309], %swap3A_312 {strides = array<i32>} : memref<128x80xf32, #tpu.memory_space<vmem>>, vector<1x16xf32>,
        %get3A_313 = arith.index_cast %add3A_243 : i32 to index
        %get3A_314 = arith.constant 48 : index
        %get3A_315 = tpu.vector_load %arg10[%get3A_313, %get3A_314] {strides = array<i32>} : memref<128x80xf32, #tpu.memory_space<vmem>>, vector<1x16xf32>,
        %get3A_316 = vector.shape_cast %get3A_315 : vector<1x16xf32> to vector<16xf32>
        %add3A_317 = arith.constant 48 : i32
        %add3A_318 = vector.broadcast %add3A_317 : i32 to vector<16xi32>
        %add3A_319 = arith.addi %add3A_318, %iota3A : vector<16xi32>
        %shift_right_arithmetic3A_320 = arith.constant 3 : i32
        %shift_right_arithmetic3A_321 = vector.broadcast %shift_right_arithmetic3A_320 : i32 to vector<16xi32>
        %shift_right_arithmetic3A_322 = arith.shrsi %add3A_319, %shift_right_arithmetic3A_321 : vector<16xi32>
        %reshape3A_323 = vector.shape_cast %shift_right_arithmetic3A_322 : vector<16xi32> to vector<16x1xi32>
        %gather3A_324 = vector.shape_cast %reshape3A_323 : vector<16x1xi32> to vector<16xi32>
        %gather3A_325 = tpu.dynamic_gather %exp3A[%gather3A_324] in [0] : vector<16xf32>, vector<16xi32> -> vector<16xf32>
        %mul3A_326 = arith.mulf %get3A_316, %gather3A_325 : vector<16xf32>
        %swap3A_327 = arith.index_cast %add3A_243 : i32 to index
        %swap3A_328 = arith.constant 48 : index
        %swap3A_329 = tpu.vector_load %arg14[%swap3A_327, %swap3A_328] {strides = array<i32>} : memref<128x80xf32, #tpu.memory_space<vmem>>, vector<1x16xf32>,
        %swap3A_330 = vector.shape_cast %swap3A_329 : vector<1x16xf32> to vector<16xf32>
        %swap3A_331 = vector.shape_cast %mul3A_326 : vector<16xf32> to vector<1x16xf32>
        tpu.vector_store %arg14[%swap3A_327, %swap3A_328], %swap3A_331 {strides = array<i32>} : memref<128x80xf32, #tpu.memory_space<vmem>>, vector<1x16xf32>,
        %mul3A_332 = arith.constant 2 : i32
        %mul3A_333 = arith.muli %mul3A_332, %scan3A_238 : i32
        %add3A_334 = arith.constant 1 : i32
        %add3A_335 = arith.addi %mul3A_333, %add3A_334 : i32
        %get3A_336 = arith.index_cast %add3A_335 : i32 to index
        %get3A_337 = arith.constant 64 : index
        %get3A_338 = tpu.vector_load %arg10[%get3A_336, %get3A_337] {strides = array<i32>} : memref<128x80xf32, #tpu.memory_space<vmem>>, vector<1x16xf32>,
        %get3A_339 = vector.shape_cast %get3A_338 : vector<1x16xf32> to vector<16xf32>
        %get3A_340 = arith.index_cast %add3A_335 : i32 to index
        %get3A_341 = arith.constant 0 : index
        %get3A_342 = tpu.vector_load %arg12[%get3A_340, %get3A_341] {strides = array<i32>} : memref<128x16xf32, #tpu.memory_space<vmem>>, vector<1x16xf32>,
        %get3A_343 = vector.shape_cast %get3A_342 : vector<1x16xf32> to vector<16xf32>
        %add3A_344 = arith.addf %get3A_339, %get3A_343 : vector<16xf32>
        %mul3A_345 = arith.constant 2.000000e-01 : f32
        %mul3A_346 = vector.broadcast %mul3A_345 : f32 to vector<16xf32>
        %mul3A_347 = arith.mulf %add3A_344, %mul3A_346 : vector<16xf32>
        %max3A_348 = arith.maximumf %add3A_344, %mul3A_347 : vector<16xf32>
        %exp3A_349 = math.exp %max3A_348 : vector<16xf32>
        %swap3A_350 = arith.index_cast %add3A_335 : i32 to index
        %swap3A_351 = arith.constant 64 : index
        %swap3A_352 = tpu.vector_load %arg14[%swap3A_350, %swap3A_351] {strides = array<i32>} : memref<128x80xf32, #tpu.memory_space<vmem>>, vector<1x16xf32>,
        %swap3A_353 = vector.shape_cast %swap3A_352 : vector<1x16xf32> to vector<16xf32>
        %swap3A_354 = vector.shape_cast %exp3A_349 : vector<16xf32> to vector<1x16xf32>
        tpu.vector_store %arg14[%swap3A_350, %swap3A_351], %swap3A_354 {strides = array<i32>} : memref<128x80xf32, #tpu.memory_space<vmem>>, vector<1x16xf32>,
        %get3A_355 = arith.index_cast %add3A_335 : i32 to index
        %get3A_356 = arith.constant 0 : index
        %get3A_357 = tpu.vector_load %arg10[%get3A_355, %get3A_356] {strides = array<i32>} : memref<128x80xf32, #tpu.memory_space<vmem>>, vector<1x16xf32>,
        %get3A_358 = vector.shape_cast %get3A_357 : vector<1x16xf32> to vector<16xf32>
        %add3A_359 = arith.constant 0 : i32
        %add3A_360 = vector.broadcast %add3A_359 : i32 to vector<16xi32>
        %add3A_361 = arith.addi %add3A_360, %iota3A : vector<16xi32>
        %shift_right_arithmetic3A_362 = arith.constant 3 : i32
        %shift_right_arithmetic3A_363 = vector.broadcast %shift_right_arithmetic3A_362 : i32 to vector<16xi32>
        %shift_right_arithmetic3A_364 = arith.shrsi %add3A_361, %shift_right_arithmetic3A_363 : vector<16xi32>
        %reshape3A_365 = vector.shape_cast %shift_right_arithmetic3A_364 : vector<16xi32> to vector<16x1xi32>
        %gather3A_366 = vector.shape_cast %reshape3A_365 : vector<16x1xi32> to vector<16xi32>
        %gather3A_367 = tpu.dynamic_gather %exp3A_349[%gather3A_366] in [0] : vector<16xf32>, vector<16xi32> -> vector<16xf32>
        %mul3A_368 = arith.mulf %get3A_358, %gather3A_367 : vector<16xf32>
        %swap3A_369 = arith.index_cast %add3A_335 : i32 to index
        %swap3A_370 = arith.constant 0 : index
        %swap3A_371 = tpu.vector_load %arg14[%swap3A_369, %swap3A_370] {strides = array<i32>} : memref<128x80xf32, #tpu.memory_space<vmem>>, vector<1x16xf32>,
        %swap3A_372 = vector.shape_cast %swap3A_371 : vector<1x16xf32> to vector<16xf32>
        %swap3A_373 = vector.shape_cast %mul3A_368 : vector<16xf32> to vector<1x16xf32>
        tpu.vector_store %arg14[%swap3A_369, %swap3A_370], %swap3A_373 {strides = array<i32>} : memref<128x80xf32, #tpu.memory_space<vmem>>, vector<1x16xf32>,
        %get3A_374 = arith.index_cast %add3A_335 : i32 to index
        %get3A_375 = arith.constant 16 : index
        %get3A_376 = tpu.vector_load %arg10[%get3A_374, %get3A_375] {strides = array<i32>} : memref<128x80xf32, #tpu.memory_space<vmem>>, vector<1x16xf32>,
        %get3A_377 = vector.shape_cast %get3A_376 : vector<1x16xf32> to vector<16xf32>
        %add3A_378 = arith.constant 16 : i32
        %add3A_379 = vector.broadcast %add3A_378 : i32 to vector<16xi32>
        %add3A_380 = arith.addi %add3A_379, %iota3A : vector<16xi32>
        %shift_right_arithmetic3A_381 = arith.constant 3 : i32
        %shift_right_arithmetic3A_382 = vector.broadcast %shift_right_arithmetic3A_381 : i32 to vector<16xi32>
        %shift_right_arithmetic3A_383 = arith.shrsi %add3A_380, %shift_right_arithmetic3A_382 : vector<16xi32>
        %reshape3A_384 = vector.shape_cast %shift_right_arithmetic3A_383 : vector<16xi32> to vector<16x1xi32>
        %gather3A_385 = vector.shape_cast %reshape3A_384 : vector<16x1xi32> to vector<16xi32>
        %gather3A_386 = tpu.dynamic_gather %exp3A_349[%gather3A_385] in [0] : vector<16xf32>, vector<16xi32> -> vector<16xf32>
        %mul3A_387 = arith.mulf %get3A_377, %gather3A_386 : vector<16xf32>
        %swap3A_388 = arith.index_cast %add3A_335 : i32 to index
        %swap3A_389 = arith.constant 16 : index
        %swap3A_390 = tpu.vector_load %arg14[%swap3A_388, %swap3A_389] {strides = array<i32>} : memref<128x80xf32, #tpu.memory_space<vmem>>, vector<1x16xf32>,
        %swap3A_391 = vector.shape_cast %swap3A_390 : vector<1x16xf32> to vector<16xf32>
        %swap3A_392 = vector.shape_cast %mul3A_387 : vector<16xf32> to vector<1x16xf32>
        tpu.vector_store %arg14[%swap3A_388, %swap3A_389], %swap3A_392 {strides = array<i32>} : memref<128x80xf32, #tpu.memory_space<vmem>>, vector<1x16xf32>,
        %get3A_393 = arith.index_cast %add3A_335 : i32 to index
        %get3A_394 = arith.constant 32 : index
        %get3A_395 = tpu.vector_load %arg10[%get3A_393, %get3A_394] {strides = array<i32>} : memref<128x80xf32, #tpu.memory_space<vmem>>, vector<1x16xf32>,
        %get3A_396 = vector.shape_cast %get3A_395 : vector<1x16xf32> to vector<16xf32>
        %add3A_397 = arith.constant 32 : i32
        %add3A_398 = vector.broadcast %add3A_397 : i32 to vector<16xi32>
        %add3A_399 = arith.addi %add3A_398, %iota3A : vector<16xi32>
        %shift_right_arithmetic3A_400 = arith.constant 3 : i32
        %shift_right_arithmetic3A_401 = vector.broadcast %shift_right_arithmetic3A_400 : i32 to vector<16xi32>
        %shift_right_arithmetic3A_402 = arith.shrsi %add3A_399, %shift_right_arithmetic3A_401 : vector<16xi32>
        %reshape3A_403 = vector.shape_cast %shift_right_arithmetic3A_402 : vector<16xi32> to vector<16x1xi32>
        %gather3A_404 = vector.shape_cast %reshape3A_403 : vector<16x1xi32> to vector<16xi32>
        %gather3A_405 = tpu.dynamic_gather %exp3A_349[%gather3A_404] in [0] : vector<16xf32>, vector<16xi32> -> vector<16xf32>
        %mul3A_406 = arith.mulf %get3A_396, %gather3A_405 : vector<16xf32>
        %swap3A_407 = arith.index_cast %add3A_335 : i32 to index
        %swap3A_408 = arith.constant 32 : index
        %swap3A_409 = tpu.vector_load %arg14[%swap3A_407, %swap3A_408] {strides = array<i32>} : memref<128x80xf32, #tpu.memory_space<vmem>>, vector<1x16xf32>,
        %swap3A_410 = vector.shape_cast %swap3A_409 : vector<1x16xf32> to vector<16xf32>
        %swap3A_411 = vector.shape_cast %mul3A_406 : vector<16xf32> to vector<1x16xf32>
        tpu.vector_store %arg14[%swap3A_407, %swap3A_408], %swap3A_411 {strides = array<i32>} : memref<128x80xf32, #tpu.memory_space<vmem>>, vector<1x16xf32>,
        %get3A_412 = arith.index_cast %add3A_335 : i32 to index
        %get3A_413 = arith.constant 48 : index
        %get3A_414 = tpu.vector_load %arg10[%get3A_412, %get3A_413] {strides = array<i32>} : memref<128x80xf32, #tpu.memory_space<vmem>>, vector<1x16xf32>,
        %get3A_415 = vector.shape_cast %get3A_414 : vector<1x16xf32> to vector<16xf32>
        %add3A_416 = arith.constant 48 : i32
        %add3A_417 = vector.broadcast %add3A_416 : i32 to vector<16xi32>
        %add3A_418 = arith.addi %add3A_417, %iota3A : vector<16xi32>
        %shift_right_arithmetic3A_419 = arith.constant 3 : i32
        %shift_right_arithmetic3A_420 = vector.broadcast %shift_right_arithmetic3A_419 : i32 to vector<16xi32>
        %shift_right_arithmetic3A_421 = arith.shrsi %add3A_418, %shift_right_arithmetic3A_420 : vector<16xi32>
        %reshape3A_422 = vector.shape_cast %shift_right_arithmetic3A_421 : vector<16xi32> to vector<16x1xi32>
        %gather3A_423 = vector.shape_cast %reshape3A_422 : vector<16x1xi32> to vector<16xi32>
        %gather3A_424 = tpu.dynamic_gather %exp3A_349[%gather3A_423] in [0] : vector<16xf32>, vector<16xi32> -> vector<16xf32>
        %mul3A_425 = arith.mulf %get3A_415, %gather3A_424 : vector<16xf32>
        %swap3A_426 = arith.index_cast %add3A_335 : i32 to index
        %swap3A_427 = arith.constant 48 : index
        %swap3A_428 = tpu.vector_load %arg14[%swap3A_426, %swap3A_427] {strides = array<i32>} : memref<128x80xf32, #tpu.memory_space<vmem>>, vector<1x16xf32>,
        %swap3A_429 = vector.shape_cast %swap3A_428 : vector<1x16xf32> to vector<16xf32>
        %swap3A_430 = vector.shape_cast %mul3A_425 : vector<16xf32> to vector<1x16xf32>
        tpu.vector_store %arg14[%swap3A_426, %swap3A_427], %swap3A_430 {strides = array<i32>} : memref<128x80xf32, #tpu.memory_space<vmem>>, vector<1x16xf32>,
        %scan3A_431 = arith.constant 0 : i32
        scf.yield %scan3A_431 : i32
      }
      %scan3A_179 = arith.constant 64 : i32
      %dma_start3A_180 = arith.constant 0 : i32
      %dma_start3A_181 = arith.constant 0 : i32
      %dma_start3A_182 = tpu.memref_slice %arg19[%dma_start3A_180, %dma_start3A_181] : memref<12928x80xf32, #tpu.memory_space<vmem_shared>> -> memref<12928x80xf32, #tpu.memory_space<vmem_shared>>
      tpu.enqueue_indirect_dma source(%arg14 : memref<128x80xf32, #tpu.memory_space<vmem>>) target(%dma_start3A_182 : memref<12928x80xf32, #tpu.memory_space<vmem_shared>>) offsets(%arg8 : memref<128xi32, #tpu.memory_space<vmem>>) semaphore(%arg18 : memref<!tpu.dma_semaphore, #tpu.memory_space<semaphore_mem>>) {add = true}
      %mul3A_183 = arith.constant 2 : i32
      %mul3A_184 = arith.muli %mul3A_183, %scan3A_133 : i32
      %add3A_185 = arith.constant 1 : i32
      %add3A_186 = arith.addi %mul3A_184, %add3A_185 : i32
      %dma_wait3A_187 = arith.constant 0 : i32
      %dma_wait3A_188 = arith.constant 0 : i32
      %dma_wait3A_189 = tpu.memref_slice %arg7[%dma_wait3A_187, %dma_wait3A_188] : memref<2x128xi32, #tpu.memory_space<vmem>> -> memref<1x128xi32, #tpu.memory_space<vmem>>
      %dma_wait3A_190 = tpu.memref_squeeze %dma_wait3A_189 : memref<1x128xi32, #tpu.memory_space<vmem>> -> memref<128xi32, #tpu.memory_space<vmem>>
      %dma_wait3A_191 = arith.constant 0 : i32
      %dma_wait3A_192 = arith.constant 0 : i32
      %dma_wait3A_193 = tpu.memref_slice %arg3[%dma_wait3A_191, %dma_wait3A_192] : memref<50048x80xf32, #tpu.memory_space<hbm>> -> memref<50048x80xf32, #tpu.memory_space<hbm>>
      tpu.wait_indirect_dma semaphore(%arg16 : memref<!tpu.dma_semaphore, #tpu.memory_space<semaphore_mem>>) src(%dma_wait3A_193 : memref<50048x80xf32, #tpu.memory_space<hbm>>) dst(%arg11 : memref<128x80xf32, #tpu.memory_space<vmem>>)
      %dma_wait3A_194 = arith.constant 1 : i32
      %dma_wait3A_195 = arith.constant 0 : i32
      %dma_wait3A_196 = tpu.memref_slice %arg7[%dma_wait3A_194, %dma_wait3A_195] : memref<2x128xi32, #tpu.memory_space<vmem>> -> memref<1x128xi32, #tpu.memory_space<vmem>>
      %dma_wait3A_197 = tpu.memref_squeeze %dma_wait3A_196 : memref<1x128xi32, #tpu.memory_space<vmem>> -> memref<128xi32, #tpu.memory_space<vmem>>
      %dma_wait3A_198 = arith.constant 0 : i32
      %dma_wait3A_199 = arith.constant 0 : i32
      %dma_wait3A_200 = tpu.memref_slice %arg4[%dma_wait3A_198, %dma_wait3A_199] : memref<50048x16xf32, #tpu.memory_space<hbm>> -> memref<50048x16xf32, #tpu.memory_space<hbm>>
      tpu.wait_indirect_dma semaphore(%arg16 : memref<!tpu.dma_semaphore, #tpu.memory_space<semaphore_mem>>) src(%dma_wait3A_200 : memref<50048x16xf32, #tpu.memory_space<hbm>>) dst(%arg13 : memref<128x16xf32, #tpu.memory_space<vmem>>)
      %ge3A_201 = arith.constant 2 : i32
      %ge3A_202 = arith.cmpi sge, %add3A_186, %ge3A_201 : i32
      %convert_element_type3A_203 = arith.extui %ge3A_202 : i1 to i32
      %cond3A_204 = arith.constant 0 : i32
      %cond3A_205 = arith.cmpi ne, %convert_element_type3A_203, %cond3A_204 : i32
      scf.if %cond3A_205 {
        %dma_wait3A_238 = arith.constant 0 : i32
        %dma_wait3A_239 = arith.constant 0 : i32
        %dma_wait3A_240 = tpu.memref_slice %arg19[%dma_wait3A_238, %dma_wait3A_239] : memref<12928x80xf32, #tpu.memory_space<vmem_shared>> -> memref<12928x80xf32, #tpu.memory_space<vmem_shared>>
        tpu.wait_indirect_dma semaphore(%arg18 : memref<!tpu.dma_semaphore, #tpu.memory_space<semaphore_mem>>) src(%arg15 : memref<128x80xf32, #tpu.memory_space<vmem>>) dst(%dma_wait3A_240 : memref<12928x80xf32, #tpu.memory_space<vmem_shared>>)
      } else {
      }
      %scan3A_206 = arith.constant 0 : i32
      %scan3A_207 = arith.constant 0 : i32
      %scan3A_208 = arith.constant 8 : i32
      %scan3A_209 = arith.addi %scan3A_207, %scan3A_208 : i32
      %scan3A_210 = arith.constant 1 : i32
      %scan3A_211 = scf.for %scan3A_238 = %scan3A_207 to %scan3A_209 step %scan3A_210 iter_args(%scan3A_239 = %scan3A_206) -> (i32)  : i32 {
        %mul3A_240 = arith.constant 16 : i32
        %mul3A_241 = arith.muli %scan3A_238, %mul3A_240 : i32
        %get3A = arith.constant 1 : i32
        %get3A_242 = arith.index_cast %get3A : i32 to index
        %get3A_243 = arith.index_cast %mul3A_241 : i32 to index
        %get3A_244 = tpu.vector_load %arg7[%get3A_242, %get3A_243] {strides = array<i32>} : memref<2x128xi32, #tpu.memory_space<vmem>>, vector<1x16xi32>,
        %get3A_245 = vector.shape_cast %get3A_244 : vector<1x16xi32> to vector<16xi32>
        %mul3A_246 = arith.constant 12800 : i32
        %mul3A_247 = arith.muli %add3A_65, %mul3A_246 : i32
        %sub3A = vector.broadcast %mul3A_247 : i32 to vector<16xi32>
        %sub3A_248 = arith.subi %get3A_245, %sub3A : vector<16xi32>
        %lt3A_249 = arith.constant 0 : i32
        %lt3A_250 = vector.broadcast %lt3A_249 : i32 to vector<16xi32>
        %lt3A_251 = arith.cmpi slt, %sub3A_248, %lt3A_250 : vector<16xi32>
        %ge3A_252 = arith.constant 12800 : i32
        %ge3A_253 = vector.broadcast %ge3A_252 : i32 to vector<16xi32>
        %ge3A_254 = arith.cmpi sge, %sub3A_248, %ge3A_253 : vector<16xi32>
        %or3A = arith.ori %lt3A_251, %ge3A_254 : vector<16xi1>
        %jit3A = arith.constant 12800 : i32
        %broadcast_in_dim3A_255 = vector.broadcast %jit3A : i32 to vector<16xi32>
        %select_n3A = arith.select %or3A, %broadcast_in_dim3A_255, %sub3A_248 : vector<16xi1>, vector<16xi32>
        %mul3A_256 = arith.constant 16 : i32
        %mul3A_257 = arith.muli %scan3A_238, %mul3A_256 : i32
        %swap3A = arith.index_cast %mul3A_257 : i32 to index
        %swap3A_258 = tpu.vector_load %arg9[%swap3A] {strides = array<i32>} : memref<128xi32, #tpu.memory_space<vmem>>, vector<16xi32>,
        %swap3A_259 = vector.shape_cast %swap3A_258 : vector<16xi32> to vector<16xi32>
        %swap3A_260 = vector.shape_cast %select_n3A : vector<16xi32> to vector<16xi32>
        tpu.vector_store %arg9[%swap3A], %swap3A_260 {strides = array<i32>} : memref<128xi32, #tpu.memory_space<vmem>>, vector<16xi32>,
        %scan3A_261 = arith.constant 0 : i32
        scf.yield %scan3A_261 : i32
      }
      %scan3A_212 = arith.constant 8 : i32
      %add3A_213 = arith.constant 1 : i32
      %add3A_214 = arith.addi %add3A_186, %add3A_213 : i32
      %lt3A_215 = arith.constant 416 : i32
      %lt3A_216 = arith.cmpi slt, %add3A_214, %lt3A_215 : i32
      %convert_element_type3A_217 = arith.extui %lt3A_216 : i1 to i32
      %cond3A_218 = arith.constant 0 : i32
      %cond3A_219 = arith.cmpi ne, %convert_element_type3A_217, %cond3A_218 : i32
      scf.if %cond3A_219 {
        %dma_wait3A_238 = arith.constant 0 : i32
        %dma_wait3A_239 = arith.constant 0 : i32
        %dma_wait3A_240 = tpu.memref_slice %arg2[%mul3A_86, %dma_wait3A_238, %dma_wait3A_239] : memref<6656x2x128xi32, #tpu.memory_space<hbm>> -> memref<1x2x128xi32, #tpu.memory_space<hbm>>
        %dma_wait3A_241 = tpu.memref_squeeze %dma_wait3A_240 : memref<1x2x128xi32, #tpu.memory_space<hbm>> -> memref<2x128xi32, #tpu.memory_space<hbm>>
        %dma_wait3A_242 = arith.constant 0 : i32
        %dma_wait3A_243 = arith.constant 0 : i32
        %dma_wait3A_244 = tpu.memref_slice %arg2[%mul3A_86, %dma_wait3A_242, %dma_wait3A_243] : memref<6656x2x128xi32, #tpu.memory_space<hbm>> -> memref<1x2x128xi32, #tpu.memory_space<hbm>>
        %dma_wait3A_245 = tpu.memref_squeeze %dma_wait3A_244 : memref<1x2x128xi32, #tpu.memory_space<hbm>> -> memref<2x128xi32, #tpu.memory_space<hbm>>
        tpu.wait_dma2 semaphore(%arg17 : memref<!tpu.dma_semaphore, #tpu.memory_space<semaphore_mem>>) src(%dma_wait3A_245 : memref<2x128xi32, #tpu.memory_space<hbm>>) dst(%arg6 : memref<2x128xi32, #tpu.memory_space<vmem>>)
        %dma_start3A_246 = arith.constant 0 : i32
        %dma_start3A_247 = arith.constant 0 : i32
        %dma_start3A_248 = tpu.memref_slice %arg6[%dma_start3A_246, %dma_start3A_247] : memref<2x128xi32, #tpu.memory_space<vmem>> -> memref<1x128xi32, #tpu.memory_space<vmem>>
        %dma_start3A_249 = tpu.memref_squeeze %dma_start3A_248 : memref<1x128xi32, #tpu.memory_space<vmem>> -> memref<128xi32, #tpu.memory_space<vmem>>
        %dma_start3A_250 = arith.constant 0 : i32
        %dma_start3A_251 = arith.constant 0 : i32
        %dma_start3A_252 = tpu.memref_slice %arg3[%dma_start3A_250, %dma_start3A_251] : memref<50048x80xf32, #tpu.memory_space<hbm>> -> memref<50048x80xf32, #tpu.memory_space<hbm>>
        tpu.enqueue_indirect_dma source(%dma_start3A_252 : memref<50048x80xf32, #tpu.memory_space<hbm>>) target(%arg10 : memref<128x80xf32, #tpu.memory_space<vmem>>) offsets(%dma_start3A_249 : memref<128xi32, #tpu.memory_space<vmem>>) semaphore(%arg16 : memref<!tpu.dma_semaphore, #tpu.memory_space<semaphore_mem>>)
        %dma_start3A_253 = arith.constant 1 : i32
        %dma_start3A_254 = arith.constant 0 : i32
        %dma_start3A_255 = tpu.memref_slice %arg6[%dma_start3A_253, %dma_start3A_254] : memref<2x128xi32, #tpu.memory_space<vmem>> -> memref<1x128xi32, #tpu.memory_space<vmem>>
        %dma_start3A_256 = tpu.memref_squeeze %dma_start3A_255 : memref<1x128xi32, #tpu.memory_space<vmem>> -> memref<128xi32, #tpu.memory_space<vmem>>
        %dma_start3A_257 = arith.constant 0 : i32
        %dma_start3A_258 = arith.constant 0 : i32
        %dma_start3A_259 = tpu.memref_slice %arg4[%dma_start3A_257, %dma_start3A_258] : memref<50048x16xf32, #tpu.memory_space<hbm>> -> memref<50048x16xf32, #tpu.memory_space<hbm>>
        tpu.enqueue_indirect_dma source(%dma_start3A_259 : memref<50048x16xf32, #tpu.memory_space<hbm>>) target(%arg12 : memref<128x16xf32, #tpu.memory_space<vmem>>) offsets(%dma_start3A_256 : memref<128xi32, #tpu.memory_space<vmem>>) semaphore(%arg16 : memref<!tpu.dma_semaphore, #tpu.memory_space<semaphore_mem>>)
      } else {
      }
      %add3A_220 = arith.constant 2 : i32
      %add3A_221 = arith.addi %add3A_186, %add3A_220 : i32
      %lt3A_222 = arith.constant 416 : i32
      %lt3A_223 = arith.cmpi slt, %add3A_221, %lt3A_222 : i32
      %convert_element_type3A_224 = arith.extui %lt3A_223 : i1 to i32
      %cond3A_225 = arith.constant 0 : i32
      %cond3A_226 = arith.cmpi ne, %convert_element_type3A_224, %cond3A_225 : i32
      scf.if %cond3A_226 {
        %add3A_238 = arith.constant 2 : i32
        %add3A_239 = arith.addi %add3A_186, %add3A_238 : i32
        %add3A_240 = arith.addi %mul3A_86, %add3A_239 : i32
        %dma_start3A_241 = arith.constant 0 : i32
        %dma_start3A_242 = arith.constant 0 : i32
        %dma_start3A_243 = tpu.memref_slice %arg2[%add3A_240, %dma_start3A_241, %dma_start3A_242] : memref<6656x2x128xi32, #tpu.memory_space<hbm>> -> memref<1x2x128xi32, #tpu.memory_space<hbm>>
        %dma_start3A_244 = tpu.memref_squeeze %dma_start3A_243 : memref<1x2x128xi32, #tpu.memory_space<hbm>> -> memref<2x128xi32, #tpu.memory_space<hbm>>
        %dma_start3A_245 = arith.constant 0 : i32
        %dma_start3A_246 = arith.constant 0 : i32
        %dma_start3A_247 = tpu.memref_slice %arg2[%add3A_240, %dma_start3A_245, %dma_start3A_246] : memref<6656x2x128xi32, #tpu.memory_space<hbm>> -> memref<1x2x128xi32, #tpu.memory_space<hbm>>
        %dma_start3A_248 = tpu.memref_squeeze %dma_start3A_247 : memref<1x2x128xi32, #tpu.memory_space<hbm>> -> memref<2x128xi32, #tpu.memory_space<hbm>>
        tpu.enqueue_dma source(%dma_start3A_248 : memref<2x128xi32, #tpu.memory_space<hbm>>) target(%arg7 : memref<2x128xi32, #tpu.memory_space<vmem>>) target_semaphore(%arg17 : memref<!tpu.dma_semaphore, #tpu.memory_space<semaphore_mem>>)
      } else {
      }
      %scan3A_227 = arith.constant 0 : i32
      %scan3A_228 = arith.constant 0 : i32
      %scan3A_229 = arith.constant 64 : i32
      %scan3A_230 = arith.addi %scan3A_228, %scan3A_229 : i32
      %scan3A_231 = arith.constant 1 : i32
      %scan3A_232 = scf.for %scan3A_238 = %scan3A_228 to %scan3A_230 step %scan3A_231 iter_args(%scan3A_239 = %scan3A_227) -> (i32)  : i32 {
        %mul3A_240 = arith.constant 2 : i32
        %mul3A_241 = arith.muli %mul3A_240, %scan3A_238 : i32
        %add3A_242 = arith.constant 0 : i32
        %add3A_243 = arith.addi %mul3A_241, %add3A_242 : i32
        %get3A = arith.index_cast %add3A_243 : i32 to index
        %get3A_244 = arith.constant 64 : index
        %get3A_245 = tpu.vector_load %arg11[%get3A, %get3A_244] {strides = array<i32>} : memref<128x80xf32, #tpu.memory_space<vmem>>, vector<1x16xf32>,
        %get3A_246 = vector.shape_cast %get3A_245 : vector<1x16xf32> to vector<16xf32>
        %get3A_247 = arith.index_cast %add3A_243 : i32 to index
        %get3A_248 = arith.constant 0 : index
        %get3A_249 = tpu.vector_load %arg13[%get3A_247, %get3A_248] {strides = array<i32>} : memref<128x16xf32, #tpu.memory_space<vmem>>, vector<1x16xf32>,
        %get3A_250 = vector.shape_cast %get3A_249 : vector<1x16xf32> to vector<16xf32>
        %add3A_251 = arith.addf %get3A_246, %get3A_250 : vector<16xf32>
        %mul3A_252 = arith.constant 2.000000e-01 : f32
        %mul3A_253 = vector.broadcast %mul3A_252 : f32 to vector<16xf32>
        %mul3A_254 = arith.mulf %add3A_251, %mul3A_253 : vector<16xf32>
        %max3A = arith.maximumf %add3A_251, %mul3A_254 : vector<16xf32>
        %exp3A = math.exp %max3A : vector<16xf32>
        %swap3A = arith.index_cast %add3A_243 : i32 to index
        %swap3A_255 = arith.constant 64 : index
        %swap3A_256 = tpu.vector_load %arg15[%swap3A, %swap3A_255] {strides = array<i32>} : memref<128x80xf32, #tpu.memory_space<vmem>>, vector<1x16xf32>,
        %swap3A_257 = vector.shape_cast %swap3A_256 : vector<1x16xf32> to vector<16xf32>
        %swap3A_258 = vector.shape_cast %exp3A : vector<16xf32> to vector<1x16xf32>
        tpu.vector_store %arg15[%swap3A, %swap3A_255], %swap3A_258 {strides = array<i32>} : memref<128x80xf32, #tpu.memory_space<vmem>>, vector<1x16xf32>,
        %get3A_259 = arith.index_cast %add3A_243 : i32 to index
        %get3A_260 = arith.constant 0 : index
        %get3A_261 = tpu.vector_load %arg11[%get3A_259, %get3A_260] {strides = array<i32>} : memref<128x80xf32, #tpu.memory_space<vmem>>, vector<1x16xf32>,
        %get3A_262 = vector.shape_cast %get3A_261 : vector<1x16xf32> to vector<16xf32>
        %add3A_263 = arith.constant 0 : i32
        %add3A_264 = vector.broadcast %add3A_263 : i32 to vector<16xi32>
        %add3A_265 = arith.addi %add3A_264, %iota3A : vector<16xi32>
        %shift_right_arithmetic3A = arith.constant 3 : i32
        %shift_right_arithmetic3A_266 = vector.broadcast %shift_right_arithmetic3A : i32 to vector<16xi32>
        %shift_right_arithmetic3A_267 = arith.shrsi %add3A_265, %shift_right_arithmetic3A_266 : vector<16xi32>
        %reshape3A = vector.shape_cast %shift_right_arithmetic3A_267 : vector<16xi32> to vector<16x1xi32>
        %gather3A = vector.shape_cast %reshape3A : vector<16x1xi32> to vector<16xi32>
        %gather3A_268 = tpu.dynamic_gather %exp3A[%gather3A] in [0] : vector<16xf32>, vector<16xi32> -> vector<16xf32>
        %mul3A_269 = arith.mulf %get3A_262, %gather3A_268 : vector<16xf32>
        %swap3A_270 = arith.index_cast %add3A_243 : i32 to index
        %swap3A_271 = arith.constant 0 : index
        %swap3A_272 = tpu.vector_load %arg15[%swap3A_270, %swap3A_271] {strides = array<i32>} : memref<128x80xf32, #tpu.memory_space<vmem>>, vector<1x16xf32>,
        %swap3A_273 = vector.shape_cast %swap3A_272 : vector<1x16xf32> to vector<16xf32>
        %swap3A_274 = vector.shape_cast %mul3A_269 : vector<16xf32> to vector<1x16xf32>
        tpu.vector_store %arg15[%swap3A_270, %swap3A_271], %swap3A_274 {strides = array<i32>} : memref<128x80xf32, #tpu.memory_space<vmem>>, vector<1x16xf32>,
        %get3A_275 = arith.index_cast %add3A_243 : i32 to index
        %get3A_276 = arith.constant 16 : index
        %get3A_277 = tpu.vector_load %arg11[%get3A_275, %get3A_276] {strides = array<i32>} : memref<128x80xf32, #tpu.memory_space<vmem>>, vector<1x16xf32>,
        %get3A_278 = vector.shape_cast %get3A_277 : vector<1x16xf32> to vector<16xf32>
        %add3A_279 = arith.constant 16 : i32
        %add3A_280 = vector.broadcast %add3A_279 : i32 to vector<16xi32>
        %add3A_281 = arith.addi %add3A_280, %iota3A : vector<16xi32>
        %shift_right_arithmetic3A_282 = arith.constant 3 : i32
        %shift_right_arithmetic3A_283 = vector.broadcast %shift_right_arithmetic3A_282 : i32 to vector<16xi32>
        %shift_right_arithmetic3A_284 = arith.shrsi %add3A_281, %shift_right_arithmetic3A_283 : vector<16xi32>
        %reshape3A_285 = vector.shape_cast %shift_right_arithmetic3A_284 : vector<16xi32> to vector<16x1xi32>
        %gather3A_286 = vector.shape_cast %reshape3A_285 : vector<16x1xi32> to vector<16xi32>
        %gather3A_287 = tpu.dynamic_gather %exp3A[%gather3A_286] in [0] : vector<16xf32>, vector<16xi32> -> vector<16xf32>
        %mul3A_288 = arith.mulf %get3A_278, %gather3A_287 : vector<16xf32>
        %swap3A_289 = arith.index_cast %add3A_243 : i32 to index
        %swap3A_290 = arith.constant 16 : index
        %swap3A_291 = tpu.vector_load %arg15[%swap3A_289, %swap3A_290] {strides = array<i32>} : memref<128x80xf32, #tpu.memory_space<vmem>>, vector<1x16xf32>,
        %swap3A_292 = vector.shape_cast %swap3A_291 : vector<1x16xf32> to vector<16xf32>
        %swap3A_293 = vector.shape_cast %mul3A_288 : vector<16xf32> to vector<1x16xf32>
        tpu.vector_store %arg15[%swap3A_289, %swap3A_290], %swap3A_293 {strides = array<i32>} : memref<128x80xf32, #tpu.memory_space<vmem>>, vector<1x16xf32>,
        %get3A_294 = arith.index_cast %add3A_243 : i32 to index
        %get3A_295 = arith.constant 32 : index
        %get3A_296 = tpu.vector_load %arg11[%get3A_294, %get3A_295] {strides = array<i32>} : memref<128x80xf32, #tpu.memory_space<vmem>>, vector<1x16xf32>,
        %get3A_297 = vector.shape_cast %get3A_296 : vector<1x16xf32> to vector<16xf32>
        %add3A_298 = arith.constant 32 : i32
        %add3A_299 = vector.broadcast %add3A_298 : i32 to vector<16xi32>
        %add3A_300 = arith.addi %add3A_299, %iota3A : vector<16xi32>
        %shift_right_arithmetic3A_301 = arith.constant 3 : i32
        %shift_right_arithmetic3A_302 = vector.broadcast %shift_right_arithmetic3A_301 : i32 to vector<16xi32>
        %shift_right_arithmetic3A_303 = arith.shrsi %add3A_300, %shift_right_arithmetic3A_302 : vector<16xi32>
        %reshape3A_304 = vector.shape_cast %shift_right_arithmetic3A_303 : vector<16xi32> to vector<16x1xi32>
        %gather3A_305 = vector.shape_cast %reshape3A_304 : vector<16x1xi32> to vector<16xi32>
        %gather3A_306 = tpu.dynamic_gather %exp3A[%gather3A_305] in [0] : vector<16xf32>, vector<16xi32> -> vector<16xf32>
        %mul3A_307 = arith.mulf %get3A_297, %gather3A_306 : vector<16xf32>
        %swap3A_308 = arith.index_cast %add3A_243 : i32 to index
        %swap3A_309 = arith.constant 32 : index
        %swap3A_310 = tpu.vector_load %arg15[%swap3A_308, %swap3A_309] {strides = array<i32>} : memref<128x80xf32, #tpu.memory_space<vmem>>, vector<1x16xf32>,
        %swap3A_311 = vector.shape_cast %swap3A_310 : vector<1x16xf32> to vector<16xf32>
        %swap3A_312 = vector.shape_cast %mul3A_307 : vector<16xf32> to vector<1x16xf32>
        tpu.vector_store %arg15[%swap3A_308, %swap3A_309], %swap3A_312 {strides = array<i32>} : memref<128x80xf32, #tpu.memory_space<vmem>>, vector<1x16xf32>,
        %get3A_313 = arith.index_cast %add3A_243 : i32 to index
        %get3A_314 = arith.constant 48 : index
        %get3A_315 = tpu.vector_load %arg11[%get3A_313, %get3A_314] {strides = array<i32>} : memref<128x80xf32, #tpu.memory_space<vmem>>, vector<1x16xf32>,
        %get3A_316 = vector.shape_cast %get3A_315 : vector<1x16xf32> to vector<16xf32>
        %add3A_317 = arith.constant 48 : i32
        %add3A_318 = vector.broadcast %add3A_317 : i32 to vector<16xi32>
        %add3A_319 = arith.addi %add3A_318, %iota3A : vector<16xi32>
        %shift_right_arithmetic3A_320 = arith.constant 3 : i32
        %shift_right_arithmetic3A_321 = vector.broadcast %shift_right_arithmetic3A_320 : i32 to vector<16xi32>
        %shift_right_arithmetic3A_322 = arith.shrsi %add3A_319, %shift_right_arithmetic3A_321 : vector<16xi32>
        %reshape3A_323 = vector.shape_cast %shift_right_arithmetic3A_322 : vector<16xi32> to vector<16x1xi32>
        %gather3A_324 = vector.shape_cast %reshape3A_323 : vector<16x1xi32> to vector<16xi32>
        %gather3A_325 = tpu.dynamic_gather %exp3A[%gather3A_324] in [0] : vector<16xf32>, vector<16xi32> -> vector<16xf32>
        %mul3A_326 = arith.mulf %get3A_316, %gather3A_325 : vector<16xf32>
        %swap3A_327 = arith.index_cast %add3A_243 : i32 to index
        %swap3A_328 = arith.constant 48 : index
        %swap3A_329 = tpu.vector_load %arg15[%swap3A_327, %swap3A_328] {strides = array<i32>} : memref<128x80xf32, #tpu.memory_space<vmem>>, vector<1x16xf32>,
        %swap3A_330 = vector.shape_cast %swap3A_329 : vector<1x16xf32> to vector<16xf32>
        %swap3A_331 = vector.shape_cast %mul3A_326 : vector<16xf32> to vector<1x16xf32>
        tpu.vector_store %arg15[%swap3A_327, %swap3A_328], %swap3A_331 {strides = array<i32>} : memref<128x80xf32, #tpu.memory_space<vmem>>, vector<1x16xf32>,
        %mul3A_332 = arith.constant 2 : i32
        %mul3A_333 = arith.muli %mul3A_332, %scan3A_238 : i32
        %add3A_334 = arith.constant 1 : i32
        %add3A_335 = arith.addi %mul3A_333, %add3A_334 : i32
        %get3A_336 = arith.index_cast %add3A_335 : i32 to index
        %get3A_337 = arith.constant 64 : index
        %get3A_338 = tpu.vector_load %arg11[%get3A_336, %get3A_337] {strides = array<i32>} : memref<128x80xf32, #tpu.memory_space<vmem>>, vector<1x16xf32>,
        %get3A_339 = vector.shape_cast %get3A_338 : vector<1x16xf32> to vector<16xf32>
        %get3A_340 = arith.index_cast %add3A_335 : i32 to index
        %get3A_341 = arith.constant 0 : index
        %get3A_342 = tpu.vector_load %arg13[%get3A_340, %get3A_341] {strides = array<i32>} : memref<128x16xf32, #tpu.memory_space<vmem>>, vector<1x16xf32>,
        %get3A_343 = vector.shape_cast %get3A_342 : vector<1x16xf32> to vector<16xf32>
        %add3A_344 = arith.addf %get3A_339, %get3A_343 : vector<16xf32>
        %mul3A_345 = arith.constant 2.000000e-01 : f32
        %mul3A_346 = vector.broadcast %mul3A_345 : f32 to vector<16xf32>
        %mul3A_347 = arith.mulf %add3A_344, %mul3A_346 : vector<16xf32>
        %max3A_348 = arith.maximumf %add3A_344, %mul3A_347 : vector<16xf32>
        %exp3A_349 = math.exp %max3A_348 : vector<16xf32>
        %swap3A_350 = arith.index_cast %add3A_335 : i32 to index
        %swap3A_351 = arith.constant 64 : index
        %swap3A_352 = tpu.vector_load %arg15[%swap3A_350, %swap3A_351] {strides = array<i32>} : memref<128x80xf32, #tpu.memory_space<vmem>>, vector<1x16xf32>,
        %swap3A_353 = vector.shape_cast %swap3A_352 : vector<1x16xf32> to vector<16xf32>
        %swap3A_354 = vector.shape_cast %exp3A_349 : vector<16xf32> to vector<1x16xf32>
        tpu.vector_store %arg15[%swap3A_350, %swap3A_351], %swap3A_354 {strides = array<i32>} : memref<128x80xf32, #tpu.memory_space<vmem>>, vector<1x16xf32>,
        %get3A_355 = arith.index_cast %add3A_335 : i32 to index
        %get3A_356 = arith.constant 0 : index
        %get3A_357 = tpu.vector_load %arg11[%get3A_355, %get3A_356] {strides = array<i32>} : memref<128x80xf32, #tpu.memory_space<vmem>>, vector<1x16xf32>,
        %get3A_358 = vector.shape_cast %get3A_357 : vector<1x16xf32> to vector<16xf32>
        %add3A_359 = arith.constant 0 : i32
        %add3A_360 = vector.broadcast %add3A_359 : i32 to vector<16xi32>
        %add3A_361 = arith.addi %add3A_360, %iota3A : vector<16xi32>
        %shift_right_arithmetic3A_362 = arith.constant 3 : i32
        %shift_right_arithmetic3A_363 = vector.broadcast %shift_right_arithmetic3A_362 : i32 to vector<16xi32>
        %shift_right_arithmetic3A_364 = arith.shrsi %add3A_361, %shift_right_arithmetic3A_363 : vector<16xi32>
        %reshape3A_365 = vector.shape_cast %shift_right_arithmetic3A_364 : vector<16xi32> to vector<16x1xi32>
        %gather3A_366 = vector.shape_cast %reshape3A_365 : vector<16x1xi32> to vector<16xi32>
        %gather3A_367 = tpu.dynamic_gather %exp3A_349[%gather3A_366] in [0] : vector<16xf32>, vector<16xi32> -> vector<16xf32>
        %mul3A_368 = arith.mulf %get3A_358, %gather3A_367 : vector<16xf32>
        %swap3A_369 = arith.index_cast %add3A_335 : i32 to index
        %swap3A_370 = arith.constant 0 : index
        %swap3A_371 = tpu.vector_load %arg15[%swap3A_369, %swap3A_370] {strides = array<i32>} : memref<128x80xf32, #tpu.memory_space<vmem>>, vector<1x16xf32>,
        %swap3A_372 = vector.shape_cast %swap3A_371 : vector<1x16xf32> to vector<16xf32>
        %swap3A_373 = vector.shape_cast %mul3A_368 : vector<16xf32> to vector<1x16xf32>
        tpu.vector_store %arg15[%swap3A_369, %swap3A_370], %swap3A_373 {strides = array<i32>} : memref<128x80xf32, #tpu.memory_space<vmem>>, vector<1x16xf32>,
        %get3A_374 = arith.index_cast %add3A_335 : i32 to index
        %get3A_375 = arith.constant 16 : index
        %get3A_376 = tpu.vector_load %arg11[%get3A_374, %get3A_375] {strides = array<i32>} : memref<128x80xf32, #tpu.memory_space<vmem>>, vector<1x16xf32>,
        %get3A_377 = vector.shape_cast %get3A_376 : vector<1x16xf32> to vector<16xf32>
        %add3A_378 = arith.constant 16 : i32
        %add3A_379 = vector.broadcast %add3A_378 : i32 to vector<16xi32>
        %add3A_380 = arith.addi %add3A_379, %iota3A : vector<16xi32>
        %shift_right_arithmetic3A_381 = arith.constant 3 : i32
        %shift_right_arithmetic3A_382 = vector.broadcast %shift_right_arithmetic3A_381 : i32 to vector<16xi32>
        %shift_right_arithmetic3A_383 = arith.shrsi %add3A_380, %shift_right_arithmetic3A_382 : vector<16xi32>
        %reshape3A_384 = vector.shape_cast %shift_right_arithmetic3A_383 : vector<16xi32> to vector<16x1xi32>
        %gather3A_385 = vector.shape_cast %reshape3A_384 : vector<16x1xi32> to vector<16xi32>
        %gather3A_386 = tpu.dynamic_gather %exp3A_349[%gather3A_385] in [0] : vector<16xf32>, vector<16xi32> -> vector<16xf32>
        %mul3A_387 = arith.mulf %get3A_377, %gather3A_386 : vector<16xf32>
        %swap3A_388 = arith.index_cast %add3A_335 : i32 to index
        %swap3A_389 = arith.constant 16 : index
        %swap3A_390 = tpu.vector_load %arg15[%swap3A_388, %swap3A_389] {strides = array<i32>} : memref<128x80xf32, #tpu.memory_space<vmem>>, vector<1x16xf32>,
        %swap3A_391 = vector.shape_cast %swap3A_390 : vector<1x16xf32> to vector<16xf32>
        %swap3A_392 = vector.shape_cast %mul3A_387 : vector<16xf32> to vector<1x16xf32>
        tpu.vector_store %arg15[%swap3A_388, %swap3A_389], %swap3A_392 {strides = array<i32>} : memref<128x80xf32, #tpu.memory_space<vmem>>, vector<1x16xf32>,
        %get3A_393 = arith.index_cast %add3A_335 : i32 to index
        %get3A_394 = arith.constant 32 : index
        %get3A_395 = tpu.vector_load %arg11[%get3A_393, %get3A_394] {strides = array<i32>} : memref<128x80xf32, #tpu.memory_space<vmem>>, vector<1x16xf32>,
        %get3A_396 = vector.shape_cast %get3A_395 : vector<1x16xf32> to vector<16xf32>
        %add3A_397 = arith.constant 32 : i32
        %add3A_398 = vector.broadcast %add3A_397 : i32 to vector<16xi32>
        %add3A_399 = arith.addi %add3A_398, %iota3A : vector<16xi32>
        %shift_right_arithmetic3A_400 = arith.constant 3 : i32
        %shift_right_arithmetic3A_401 = vector.broadcast %shift_right_arithmetic3A_400 : i32 to vector<16xi32>
        %shift_right_arithmetic3A_402 = arith.shrsi %add3A_399, %shift_right_arithmetic3A_401 : vector<16xi32>
        %reshape3A_403 = vector.shape_cast %shift_right_arithmetic3A_402 : vector<16xi32> to vector<16x1xi32>
        %gather3A_404 = vector.shape_cast %reshape3A_403 : vector<16x1xi32> to vector<16xi32>
        %gather3A_405 = tpu.dynamic_gather %exp3A_349[%gather3A_404] in [0] : vector<16xf32>, vector<16xi32> -> vector<16xf32>
        %mul3A_406 = arith.mulf %get3A_396, %gather3A_405 : vector<16xf32>
        %swap3A_407 = arith.index_cast %add3A_335 : i32 to index
        %swap3A_408 = arith.constant 32 : index
        %swap3A_409 = tpu.vector_load %arg15[%swap3A_407, %swap3A_408] {strides = array<i32>} : memref<128x80xf32, #tpu.memory_space<vmem>>, vector<1x16xf32>,
        %swap3A_410 = vector.shape_cast %swap3A_409 : vector<1x16xf32> to vector<16xf32>
        %swap3A_411 = vector.shape_cast %mul3A_406 : vector<16xf32> to vector<1x16xf32>
        tpu.vector_store %arg15[%swap3A_407, %swap3A_408], %swap3A_411 {strides = array<i32>} : memref<128x80xf32, #tpu.memory_space<vmem>>, vector<1x16xf32>,
        %get3A_412 = arith.index_cast %add3A_335 : i32 to index
        %get3A_413 = arith.constant 48 : index
        %get3A_414 = tpu.vector_load %arg11[%get3A_412, %get3A_413] {strides = array<i32>} : memref<128x80xf32, #tpu.memory_space<vmem>>, vector<1x16xf32>,
        %get3A_415 = vector.shape_cast %get3A_414 : vector<1x16xf32> to vector<16xf32>
        %add3A_416 = arith.constant 48 : i32
        %add3A_417 = vector.broadcast %add3A_416 : i32 to vector<16xi32>
        %add3A_418 = arith.addi %add3A_417, %iota3A : vector<16xi32>
        %shift_right_arithmetic3A_419 = arith.constant 3 : i32
        %shift_right_arithmetic3A_420 = vector.broadcast %shift_right_arithmetic3A_419 : i32 to vector<16xi32>
        %shift_right_arithmetic3A_421 = arith.shrsi %add3A_418, %shift_right_arithmetic3A_420 : vector<16xi32>
        %reshape3A_422 = vector.shape_cast %shift_right_arithmetic3A_421 : vector<16xi32> to vector<16x1xi32>
        %gather3A_423 = vector.shape_cast %reshape3A_422 : vector<16x1xi32> to vector<16xi32>
        %gather3A_424 = tpu.dynamic_gather %exp3A_349[%gather3A_423] in [0] : vector<16xf32>, vector<16xi32> -> vector<16xf32>
        %mul3A_425 = arith.mulf %get3A_415, %gather3A_424 : vector<16xf32>
        %swap3A_426 = arith.index_cast %add3A_335 : i32 to index
        %swap3A_427 = arith.constant 48 : index
        %swap3A_428 = tpu.vector_load %arg15[%swap3A_426, %swap3A_427] {strides = array<i32>} : memref<128x80xf32, #tpu.memory_space<vmem>>, vector<1x16xf32>,
        %swap3A_429 = vector.shape_cast %swap3A_428 : vector<1x16xf32> to vector<16xf32>
        %swap3A_430 = vector.shape_cast %mul3A_425 : vector<16xf32> to vector<1x16xf32>
        tpu.vector_store %arg15[%swap3A_426, %swap3A_427], %swap3A_430 {strides = array<i32>} : memref<128x80xf32, #tpu.memory_space<vmem>>, vector<1x16xf32>,
        %scan3A_431 = arith.constant 0 : i32
        scf.yield %scan3A_431 : i32
      }
      %scan3A_233 = arith.constant 64 : i32
      %dma_start3A_234 = arith.constant 0 : i32
      %dma_start3A_235 = arith.constant 0 : i32
      %dma_start3A_236 = tpu.memref_slice %arg19[%dma_start3A_234, %dma_start3A_235] : memref<12928x80xf32, #tpu.memory_space<vmem_shared>> -> memref<12928x80xf32, #tpu.memory_space<vmem_shared>>
      tpu.enqueue_indirect_dma source(%arg15 : memref<128x80xf32, #tpu.memory_space<vmem>>) target(%dma_start3A_236 : memref<12928x80xf32, #tpu.memory_space<vmem_shared>>) offsets(%arg9 : memref<128xi32, #tpu.memory_space<vmem>>) semaphore(%arg18 : memref<!tpu.dma_semaphore, #tpu.memory_space<semaphore_mem>>) {add = true}
      %scan3A_237 = arith.constant 0 : i32
      scf.yield %scan3A_237 : i32
    }
    %scan3A_117 = arith.constant 208 : i32
    %dma_wait3A_118 = arith.constant 0 : i32
    %dma_wait3A_119 = arith.constant 0 : i32
    %dma_wait3A_120 = tpu.memref_slice %arg19[%dma_wait3A_118, %dma_wait3A_119] : memref<12928x80xf32, #tpu.memory_space<vmem_shared>> -> memref<12928x80xf32, #tpu.memory_space<vmem_shared>>
    tpu.wait_indirect_dma semaphore(%arg18 : memref<!tpu.dma_semaphore, #tpu.memory_space<semaphore_mem>>) src(%arg14 : memref<128x80xf32, #tpu.memory_space<vmem>>) dst(%dma_wait3A_120 : memref<12928x80xf32, #tpu.memory_space<vmem_shared>>)
    %dma_wait3A_121 = arith.constant 0 : i32
    %dma_wait3A_122 = arith.constant 0 : i32
    %dma_wait3A_123 = tpu.memref_slice %arg19[%dma_wait3A_121, %dma_wait3A_122] : memref<12928x80xf32, #tpu.memory_space<vmem_shared>> -> memref<12928x80xf32, #tpu.memory_space<vmem_shared>>
    tpu.wait_indirect_dma semaphore(%arg18 : memref<!tpu.dma_semaphore, #tpu.memory_space<semaphore_mem>>) src(%arg15 : memref<128x80xf32, #tpu.memory_space<vmem>>) dst(%dma_wait3A_123 : memref<12928x80xf32, #tpu.memory_space<vmem_shared>>)
    %barrier3A_124 = arith.constant 0 : index
    tpu.barrier barrier_id(%barrier3A_124)
    %mul3A_125 = arith.constant 800 : i32
    %mul3A_126 = arith.muli %arg1, %mul3A_125 : i32
    %mul3A_127 = arith.constant 12800 : i32
    %mul3A_128 = arith.muli %add3A_65, %mul3A_127 : i32
    %mul3A_129 = arith.constant 800 : i32
    %mul3A_130 = arith.muli %arg1, %mul3A_129 : i32
    %add3A_131 = arith.addi %mul3A_128, %mul3A_130 : i32
    "tpu.region"() ({
      %run_scoped3A = tpu.sem_alloc : memref<!tpu.dma_semaphore, #tpu.memory_space<semaphore_mem>>
      %dma_start3A_133 = arith.constant 0 : i32
      %dma_start3A_134 = tpu.memref_slice %arg5[%add3A_131, %dma_start3A_133] : memref<51200x80xf32, #tpu.memory_space<hbm>> -> memref<800x80xf32, #tpu.memory_space<hbm>>
      %dma_start3A_135 = arith.constant 0 : i32
      %dma_start3A_136 = tpu.memref_slice %arg19[%mul3A_126, %dma_start3A_135] : memref<12928x80xf32, #tpu.memory_space<vmem_shared>> -> memref<800x80xf32, #tpu.memory_space<vmem_shared>>
      tpu.enqueue_dma source(%dma_start3A_136 : memref<800x80xf32, #tpu.memory_space<vmem_shared>>) target(%dma_start3A_134 : memref<800x80xf32, #tpu.memory_space<hbm>>) target_semaphore(%run_scoped3A : memref<!tpu.dma_semaphore, #tpu.memory_space<semaphore_mem>>)
      %dma_wait3A_137 = arith.constant 0 : i32
      %dma_wait3A_138 = tpu.memref_slice %arg5[%add3A_131, %dma_wait3A_137] : memref<51200x80xf32, #tpu.memory_space<hbm>> -> memref<800x80xf32, #tpu.memory_space<hbm>>
      %dma_wait3A_139 = arith.constant 0 : i32
      %dma_wait3A_140 = tpu.memref_slice %arg19[%mul3A_126, %dma_wait3A_139] : memref<12928x80xf32, #tpu.memory_space<vmem_shared>> -> memref<800x80xf32, #tpu.memory_space<vmem_shared>>
      tpu.wait_dma2 semaphore(%run_scoped3A : memref<!tpu.dma_semaphore, #tpu.memory_space<semaphore_mem>>) src(%dma_wait3A_140 : memref<800x80xf32, #tpu.memory_space<vmem_shared>>) dst(%dma_wait3A_138 : memref<800x80xf32, #tpu.memory_space<hbm>>)
      tpu.yield
    }) : () -> ()
    %barrier3A_132 = arith.constant 0 : index
    tpu.barrier barrier_id(%barrier3A_132)
    return
  }
}

module attributes {stable_mosaic.version = 14 : i64} {
  func.func @_k1_body(%arg0: i32, %arg1: memref<128x512xf32, #tpu.memory_space<vmem>>, %arg2: memref<512x64xf32, #tpu.memory_space<vmem>>, %arg3: memref<1x64xf32, #tpu.memory_space<vmem>>, %arg4: memref<64x64xf32, #tpu.memory_space<vmem>>, %arg5: memref<64x16xf32, #tpu.memory_space<vmem>>, %arg6: memref<64x16xf32, #tpu.memory_space<vmem>>, %arg7: memref<128x64xf32, #tpu.memory_space<vmem>>, %arg8: memref<128x80xf32, #tpu.memory_space<vmem>>, %arg9: memref<128x16xf32, #tpu.memory_space<vmem>>) attributes {dimension_semantics = [#tpu.dimension_semantics<arbitrary>], iteration_bounds = array<i64: 391>, scalar_prefetch = 0 : i64, scratch_operands = 0 : i64, tpu.core_type = #tpu.core_type<tc>, window_params = [{transform_indices = @transform_0, window_bounds = array<i64: 128, 512>}, {pipeline_mode = #tpu.pipeline_mode<synchronous>, transform_indices = @transform_1, window_bounds = array<i64: 512, 64>}, {pipeline_mode = #tpu.pipeline_mode<synchronous>, transform_indices = @transform_2, window_bounds = array<i64: 1, 64>}, {pipeline_mode = #tpu.pipeline_mode<synchronous>, transform_indices = @transform_3, window_bounds = array<i64: 64, 64>}, {pipeline_mode = #tpu.pipeline_mode<synchronous>, transform_indices = @transform_4, window_bounds = array<i64: 64, 16>}, {pipeline_mode = #tpu.pipeline_mode<synchronous>, transform_indices = @transform_5, window_bounds = array<i64: 64, 16>}, {transform_indices = @transform_6, window_bounds = array<i64: 128, 64>}, {transform_indices = @transform_7, window_bounds = array<i64: 128, 80>}, {transform_indices = @transform_8, window_bounds = array<i64: 128, 16>}]} {
    %get3A = arith.constant 0 : index
    %get3A_0 = arith.constant 0 : index
    %get3A_1 = vector.load %arg1[%get3A, %get3A_0] : memref<128x512xf32, #tpu.memory_space<vmem>>, vector<128x512xf32>
    %get3A_2 = arith.constant 0 : index
    %get3A_3 = arith.constant 0 : index
    %get3A_4 = vector.load %arg2[%get3A_2, %get3A_3] : memref<512x64xf32, #tpu.memory_space<vmem>>, vector<512x64xf32>
    %dot_general3A = arith.constant dense<0.000000e+00> : vector<128x64xf32>
    %dot_general3A_5 = tpu.matmul %get3A_1, %get3A_4, %dot_general3A {dimension_numbers = #tpu.dot_dimension_numbers<[1], [0], [0], [1], [0, 0, 1, 1], [], []>, transpose_lhs_hint = false} : vector<128x512xf32>, vector<512x64xf32>, vector<128x64xf32> -> vector<128x64xf32>
    %get3A_6 = arith.constant 0 : index
    %get3A_7 = arith.constant 0 : index
    %get3A_8 = vector.load %arg3[%get3A_6, %get3A_7] : memref<1x64xf32, #tpu.memory_space<vmem>>, vector<1x64xf32>
    %add3A = vector.broadcast %get3A_8 : vector<1x64xf32> to vector<128x64xf32>
    %add3A_9 = arith.addf %dot_general3A_5, %add3A : vector<128x64xf32>
    %get3A_10 = arith.constant 0 : index
    %get3A_11 = arith.constant 0 : index
    %get3A_12 = vector.load %arg4[%get3A_10, %get3A_11] : memref<64x64xf32, #tpu.memory_space<vmem>>, vector<64x64xf32>
    %dot_general3A_13 = arith.constant dense<0.000000e+00> : vector<128x64xf32>
    %dot_general3A_14 = tpu.matmul %add3A_9, %get3A_12, %dot_general3A_13 {dimension_numbers = #tpu.dot_dimension_numbers<[1], [0], [0], [1], [0, 0, 1, 1], [], []>, transpose_lhs_hint = false} : vector<128x64xf32>, vector<64x64xf32>, vector<128x64xf32> -> vector<128x64xf32>
    %get3A_15 = arith.constant 0 : index
    %get3A_16 = arith.constant 0 : index
    %get3A_17 = vector.load %arg5[%get3A_15, %get3A_16] : memref<64x16xf32, #tpu.memory_space<vmem>>, vector<64x16xf32>
    %dot_general3A_18 = arith.constant dense<0.000000e+00> : vector<128x16xf32>
    %dot_general3A_19 = tpu.matmul %dot_general3A_14, %get3A_17, %dot_general3A_18 {dimension_numbers = #tpu.dot_dimension_numbers<[1], [0], [0], [1], [0, 0, 1, 1], [], []>, transpose_lhs_hint = false} : vector<128x64xf32>, vector<64x16xf32>, vector<128x16xf32> -> vector<128x16xf32>
    %get3A_20 = arith.constant 0 : index
    %get3A_21 = arith.constant 0 : index
    %get3A_22 = vector.load %arg6[%get3A_20, %get3A_21] : memref<64x16xf32, #tpu.memory_space<vmem>>, vector<64x16xf32>
    %dot_general3A_23 = arith.constant dense<0.000000e+00> : vector<128x16xf32>
    %dot_general3A_24 = tpu.matmul %dot_general3A_14, %get3A_22, %dot_general3A_23 {dimension_numbers = #tpu.dot_dimension_numbers<[1], [0], [0], [1], [0, 0, 1, 1], [], []>, transpose_lhs_hint = false} : vector<128x64xf32>, vector<64x16xf32>, vector<128x16xf32> -> vector<128x16xf32>
    %swap3A = arith.constant 0 : index
    %swap3A_25 = arith.constant 0 : index
    %swap3A_26 = vector.load %arg7[%swap3A, %swap3A_25] : memref<128x64xf32, #tpu.memory_space<vmem>>, vector<128x64xf32>
    tpu.vector_store %arg7[%swap3A, %swap3A_25], %add3A_9 {strides = array<i32>} : memref<128x64xf32, #tpu.memory_space<vmem>>, vector<128x64xf32>,
    %concatenate3A = tpu.concatenate %dot_general3A_14, %dot_general3A_19 in 1 : vector<128x64xf32>, vector<128x16xf32> -> vector<128x80xf32>
    %swap3A_27 = arith.constant 0 : index
    %swap3A_28 = arith.constant 0 : index
    %swap3A_29 = vector.load %arg8[%swap3A_27, %swap3A_28] : memref<128x80xf32, #tpu.memory_space<vmem>>, vector<128x80xf32>
    tpu.vector_store %arg8[%swap3A_27, %swap3A_28], %concatenate3A {strides = array<i32>} : memref<128x80xf32, #tpu.memory_space<vmem>>, vector<128x80xf32>,
    %swap3A_30 = arith.constant 0 : index
    %swap3A_31 = arith.constant 0 : index
    %swap3A_32 = vector.load %arg9[%swap3A_30, %swap3A_31] : memref<128x16xf32, #tpu.memory_space<vmem>>, vector<128x16xf32>
    tpu.vector_store %arg9[%swap3A_30, %swap3A_31], %dot_general3A_24 {strides = array<i32>} : memref<128x16xf32, #tpu.memory_space<vmem>>, vector<128x16xf32>,
    return
  }
  func.func @transform_0(%arg0: i32) -> (i32, i32) {
    %c0_i32 = arith.constant 0 : i32
    %c0_i32_0 = arith.constant 0 : i32
    return %arg0, %c0_i32 : i32, i32
  }
  func.func @transform_1(%arg0: i32) -> (i32, i32) {
    %c0_i32 = arith.constant 0 : i32
    %c0_i32_0 = arith.constant 0 : i32
    %c0_i32_1 = arith.constant 0 : i32
    return %c0_i32, %c0_i32_0 : i32, i32
  }
  func.func @transform_2(%arg0: i32) -> (i32, i32) {
    %c0_i32 = arith.constant 0 : i32
    %c0_i32_0 = arith.constant 0 : i32
    %c0_i32_1 = arith.constant 0 : i32
    return %c0_i32, %c0_i32_0 : i32, i32
  }
  func.func @transform_3(%arg0: i32) -> (i32, i32) {
    %c0_i32 = arith.constant 0 : i32
    %c0_i32_0 = arith.constant 0 : i32
    %c0_i32_1 = arith.constant 0 : i32
    return %c0_i32, %c0_i32_0 : i32, i32
  }
  func.func @transform_4(%arg0: i32) -> (i32, i32) {
    %c0_i32 = arith.constant 0 : i32
    %c0_i32_0 = arith.constant 0 : i32
    %c0_i32_1 = arith.constant 0 : i32
    return %c0_i32, %c0_i32_0 : i32, i32
  }
  func.func @transform_5(%arg0: i32) -> (i32, i32) {
    %c0_i32 = arith.constant 0 : i32
    %c0_i32_0 = arith.constant 0 : i32
    %c0_i32_1 = arith.constant 0 : i32
    return %c0_i32, %c0_i32_0 : i32, i32
  }
  func.func @transform_6(%arg0: i32) -> (i32, i32) {
    %c0_i32 = arith.constant 0 : i32
    %c0_i32_0 = arith.constant 0 : i32
    return %arg0, %c0_i32 : i32, i32
  }
  func.func @transform_7(%arg0: i32) -> (i32, i32) {
    %c0_i32 = arith.constant 0 : i32
    %c0_i32_0 = arith.constant 0 : i32
    return %arg0, %c0_i32 : i32, i32
  }
  func.func @transform_8(%arg0: i32) -> (i32, i32) {
    %c0_i32 = arith.constant 0 : i32
    %c0_i32_0 = arith.constant 0 : i32
    return %arg0, %c0_i32 : i32, i32
  }
}

module attributes {stable_mosaic.version = 14 : i64} {
  func.func @_mid_body(%arg0: i32, %arg1: memref<128x80xf32, #tpu.memory_space<vmem>>, %arg2: memref<128x64xf32, #tpu.memory_space<vmem>>, %arg3: memref<1x64xf32, #tpu.memory_space<vmem>>, %arg4: memref<1x64xf32, #tpu.memory_space<vmem>>, %arg5: memref<1x64xf32, #tpu.memory_space<vmem>>, %arg6: memref<64x64xf32, #tpu.memory_space<vmem>>, %arg7: memref<64x16xf32, #tpu.memory_space<vmem>>, %arg8: memref<64x16xf32, #tpu.memory_space<vmem>>, %arg9: memref<128x64xf32, #tpu.memory_space<vmem>>, %arg10: memref<128x80xf32, #tpu.memory_space<vmem>>, %arg11: memref<128x16xf32, #tpu.memory_space<vmem>>) attributes {dimension_semantics = [#tpu.dimension_semantics<arbitrary>], iteration_bounds = array<i64: 391>, scalar_prefetch = 0 : i64, scratch_operands = 0 : i64, tpu.core_type = #tpu.core_type<tc>, window_params = [{transform_indices = @transform_0, window_bounds = array<i64: 128, 80>}, {transform_indices = @transform_1, window_bounds = array<i64: 128, 64>}, {pipeline_mode = #tpu.pipeline_mode<synchronous>, transform_indices = @transform_2, window_bounds = array<i64: 1, 64>}, {pipeline_mode = #tpu.pipeline_mode<synchronous>, transform_indices = @transform_3, window_bounds = array<i64: 1, 64>}, {pipeline_mode = #tpu.pipeline_mode<synchronous>, transform_indices = @transform_4, window_bounds = array<i64: 1, 64>}, {pipeline_mode = #tpu.pipeline_mode<synchronous>, transform_indices = @transform_5, window_bounds = array<i64: 64, 64>}, {pipeline_mode = #tpu.pipeline_mode<synchronous>, transform_indices = @transform_6, window_bounds = array<i64: 64, 16>}, {pipeline_mode = #tpu.pipeline_mode<synchronous>, transform_indices = @transform_7, window_bounds = array<i64: 64, 16>}, {transform_indices = @transform_8, window_bounds = array<i64: 128, 64>}, {transform_indices = @transform_9, window_bounds = array<i64: 128, 80>}, {transform_indices = @transform_10, window_bounds = array<i64: 128, 16>}]} {
    %get3A = arith.constant 0 : index
    %get3A_0 = arith.constant 0 : index
    %get3A_1 = vector.load %arg1[%get3A, %get3A_0] : memref<128x80xf32, #tpu.memory_space<vmem>>, vector<128x80xf32>
    %get3A_2 = arith.constant 0 : index
    %get3A_3 = arith.constant 0 : index
    %get3A_4 = vector.load %arg3[%get3A_2, %get3A_3] : memref<1x64xf32, #tpu.memory_space<vmem>>, vector<1x64xf32>
    %get3A_5 = arith.constant 0 : index
    %get3A_6 = arith.constant 0 : index
    %get3A_7 = vector.load %arg2[%get3A_5, %get3A_6] : memref<128x64xf32, #tpu.memory_space<vmem>>, vector<128x64xf32>
    %get3A_8 = arith.constant 0 : index
    %get3A_9 = arith.constant 0 : index
    %get3A_10 = vector.load %arg4[%get3A_8, %get3A_9] : memref<1x64xf32, #tpu.memory_space<vmem>>, vector<1x64xf32>
    %get3A_11 = arith.constant 0 : index
    %get3A_12 = arith.constant 0 : index
    %get3A_13 = vector.load %arg5[%get3A_11, %get3A_12] : memref<1x64xf32, #tpu.memory_space<vmem>>, vector<1x64xf32>
    %slice3A = vector.extract_strided_slice %get3A_1 {offsets = [0, 64], sizes = [128, 8], strides = [1, 1]} : vector<128x80xf32> to vector<128x8xf32>
    %iota3A = tpu.iota {dimensions = array<i32: 0>} : vector<8x64xi32>
    %iota3A_14 = tpu.iota {dimensions = array<i32: 1>} : vector<8x64xi32>
    %jit3A = arith.constant 8 : i32
    %div3A = vector.broadcast %jit3A : i32 to vector<8x64xi32>
    %div3A_15 = arith.divsi %iota3A_14, %div3A : vector<8x64xi32>
    %sign3A = arith.constant 0 : i32
    %sign3A_16 = vector.broadcast %sign3A : i32 to vector<8x64xi32>
    %sign3A_17 = arith.cmpi sgt, %iota3A_14, %sign3A_16 : vector<8x64xi32>
    %sign3A_18 = arith.extui %sign3A_17 : vector<8x64xi1> to vector<8x64xi32>
    %sign3A_19 = arith.constant 0 : i32
    %sign3A_20 = vector.broadcast %sign3A_19 : i32 to vector<8x64xi32>
    %sign3A_21 = arith.cmpi slt, %iota3A_14, %sign3A_20 : vector<8x64xi32>
    %sign3A_22 = arith.extui %sign3A_21 : vector<8x64xi1> to vector<8x64xi32>
    %sign3A_23 = arith.subi %sign3A_18, %sign3A_22 : vector<8x64xi32>
    %sign3A_24 = arith.constant 0 : i32
    %sign3A_25 = arith.cmpi sgt, %jit3A, %sign3A_24 : i32
    %sign3A_26 = arith.extui %sign3A_25 : i1 to i32
    %sign3A_27 = arith.constant 0 : i32
    %sign3A_28 = arith.cmpi slt, %jit3A, %sign3A_27 : i32
    %sign3A_29 = arith.extui %sign3A_28 : i1 to i32
    %sign3A_30 = arith.subi %sign3A_26, %sign3A_29 : i32
    %ne3A = vector.broadcast %sign3A_30 : i32 to vector<8x64xi32>
    %ne3A_31 = arith.cmpi ne, %sign3A_23, %ne3A : vector<8x64xi32>
    %rem3A = vector.broadcast %jit3A : i32 to vector<8x64xi32>
    %rem3A_32 = arith.remsi %iota3A_14, %rem3A : vector<8x64xi32>
    %ne3A_33 = arith.constant 0 : i32
    %ne3A_34 = vector.broadcast %ne3A_33 : i32 to vector<8x64xi32>
    %ne3A_35 = arith.cmpi ne, %rem3A_32, %ne3A_34 : vector<8x64xi32>
    %and3A = arith.andi %ne3A_31, %ne3A_35 : vector<8x64xi1>
    %sub3A = arith.constant 1 : i32
    %sub3A_36 = vector.broadcast %sub3A : i32 to vector<8x64xi32>
    %sub3A_37 = arith.subi %div3A_15, %sub3A_36 : vector<8x64xi32>
    %select_n3A = arith.select %and3A, %sub3A_37, %div3A_15 : vector<8x64xi1>, vector<8x64xi32>
    %eq3A = arith.cmpi eq, %select_n3A, %iota3A : vector<8x64xi32>
    %convert_element_type3A = arith.extui %eq3A : vector<8x64xi1> to vector<8x64xi32>
    %convert_element_type3A_38 = arith.sitofp %convert_element_type3A : vector<8x64xi32> to vector<8x64xf32>
    %dot_general3A = arith.constant dense<0.000000e+00> : vector<128x64xf32>
    %dot_general3A_39 = tpu.matmul %slice3A, %convert_element_type3A_38, %dot_general3A {dimension_numbers = #tpu.dot_dimension_numbers<[1], [0], [0], [1], [0, 0, 1, 1], [], []>, transpose_lhs_hint = false} : vector<128x8xf32>, vector<8x64xf32>, vector<128x64xf32> -> vector<128x64xf32>
    %slice3A_40 = vector.extract_strided_slice %get3A_1 {offsets = [0, 0], sizes = [128, 64], strides = [1, 1]} : vector<128x80xf32> to vector<128x64xf32>
    %add3A = arith.constant 1.000000e-16 : f32
    %add3A_41 = vector.broadcast %add3A : f32 to vector<128x64xf32>
    %add3A_42 = arith.addf %dot_general3A_39, %add3A_41 : vector<128x64xf32>
    %div3A_43 = arith.divf %slice3A_40, %add3A_42 : vector<128x64xf32>
    %add3A_44 = vector.broadcast %get3A_4 : vector<1x64xf32> to vector<128x64xf32>
    %add3A_45 = arith.addf %div3A_43, %add3A_44 : vector<128x64xf32>
    %gt3A = arith.constant 0.000000e+00 : f32
    %gt3A_46 = vector.broadcast %gt3A : f32 to vector<128x64xf32>
    %gt3A_47 = arith.cmpf ogt, %add3A_45, %gt3A_46 : vector<128x64xf32>
    %exp3A = math.exp %add3A_45 : vector<128x64xf32>
    %sub3A_48 = arith.constant 1.000000e+00 : f32
    %sub3A_49 = vector.broadcast %sub3A_48 : f32 to vector<128x64xf32>
    %sub3A_50 = arith.subf %exp3A, %sub3A_49 : vector<128x64xf32>
    %select_n3A_51 = arith.select %gt3A_47, %add3A_45, %sub3A_50 : vector<128x64xi1>, vector<128x64xf32>
    %add3A_52 = arith.addf %select_n3A_51, %get3A_7 : vector<128x64xf32>
    %reduce_sum3A = arith.constant dense<0.000000e+00> : vector<128xf32>
    %reduce_sum3A_53 = vector.multi_reduction <add>, %add3A_52, %reduce_sum3A [1] : vector<128x64xf32> to vector<128xf32>
    %broadcast_in_dim3A = vector.shape_cast %reduce_sum3A_53 : vector<128xf32> to vector<128x1xf32>
    %div3A_54 = arith.constant 6.400000e+01 : f32
    %div3A_55 = vector.broadcast %div3A_54 : f32 to vector<128x1xf32>
    %div3A_56 = arith.divf %broadcast_in_dim3A, %div3A_55 : vector<128x1xf32>
    %sub3A_57 = vector.broadcast %div3A_56 : vector<128x1xf32> to vector<128x64xf32>
    %sub3A_58 = arith.subf %add3A_52, %sub3A_57 : vector<128x64xf32>
    %integer_pow3A = arith.mulf %sub3A_58, %sub3A_58 : vector<128x64xf32>
    %reduce_sum3A_59 = arith.constant dense<0.000000e+00> : vector<128xf32>
    %reduce_sum3A_60 = vector.multi_reduction <add>, %integer_pow3A, %reduce_sum3A_59 [1] : vector<128x64xf32> to vector<128xf32>
    %broadcast_in_dim3A_61 = vector.shape_cast %reduce_sum3A_60 : vector<128xf32> to vector<128x1xf32>
    %div3A_62 = arith.constant 6.400000e+01 : f32
    %div3A_63 = vector.broadcast %div3A_62 : f32 to vector<128x1xf32>
    %div3A_64 = arith.divf %broadcast_in_dim3A_61, %div3A_63 : vector<128x1xf32>
    %sub3A_65 = vector.broadcast %div3A_56 : vector<128x1xf32> to vector<128x64xf32>
    %sub3A_66 = arith.subf %add3A_52, %sub3A_65 : vector<128x64xf32>
    %add3A_67 = arith.constant 9.99999974E-6 : f32
    %add3A_68 = vector.broadcast %add3A_67 : f32 to vector<128x1xf32>
    %add3A_69 = arith.addf %div3A_64, %add3A_68 : vector<128x1xf32>
    %sqrt3A = math.sqrt %add3A_69 : vector<128x1xf32>
    %div3A_70 = vector.broadcast %sqrt3A : vector<128x1xf32> to vector<128x64xf32>
    %div3A_71 = arith.divf %sub3A_66, %div3A_70 : vector<128x64xf32>
    %mul3A = vector.broadcast %get3A_10 : vector<1x64xf32> to vector<128x64xf32>
    %mul3A_72 = arith.mulf %div3A_71, %mul3A : vector<128x64xf32>
    %add3A_73 = vector.broadcast %get3A_13 : vector<1x64xf32> to vector<128x64xf32>
    %add3A_74 = arith.addf %mul3A_72, %add3A_73 : vector<128x64xf32>
    %swap3A = arith.constant 0 : index
    %swap3A_75 = arith.constant 0 : index
    %swap3A_76 = vector.load %arg9[%swap3A, %swap3A_75] : memref<128x64xf32, #tpu.memory_space<vmem>>, vector<128x64xf32>
    tpu.vector_store %arg9[%swap3A, %swap3A_75], %add3A_74 {strides = array<i32>} : memref<128x64xf32, #tpu.memory_space<vmem>>, vector<128x64xf32>,
    %get3A_77 = arith.constant 0 : index
    %get3A_78 = arith.constant 0 : index
    %get3A_79 = vector.load %arg6[%get3A_77, %get3A_78] : memref<64x64xf32, #tpu.memory_space<vmem>>, vector<64x64xf32>
    %dot_general3A_80 = arith.constant dense<0.000000e+00> : vector<128x64xf32>
    %dot_general3A_81 = tpu.matmul %add3A_74, %get3A_79, %dot_general3A_80 {dimension_numbers = #tpu.dot_dimension_numbers<[1], [0], [0], [1], [0, 0, 1, 1], [], []>, transpose_lhs_hint = false} : vector<128x64xf32>, vector<64x64xf32>, vector<128x64xf32> -> vector<128x64xf32>
    %get3A_82 = arith.constant 0 : index
    %get3A_83 = arith.constant 0 : index
    %get3A_84 = vector.load %arg7[%get3A_82, %get3A_83] : memref<64x16xf32, #tpu.memory_space<vmem>>, vector<64x16xf32>
    %dot_general3A_85 = arith.constant dense<0.000000e+00> : vector<128x16xf32>
    %dot_general3A_86 = tpu.matmul %dot_general3A_81, %get3A_84, %dot_general3A_85 {dimension_numbers = #tpu.dot_dimension_numbers<[1], [0], [0], [1], [0, 0, 1, 1], [], []>, transpose_lhs_hint = false} : vector<128x64xf32>, vector<64x16xf32>, vector<128x16xf32> -> vector<128x16xf32>
    %get3A_87 = arith.constant 0 : index
    %get3A_88 = arith.constant 0 : index
    %get3A_89 = vector.load %arg8[%get3A_87, %get3A_88] : memref<64x16xf32, #tpu.memory_space<vmem>>, vector<64x16xf32>
    %dot_general3A_90 = arith.constant dense<0.000000e+00> : vector<128x16xf32>
    %dot_general3A_91 = tpu.matmul %dot_general3A_81, %get3A_89, %dot_general3A_90 {dimension_numbers = #tpu.dot_dimension_numbers<[1], [0], [0], [1], [0, 0, 1, 1], [], []>, transpose_lhs_hint = false} : vector<128x64xf32>, vector<64x16xf32>, vector<128x16xf32> -> vector<128x16xf32>
    %concatenate3A = tpu.concatenate %dot_general3A_81, %dot_general3A_86 in 1 : vector<128x64xf32>, vector<128x16xf32> -> vector<128x80xf32>
    %swap3A_92 = arith.constant 0 : index
    %swap3A_93 = arith.constant 0 : index
    %swap3A_94 = vector.load %arg10[%swap3A_92, %swap3A_93] : memref<128x80xf32, #tpu.memory_space<vmem>>, vector<128x80xf32>
    tpu.vector_store %arg10[%swap3A_92, %swap3A_93], %concatenate3A {strides = array<i32>} : memref<128x80xf32, #tpu.memory_space<vmem>>, vector<128x80xf32>,
    %swap3A_95 = arith.constant 0 : index
    %swap3A_96 = arith.constant 0 : index
    %swap3A_97 = vector.load %arg11[%swap3A_95, %swap3A_96] : memref<128x16xf32, #tpu.memory_space<vmem>>, vector<128x16xf32>
    tpu.vector_store %arg11[%swap3A_95, %swap3A_96], %dot_general3A_91 {strides = array<i32>} : memref<128x16xf32, #tpu.memory_space<vmem>>, vector<128x16xf32>,
    return
  }
  func.func @transform_0(%arg0: i32) -> (i32, i32) {
    %c0_i32 = arith.constant 0 : i32
    %c0_i32_0 = arith.constant 0 : i32
    return %arg0, %c0_i32 : i32, i32
  }
  func.func @transform_1(%arg0: i32) -> (i32, i32) {
    %c0_i32 = arith.constant 0 : i32
    %c0_i32_0 = arith.constant 0 : i32
    return %arg0, %c0_i32 : i32, i32
  }
  func.func @transform_2(%arg0: i32) -> (i32, i32) {
    %c0_i32 = arith.constant 0 : i32
    %c0_i32_0 = arith.constant 0 : i32
    %c0_i32_1 = arith.constant 0 : i32
    return %c0_i32, %c0_i32_0 : i32, i32
  }
  func.func @transform_3(%arg0: i32) -> (i32, i32) {
    %c0_i32 = arith.constant 0 : i32
    %c0_i32_0 = arith.constant 0 : i32
    %c0_i32_1 = arith.constant 0 : i32
    return %c0_i32, %c0_i32_0 : i32, i32
  }
  func.func @transform_4(%arg0: i32) -> (i32, i32) {
    %c0_i32 = arith.constant 0 : i32
    %c0_i32_0 = arith.constant 0 : i32
    %c0_i32_1 = arith.constant 0 : i32
    return %c0_i32, %c0_i32_0 : i32, i32
  }
  func.func @transform_5(%arg0: i32) -> (i32, i32) {
    %c0_i32 = arith.constant 0 : i32
    %c0_i32_0 = arith.constant 0 : i32
    %c0_i32_1 = arith.constant 0 : i32
    return %c0_i32, %c0_i32_0 : i32, i32
  }
  func.func @transform_6(%arg0: i32) -> (i32, i32) {
    %c0_i32 = arith.constant 0 : i32
    %c0_i32_0 = arith.constant 0 : i32
    %c0_i32_1 = arith.constant 0 : i32
    return %c0_i32, %c0_i32_0 : i32, i32
  }
  func.func @transform_7(%arg0: i32) -> (i32, i32) {
    %c0_i32 = arith.constant 0 : i32
    %c0_i32_0 = arith.constant 0 : i32
    %c0_i32_1 = arith.constant 0 : i32
    return %c0_i32, %c0_i32_0 : i32, i32
  }
  func.func @transform_8(%arg0: i32) -> (i32, i32) {
    %c0_i32 = arith.constant 0 : i32
    %c0_i32_0 = arith.constant 0 : i32
    return %arg0, %c0_i32 : i32, i32
  }
  func.func @transform_9(%arg0: i32) -> (i32, i32) {
    %c0_i32 = arith.constant 0 : i32
    %c0_i32_0 = arith.constant 0 : i32
    return %arg0, %c0_i32 : i32, i32
  }
  func.func @transform_10(%arg0: i32) -> (i32, i32) {
    %c0_i32 = arith.constant 0 : i32
    %c0_i32_0 = arith.constant 0 : i32
    return %arg0, %c0_i32 : i32, i32
  }
}

module attributes {stable_mosaic.version = 14 : i64} {
  func.func @_k6_body(%arg0: memref<64x64xf32, #tpu.memory_space<vmem>>, %arg1: memref<64x64xf32, #tpu.memory_space<vmem>>, %arg2: memref<64x64xf32, #tpu.memory_space<vmem>>, %arg3: memref<128x64xf32, #tpu.memory_space<vmem>>, %arg4: memref<1x64xf32, #tpu.memory_space<vmem>>, %arg5: memref<64x32xf32, #tpu.memory_space<vmem>>, %arg6: memref<1x32xf32, #tpu.memory_space<vmem>>, %arg7: memref<32x20xf32, #tpu.memory_space<vmem>>, %arg8: memref<1x20xf32, #tpu.memory_space<vmem>>, %arg9: memref<64x20xf32, #tpu.memory_space<vmem>>) attributes {dimension_semantics = [], scalar_prefetch = 0 : i64, scratch_operands = 0 : i64, tpu.core_type = #tpu.core_type<tc>} {
    %get3A = arith.constant 0 : index
    %get3A_0 = arith.constant 0 : index
    %get3A_1 = vector.load %arg2[%get3A, %get3A_0] : memref<64x64xf32, #tpu.memory_space<vmem>>, vector<64x64xf32>
    %max3A = arith.constant 1.000000e+00 : f32
    %max3A_2 = vector.broadcast %max3A : f32 to vector<64x64xf32>
    %max3A_3 = arith.maximumf %get3A_1, %max3A_2 : vector<64x64xf32>
    %get3A_4 = arith.constant 0 : index
    %get3A_5 = arith.constant 0 : index
    %get3A_6 = vector.load %arg0[%get3A_4, %get3A_5] : memref<64x64xf32, #tpu.memory_space<vmem>>, vector<64x64xf32>
    %div3A = arith.divf %get3A_6, %max3A_3 : vector<64x64xf32>
    %get3A_7 = arith.constant 0 : index
    %get3A_8 = arith.constant 0 : index
    %get3A_9 = vector.load %arg1[%get3A_7, %get3A_8] : memref<64x64xf32, #tpu.memory_space<vmem>>, vector<64x64xf32>
    %div3A_10 = arith.divf %get3A_9, %max3A_3 : vector<64x64xf32>
    %concatenate3A = tpu.concatenate %div3A, %div3A_10 in 1 : vector<64x64xf32>, vector<64x64xf32> -> vector<64x128xf32>
    %get3A_11 = arith.constant 0 : index
    %get3A_12 = arith.constant 0 : index
    %get3A_13 = vector.load %arg3[%get3A_11, %get3A_12] : memref<128x64xf32, #tpu.memory_space<vmem>>, vector<128x64xf32>
    %dot_general3A = arith.constant dense<0.000000e+00> : vector<64x64xf32>
    %dot_general3A_14 = tpu.matmul %concatenate3A, %get3A_13, %dot_general3A {dimension_numbers = #tpu.dot_dimension_numbers<[1], [0], [0], [1], [0, 0, 1, 1], [], []>, transpose_lhs_hint = false} : vector<64x128xf32>, vector<128x64xf32>, vector<64x64xf32> -> vector<64x64xf32>
    %get3A_15 = arith.constant 0 : index
    %get3A_16 = arith.constant 0 : index
    %get3A_17 = vector.load %arg4[%get3A_15, %get3A_16] : memref<1x64xf32, #tpu.memory_space<vmem>>, vector<1x64xf32>
    %add3A = vector.broadcast %get3A_17 : vector<1x64xf32> to vector<64x64xf32>
    %add3A_18 = arith.addf %dot_general3A_14, %add3A : vector<64x64xf32>
    %max3A_19 = arith.constant 0.000000e+00 : f32
    %max3A_20 = vector.broadcast %max3A_19 : f32 to vector<64x64xf32>
    %max3A_21 = arith.maximumf %add3A_18, %max3A_20 : vector<64x64xf32>
    %get3A_22 = arith.constant 0 : index
    %get3A_23 = arith.constant 0 : index
    %get3A_24 = vector.load %arg5[%get3A_22, %get3A_23] : memref<64x32xf32, #tpu.memory_space<vmem>>, vector<64x32xf32>
    %dot_general3A_25 = arith.constant dense<0.000000e+00> : vector<64x32xf32>
    %dot_general3A_26 = tpu.matmul %max3A_21, %get3A_24, %dot_general3A_25 {dimension_numbers = #tpu.dot_dimension_numbers<[1], [0], [0], [1], [0, 0, 1, 1], [], []>, transpose_lhs_hint = false} : vector<64x64xf32>, vector<64x32xf32>, vector<64x32xf32> -> vector<64x32xf32>
    %get3A_27 = arith.constant 0 : index
    %get3A_28 = arith.constant 0 : index
    %get3A_29 = vector.load %arg6[%get3A_27, %get3A_28] : memref<1x32xf32, #tpu.memory_space<vmem>>, vector<1x32xf32>
    %add3A_30 = vector.broadcast %get3A_29 : vector<1x32xf32> to vector<64x32xf32>
    %add3A_31 = arith.addf %dot_general3A_26, %add3A_30 : vector<64x32xf32>
    %max3A_32 = arith.constant 0.000000e+00 : f32
    %max3A_33 = vector.broadcast %max3A_32 : f32 to vector<64x32xf32>
    %max3A_34 = arith.maximumf %add3A_31, %max3A_33 : vector<64x32xf32>
    %get3A_35 = arith.constant 0 : index
    %get3A_36 = arith.constant 0 : index
    %get3A_37 = vector.load %arg7[%get3A_35, %get3A_36] : memref<32x20xf32, #tpu.memory_space<vmem>>, vector<32x20xf32>
    %dot_general3A_38 = arith.constant dense<0.000000e+00> : vector<64x20xf32>
    %dot_general3A_39 = tpu.matmul %max3A_34, %get3A_37, %dot_general3A_38 {dimension_numbers = #tpu.dot_dimension_numbers<[1], [0], [0], [1], [0, 0, 1, 1], [], []>, transpose_lhs_hint = false} : vector<64x32xf32>, vector<32x20xf32>, vector<64x20xf32> -> vector<64x20xf32>
    %get3A_40 = arith.constant 0 : index
    %get3A_41 = arith.constant 0 : index
    %get3A_42 = vector.load %arg8[%get3A_40, %get3A_41] : memref<1x20xf32, #tpu.memory_space<vmem>>, vector<1x20xf32>
    %add3A_43 = vector.broadcast %get3A_42 : vector<1x20xf32> to vector<64x20xf32>
    %add3A_44 = arith.addf %dot_general3A_39, %add3A_43 : vector<64x20xf32>
    %reduce_max3A = arith.constant dense<0xFF800000> : vector<64xf32>
    %reduce_max3A_45 = vector.multi_reduction <maximumf>, %add3A_44, %reduce_max3A [1] : vector<64x20xf32> to vector<64xf32>
    %broadcast_in_dim3A = vector.shape_cast %reduce_max3A_45 : vector<64xf32> to vector<64x1xf32>
    %sub3A = vector.broadcast %broadcast_in_dim3A : vector<64x1xf32> to vector<64x20xf32>
    %sub3A_46 = arith.subf %add3A_44, %sub3A : vector<64x20xf32>
    %exp3A = math.exp %sub3A_46 : vector<64x20xf32>
    %reduce_sum3A = arith.constant dense<0.000000e+00> : vector<64xf32>
    %reduce_sum3A_47 = vector.multi_reduction <add>, %exp3A, %reduce_sum3A [1] : vector<64x20xf32> to vector<64xf32>
    %broadcast_in_dim3A_48 = vector.shape_cast %reduce_sum3A_47 : vector<64xf32> to vector<64x1xf32>
    %log3A = math.log %broadcast_in_dim3A_48 : vector<64x1xf32>
    %add3A_49 = arith.addf %log3A, %broadcast_in_dim3A : vector<64x1xf32>
    %sub3A_50 = vector.broadcast %add3A_49 : vector<64x1xf32> to vector<64x20xf32>
    %sub3A_51 = arith.subf %add3A_44, %sub3A_50 : vector<64x20xf32>
    %swap3A = arith.constant 0 : index
    %swap3A_52 = arith.constant 0 : index
    %swap3A_53 = vector.load %arg9[%swap3A, %swap3A_52] : memref<64x20xf32, #tpu.memory_space<vmem>>, vector<64x20xf32>
    tpu.vector_store %arg9[%swap3A, %swap3A_52], %sub3A_51 {strides = array<i32>} : memref<64x20xf32, #tpu.memory_space<vmem>>, vector<64x20xf32>,
    return
  }
}

module attributes {stable_mosaic.version = 14 : i64} {
  func.func @_k5_body(%arg0: i32, %arg1: memref<128x80xf32, #tpu.memory_space<vmem>>, %arg2: memref<128x64xf32, #tpu.memory_space<vmem>>, %arg3: memref<128x64xf32, #tpu.memory_space<vmem>>, %arg4: memref<1x64xf32, #tpu.memory_space<vmem>>, %arg5: memref<1x64xf32, #tpu.memory_space<vmem>>, %arg6: memref<1x64xf32, #tpu.memory_space<vmem>>, %arg7: memref<1x1x128xi32, #tpu.memory_space<vmem>>, %arg8: memref<64x64xf32, #tpu.memory_space<vmem>>, %arg9: memref<64x64xf32, #tpu.memory_space<vmem>>, %arg10: memref<64x64xf32, #tpu.memory_space<vmem>>) attributes {dimension_semantics = [#tpu.dimension_semantics<arbitrary>], iteration_bounds = array<i64: 391>, scalar_prefetch = 0 : i64, scratch_operands = 0 : i64, tpu.core_type = #tpu.core_type<tc>, window_params = [{transform_indices = @transform_0, window_bounds = array<i64: 128, 80>}, {transform_indices = @transform_1, window_bounds = array<i64: 128, 64>}, {transform_indices = @transform_2, window_bounds = array<i64: 128, 64>}, {pipeline_mode = #tpu.pipeline_mode<synchronous>, transform_indices = @transform_3, window_bounds = array<i64: 1, 64>}, {pipeline_mode = #tpu.pipeline_mode<synchronous>, transform_indices = @transform_4, window_bounds = array<i64: 1, 64>}, {pipeline_mode = #tpu.pipeline_mode<synchronous>, transform_indices = @transform_5, window_bounds = array<i64: 1, 64>}, {transform_indices = @transform_6, window_bounds = array<i64: 1, 1, 128>}, {pipeline_mode = #tpu.pipeline_mode<synchronous>, transform_indices = @transform_7, window_bounds = array<i64: 64, 64>}, {pipeline_mode = #tpu.pipeline_mode<synchronous>, transform_indices = @transform_8, window_bounds = array<i64: 64, 64>}, {pipeline_mode = #tpu.pipeline_mode<synchronous>, transform_indices = @transform_9, window_bounds = array<i64: 64, 64>}]} {
    %get3A = arith.constant 0 : index
    %get3A_0 = arith.constant 0 : index
    %get3A_1 = vector.load %arg1[%get3A, %get3A_0] : memref<128x80xf32, #tpu.memory_space<vmem>>, vector<128x80xf32>
    %get3A_2 = arith.constant 0 : index
    %get3A_3 = arith.constant 0 : index
    %get3A_4 = vector.load %arg4[%get3A_2, %get3A_3] : memref<1x64xf32, #tpu.memory_space<vmem>>, vector<1x64xf32>
    %get3A_5 = arith.constant 0 : index
    %get3A_6 = arith.constant 0 : index
    %get3A_7 = vector.load %arg2[%get3A_5, %get3A_6] : memref<128x64xf32, #tpu.memory_space<vmem>>, vector<128x64xf32>
    %get3A_8 = arith.constant 0 : index
    %get3A_9 = arith.constant 0 : index
    %get3A_10 = vector.load %arg5[%get3A_8, %get3A_9] : memref<1x64xf32, #tpu.memory_space<vmem>>, vector<1x64xf32>
    %get3A_11 = arith.constant 0 : index
    %get3A_12 = arith.constant 0 : index
    %get3A_13 = vector.load %arg6[%get3A_11, %get3A_12] : memref<1x64xf32, #tpu.memory_space<vmem>>, vector<1x64xf32>
    %slice3A = vector.extract_strided_slice %get3A_1 {offsets = [0, 64], sizes = [128, 4], strides = [1, 1]} : vector<128x80xf32> to vector<128x4xf32>
    %iota3A = tpu.iota {dimensions = array<i32: 0>} : vector<4x64xi32>
    %iota3A_14 = tpu.iota {dimensions = array<i32: 1>} : vector<4x64xi32>
    %jit3A = arith.constant 16 : i32
    %div3A = vector.broadcast %jit3A : i32 to vector<4x64xi32>
    %div3A_15 = arith.divsi %iota3A_14, %div3A : vector<4x64xi32>
    %sign3A = arith.constant 0 : i32
    %sign3A_16 = vector.broadcast %sign3A : i32 to vector<4x64xi32>
    %sign3A_17 = arith.cmpi sgt, %iota3A_14, %sign3A_16 : vector<4x64xi32>
    %sign3A_18 = arith.extui %sign3A_17 : vector<4x64xi1> to vector<4x64xi32>
    %sign3A_19 = arith.constant 0 : i32
    %sign3A_20 = vector.broadcast %sign3A_19 : i32 to vector<4x64xi32>
    %sign3A_21 = arith.cmpi slt, %iota3A_14, %sign3A_20 : vector<4x64xi32>
    %sign3A_22 = arith.extui %sign3A_21 : vector<4x64xi1> to vector<4x64xi32>
    %sign3A_23 = arith.subi %sign3A_18, %sign3A_22 : vector<4x64xi32>
    %sign3A_24 = arith.constant 0 : i32
    %sign3A_25 = arith.cmpi sgt, %jit3A, %sign3A_24 : i32
    %sign3A_26 = arith.extui %sign3A_25 : i1 to i32
    %sign3A_27 = arith.constant 0 : i32
    %sign3A_28 = arith.cmpi slt, %jit3A, %sign3A_27 : i32
    %sign3A_29 = arith.extui %sign3A_28 : i1 to i32
    %sign3A_30 = arith.subi %sign3A_26, %sign3A_29 : i32
    %ne3A = vector.broadcast %sign3A_30 : i32 to vector<4x64xi32>
    %ne3A_31 = arith.cmpi ne, %sign3A_23, %ne3A : vector<4x64xi32>
    %rem3A = vector.broadcast %jit3A : i32 to vector<4x64xi32>
    %rem3A_32 = arith.remsi %iota3A_14, %rem3A : vector<4x64xi32>
    %ne3A_33 = arith.constant 0 : i32
    %ne3A_34 = vector.broadcast %ne3A_33 : i32 to vector<4x64xi32>
    %ne3A_35 = arith.cmpi ne, %rem3A_32, %ne3A_34 : vector<4x64xi32>
    %and3A = arith.andi %ne3A_31, %ne3A_35 : vector<4x64xi1>
    %sub3A = arith.constant 1 : i32
    %sub3A_36 = vector.broadcast %sub3A : i32 to vector<4x64xi32>
    %sub3A_37 = arith.subi %div3A_15, %sub3A_36 : vector<4x64xi32>
    %select_n3A = arith.select %and3A, %sub3A_37, %div3A_15 : vector<4x64xi1>, vector<4x64xi32>
    %eq3A = arith.cmpi eq, %select_n3A, %iota3A : vector<4x64xi32>
    %convert_element_type3A = arith.extui %eq3A : vector<4x64xi1> to vector<4x64xi32>
    %convert_element_type3A_38 = arith.sitofp %convert_element_type3A : vector<4x64xi32> to vector<4x64xf32>
    %dot_general3A = arith.constant dense<0.000000e+00> : vector<128x64xf32>
    %dot_general3A_39 = tpu.matmul %slice3A, %convert_element_type3A_38, %dot_general3A {dimension_numbers = #tpu.dot_dimension_numbers<[1], [0], [0], [1], [0, 0, 1, 1], [], []>, transpose_lhs_hint = false} : vector<128x4xf32>, vector<4x64xf32>, vector<128x64xf32> -> vector<128x64xf32>
    %slice3A_40 = vector.extract_strided_slice %get3A_1 {offsets = [0, 0], sizes = [128, 64], strides = [1, 1]} : vector<128x80xf32> to vector<128x64xf32>
    %add3A = arith.constant 1.000000e-16 : f32
    %add3A_41 = vector.broadcast %add3A : f32 to vector<128x64xf32>
    %add3A_42 = arith.addf %dot_general3A_39, %add3A_41 : vector<128x64xf32>
    %div3A_43 = arith.divf %slice3A_40, %add3A_42 : vector<128x64xf32>
    %add3A_44 = vector.broadcast %get3A_4 : vector<1x64xf32> to vector<128x64xf32>
    %add3A_45 = arith.addf %div3A_43, %add3A_44 : vector<128x64xf32>
    %gt3A = arith.constant 0.000000e+00 : f32
    %gt3A_46 = vector.broadcast %gt3A : f32 to vector<128x64xf32>
    %gt3A_47 = arith.cmpf ogt, %add3A_45, %gt3A_46 : vector<128x64xf32>
    %exp3A = math.exp %add3A_45 : vector<128x64xf32>
    %sub3A_48 = arith.constant 1.000000e+00 : f32
    %sub3A_49 = vector.broadcast %sub3A_48 : f32 to vector<128x64xf32>
    %sub3A_50 = arith.subf %exp3A, %sub3A_49 : vector<128x64xf32>
    %select_n3A_51 = arith.select %gt3A_47, %add3A_45, %sub3A_50 : vector<128x64xi1>, vector<128x64xf32>
    %add3A_52 = arith.addf %select_n3A_51, %get3A_7 : vector<128x64xf32>
    %reduce_sum3A = arith.constant dense<0.000000e+00> : vector<128xf32>
    %reduce_sum3A_53 = vector.multi_reduction <add>, %add3A_52, %reduce_sum3A [1] : vector<128x64xf32> to vector<128xf32>
    %broadcast_in_dim3A = vector.shape_cast %reduce_sum3A_53 : vector<128xf32> to vector<128x1xf32>
    %div3A_54 = arith.constant 6.400000e+01 : f32
    %div3A_55 = vector.broadcast %div3A_54 : f32 to vector<128x1xf32>
    %div3A_56 = arith.divf %broadcast_in_dim3A, %div3A_55 : vector<128x1xf32>
    %sub3A_57 = vector.broadcast %div3A_56 : vector<128x1xf32> to vector<128x64xf32>
    %sub3A_58 = arith.subf %add3A_52, %sub3A_57 : vector<128x64xf32>
    %integer_pow3A = arith.mulf %sub3A_58, %sub3A_58 : vector<128x64xf32>
    %reduce_sum3A_59 = arith.constant dense<0.000000e+00> : vector<128xf32>
    %reduce_sum3A_60 = vector.multi_reduction <add>, %integer_pow3A, %reduce_sum3A_59 [1] : vector<128x64xf32> to vector<128xf32>
    %broadcast_in_dim3A_61 = vector.shape_cast %reduce_sum3A_60 : vector<128xf32> to vector<128x1xf32>
    %div3A_62 = arith.constant 6.400000e+01 : f32
    %div3A_63 = vector.broadcast %div3A_62 : f32 to vector<128x1xf32>
    %div3A_64 = arith.divf %broadcast_in_dim3A_61, %div3A_63 : vector<128x1xf32>
    %sub3A_65 = vector.broadcast %div3A_56 : vector<128x1xf32> to vector<128x64xf32>
    %sub3A_66 = arith.subf %add3A_52, %sub3A_65 : vector<128x64xf32>
    %add3A_67 = arith.constant 9.99999974E-6 : f32
    %add3A_68 = vector.broadcast %add3A_67 : f32 to vector<128x1xf32>
    %add3A_69 = arith.addf %div3A_64, %add3A_68 : vector<128x1xf32>
    %sqrt3A = math.sqrt %add3A_69 : vector<128x1xf32>
    %div3A_70 = vector.broadcast %sqrt3A : vector<128x1xf32> to vector<128x64xf32>
    %div3A_71 = arith.divf %sub3A_66, %div3A_70 : vector<128x64xf32>
    %mul3A = vector.broadcast %get3A_10 : vector<1x64xf32> to vector<128x64xf32>
    %mul3A_72 = arith.mulf %div3A_71, %mul3A : vector<128x64xf32>
    %add3A_73 = vector.broadcast %get3A_13 : vector<1x64xf32> to vector<128x64xf32>
    %add3A_74 = arith.addf %mul3A_72, %add3A_73 : vector<128x64xf32>
    %get3A_75 = arith.constant 0 : index
    %get3A_76 = arith.constant 0 : index
    %get3A_77 = arith.constant 0 : index
    %get3A_78 = vector.load %arg7[%get3A_75, %get3A_76, %get3A_77] : memref<1x1x128xi32, #tpu.memory_space<vmem>>, vector<1x1x128xi32>
    %get3A_79 = vector.shape_cast %get3A_78 : vector<1x1x128xi32> to vector<1x128xi32>
    %iota3A_80 = tpu.iota {dimensions = array<i32: 0>} : vector<64x128xi32>
    %broadcast_in_dim3A_81 = vector.shape_cast %get3A_79 : vector<1x128xi32> to vector<1x128xi32>
    %broadcast_in_dim3A_82 = vector.broadcast %broadcast_in_dim3A_81 : vector<1x128xi32> to vector<64x128xi32>
    %eq3A_83 = arith.cmpi eq, %iota3A_80, %broadcast_in_dim3A_82 : vector<64x128xi32>
    %convert_element_type3A_84 = arith.extui %eq3A_83 : vector<64x128xi1> to vector<64x128xi32>
    %convert_element_type3A_85 = arith.sitofp %convert_element_type3A_84 : vector<64x128xi32> to vector<64x128xf32>
    %dot_general3A_86 = arith.constant dense<0.000000e+00> : vector<64x64xf32>
    %dot_general3A_87 = tpu.matmul %convert_element_type3A_85, %add3A_74, %dot_general3A_86 {dimension_numbers = #tpu.dot_dimension_numbers<[1], [0], [0], [1], [0, 0, 1, 1], [], []>, transpose_lhs_hint = false} : vector<64x128xf32>, vector<128x64xf32>, vector<64x64xf32> -> vector<64x64xf32>
    %get3A_88 = arith.constant 0 : index
    %get3A_89 = arith.constant 0 : index
    %get3A_90 = vector.load %arg3[%get3A_88, %get3A_89] : memref<128x64xf32, #tpu.memory_space<vmem>>, vector<128x64xf32>
    %dot_general3A_91 = arith.constant dense<0.000000e+00> : vector<64x64xf32>
    %dot_general3A_92 = tpu.matmul %convert_element_type3A_85, %get3A_90, %dot_general3A_91 {dimension_numbers = #tpu.dot_dimension_numbers<[1], [0], [0], [1], [0, 0, 1, 1], [], []>, transpose_lhs_hint = false} : vector<64x128xf32>, vector<128x64xf32>, vector<64x64xf32> -> vector<64x64xf32>
    %broadcast_in_dim3A_93 = arith.constant 1.000000e+00 : f32
    %broadcast_in_dim3A_94 = vector.broadcast %broadcast_in_dim3A_93 : f32 to vector<128x64xf32>
    %dot_general3A_95 = arith.constant dense<0.000000e+00> : vector<64x64xf32>
    %dot_general3A_96 = tpu.matmul %convert_element_type3A_85, %broadcast_in_dim3A_94, %dot_general3A_95 {dimension_numbers = #tpu.dot_dimension_numbers<[1], [0], [0], [1], [0, 0, 1, 1], [], []>, transpose_lhs_hint = false} : vector<64x128xf32>, vector<128x64xf32>, vector<64x64xf32> -> vector<64x64xf32>
    %eq3A_97 = arith.constant 0 : i32
    %eq3A_98 = arith.cmpi eq, %arg0, %eq3A_97 : i32
    %convert_element_type3A_99 = arith.extui %eq3A_98 : i1 to i32
    %cond3A = arith.constant 0 : i32
    %cond3A_100 = arith.cmpi ne, %convert_element_type3A_99, %cond3A : i32
    scf.if %cond3A_100 {
      %swap3A = arith.constant 0 : index
      %swap3A_106 = arith.constant 0 : index
      %swap3A_107 = vector.load %arg8[%swap3A, %swap3A_106] : memref<64x64xf32, #tpu.memory_space<vmem>>, vector<64x64xf32>
      tpu.vector_store %arg8[%swap3A, %swap3A_106], %dot_general3A_87 {strides = array<i32>} : memref<64x64xf32, #tpu.memory_space<vmem>>, vector<64x64xf32>,
      %swap3A_108 = arith.constant 0 : index
      %swap3A_109 = arith.constant 0 : index
      %swap3A_110 = vector.load %arg9[%swap3A_108, %swap3A_109] : memref<64x64xf32, #tpu.memory_space<vmem>>, vector<64x64xf32>
      tpu.vector_store %arg9[%swap3A_108, %swap3A_109], %dot_general3A_92 {strides = array<i32>} : memref<64x64xf32, #tpu.memory_space<vmem>>, vector<64x64xf32>,
      %swap3A_111 = arith.constant 0 : index
      %swap3A_112 = arith.constant 0 : index
      %swap3A_113 = vector.load %arg10[%swap3A_111, %swap3A_112] : memref<64x64xf32, #tpu.memory_space<vmem>>, vector<64x64xf32>
      tpu.vector_store %arg10[%swap3A_111, %swap3A_112], %dot_general3A_96 {strides = array<i32>} : memref<64x64xf32, #tpu.memory_space<vmem>>, vector<64x64xf32>,
    } else {
    }
    %ne3A_101 = arith.constant 0 : i32
    %ne3A_102 = arith.cmpi ne, %arg0, %ne3A_101 : i32
    %convert_element_type3A_103 = arith.extui %ne3A_102 : i1 to i32
    %cond3A_104 = arith.constant 0 : i32
    %cond3A_105 = arith.cmpi ne, %convert_element_type3A_103, %cond3A_104 : i32
    scf.if %cond3A_105 {
      %get3A_106 = arith.constant 0 : index
      %get3A_107 = arith.constant 0 : index
      %get3A_108 = vector.load %arg8[%get3A_106, %get3A_107] : memref<64x64xf32, #tpu.memory_space<vmem>>, vector<64x64xf32>
      %add3A_109 = arith.addf %get3A_108, %dot_general3A_87 : vector<64x64xf32>
      %swap3A = arith.constant 0 : index
      %swap3A_110 = arith.constant 0 : index
      %swap3A_111 = vector.load %arg8[%swap3A, %swap3A_110] : memref<64x64xf32, #tpu.memory_space<vmem>>, vector<64x64xf32>
      tpu.vector_store %arg8[%swap3A, %swap3A_110], %add3A_109 {strides = array<i32>} : memref<64x64xf32, #tpu.memory_space<vmem>>, vector<64x64xf32>,
      %get3A_112 = arith.constant 0 : index
      %get3A_113 = arith.constant 0 : index
      %get3A_114 = vector.load %arg9[%get3A_112, %get3A_113] : memref<64x64xf32, #tpu.memory_space<vmem>>, vector<64x64xf32>
      %add3A_115 = arith.addf %get3A_114, %dot_general3A_92 : vector<64x64xf32>
      %swap3A_116 = arith.constant 0 : index
      %swap3A_117 = arith.constant 0 : index
      %swap3A_118 = vector.load %arg9[%swap3A_116, %swap3A_117] : memref<64x64xf32, #tpu.memory_space<vmem>>, vector<64x64xf32>
      tpu.vector_store %arg9[%swap3A_116, %swap3A_117], %add3A_115 {strides = array<i32>} : memref<64x64xf32, #tpu.memory_space<vmem>>, vector<64x64xf32>,
      %get3A_119 = arith.constant 0 : index
      %get3A_120 = arith.constant 0 : index
      %get3A_121 = vector.load %arg10[%get3A_119, %get3A_120] : memref<64x64xf32, #tpu.memory_space<vmem>>, vector<64x64xf32>
      %add3A_122 = arith.addf %get3A_121, %dot_general3A_96 : vector<64x64xf32>
      %swap3A_123 = arith.constant 0 : index
      %swap3A_124 = arith.constant 0 : index
      %swap3A_125 = vector.load %arg10[%swap3A_123, %swap3A_124] : memref<64x64xf32, #tpu.memory_space<vmem>>, vector<64x64xf32>
      tpu.vector_store %arg10[%swap3A_123, %swap3A_124], %add3A_122 {strides = array<i32>} : memref<64x64xf32, #tpu.memory_space<vmem>>, vector<64x64xf32>,
    } else {
    }
    return
  }
  func.func @transform_0(%arg0: i32) -> (i32, i32) {
    %c0_i32 = arith.constant 0 : i32
    %c0_i32_0 = arith.constant 0 : i32
    return %arg0, %c0_i32 : i32, i32
  }
  func.func @transform_1(%arg0: i32) -> (i32, i32) {
    %c0_i32 = arith.constant 0 : i32
    %c0_i32_0 = arith.constant 0 : i32
    return %arg0, %c0_i32 : i32, i32
  }
  func.func @transform_2(%arg0: i32) -> (i32, i32) {
    %c0_i32 = arith.constant 0 : i32
    %c0_i32_0 = arith.constant 0 : i32
    return %arg0, %c0_i32 : i32, i32
  }
  func.func @transform_3(%arg0: i32) -> (i32, i32) {
    %c0_i32 = arith.constant 0 : i32
    %c0_i32_0 = arith.constant 0 : i32
    %c0_i32_1 = arith.constant 0 : i32
    return %c0_i32, %c0_i32_0 : i32, i32
  }
  func.func @transform_4(%arg0: i32) -> (i32, i32) {
    %c0_i32 = arith.constant 0 : i32
    %c0_i32_0 = arith.constant 0 : i32
    %c0_i32_1 = arith.constant 0 : i32
    return %c0_i32, %c0_i32_0 : i32, i32
  }
  func.func @transform_5(%arg0: i32) -> (i32, i32) {
    %c0_i32 = arith.constant 0 : i32
    %c0_i32_0 = arith.constant 0 : i32
    %c0_i32_1 = arith.constant 0 : i32
    return %c0_i32, %c0_i32_0 : i32, i32
  }
  func.func @transform_6(%arg0: i32) -> (i32, i32, i32) {
    %c0_i32 = arith.constant 0 : i32
    %c0_i32_0 = arith.constant 0 : i32
    %c0_i32_1 = arith.constant 0 : i32
    return %arg0, %c0_i32, %c0_i32_0 : i32, i32, i32
  }
  func.func @transform_7(%arg0: i32) -> (i32, i32) {
    %c0_i32 = arith.constant 0 : i32
    %c0_i32_0 = arith.constant 0 : i32
    %c0_i32_1 = arith.constant 0 : i32
    return %c0_i32, %c0_i32_0 : i32, i32
  }
  func.func @transform_8(%arg0: i32) -> (i32, i32) {
    %c0_i32 = arith.constant 0 : i32
    %c0_i32_0 = arith.constant 0 : i32
    %c0_i32_1 = arith.constant 0 : i32
    return %c0_i32, %c0_i32_0 : i32, i32
  }
  func.func @transform_9(%arg0: i32) -> (i32, i32) {
    %c0_i32 = arith.constant 0 : i32
    %c0_i32_0 = arith.constant 0 : i32
    %c0_i32_1 = arith.constant 0 : i32
    return %c0_i32, %c0_i32_0 : i32, i32
  }
}

</mosaic_0001>

<sc_bundles>
// kernel: kernel.11.cloned.1.call-start
scs
__scs_entry_jumppad:
0x0: {  	(pc) =	sbr.rel $0x88, $3  }
0x1: {  	(tag) =	ssettag $0x0;
	lr =	simm.s32 $0x1  }
0x2: {  	[smem:$0x3F8A] =	sst lr;
	_ =	strace $0xD0000000  }
0x3: {  	_ = 	snop  }
0x4: {  	_ = 	snop  }
0x5: {  	_ = 	snop  }
0x6: {  	_ = 	snop  }
0x7: {  	_ = 	snop  }
__scs_overlays_trampoline_lowered:
0x8: {  	[smem:$0x3F99] =	sst s0  }
0x9: {  	[smem:$0x3F9A] =	sst s1  }
0xa: {  	[smem:$0x3F9B] =	sst s2  }
0xb: {  	[smem:$0x3F9C] =	sst s3  }
0xc: {  	[smem:$0x3F9D] =	sst s4  }
0xd: {  	[smem:$0x3F9E] =	sst s5  }
0xe: {  	[smem:$0x3F9F] =	sst s6  }
0xf: {  	[smem:$0x3FA0] =	sst s7  }
0x10: {  	[smem:$0x3FA1] =	sst s8  }
0x11: {  	[smem:$0x3FA2] =	sst s9;
	s0 =	simm.s32 @!p0 $0x0  }
0x12: {  	s1 =	sld [smem:$0x3F88];
	s0 =	simm.s32 @p0 $0x1  }
0x13: {  	[smem:$0x3FA3] =	sst s0;
	s0 =	simm.s32 @!p1 $0x0  }
0x14: {  	s2 =	sld [smem:$0x3F87];
	s0 =	simm.s32 @p1 $0x1  }
0x15: {  	[smem:$0x3FA4] =	sst s0;
	s0 =	simm.s32 @!p2 $0x0  }
0x16: {  	s3 =	sld [smem:$0x3FDB];
	s0 =	simm.s32 @p2 $0x1  }
0x17: {  	s4 =	simm.s32 $0x1BF5;
	[smem:$0x3FA6] =	sst s0  }
0x18: {  	s0 =	sld [smem:$0x3F89];
	_ =	swait.ge [sflag:s4], $0x0  }
0x19: {  	s7 =	sld [smem:$0x3F8A]  }
0x1a: {  	s8 =	sadd.s32 $0xFFFFE003, lr  }
0x1b: {  	s9 =	sadd.s32 $0xFFFFFEF7, lr;
	s5 =	simm.s32 $0xFFFFFFFF;
	p2 =	slt.u32 s8, $0xFFFFF086  }
0x1c: {  	p1 =	slt.u32 s9, $0xF7A;
	s5 =	simm.s32 @!p2 $0x0  }
0x1d: {  	s5 =	simm.s32 @p1 $0x1;
	p0 =	seq.s32 s7, s2  }
0x1e: {  	s7 =	smul.u32 @!p0 $0xF7A, s2;
	p2 =	seq.s32 @!p0 s5, $0x0  }
0x1f: {  	s9 =	smul.u32 $0xF7A, s1;
	s8 =	simm.s32 @!p0 $0x1BF5;
	p2 =	por !p2, p0  }
0x20: {  	[sflag:s8] =	ssyncset.s32 @!p0 $0xFFFFF086;
	s6 =	sadd.s32 @!p0 s3, s7;
	s7 =	simm.s32 @!p0 $0x108  }
0x21: {  	s3 =	sadd.s32 s3, s9;
	s6 =	sadd.s32 @!p0 $0x88, s6;
	s7 =	simm.s32 @p2 $0x1082  }
0x22: {  	[simem:s7], [sflag:s8] =	dma.local @!p0 [hbm:s6], $0xF7A  }
0x23: {  	s9 =	sor.u32 $0xD0000000, s2;
	s6 =	simm.s32 $0x108;
	_ =	swait.ge @!p0 [sflag:s8], $0x0  }
0x24: {  	s3 =	sadd.s32 $0x88, s3;
	s6 =	simm.s32 @!p1 $0x1082;
	[sflag:s4] =	ssyncset.s32 $0xFFFFF086  }
0x25: {  	[simem:s6], [sflag:s4] =	dma.local [hbm:s3], $0xF7A  }
0x26: {  	[smem:$0x3F8A] =	sst s1;
	(tag) =	ssettag s2;
	_ =	strace s9  }
0x27: {  	s1 =	sld [smem:$0x3F9A]  }
0x28: {  	s2 =	sld [smem:$0x3F9B]  }
0x29: {  	s4 =	sld [smem:$0x3F9D]  }
0x2a: {  	p0 =	seq.s32 s5, $0x0;
	s5 =	sld [smem:$0x3F9E]  }
0x2b: {  	s6 =	sld [smem:$0x3F9F]  }
0x2c: {  	s7 =	sld [smem:$0x3FA0]  }
0x2d: {  	s3 =	simm.s32 $0x108;
	s8 =	sld [smem:$0x3FA1]  }
0x2e: {  	s3 =	simm.s32 @!p0 $0x1082;
	s9 =	sld [smem:$0x3FA2]  }
0x2f: {  	lr =	sadd.s32 s0, s3;
	s0 =	sld [smem:$0x3F99]  }
0x30: {  	s3 =	sld [smem:$0x3F9C]  }
0x31: {  	[smem:$0x3FA5] =	sst s10  }
0x32: {  	s10 =	sld [smem:$0x3FA3];
	_ =	sdelay $0x3  }
0x33: {  	p0 =	seq.s32 s10, $0x1;
	s10 =	sld [smem:$0x3FA5];
	_ =	sdelay $0x3  }
0x34: {  	[smem:$0x3FA5] =	sst s10  }
0x35: {  	s10 =	sld [smem:$0x3FA4];
	_ =	sdelay $0x3  }
0x36: {  	p1 =	seq.s32 s10, $0x1;
	s10 =	sld [smem:$0x3FA5];
	_ =	sdelay $0x3  }
0x37: {  	[smem:$0x3FA5] =	sst s10  }
0x38: {  	s10 =	sld [smem:$0x3FA6]  }
0x39: {  	_ = 	snop;
	(pc) =	sbr.ind lr, $3  }
0x3a: {  	_ = 	snop  }
0x3b: {  	_ = 	snop  }
0x3c: {  	p2 =	seq.s32 s10, $0x1;
	s10 =	sld [smem:$0x3FA5]  }
0x3d: {  	_ =	shalt  }
0x3e: {  	_ =	shalt  }
0x3f: {  	_ =	shalt  }
0x40: {  	_ =	shalt  }
0x41: {  	_ =	shalt  }
0x42: {  	_ =	shalt  }
0x43: {  	_ =	shalt  }
0x44: {  	_ =	shalt  }
0x45: {  	_ =	shalt  }
0x46: {  	_ =	shalt  }
0x47: {  	_ =	shalt  }
0x48: {  	_ =	shalt  }
0x49: {  	_ =	shalt  }
0x4a: {  	_ =	shalt  }
0x4b: {  	_ =	shalt  }
0x4c: {  	_ =	shalt  }
0x4d: {  	_ =	shalt  }
0x4e: {  	_ =	shalt  }
0x4f: {  	_ =	shalt  }
0x50: {  	_ =	shalt  }
0x51: {  	_ =	shalt  }
0x52: {  	_ =	shalt  }
0x53: {  	_ =	shalt  }
0x54: {  	_ =	shalt  }
0x55: {  	_ =	shalt  }
0x56: {  	_ =	shalt  }
0x57: {  	_ =	shalt  }
0x58: {  	_ =	shalt  }
0x59: {  	_ =	shalt  }
0x5a: {  	_ =	shalt  }
0x5b: {  	_ =	shalt  }
0x5c: {  	_ =	shalt  }
0x5d: {  	_ =	shalt  }
0x5e: {  	_ =	shalt  }
0x5f: {  	_ =	shalt  }
0x60: {  	_ =	shalt  }
0x61: {  	_ =	shalt  }
0x62: {  	_ =	shalt  }
0x63: {  	_ =	shalt  }
0x64: {  	_ =	shalt  }
0x65: {  	_ =	shalt  }
0x66: {  	_ =	shalt  }
0x67: {  	_ =	shalt  }
0x68: {  	_ =	shalt  }
0x69: {  	_ =	shalt  }
0x6a: {  	_ =	shalt  }
0x6b: {  	_ =	shalt  }
0x6c: {  	_ =	shalt  }
0x6d: {  	_ =	shalt  }
0x6e: {  	_ =	shalt  }
0x6f: {  	_ =	shalt  }
0x70: {  	_ =	shalt  }
0x71: {  	_ =	shalt  }
0x72: {  	_ =	shalt  }
0x73: {  	_ =	shalt  }
0x74: {  	_ =	shalt  }
0x75: {  	_ =	shalt  }
0x76: {  	_ =	shalt  }
0x77: {  	_ =	shalt  }
0x78: {  	_ =	shalt  }
0x79: {  	_ =	shalt  }
0x7a: {  	_ =	shalt  }
0x7b: {  	_ =	shalt  }
0x7c: {  	_ =	shalt  }
0x7d: {  	_ =	shalt  }
0x7e: {  	_ =	shalt  }
0x7f: {  	_ =	shalt  }
0x80: {  	_ =	shalt  }
0x81: {  	_ =	shalt  }
0x82: {  	_ =	shalt  }
0x83: {  	_ =	shalt  }
0x84: {  	_ =	shalt  }
0x85: {  	_ =	shalt  }
0x86: {  	_ =	shalt  }
0x87: {  	_ =	shalt  }
.Lfunc_end0:
.L_simem_size_0:
called_computation.1_lowered:
.L_overlay_start_0:
0x88: {  	s2 =	sld [smem:$0x3FD9]  }
0x89: {  	s3 =	sld [smem:$0x3FFE];
	_ =	sdelay $0x1  }
0x8a: {  	s1 =	srdreg.scid  }
0x8b: {  	s0 =	sand.u32 $0x1, s1  }
0x8c: {  	s16 =	sshll.u32 s0, $0xA;
	s2 =	sadd.s32 s3, s2  }
0x8d: {  	s2 =	sadd.s32 s2, s16  }
0x8e: {  	[smem:$0x3FB1] =	sst s2  }
0x8f: {  	_ = 	snop  }
0x90: {  	(tm) =	ssettm $0x1  }
0x91: {  	s17 =	sld [smem:$0x3FFB];
	_ =	sdelay $0x3  }
0x92: {  	_ =	strace s17  }
0x93: {  	s2 =	sld [smem:$0x3FFC];
	_ =	sdelay $0x3  }
0x94: {  	_ =	strace s2  }
0x95: {  	s2 =	sld [smem:$0x3FFD];
	_ =	sdelay $0x3  }
0x96: {  	_ =	strace s2  }
0x97: {  	_ =	strace $0x8FFFFFFF  }
0x98: {  	s18 =	sld [smem:$0x3FDB];
	_ =	sdelay $0x1  }
0x99: {  	s19 =	simm.s32 $_scs_section_size  }
0x9a: {  	s4 =	simm.s32 $_size__tile_overlayer_lowered;
	s5 =	simm.s32 $_tile_overlayer_lowered  }
0x9b: {  	s22 =	simm.s32 $0x1BFF;
	s21 =	sshll.u32 s5, $0x1;
	s2 =	sadd.s32 s19, s18  }
0x9c: {  	s6 =	simm.s32 $0x0;
	s20 =	sshll.u32 s4, $0x1;
	s4 =	sadd.s32 s21, s2  }
0x9d: {  	[timem:s6], [sflag:s22] =	dma.local [hbm:s4], s20  }
0x9e: {  	_ =	swait.ge [sflag:s22], s20  }
0x9f: {  	s3 =	ssub.s32 $0x0, s20;
	[sflag:s22] =	ssyncset.done $0x0  }
0xa0: {  	[sflag:s22] =	ssyncadd.s32 s3;
	_ =	sdelay $0x1  }
0xa1: {  	s23 =	simm.s32 $0x1B8B  }
0xa2: {  	_ =	swait.ge [sflag:s23], $0x1  }
0xa3: {  	[sflag:s23] =	ssyncset.done $0x0  }
0xa4: {  	s25 =	simm.s32 $0x1B8E;
	s24 =	sld [smem:$0x3FFE];
	[sflag:s23] =	ssyncadd.s32 $0xFFFFFFFF  }
0xa5: {  	s26 =	simm.s32 $execute0_lowered;
	[smem:$0x3FD2] =	sst s25  }
0xa6: {  	s4 =	sshll.u32 s26, $0x1;
	_ =	strace $0x80000049;
	[dreg:$0x1] =	wrdreg $0xFFFFFFFF  }
0xa7: {  	s28 =	simm.s32 $_size_execute0_lowered;
	s2 =	sadd.s32 s2, s4;
	[dreg:$0x0] =	wrdreg $0x0  }
0xa8: {  	s4 =	sshll.u32 s28, $0x1;
	[dreg:$0x2] =	wrdreg s2  }
0xa9: {  	[dreg:$0x3] =	wrdreg s4  }
0xaa: {  	[dreg:$0x4] =	wrdreg $0xC0  }
0xab: {  	_ =	task [dreg:s6], $0x5FFFF  }
0xac: {  	[dreg:$0x1] =	wrdreg $0xFFFFFFFF  }
0xad: {  	[dreg:$0x0] =	wrdreg $0x60  }
0xae: {  	[dreg:$0x2] =	wrdreg s24  }
0xaf: {  	[dreg:$0x3] =	wrdreg $0xB3000  }
0xb0: {  	[dreg:$0x4] =	wrdreg $0x9  }
0xb1: {  	_ =	task.clear_ibuf [dreg:s6], $0x5FFFF;
	_ =	strace $0x90000049  }
0xb2: {  	s29 =	simm.s32 $0x9;
	_ =	strace $0x8000004B  }
0xb3: {  	_ =	swait.ge [sflag:s29], $0x1  }
0xb4: {  	[sflag:s29] =	ssyncadd.s32 $0xFFFFFFFF  }
0xb5: {  	_ =	strace $0x9000004B  }
0xb6: {  	_ =	sfence  }
0xb7: {  	s30 =	sld [smem:$0x0];
	_ =	sdelay $0x2  }
0xb8: {  	s31 =	sshll.u32 s1, $0xD;
	s1 =	sshrl.u32 s1, $0x2  }
0xb9: {  	s3 =	sand.u32 $0x4000, s31;
	s1 =	sadd.s32 s1, s30  }
0xba: {  	s0 =	sor.u32 s3, s0;
	s1 =	sshll.u32 s1, $0x11  }
0xbb: {  	s0 =	sor.u32 s1, s0  }
0xbc: {  	s0 =	sadd.s32 $0x8F2B, s0  }
0xbd: {  	[sflag:s0] =	ssyncadd.remote.s32 $0x1  }
0xbe: {  	_ =	sfence.sel $0xFFFF  }
0xbf: {  	[dreg:$0x0] =	wrdreg $0xFFFFFFFF;
	(pc) =	sbr.abs _section_cstart, $3  }
0xc0: {  	[dreg:$0x1] =	wrdreg $0xFFFFFFFF  }
0xc1: {  	_ =	task.clear_ibuf [dreg:s6], $0x2FFFF;
	_ =	strace $0x9FFFFFFF  }
0xc2: {  	(tm) =	ssettm $0x7FFFFFFF  }
0xc3: {  	_ =	shalt  }
tec
execute0_lowered:
.L_overlay_start_1:
0x0: {  	(tag) =	ssettag $0x1  }
0x1: {  	s0 =	rddreg [dreg:$0x0]  }
0x2: {  	s2 =	rddreg [dreg:$0x1];
	s16 =	stileid.u32  }
0x3: {  	s3 =	simm.s32 $0x0;
	s6 =	srdreg.scid;
	s1 =	smul.u32 $0x3F200, s16  }
0x4: {  	s28 =	simm.s32 $0x100;
	s29 =	simm.s32 $0x1;
	s8 =	smul.u32 $0x1A0, s16  }
0x5: {  	s30 =	simm.s32 $0x2;
	s31 =	simm.s32 $0x2B00;
	s9 =	smul.u32 $0x3400, s16  }
0x6: {  	[smem:$0x7FF] =	sst s3;
	s4 =	sadd.s32 $0x95000, s0;
	s11 =	smul.u32 $0x320, s16  }
0x7: {  	s5 =	sadd.s32 $0x2400, s0;
	s7 =	sand.u32 $0x1, s6;
	s16 =	smul.u32 $0x3E800, s16  }
0x8: {  	s6 =	sadd.s32 $0x7C800, s0;
	s0 =	sadd.s32 $0xC9000, s0;
	s13 =	smul.u32 $0x3200, s7  }
0x9: {  	_ =	strace $0x8000004A;
	s10 =	ssub.s32 $0x2, s7;
	s14 =	smul.u32 $0xFFFFCE00, s7  }
0xa: {  	s15 =	sor.u32 $0x2, s7;
	s12 =	sshrl.u32 s10, $0x1;
	s1 =	sshrl.u32 s1, $0x2  }
0xb: {  	s26 =	smul.u32 $0x3200, s15;
	s9 =	sadd.s32 s4, s9;
	s17 =	sshrl.u32 s16, $0x2  }
0xc: {  	s18 =	smul.u32 $0xFFFFCE00, s15;
	s7 =	sadd.s32 s1, s2;
	s25 =	sadd.s32 s11, s13  }
0xd: {  	s10 =	ssub.s32 s10, s12;
	s20 =	sadd.s32 $0x20, s9;
	s12 =	sor.u32 $0x3, s8  }
0xe: {  	v0 =	vmov s14;
	s14 =	simm.s32 $0x3;
	s22 =	smax.u32 s10, $0x1;
	[dreg:$0x3] =	wrdreg s7  }
0xf: {  	s19 =	sadd.s32 $0xF000, s7;
	s23 =	sadd.s32 $0x5000, s7;
	[dreg:$0x7] =	wrdreg s22  }
0x10: {  	s1 =	smul.u32 $0xA, s25;
	s24 =	sadd.s32 $0x7800, s7;
	[dreg:$0x9] =	wrdreg s23  }
0x11: {  	s13 =	sadd.s32 s11, s26;
	s25 =	sadd.s32 $0xA000, s7;
	[dreg:$0xa] =	wrdreg s24  }
0x12: {  	s11 =	sor.u32 $0x2, s8;
	s26 =	sadd.s32 $0xC800, s7;
	[dreg:$0xb] =	wrdreg s25  }
0x13: {  	s21 =	sadd.s32 $0x2800, s7;
	s13 =	smul.u32 $0xA, s13;
	[dreg:$0xc] =	wrdreg s26  }
0x14: {  	s22 =	simm.s32 $0x6300;
	s23 =	simm.s32 $0x4;
	s24 =	simm.s32 $0x80  }
0x15: {  	s25 =	simm.s32 $0x200;
	[dreg:$0x8] =	wrdreg s21;
	s1 =	sadd.s32 s0, s1  }
0x16: {  	s26 =	simm.s32 $0x280;
	[dreg:$0x4] =	wrdreg s1;
	s1 =	sadd.s32 s17, s2  }
0x17: {  	v2 =	vimm.f32 $0.0e+00;
	v3 =	vimm.s32 $0x0;
	v4 =	vimm.s32 $0x1;
	s0 =	sadd.s32 s0, s13;
	s13 =	simm.s32 $0x8B00;
	[dreg:$0x5] =	wrdreg s1  }
0x18: {  	v5 =	vimm.s32 $0x2;
	v6 =	vimm.s32 $0x3;
	v1 =	vmov s18;
	[dreg:$0x6] =	wrdreg s0;
	s0 =	simm.s32 $0x180;
	s1 =	simm.s32 $0x5B00  }
.LBB2_1:
0x19: {  	s10 =	simm.s32 $0x140;
	s8 =	simm.s32 $0x0  }
.LBB2_2:
0x1a: {  	p0 =	sne.s32 s10, $0x9EC0;
	[tilespmem:s8+$0x6340] =	vst v2;
	s15 =	smov.u32 s10;
	s10 =	sadd.s32 $0x140, s10  }
.Ltmp0:
0x1b: {  	[tilespmem:s8+$0x6330] =	vst v2;
	(pc) =	sbr.rel @p0 .LBB2_2-.Ltmp0, $4  }
0x1c: {  	[tilespmem:s8+$0x6320] =	vst v2  }
0x1d: {  	[tilespmem:s8+$0x6300] =	vst v2  }
0x1e: {  	[tilespmem:s8+$0x6310] =	vst v2  }
0x1f: {  	s8 =	sshra.s32 s15, $0x2  }
0x20: {  	[tilespmem:s8+$0x6340] =	vst v2  }
0x21: {  	[tilespmem:s8+$0x6330] =	vst v2  }
0x22: {  	[tilespmem:s8+$0x6320] =	vst v2  }
0x23: {  	[tilespmem:s8+$0x6300] =	vst v2  }
0x24: {  	[tilespmem:s8+$0x6310] =	vst v2  }
0x25: {  	[spmem:s7] =	stream.linear.scatter [tilespmem:s22], [sflag:$0x4], $0x2800, $0x38;
	[tilespmem:$0x1AF80] =	vst v63  }
0x26: {  	_ =	swait.ge [sflag:s23], $0x2800  }
0x27: {  	[sflag:s23] =	ssyncset.done $0x0  }
0x28: {  	[sflag:s23] =	ssyncadd.s32 $0xFFFFD800  }
0x29: {  	[spmem:s21] =	stream.linear.scatter [tilespmem:s22], [sflag:$0x4], $0x2800, $0x38;
	[tilespmem:$0x1AF80] =	vst v63  }
0x2a: {  	_ =	swait.ge [sflag:s23], $0x2800  }
0x2b: {  	[sflag:s23] =	ssyncset.done $0x0  }
0x2c: {  	s18 =	rddreg [dreg:$0x9];
	[sflag:s23] =	ssyncadd.s32 $0xFFFFD800  }
0x2d: {  	[spmem:s18] =	stream.linear.scatter [tilespmem:s22], [sflag:$0x4], $0x2800, $0x38;
	[tilespmem:$0x1AF80] =	vst v63  }
0x2e: {  	_ =	swait.ge [sflag:s23], $0x2800  }
0x2f: {  	[sflag:s23] =	ssyncset.done $0x0  }
0x30: {  	s10 =	rddreg [dreg:$0xa];
	[sflag:s23] =	ssyncadd.s32 $0xFFFFD800  }
0x31: {  	[spmem:s10] =	stream.linear.scatter [tilespmem:s22], [sflag:$0x4], $0x2800, $0x38;
	[tilespmem:$0x1AF80] =	vst v63  }
0x32: {  	_ =	swait.ge [sflag:s23], $0x2800  }
0x33: {  	[sflag:s23] =	ssyncset.done $0x0  }
0x34: {  	s15 =	rddreg [dreg:$0xb];
	[sflag:s23] =	ssyncadd.s32 $0xFFFFD800  }
0x35: {  	[spmem:s15] =	stream.linear.scatter [tilespmem:s22], [sflag:$0x4], $0x2800, $0x38;
	[tilespmem:$0x1AF80] =	vst v63  }
0x36: {  	_ =	swait.ge [sflag:s23], $0x2800  }
0x37: {  	[sflag:s23] =	ssyncset.done $0x0  }
0x38: {  	s16 =	rddreg [dreg:$0xc];
	[sflag:s23] =	ssyncadd.s32 $0xFFFFD800  }
0x39: {  	[spmem:s16] =	stream.linear.scatter [tilespmem:s22], [sflag:$0x4], $0x2800, $0x38;
	[tilespmem:$0x1AF80] =	vst v63  }
0x3a: {  	_ =	swait.ge [sflag:s23], $0x2800  }
0x3b: {  	[sflag:s23] =	ssyncset.done $0x0  }
0x3c: {  	[sflag:s23] =	ssyncadd.s32 $0xFFFFD800  }
0x3d: {  	[spmem:s19] =	stream.linear.scatter [tilespmem:s22], [sflag:$0x4], $0xC80, $0x38;
	[tilespmem:$0x1AF80] =	vst v63  }
0x3e: {  	_ =	swait.ge [sflag:s23], $0xC80  }
0x3f: {  	[sflag:s23] =	ssyncset.done $0x0  }
0x40: {  	[sflag:s23] =	ssyncadd.s32 $0xFFFFF380  }
0x41: {  	s15 =	simm.s32 $0x0;
	[bflag:$0x0] =	sbarrier.arrive $0xFFFF  }
0x42: {  	[tilespmem:s15], [sflag:$0x4] =	stream.linear.gather [hbm4b:s9+s15], $0x100, $0x38;
	[tilespmem:$0x1AF80] =	vst v63  }
0x43: {  	_ =	swait.ge [sflag:s23], $0x100  }
0x44: {  	[sflag:s23] =	ssyncset.done $0x0  }
0x45: {  	s17 =	simm.s32 $0x300;
	[sflag:s23] =	ssyncadd.s32 $0xFFFFFF00  }
0x46: {  	[tilespmem:s17], [sflag:$0x1] =	stream.indirect.gather [hbm4b:s5+s24], $0x50, s15, s24, $0xb8;
	[tilespmem:$0x1AF80] =	vst v63  }
0x47: {  	s18 =	simm.s32 $0x5300  }
0x48: {  	[tilespmem:s18], [sflag:$0x1] =	stream.indirect.gather [hbm4b:s6+s24], $0x10, s24, s24, $0xb8;
	[tilespmem:$0x1AF80] =	vst v63  }
0x49: {  	_ = 	snop  }
0x4a: {  	[tilespmem:s28], [sflag:$0x2] =	stream.linear.gather [hbm4b:s20+s15], $0x100, $0x38;
	[tilespmem:$0x1AF80] =	vst v63  }
.LBB2_4:
0x4b: {  	_ =	swait.ge [sflag:s29], $0x2800  }
0x4c: {  	[sflag:s29] =	ssyncset.done $0x0  }
0x4d: {  	[sflag:s29] =	ssyncadd.s32 $0xFFFFD800  }
0x4e: {  	_ =	swait.ge [sflag:s29], $0x800  }
0x4f: {  	p1 =	seq.s32 s15, $0x0;
	[sflag:s29] =	ssyncset.done $0x0  }
0x50: {  	s8 =	simm.s32 @!p1 $0x3;
	[sflag:s29] =	ssyncadd.s32 $0xFFFFF800  }
0x51: {  	_ =	swait.ge @!p1 [sflag:s8], $0x2800  }
0x52: {  	[sflag:s8] =	ssyncset.done @!p1 $0x0  }
0x53: {  	[sflag:s8] =	ssyncadd.s32 @!p1 $0xFFFFD800  }
0x54: {  	v7 =	vld [tilespmem:$0x80]  }
0x55: {  	v8 =	vld [tilespmem:$0x90]  }
0x56: {  	v9 =	vld [tilespmem:$0xA0]  }
0x57: {  	v10 =	vld [tilespmem:$0xB0]  }
0x58: {  	v11 =	vld [tilespmem:$0xC0]  }
0x59: {  	v12 =	vld [tilespmem:$0xD0];
	v7 =	vadd.s32 v0, v7  }
0x5a: {  	v13 =	vld [tilespmem:$0xE0];
	v8 =	vadd.s32 v0, v8;
	v7 =	vmin.u32 v7, $0x3200  }
0x5b: {  	[tilespmem:$0x200] =	vst v7;
	v7 =	vmin.u32 v8, $0x3200;
	v8 =	vadd.s32 v0, v9;
	v9 =	vld [tilespmem:$0xF0]  }
0x5c: {  	[tilespmem:$0x210] =	vst v7;
	v7 =	vmin.u32 v8, $0x3200;
	v8 =	vadd.s32 v0, v10  }
0x5d: {  	[tilespmem:$0x220] =	vst v7;
	v7 =	vmin.u32 v8, $0x3200;
	v8 =	vadd.s32 v0, v11  }
0x5e: {  	[tilespmem:$0x230] =	vst v7;
	v7 =	vmin.u32 v8, $0x3200;
	v8 =	vadd.s32 v0, v12  }
0x5f: {  	[tilespmem:$0x240] =	vst v7;
	v7 =	vmin.u32 v8, $0x3200;
	v8 =	vadd.s32 v0, v13  }
0x60: {  	[tilespmem:$0x250] =	vst v7;
	v7 =	vmin.u32 v8, $0x3200;
	v8 =	vadd.s32 v0, v9  }
0x61: {  	[tilespmem:$0x260] =	vst v7;
	v7 =	vmin.u32 v8, $0x3200  }
0x62: {  	[tilespmem:$0x270] =	vst v7  }
0x63: {  	_ =	swait.ge [sflag:s30], $0x100  }
0x64: {  	p0 =	seq.s32 s15, $0xCF;
	s8 =	sshll.u32 s15, $0x1;
	[sflag:s30] =	ssyncset.done $0x0  }
0x65: {  	s10 =	sadd.s32 @!p0 s8, s11;
	[sflag:s30] =	ssyncadd.s32 $0xFFFFFF00  }
0x66: {  	[tilespmem:s31], [sflag:$0x1] =	stream.indirect.gather [hbm4b:s5+s24], $0x50, s28, s24, $0xb8;
	[tilespmem:$0x1AF80] =	vst v63  }
0x67: {  	s10 =	sshll.u32 @!p0 s10, $0x5  }
0x68: {  	[tilespmem:s1], [sflag:$0x1] =	stream.indirect.gather [hbm4b:s6+s24], $0x10, s0, s24, $0xb8;
	[tilespmem:$0x1AF80] =	vst v63  }
0x69: {  	s16 =	simm.s32 @!p0 $0x0;
	s10 =	sadd.s32 @!p0 s4, s10  }
0x6a: {  	[tilespmem:s16], [sflag:$0x2] =	stream.linear.gather @!p0 [hbm4b:s10+s16], $0x100, $0x38;
	[tilespmem:$0x1AF80] =	vst v63  }
0x6b: {  	s10 =	simm.s32 $0x0  }
0x6c: {  	s16 =	simm.s32 $0x5310;
	v7 =	vld [tilespmem:s10+$0x340]  }
0x6d: {  	v8 =	vld [tilespmem:s16+$0xFFFFFFF0];
	_ =	sdelay $0x4  }
0x6e: {  	v7 =	vadd.f32 v8, v7;
	_ =	sdelay $0x1  }
0x6f: {  	v8 =	vmul.f32 $2.000000030e-01, v7;
	_ =	sdelay $0x1  }
0x70: {  	v7 =	vmax.f32 v7, v8  }
0x71: {  	v7 =	vmul.f32 $1.442695020e+00, v7;
	_ =	sdelay $0x1  }
0x72: {  	(erf) = vpow2.f32 v7;
	_ =	sdelay $0x6  }
0x73: {  	v9 =	vld [tilespmem:s10+$0x330]  }
0x74: {  	v10 =	vld [tilespmem:s10+$0x300]  }
0x75: {  	v11 =	vld [tilespmem:s10+$0x310];
	v62 =	vpop (erf)  }
0x76: {  	v63 =	vld [tilespmem:s10+$0x320];
	v14 =	vperm.xlane v62, v6  }
0x77: {  	v15 =	vperm.xlane v62, v3  }
0x78: {  	v16 =	vperm.xlane v62, v4;
	v9 =	vmul.f32 v14, v9  }
0x79: {  	[tilespmem:s10+$0x6340] =	vst v62;
	v12 =	vperm.xlane v62, v5;
	v10 =	vmul.f32 v15, v10  }
0x7a: {  	v11 =	vmul.f32 v16, v11;
	[tilespmem:s10+$0x6330] =	vst v9  }
0x7b: {  	v9 =	vmul.f32 v12, v63;
	[tilespmem:s10+$0x6300] =	vst v10  }
0x7c: {  	[tilespmem:s10+$0x6310] =	vst v11  }
0x7d: {  	[tilespmem:s10+$0x6320] =	vst v9;
	v9 =	vld [tilespmem:s10+$0x390]  }
0x7e: {  	v10 =	vld [tilespmem:s16+$0x0];
	_ =	sdelay $0x4  }
0x7f: {  	v9 =	vadd.f32 v10, v9;
	_ =	sdelay $0x1  }
0x80: {  	v10 =	vmul.f32 $2.000000030e-01, v9;
	_ =	sdelay $0x1  }
0x81: {  	v9 =	vmax.f32 v9, v10  }
0x82: {  	v10 =	vmul.f32 $1.442695020e+00, v9;
	_ =	sdelay $0x1  }
0x83: {  	(erf) = vpow2.f32 v10;
	_ =	sdelay $0x2  }
0x84: {  	v8 =	vld [tilespmem:s10+$0x380]  }
0x85: {  	v7 =	vld [tilespmem:s10+$0x370]  }
0x86: {  	v9 =	vld [tilespmem:s10+$0x360]  }
0x87: {  	s17 =	simm.s32 $0x280;
	v10 =	vld [tilespmem:s10+$0x350]  }
.LBB2_5:
0x88: {  	p2 =	sne.s32 s17, $0x9D80  }
0x89: {  	s16 =	sadd.s32 $0x20, s16;
	s18 =	smov.u32 s17;
	s17 =	sadd.s32 $0x280, s17  }
0x8a: {  	v11 =	vpop (erf)  }
0x8b: {  	[tilespmem:s10+$0x6390] =	vst v11;
	v12 =	vperm.xlane v11, v3;
	v13 =	vperm.xlane v11, v4  }
0x8c: {  	v14 =	vperm.xlane v11, v5;
	v11 =	vperm.xlane v11, v6  }
0x8d: {  	v10 =	vmul.f32 v12, v10;
	v9 =	vmul.f32 v13, v9  }
0x8e: {  	v7 =	vmul.f32 v14, v7;
	v8 =	vmul.f32 v11, v8  }
0x8f: {  	s18 =	sshra.s32 s18, $0x2;
	[tilespmem:s10+$0x6350] =	vst v10  }
0x90: {  	v10 =	vld [tilespmem:s18+$0x340];
	[tilespmem:s10+$0x6370] =	vst v7  }
0x91: {  	v7 =	vld [tilespmem:s18+$0x370];
	[tilespmem:s10+$0x6380] =	vst v8  }
0x92: {  	v8 =	vld [tilespmem:s18+$0x380];
	[tilespmem:s10+$0x6360] =	vst v9;
	s10 =	smov.u32 s18  }
0x93: {  	v9 =	vld [tilespmem:s16+$0xFFFFFFF0];
	_ =	sdelay $0x4  }
0x94: {  	v9 =	vadd.f32 v9, v10;
	_ =	sdelay $0x1  }
0x95: {  	v10 =	vmul.f32 $2.000000030e-01, v9;
	_ =	sdelay $0x1  }
0x96: {  	v9 =	vmax.f32 v9, v10  }
0x97: {  	v9 =	vmul.f32 $1.442695020e+00, v9;
	_ =	sdelay $0x1  }
0x98: {  	(erf) = vpow2.f32 v9;
	_ =	sdelay $0x4  }
0x99: {  	v9 =	vld [tilespmem:s10+$0x320]  }
0x9a: {  	v10 =	vld [tilespmem:s10+$0x330]  }
0x9b: {  	v11 =	vld [tilespmem:s10+$0x300]  }
0x9c: {  	v12 =	vld [tilespmem:s10+$0x310]  }
0x9d: {  	v13 =	vpop (erf)  }
0x9e: {  	[tilespmem:s10+$0x6340] =	vst v13;
	v14 =	vperm.xlane v13, v3;
	v15 =	vperm.xlane v13, v6  }
0x9f: {  	v16 =	vperm.xlane v13, v4;
	v13 =	vperm.xlane v13, v5  }
0xa0: {  	v11 =	vmul.f32 v14, v11;
	v10 =	vmul.f32 v15, v10  }
0xa1: {  	v9 =	vmul.f32 v13, v9;
	v12 =	vmul.f32 v16, v12  }
0xa2: {  	[tilespmem:s10+$0x6330] =	vst v10  }
0xa3: {  	[tilespmem:s10+$0x6300] =	vst v11  }
0xa4: {  	[tilespmem:s10+$0x6310] =	vst v12  }
0xa5: {  	[tilespmem:s10+$0x6320] =	vst v9;
	v9 =	vld [tilespmem:s10+$0x390]  }
0xa6: {  	v10 =	vld [tilespmem:s16+$0x0];
	_ =	sdelay $0x4  }
0xa7: {  	v9 =	vadd.f32 v10, v9;
	_ =	sdelay $0x1  }
0xa8: {  	v10 =	vmul.f32 $2.000000030e-01, v9;
	_ =	sdelay $0x1  }
0xa9: {  	v9 =	vmax.f32 v9, v10  }
0xaa: {  	v9 =	vmul.f32 $1.442695020e+00, v9;
	_ =	sdelay $0x1  }
0xab: {  	(erf) = vpow2.f32 v9;
	_ =	sdelay $0x2  }
.Ltmp1:
0xac: {  	(pc) =	sbr.rel @p2 .LBB2_5-.Ltmp1, $3  }
0xad: {  	_ =	sdelay $0x1  }
0xae: {  	v9 =	vld [tilespmem:s10+$0x360]  }
0xaf: {  	v10 =	vld [tilespmem:s10+$0x350]  }
0xb0: {  	_ = 	snop  }
0xb1: {  	v11 =	vpop (erf)  }
0xb2: {  	v12 =	vperm.xlane v11, v3  }
0xb3: {  	v13 =	vperm.xlane v11, v5  }
0xb4: {  	v14 =	vperm.xlane v11, v6;
	v10 =	vmul.f32 v12, v10  }
0xb5: {  	[tilespmem:s10+$0x6390] =	vst v11;
	v11 =	vperm.xlane v11, v4;
	v7 =	vmul.f32 v13, v7  }
0xb6: {  	v8 =	vmul.f32 v14, v8;
	[tilespmem:s10+$0x6350] =	vst v10  }
0xb7: {  	v9 =	vmul.f32 v11, v9;
	[tilespmem:s10+$0x6370] =	vst v7  }
0xb8: {  	[tilespmem:s10+$0x6380] =	vst v8  }
0xb9: {  	[tilespmem:s10+$0x6360] =	vst v9  }
0xba: {  	[spmem:s2] =	stream.indirect.scatter.add.f32 [tilespmem:s22], [sflag:$0x3], $0x50, s25, s24, $0xb8;
	[tilespmem:$0x1AF80] =	vst v63  }
0xbb: {  	_ =	swait.ge [sflag:s29], $0x2800  }
0xbc: {  	[sflag:s29] =	ssyncset.done $0x0  }
0xbd: {  	[sflag:s29] =	ssyncadd.s32 $0xFFFFD800  }
0xbe: {  	_ =	swait.ge [sflag:s29], $0x800  }
0xbf: {  	[sflag:s29] =	ssyncset.done $0x0  }
0xc0: {  	s10 =	simm.s32 @!p1 $0x3;
	[sflag:s29] =	ssyncadd.s32 $0xFFFFF800  }
0xc1: {  	_ =	swait.ge @!p1 [sflag:s10], $0x2800  }
0xc2: {  	[sflag:s10] =	ssyncset.done @!p1 $0x0  }
0xc3: {  	[sflag:s10] =	ssyncadd.s32 @!p1 $0xFFFFD800  }
0xc4: {  	v7 =	vld [tilespmem:$0x180]  }
0xc5: {  	v8 =	vld [tilespmem:$0x190]  }
0xc6: {  	v9 =	vld [tilespmem:$0x1A0]  }
0xc7: {  	v10 =	vld [tilespmem:$0x1B0]  }
0xc8: {  	v11 =	vld [tilespmem:$0x1C0]  }
0xc9: {  	v59 =	vld [tilespmem:$0x1D0];
	v7 =	vadd.s32 v0, v7  }
0xca: {  	v60 =	vld [tilespmem:$0x1E0];
	v8 =	vadd.s32 v0, v8;
	v7 =	vmin.u32 v7, $0x3200  }
0xcb: {  	[tilespmem:$0x280] =	vst v7;
	v7 =	vmin.u32 v8, $0x3200;
	v8 =	vadd.s32 v0, v9;
	v9 =	vld [tilespmem:$0x1F0]  }
0xcc: {  	[tilespmem:$0x290] =	vst v7;
	v7 =	vmin.u32 v8, $0x3200;
	v8 =	vadd.s32 v0, v10  }
0xcd: {  	[tilespmem:$0x2A0] =	vst v7;
	v7 =	vmin.u32 v8, $0x3200;
	v8 =	vadd.s32 v0, v11  }
0xce: {  	[tilespmem:$0x2B0] =	vst v7;
	v7 =	vmin.u32 v8, $0x3200;
	v8 =	vadd.s32 v0, v59  }
0xcf: {  	[tilespmem:$0x2C0] =	vst v7;
	v7 =	vmin.u32 v8, $0x3200;
	v8 =	vadd.s32 v0, v60  }
0xd0: {  	[tilespmem:$0x2D0] =	vst v7;
	v7 =	vmin.u32 v8, $0x3200;
	v8 =	vadd.s32 v0, v9  }
0xd1: {  	[tilespmem:$0x2E0] =	vst v7;
	v7 =	vmin.u32 v8, $0x3200  }
0xd2: {  	s10 =	simm.s32 @!p0 $0x2;
	[tilespmem:$0x2F0] =	vst v7  }
0xd3: {  	_ =	swait.ge @!p0 [sflag:s10], $0x100  }
0xd4: {  	s16 =	simm.s32 @!p0 $0x0;
	s17 =	simm.s32 @!p0 $0x300;
	[sflag:s10] =	ssyncset.done @!p0 $0x0  }
0xd5: {  	s8 =	sadd.s32 @!p0 s8, s12;
	[sflag:s10] =	ssyncadd.s32 @!p0 $0xFFFFFF00;
	s10 =	simm.s32 @!p0 $0x80  }
0xd6: {  	[tilespmem:s17], [sflag:$0x1] =	stream.indirect.gather @!p0 [hbm4b:s5+s10], $0x50, s16, s10, $0xb8;
	[tilespmem:$0x1AF80] =	vst v63  }
0xd7: {  	s8 =	sshll.u32 @!p0 s8, $0x5;
	s17 =	simm.s32 @!p0 $0x5300  }
0xd8: {  	[tilespmem:s17], [sflag:$0x1] =	stream.indirect.gather @!p0 [hbm4b:s6+s10], $0x10, s10, s10, $0xb8;
	[tilespmem:$0x1AF80] =	vst v63  }
0xd9: {  	s8 =	sadd.s32 @!p0 s4, s8;
	s10 =	simm.s32 @!p0 $0x100  }
0xda: {  	[tilespmem:s10], [sflag:$0x2] =	stream.linear.gather @!p0 [hbm4b:s8+s16], $0x100, $0x38;
	[tilespmem:$0x1AF80] =	vst v63  }
0xdb: {  	s8 =	simm.s32 $0x0  }
0xdc: {  	s10 =	simm.s32 $0x5B10;
	v7 =	vld [tilespmem:s8+$0x2B40]  }
0xdd: {  	v8 =	vld [tilespmem:s10+$0xFFFFFFF0];
	_ =	sdelay $0x4  }
0xde: {  	v7 =	vadd.f32 v8, v7;
	_ =	sdelay $0x1  }
0xdf: {  	v8 =	vmul.f32 $2.000000030e-01, v7;
	_ =	sdelay $0x1  }
0xe0: {  	v7 =	vmax.f32 v7, v8  }
0xe1: {  	v7 =	vmul.f32 $1.442695020e+00, v7;
	_ =	sdelay $0x1  }
0xe2: {  	(erf) = vpow2.f32 v7;
	_ =	sdelay $0x6  }
0xe3: {  	v9 =	vld [tilespmem:s8+$0x2B30]  }
0xe4: {  	v10 =	vld [tilespmem:s8+$0x2B00]  }
0xe5: {  	v11 =	vld [tilespmem:s8+$0x2B10];
	v61 =	vpop (erf)  }
0xe6: {  	v62 =	vld [tilespmem:s8+$0x2B20];
	v63 =	vperm.xlane v61, v6  }
0xe7: {  	v15 =	vperm.xlane v61, v3  }
0xe8: {  	v16 =	vperm.xlane v61, v4;
	v9 =	vmul.f32 v63, v9  }
0xe9: {  	[tilespmem:s8+$0x8B40] =	vst v61;
	v12 =	vperm.xlane v61, v5;
	v10 =	vmul.f32 v15, v10  }
0xea: {  	v11 =	vmul.f32 v16, v11;
	[tilespmem:s8+$0x8B30] =	vst v9  }
0xeb: {  	v9 =	vmul.f32 v12, v62;
	[tilespmem:s8+$0x8B00] =	vst v10  }
0xec: {  	[tilespmem:s8+$0x8B10] =	vst v11  }
0xed: {  	[tilespmem:s8+$0x8B20] =	vst v9;
	v9 =	vld [tilespmem:s8+$0x2B90]  }
0xee: {  	v10 =	vld [tilespmem:s10+$0x0];
	_ =	sdelay $0x4  }
0xef: {  	v9 =	vadd.f32 v10, v9;
	_ =	sdelay $0x1  }
0xf0: {  	v10 =	vmul.f32 $2.000000030e-01, v9;
	_ =	sdelay $0x1  }
0xf1: {  	v9 =	vmax.f32 v9, v10  }
0xf2: {  	v10 =	vmul.f32 $1.442695020e+00, v9;
	_ =	sdelay $0x1  }
0xf3: {  	(erf) = vpow2.f32 v10;
	_ =	sdelay $0x2  }
0xf4: {  	v8 =	vld [tilespmem:s8+$0x2B80]  }
0xf5: {  	v7 =	vld [tilespmem:s8+$0x2B70]  }
0xf6: {  	v9 =	vld [tilespmem:s8+$0x2B60]  }
0xf7: {  	s16 =	simm.s32 $0x280;
	v10 =	vld [tilespmem:s8+$0x2B50]  }
.LBB2_7:
0xf8: {  	p0 =	sne.s32 s16, $0x9D80  }
0xf9: {  	s10 =	sadd.s32 $0x20, s10;
	s17 =	smov.u32 s16;
	s16 =	sadd.s32 $0x280, s16  }
0xfa: {  	v11 =	vpop (erf)  }
0xfb: {  	[tilespmem:s8+$0x8B90] =	vst v11;
	v12 =	vperm.xlane v11, v3;
	v13 =	vperm.xlane v11, v4  }
0xfc: {  	v14 =	vperm.xlane v11, v5;
	v11 =	vperm.xlane v11, v6  }
0xfd: {  	v10 =	vmul.f32 v12, v10;
	v9 =	vmul.f32 v13, v9  }
0xfe: {  	v7 =	vmul.f32 v14, v7;
	v8 =	vmul.f32 v11, v8  }
0xff: {  	s17 =	sshra.s32 s17, $0x2;
	[tilespmem:s8+$0x8B50] =	vst v10  }
0x100: {  	v10 =	vld [tilespmem:s17+$0x2B40];
	[tilespmem:s8+$0x8B70] =	vst v7  }
0x101: {  	v7 =	vld [tilespmem:s17+$0x2B70];
	[tilespmem:s8+$0x8B80] =	vst v8  }
0x102: {  	v8 =	vld [tilespmem:s17+$0x2B80];
	[tilespmem:s8+$0x8B60] =	vst v9;
	s8 =	smov.u32 s17  }
0x103: {  	v9 =	vld [tilespmem:s10+$0xFFFFFFF0];
	_ =	sdelay $0x4  }
0x104: {  	v9 =	vadd.f32 v9, v10;
	_ =	sdelay $0x1  }
0x105: {  	v10 =	vmul.f32 $2.000000030e-01, v9;
	_ =	sdelay $0x1  }
0x106: {  	v9 =	vmax.f32 v9, v10  }
0x107: {  	v9 =	vmul.f32 $1.442695020e+00, v9;
	_ =	sdelay $0x1  }
0x108: {  	(erf) = vpow2.f32 v9;
	_ =	sdelay $0x4  }
0x109: {  	v9 =	vld [tilespmem:s8+$0x2B20]  }
0x10a: {  	v10 =	vld [tilespmem:s8+$0x2B30]  }
0x10b: {  	v11 =	vld [tilespmem:s8+$0x2B00]  }
0x10c: {  	v12 =	vld [tilespmem:s8+$0x2B10]  }
0x10d: {  	v13 =	vpop (erf)  }
0x10e: {  	[tilespmem:s8+$0x8B40] =	vst v13;
	v14 =	vperm.xlane v13, v3;
	v15 =	vperm.xlane v13, v6  }
0x10f: {  	v16 =	vperm.xlane v13, v4;
	v13 =	vperm.xlane v13, v5  }
0x110: {  	v11 =	vmul.f32 v14, v11;
	v10 =	vmul.f32 v15, v10  }
0x111: {  	v9 =	vmul.f32 v13, v9;
	v12 =	vmul.f32 v16, v12  }
0x112: {  	[tilespmem:s8+$0x8B30] =	vst v10  }
0x113: {  	[tilespmem:s8+$0x8B00] =	vst v11  }
0x114: {  	[tilespmem:s8+$0x8B10] =	vst v12  }
0x115: {  	[tilespmem:s8+$0x8B20] =	vst v9;
	v9 =	vld [tilespmem:s8+$0x2B90]  }
0x116: {  	v10 =	vld [tilespmem:s10+$0x0];
	_ =	sdelay $0x4  }
0x117: {  	v9 =	vadd.f32 v10, v9;
	_ =	sdelay $0x1  }
0x118: {  	v10 =	vmul.f32 $2.000000030e-01, v9;
	_ =	sdelay $0x1  }
0x119: {  	v9 =	vmax.f32 v9, v10  }
0x11a: {  	v9 =	vmul.f32 $1.442695020e+00, v9;
	_ =	sdelay $0x1  }
0x11b: {  	(erf) = vpow2.f32 v9;
	_ =	sdelay $0x2  }
.Ltmp2:
0x11c: {  	(pc) =	sbr.rel @p0 .LBB2_7-.Ltmp2, $3  }
0x11d: {  	_ =	sdelay $0x1  }
0x11e: {  	v9 =	vld [tilespmem:s8+$0x2B60]  }
0x11f: {  	v10 =	vld [tilespmem:s8+$0x2B50]  }
0x120: {  	_ = 	snop  }
0x121: {  	v11 =	vpop (erf)  }
0x122: {  	v12 =	vperm.xlane v11, v3  }
0x123: {  	v13 =	vperm.xlane v11, v5  }
0x124: {  	s15 =	sadd.s32 $0x1, s15;
	v14 =	vperm.xlane v11, v6;
	v10 =	vmul.f32 v12, v10  }
0x125: {  	p0 =	sne.s32 s15, $0xD0;
	[tilespmem:s8+$0x8B90] =	vst v11;
	v11 =	vperm.xlane v11, v4;
	v7 =	vmul.f32 v13, v7  }
.Ltmp3:
0x126: {  	v8 =	vmul.f32 v14, v8;
	[tilespmem:s8+$0x8B50] =	vst v10;
	(pc) =	sbr.rel @p0 .LBB2_4-.Ltmp3, $4  }
0x127: {  	v9 =	vmul.f32 v11, v9;
	[tilespmem:s8+$0x8B70] =	vst v7  }
0x128: {  	[tilespmem:s8+$0x8B80] =	vst v8  }
0x129: {  	[tilespmem:s8+$0x8B60] =	vst v9  }
0x12a: {  	[spmem:s2] =	stream.indirect.scatter.add.f32 [tilespmem:s13], [sflag:$0x3], $0x50, s26, s24, $0xb8;
	[tilespmem:$0x1AF80] =	vst v63  }
0x12b: {  	_ =	swait.ge [sflag:s14], $0x2800  }
0x12c: {  	[sflag:s14] =	ssyncset.done $0x0  }
0x12d: {  	[sflag:s14] =	ssyncadd.s32 $0xFFFFD800  }
0x12e: {  	_ =	swait.ge [sflag:s14], $0x2800  }
0x12f: {  	[sflag:s14] =	ssyncset.done $0x0  }
0x130: {  	[sflag:s14] =	ssyncadd.s32 $0xFFFFD800  }
0x131: {  	s8 =	stileid.u32;
	[bflag:$0x0] =	sbarrier.arrive $0xFFFF  }
0x132: {  	s8 =	sshll.u32 s8, $0x6;
	s17 =	rddreg [dreg:$0x5]  }
0x133: {  	s15 =	sor.u32 $0x1C04, s8;
	s18 =	rddreg [dreg:$0x4];
	s16 =	sshrl.u32 s17, $0x3  }
0x134: {  	[hbm:s18], [sflag:s15] =	dma.local [spmem:s16], $0x1F40  }
0x135: {  	_ =	swait.ge [sflag:s23], $0x1F40  }
0x136: {  	[sflag:s23] =	ssyncset.done $0x0  }
0x137: {  	[sflag:s23] =	ssyncadd.s32 $0xFFFFE0C0  }
0x138: {  	s10 =	simm.s32 $0x140;
	s8 =	simm.s32 $0x0;
	[bflag:$0x0] =	sbarrier.arrive $0xFFFF  }
.LBB2_10:
0x139: {  	p0 =	sne.s32 s10, $0x9EC0;
	[tilespmem:s8+$0x6340] =	vst v2;
	s17 =	smov.u32 s10;
	s10 =	sadd.s32 $0x140, s10  }
.Ltmp4:
0x13a: {  	[tilespmem:s8+$0x6330] =	vst v2;
	(pc) =	sbr.rel @p0 .LBB2_10-.Ltmp4, $4  }
0x13b: {  	[tilespmem:s8+$0x6320] =	vst v2  }
0x13c: {  	[tilespmem:s8+$0x6300] =	vst v2  }
0x13d: {  	[tilespmem:s8+$0x6310] =	vst v2  }
0x13e: {  	s8 =	sshra.s32 s17, $0x2  }
0x13f: {  	[tilespmem:s8+$0x6340] =	vst v2  }
0x140: {  	[tilespmem:s8+$0x6330] =	vst v2  }
0x141: {  	[tilespmem:s8+$0x6320] =	vst v2  }
0x142: {  	[tilespmem:s8+$0x6300] =	vst v2  }
0x143: {  	[tilespmem:s8+$0x6310] =	vst v2  }
0x144: {  	[spmem:s7] =	stream.linear.scatter [tilespmem:s22], [sflag:$0x4], $0x2800, $0x38;
	[tilespmem:$0x1AF80] =	vst v63  }
0x145: {  	_ =	swait.ge [sflag:s23], $0x2800  }
0x146: {  	[sflag:s23] =	ssyncset.done $0x0  }
0x147: {  	[sflag:s23] =	ssyncadd.s32 $0xFFFFD800  }
0x148: {  	[spmem:s21] =	stream.linear.scatter [tilespmem:s22], [sflag:$0x4], $0x2800, $0x38;
	[tilespmem:$0x1AF80] =	vst v63  }
0x149: {  	_ =	swait.ge [sflag:s23], $0x2800  }
0x14a: {  	[sflag:s23] =	ssyncset.done $0x0  }
0x14b: {  	s21 =	rddreg [dreg:$0x9];
	[sflag:s23] =	ssyncadd.s32 $0xFFFFD800  }
0x14c: {  	[spmem:s21] =	stream.linear.scatter [tilespmem:s22], [sflag:$0x4], $0x2800, $0x38;
	[tilespmem:$0x1AF80] =	vst v63  }
0x14d: {  	_ =	swait.ge [sflag:s23], $0x2800  }
0x14e: {  	[sflag:s23] =	ssyncset.done $0x0  }
0x14f: {  	s8 =	rddreg [dreg:$0xa];
	[sflag:s23] =	ssyncadd.s32 $0xFFFFD800  }
0x150: {  	[spmem:s8] =	stream.linear.scatter [tilespmem:s22], [sflag:$0x4], $0x2800, $0x38;
	[tilespmem:$0x1AF80] =	vst v63  }
0x151: {  	_ =	swait.ge [sflag:s23], $0x2800  }
0x152: {  	[sflag:s23] =	ssyncset.done $0x0  }
0x153: {  	s10 =	rddreg [dreg:$0xb];
	[sflag:s23] =	ssyncadd.s32 $0xFFFFD800  }
0x154: {  	[spmem:s10] =	stream.linear.scatter [tilespmem:s22], [sflag:$0x4], $0x2800, $0x38;
	[tilespmem:$0x1AF80] =	vst v63  }
0x155: {  	_ =	swait.ge [sflag:s23], $0x2800  }
0x156: {  	[sflag:s23] =	ssyncset.done $0x0  }
0x157: {  	s17 =	rddreg [dreg:$0xc];
	[sflag:s23] =	ssyncadd.s32 $0xFFFFD800  }
0x158: {  	[spmem:s17] =	stream.linear.scatter [tilespmem:s22], [sflag:$0x4], $0x2800, $0x38;
	[tilespmem:$0x1AF80] =	vst v63  }
0x159: {  	_ =	swait.ge [sflag:s23], $0x2800  }
0x15a: {  	[sflag:s23] =	ssyncset.done $0x0  }
0x15b: {  	[sflag:s23] =	ssyncadd.s32 $0xFFFFD800  }
0x15c: {  	[spmem:s19] =	stream.linear.scatter [tilespmem:s22], [sflag:$0x4], $0xC80, $0x38;
	[tilespmem:$0x1AF80] =	vst v63  }
0x15d: {  	_ =	swait.ge [sflag:s23], $0xC80  }
0x15e: {  	[sflag:s23] =	ssyncset.done $0x0  }
0x15f: {  	[sflag:s23] =	ssyncadd.s32 $0xFFFFF380  }
0x160: {  	s8 =	simm.s32 $0x0;
	[bflag:$0x0] =	sbarrier.arrive $0xFFFF  }
0x161: {  	[tilespmem:s8], [sflag:$0x4] =	stream.linear.gather [hbm4b:s9+s8], $0x100, $0x38;
	[tilespmem:$0x1AF80] =	vst v63  }
0x162: {  	_ =	swait.ge [sflag:s23], $0x100  }
0x163: {  	[sflag:s23] =	ssyncset.done $0x0  }
0x164: {  	s18 =	simm.s32 $0x300;
	[sflag:s23] =	ssyncadd.s32 $0xFFFFFF00  }
0x165: {  	[tilespmem:s18], [sflag:$0x1] =	stream.indirect.gather [hbm4b:s5+s24], $0x50, s8, s24, $0xb8;
	[tilespmem:$0x1AF80] =	vst v63  }
0x166: {  	s21 =	smov.u32 s19;
	s19 =	simm.s32 $0x5300  }
0x167: {  	[tilespmem:s19], [sflag:$0x1] =	stream.indirect.gather [hbm4b:s6+s24], $0x10, s24, s24, $0xb8;
	[tilespmem:$0x1AF80] =	vst v63  }
0x168: {  	s7 =	smov.u32 s9;
	s9 =	smov.u32 s20  }
0x169: {  	[tilespmem:s28], [sflag:$0x2] =	stream.linear.gather [hbm4b:s20+s8], $0x100, $0x38;
	[tilespmem:$0x1AF80] =	vst v63  }
.LBB2_12:
0x16a: {  	_ =	swait.ge [sflag:s29], $0x2800  }
0x16b: {  	[sflag:s29] =	ssyncset.done $0x0  }
0x16c: {  	[sflag:s29] =	ssyncadd.s32 $0xFFFFD800  }
0x16d: {  	_ =	swait.ge [sflag:s29], $0x800  }
0x16e: {  	p1 =	seq.s32 s8, $0x0;
	[sflag:s29] =	ssyncset.done $0x0  }
0x16f: {  	s10 =	simm.s32 @!p1 $0x3;
	[sflag:s29] =	ssyncadd.s32 $0xFFFFF800  }
0x170: {  	_ =	swait.ge @!p1 [sflag:s10], $0x2800  }
0x171: {  	[sflag:s10] =	ssyncset.done @!p1 $0x0  }
0x172: {  	[sflag:s10] =	ssyncadd.s32 @!p1 $0xFFFFD800  }
0x173: {  	v7 =	vld [tilespmem:$0x80]  }
0x174: {  	v8 =	vld [tilespmem:$0x90]  }
0x175: {  	v9 =	vld [tilespmem:$0xA0]  }
0x176: {  	v10 =	vld [tilespmem:$0xB0]  }
0x177: {  	v11 =	vld [tilespmem:$0xC0]  }
0x178: {  	v12 =	vld [tilespmem:$0xD0];
	v7 =	vadd.s32 v1, v7  }
0x179: {  	v13 =	vld [tilespmem:$0xE0];
	v8 =	vadd.s32 v1, v8;
	v7 =	vmin.u32 v7, $0x3200  }
0x17a: {  	[tilespmem:$0x200] =	vst v7;
	v7 =	vmin.u32 v8, $0x3200;
	v8 =	vadd.s32 v1, v9;
	v9 =	vld [tilespmem:$0xF0]  }
0x17b: {  	[tilespmem:$0x210] =	vst v7;
	v7 =	vmin.u32 v8, $0x3200;
	v8 =	vadd.s32 v1, v10  }
0x17c: {  	[tilespmem:$0x220] =	vst v7;
	v7 =	vmin.u32 v8, $0x3200;
	v8 =	vadd.s32 v1, v11  }
0x17d: {  	[tilespmem:$0x230] =	vst v7;
	v7 =	vmin.u32 v8, $0x3200;
	v8 =	vadd.s32 v1, v12  }
0x17e: {  	[tilespmem:$0x240] =	vst v7;
	v7 =	vmin.u32 v8, $0x3200;
	v8 =	vadd.s32 v1, v13  }
0x17f: {  	[tilespmem:$0x250] =	vst v7;
	v7 =	vmin.u32 v8, $0x3200;
	v8 =	vadd.s32 v1, v9  }
0x180: {  	[tilespmem:$0x260] =	vst v7;
	v7 =	vmin.u32 v8, $0x3200  }
0x181: {  	[tilespmem:$0x270] =	vst v7  }
0x182: {  	_ =	swait.ge [sflag:s30], $0x100  }
0x183: {  	p0 =	seq.s32 s8, $0xCF;
	s10 =	sshll.u32 s8, $0x1;
	[sflag:s30] =	ssyncset.done $0x0  }
0x184: {  	s17 =	sadd.s32 @!p0 s10, s11;
	[sflag:s30] =	ssyncadd.s32 $0xFFFFFF00  }
0x185: {  	[tilespmem:s31], [sflag:$0x1] =	stream.indirect.gather [hbm4b:s5+s24], $0x50, s28, s24, $0xb8;
	[tilespmem:$0x1AF80] =	vst v63  }
0x186: {  	s17 =	sshll.u32 @!p0 s17, $0x5  }
0x187: {  	[tilespmem:s1], [sflag:$0x1] =	stream.indirect.gather [hbm4b:s6+s24], $0x10, s0, s24, $0xb8;
	[tilespmem:$0x1AF80] =	vst v63  }
0x188: {  	s18 =	simm.s32 @!p0 $0x0;
	s17 =	sadd.s32 @!p0 s4, s17  }
0x189: {  	[tilespmem:s18], [sflag:$0x2] =	stream.linear.gather @!p0 [hbm4b:s17+s18], $0x100, $0x38;
	[tilespmem:$0x1AF80] =	vst v63  }
0x18a: {  	s17 =	simm.s32 $0x0  }
0x18b: {  	s18 =	simm.s32 $0x5310;
	v7 =	vld [tilespmem:s17+$0x340]  }
0x18c: {  	v8 =	vld [tilespmem:s18+$0xFFFFFFF0];
	_ =	sdelay $0x4  }
0x18d: {  	v7 =	vadd.f32 v8, v7;
	_ =	sdelay $0x1  }
0x18e: {  	v8 =	vmul.f32 $2.000000030e-01, v7;
	_ =	sdelay $0x1  }
0x18f: {  	v7 =	vmax.f32 v7, v8  }
0x190: {  	v7 =	vmul.f32 $1.442695020e+00, v7;
	_ =	sdelay $0x1  }
0x191: {  	(erf) = vpow2.f32 v7;
	_ =	sdelay $0x6  }
0x192: {  	v9 =	vld [tilespmem:s17+$0x330]  }
0x193: {  	v10 =	vld [tilespmem:s17+$0x300]  }
0x194: {  	v11 =	vld [tilespmem:s17+$0x310];
	v62 =	vpop (erf)  }
0x195: {  	v63 =	vld [tilespmem:s17+$0x320];
	v14 =	vperm.xlane v62, v6  }
0x196: {  	v15 =	vperm.xlane v62, v3  }
0x197: {  	v16 =	vperm.xlane v62, v4;
	v9 =	vmul.f32 v14, v9  }
0x198: {  	[tilespmem:s17+$0x6340] =	vst v62;
	v12 =	vperm.xlane v62, v5;
	v10 =	vmul.f32 v15, v10  }
0x199: {  	v11 =	vmul.f32 v16, v11;
	[tilespmem:s17+$0x6330] =	vst v9  }
0x19a: {  	v9 =	vmul.f32 v12, v63;
	[tilespmem:s17+$0x6300] =	vst v10  }
0x19b: {  	[tilespmem:s17+$0x6310] =	vst v11  }
0x19c: {  	[tilespmem:s17+$0x6320] =	vst v9;
	v9 =	vld [tilespmem:s17+$0x390]  }
0x19d: {  	v10 =	vld [tilespmem:s18+$0x0];
	_ =	sdelay $0x4  }
0x19e: {  	v9 =	vadd.f32 v10, v9;
	_ =	sdelay $0x1  }
0x19f: {  	v10 =	vmul.f32 $2.000000030e-01, v9;
	_ =	sdelay $0x1  }
0x1a0: {  	v9 =	vmax.f32 v9, v10  }
0x1a1: {  	v10 =	vmul.f32 $1.442695020e+00, v9;
	_ =	sdelay $0x1  }
0x1a2: {  	(erf) = vpow2.f32 v10;
	_ =	sdelay $0x2  }
0x1a3: {  	v8 =	vld [tilespmem:s17+$0x380]  }
0x1a4: {  	v7 =	vld [tilespmem:s17+$0x370]  }
0x1a5: {  	v9 =	vld [tilespmem:s17+$0x360]  }
0x1a6: {  	s19 =	simm.s32 $0x280;
	v10 =	vld [tilespmem:s17+$0x350]  }
.LBB2_13:
0x1a7: {  	p2 =	sne.s32 s19, $0x9D80  }
0x1a8: {  	s18 =	sadd.s32 $0x20, s18;
	s20 =	smov.u32 s19;
	s19 =	sadd.s32 $0x280, s19  }
0x1a9: {  	v11 =	vpop (erf)  }
0x1aa: {  	[tilespmem:s17+$0x6390] =	vst v11;
	v12 =	vperm.xlane v11, v3;
	v13 =	vperm.xlane v11, v4  }
0x1ab: {  	v14 =	vperm.xlane v11, v5;
	v11 =	vperm.xlane v11, v6  }
0x1ac: {  	v10 =	vmul.f32 v12, v10;
	v9 =	vmul.f32 v13, v9  }
0x1ad: {  	v7 =	vmul.f32 v14, v7;
	v8 =	vmul.f32 v11, v8  }
0x1ae: {  	s20 =	sshra.s32 s20, $0x2;
	[tilespmem:s17+$0x6350] =	vst v10  }
0x1af: {  	v10 =	vld [tilespmem:s20+$0x340];
	[tilespmem:s17+$0x6370] =	vst v7  }
0x1b0: {  	v7 =	vld [tilespmem:s20+$0x370];
	[tilespmem:s17+$0x6380] =	vst v8  }
0x1b1: {  	v8 =	vld [tilespmem:s20+$0x380];
	[tilespmem:s17+$0x6360] =	vst v9;
	s17 =	smov.u32 s20  }
0x1b2: {  	v9 =	vld [tilespmem:s18+$0xFFFFFFF0];
	_ =	sdelay $0x4  }
0x1b3: {  	v9 =	vadd.f32 v9, v10;
	_ =	sdelay $0x1  }
0x1b4: {  	v10 =	vmul.f32 $2.000000030e-01, v9;
	_ =	sdelay $0x1  }
0x1b5: {  	v9 =	vmax.f32 v9, v10  }
0x1b6: {  	v9 =	vmul.f32 $1.442695020e+00, v9;
	_ =	sdelay $0x1  }
0x1b7: {  	(erf) = vpow2.f32 v9;
	_ =	sdelay $0x4  }
0x1b8: {  	v9 =	vld [tilespmem:s17+$0x320]  }
0x1b9: {  	v10 =	vld [tilespmem:s17+$0x330]  }
0x1ba: {  	v11 =	vld [tilespmem:s17+$0x300]  }
0x1bb: {  	v12 =	vld [tilespmem:s17+$0x310]  }
0x1bc: {  	v13 =	vpop (erf)  }
0x1bd: {  	[tilespmem:s17+$0x6340] =	vst v13;
	v14 =	vperm.xlane v13, v3;
	v15 =	vperm.xlane v13, v6  }
0x1be: {  	v16 =	vperm.xlane v13, v4;
	v13 =	vperm.xlane v13, v5  }
0x1bf: {  	v11 =	vmul.f32 v14, v11;
	v10 =	vmul.f32 v15, v10  }
0x1c0: {  	v9 =	vmul.f32 v13, v9;
	v12 =	vmul.f32 v16, v12  }
0x1c1: {  	[tilespmem:s17+$0x6330] =	vst v10  }
0x1c2: {  	[tilespmem:s17+$0x6300] =	vst v11  }
0x1c3: {  	[tilespmem:s17+$0x6310] =	vst v12  }
0x1c4: {  	[tilespmem:s17+$0x6320] =	vst v9;
	v9 =	vld [tilespmem:s17+$0x390]  }
0x1c5: {  	v10 =	vld [tilespmem:s18+$0x0];
	_ =	sdelay $0x4  }
0x1c6: {  	v9 =	vadd.f32 v10, v9;
	_ =	sdelay $0x1  }
0x1c7: {  	v10 =	vmul.f32 $2.000000030e-01, v9;
	_ =	sdelay $0x1  }
0x1c8: {  	v9 =	vmax.f32 v9, v10  }
0x1c9: {  	v9 =	vmul.f32 $1.442695020e+00, v9;
	_ =	sdelay $0x1  }
0x1ca: {  	(erf) = vpow2.f32 v9;
	_ =	sdelay $0x2  }
.Ltmp5:
0x1cb: {  	(pc) =	sbr.rel @p2 .LBB2_13-.Ltmp5, $3  }
0x1cc: {  	_ =	sdelay $0x1  }
0x1cd: {  	v9 =	vld [tilespmem:s17+$0x360]  }
0x1ce: {  	v10 =	vld [tilespmem:s17+$0x350]  }
0x1cf: {  	_ = 	snop  }
0x1d0: {  	v11 =	vpop (erf)  }
0x1d1: {  	v12 =	vperm.xlane v11, v3  }
0x1d2: {  	v13 =	vperm.xlane v11, v5  }
0x1d3: {  	v14 =	vperm.xlane v11, v6;
	v10 =	vmul.f32 v12, v10  }
0x1d4: {  	[tilespmem:s17+$0x6390] =	vst v11;
	v11 =	vperm.xlane v11, v4;
	v7 =	vmul.f32 v13, v7  }
0x1d5: {  	v8 =	vmul.f32 v14, v8;
	[tilespmem:s17+$0x6350] =	vst v10  }
0x1d6: {  	v9 =	vmul.f32 v11, v9;
	[tilespmem:s17+$0x6370] =	vst v7  }
0x1d7: {  	[tilespmem:s17+$0x6380] =	vst v8  }
0x1d8: {  	[tilespmem:s17+$0x6360] =	vst v9  }
0x1d9: {  	[spmem:s2] =	stream.indirect.scatter.add.f32 [tilespmem:s22], [sflag:$0x3], $0x50, s25, s24, $0xb8;
	[tilespmem:$0x1AF80] =	vst v63  }
0x1da: {  	_ =	swait.ge [sflag:s29], $0x2800  }
0x1db: {  	[sflag:s29] =	ssyncset.done $0x0  }
0x1dc: {  	[sflag:s29] =	ssyncadd.s32 $0xFFFFD800  }
0x1dd: {  	_ =	swait.ge [sflag:s29], $0x800  }
0x1de: {  	[sflag:s29] =	ssyncset.done $0x0  }
0x1df: {  	s17 =	simm.s32 @!p1 $0x3;
	[sflag:s29] =	ssyncadd.s32 $0xFFFFF800  }
0x1e0: {  	_ =	swait.ge @!p1 [sflag:s17], $0x2800  }
0x1e1: {  	[sflag:s17] =	ssyncset.done @!p1 $0x0  }
0x1e2: {  	[sflag:s17] =	ssyncadd.s32 @!p1 $0xFFFFD800  }
0x1e3: {  	v7 =	vld [tilespmem:$0x180]  }
0x1e4: {  	v8 =	vld [tilespmem:$0x190]  }
0x1e5: {  	v9 =	vld [tilespmem:$0x1A0]  }
0x1e6: {  	v10 =	vld [tilespmem:$0x1B0]  }
0x1e7: {  	v11 =	vld [tilespmem:$0x1C0]  }
0x1e8: {  	v59 =	vld [tilespmem:$0x1D0];
	v7 =	vadd.s32 v1, v7  }
0x1e9: {  	v60 =	vld [tilespmem:$0x1E0];
	v8 =	vadd.s32 v1, v8;
	v7 =	vmin.u32 v7, $0x3200  }
0x1ea: {  	[tilespmem:$0x280] =	vst v7;
	v7 =	vmin.u32 v8, $0x3200;
	v8 =	vadd.s32 v1, v9;
	v9 =	vld [tilespmem:$0x1F0]  }
0x1eb: {  	[tilespmem:$0x290] =	vst v7;
	v7 =	vmin.u32 v8, $0x3200;
	v8 =	vadd.s32 v1, v10  }
0x1ec: {  	[tilespmem:$0x2A0] =	vst v7;
	v7 =	vmin.u32 v8, $0x3200;
	v8 =	vadd.s32 v1, v11  }
0x1ed: {  	[tilespmem:$0x2B0] =	vst v7;
	v7 =	vmin.u32 v8, $0x3200;
	v8 =	vadd.s32 v1, v59  }
0x1ee: {  	[tilespmem:$0x2C0] =	vst v7;
	v7 =	vmin.u32 v8, $0x3200;
	v8 =	vadd.s32 v1, v60  }
0x1ef: {  	[tilespmem:$0x2D0] =	vst v7;
	v7 =	vmin.u32 v8, $0x3200;
	v8 =	vadd.s32 v1, v9  }
0x1f0: {  	[tilespmem:$0x2E0] =	vst v7;
	v7 =	vmin.u32 v8, $0x3200  }
0x1f1: {  	s17 =	simm.s32 @!p0 $0x2;
	[tilespmem:$0x2F0] =	vst v7  }
0x1f2: {  	_ =	swait.ge @!p0 [sflag:s17], $0x100  }
0x1f3: {  	s18 =	simm.s32 @!p0 $0x0;
	s19 =	simm.s32 @!p0 $0x300;
	[sflag:s17] =	ssyncset.done @!p0 $0x0  }
0x1f4: {  	s10 =	sadd.s32 @!p0 s10, s12;
	[sflag:s17] =	ssyncadd.s32 @!p0 $0xFFFFFF00;
	s17 =	simm.s32 @!p0 $0x80  }
0x1f5: {  	[tilespmem:s19], [sflag:$0x1] =	stream.indirect.gather @!p0 [hbm4b:s5+s17], $0x50, s18, s17, $0xb8;
	[tilespmem:$0x1AF80] =	vst v63  }
0x1f6: {  	s10 =	sshll.u32 @!p0 s10, $0x5;
	s19 =	simm.s32 @!p0 $0x5300  }
0x1f7: {  	[tilespmem:s19], [sflag:$0x1] =	stream.indirect.gather @!p0 [hbm4b:s6+s17], $0x10, s17, s17, $0xb8;
	[tilespmem:$0x1AF80] =	vst v63  }
0x1f8: {  	s10 =	sadd.s32 @!p0 s4, s10;
	s17 =	simm.s32 @!p0 $0x100  }
0x1f9: {  	[tilespmem:s17], [sflag:$0x2] =	stream.linear.gather @!p0 [hbm4b:s10+s18], $0x100, $0x38;
	[tilespmem:$0x1AF80] =	vst v63  }
0x1fa: {  	s10 =	simm.s32 $0x0  }
0x1fb: {  	s17 =	simm.s32 $0x5B10;
	v7 =	vld [tilespmem:s10+$0x2B40]  }
0x1fc: {  	v8 =	vld [tilespmem:s17+$0xFFFFFFF0];
	_ =	sdelay $0x4  }
0x1fd: {  	v7 =	vadd.f32 v8, v7;
	_ =	sdelay $0x1  }
0x1fe: {  	v8 =	vmul.f32 $2.000000030e-01, v7;
	_ =	sdelay $0x1  }
0x1ff: {  	v7 =	vmax.f32 v7, v8  }
0x200: {  	v7 =	vmul.f32 $1.442695020e+00, v7;
	_ =	sdelay $0x1  }
0x201: {  	(erf) = vpow2.f32 v7;
	_ =	sdelay $0x6  }
0x202: {  	v9 =	vld [tilespmem:s10+$0x2B30]  }
0x203: {  	v10 =	vld [tilespmem:s10+$0x2B00]  }
0x204: {  	v11 =	vld [tilespmem:s10+$0x2B10];
	v61 =	vpop (erf)  }
0x205: {  	v62 =	vld [tilespmem:s10+$0x2B20];
	v63 =	vperm.xlane v61, v6  }
0x206: {  	v15 =	vperm.xlane v61, v3  }
0x207: {  	v16 =	vperm.xlane v61, v4;
	v9 =	vmul.f32 v63, v9  }
0x208: {  	[tilespmem:s10+$0x8B40] =	vst v61;
	v12 =	vperm.xlane v61, v5;
	v10 =	vmul.f32 v15, v10  }
0x209: {  	v11 =	vmul.f32 v16, v11;
	[tilespmem:s10+$0x8B30] =	vst v9  }
0x20a: {  	v9 =	vmul.f32 v12, v62;
	[tilespmem:s10+$0x8B00] =	vst v10  }
0x20b: {  	[tilespmem:s10+$0x8B10] =	vst v11  }
0x20c: {  	[tilespmem:s10+$0x8B20] =	vst v9;
	v9 =	vld [tilespmem:s10+$0x2B90]  }
0x20d: {  	v10 =	vld [tilespmem:s17+$0x0];
	_ =	sdelay $0x4  }
0x20e: {  	v9 =	vadd.f32 v10, v9;
	_ =	sdelay $0x1  }
0x20f: {  	v10 =	vmul.f32 $2.000000030e-01, v9;
	_ =	sdelay $0x1  }
0x210: {  	v9 =	vmax.f32 v9, v10  }
0x211: {  	v10 =	vmul.f32 $1.442695020e+00, v9;
	_ =	sdelay $0x1  }
0x212: {  	(erf) = vpow2.f32 v10;
	_ =	sdelay $0x2  }
0x213: {  	v8 =	vld [tilespmem:s10+$0x2B80]  }
0x214: {  	v7 =	vld [tilespmem:s10+$0x2B70]  }
0x215: {  	v9 =	vld [tilespmem:s10+$0x2B60]  }
0x216: {  	s18 =	simm.s32 $0x280;
	v10 =	vld [tilespmem:s10+$0x2B50]  }
.LBB2_15:
0x217: {  	p0 =	sne.s32 s18, $0x9D80  }
0x218: {  	s17 =	sadd.s32 $0x20, s17;
	s19 =	smov.u32 s18;
	s18 =	sadd.s32 $0x280, s18  }
0x219: {  	v11 =	vpop (erf)  }
0x21a: {  	[tilespmem:s10+$0x8B90] =	vst v11;
	v12 =	vperm.xlane v11, v3;
	v13 =	vperm.xlane v11, v4  }
0x21b: {  	v14 =	vperm.xlane v11, v5;
	v11 =	vperm.xlane v11, v6  }
0x21c: {  	v10 =	vmul.f32 v12, v10;
	v9 =	vmul.f32 v13, v9  }
0x21d: {  	v7 =	vmul.f32 v14, v7;
	v8 =	vmul.f32 v11, v8  }
0x21e: {  	s19 =	sshra.s32 s19, $0x2;
	[tilespmem:s10+$0x8B50] =	vst v10  }
0x21f: {  	v10 =	vld [tilespmem:s19+$0x2B40];
	[tilespmem:s10+$0x8B70] =	vst v7  }
0x220: {  	v7 =	vld [tilespmem:s19+$0x2B70];
	[tilespmem:s10+$0x8B80] =	vst v8  }
0x221: {  	v8 =	vld [tilespmem:s19+$0x2B80];
	[tilespmem:s10+$0x8B60] =	vst v9;
	s10 =	smov.u32 s19  }
0x222: {  	v9 =	vld [tilespmem:s17+$0xFFFFFFF0];
	_ =	sdelay $0x4  }
0x223: {  	v9 =	vadd.f32 v9, v10;
	_ =	sdelay $0x1  }
0x224: {  	v10 =	vmul.f32 $2.000000030e-01, v9;
	_ =	sdelay $0x1  }
0x225: {  	v9 =	vmax.f32 v9, v10  }
0x226: {  	v9 =	vmul.f32 $1.442695020e+00, v9;
	_ =	sdelay $0x1  }
0x227: {  	(erf) = vpow2.f32 v9;
	_ =	sdelay $0x4  }
0x228: {  	v9 =	vld [tilespmem:s10+$0x2B20]  }
0x229: {  	v10 =	vld [tilespmem:s10+$0x2B30]  }
0x22a: {  	v11 =	vld [tilespmem:s10+$0x2B00]  }
0x22b: {  	v12 =	vld [tilespmem:s10+$0x2B10]  }
0x22c: {  	v13 =	vpop (erf)  }
0x22d: {  	[tilespmem:s10+$0x8B40] =	vst v13;
	v14 =	vperm.xlane v13, v3;
	v15 =	vperm.xlane v13, v6  }
0x22e: {  	v16 =	vperm.xlane v13, v4;
	v13 =	vperm.xlane v13, v5  }
0x22f: {  	v11 =	vmul.f32 v14, v11;
	v10 =	vmul.f32 v15, v10  }
0x230: {  	v9 =	vmul.f32 v13, v9;
	v12 =	vmul.f32 v16, v12  }
0x231: {  	[tilespmem:s10+$0x8B30] =	vst v10  }
0x232: {  	[tilespmem:s10+$0x8B00] =	vst v11  }
0x233: {  	[tilespmem:s10+$0x8B10] =	vst v12  }
0x234: {  	[tilespmem:s10+$0x8B20] =	vst v9;
	v9 =	vld [tilespmem:s10+$0x2B90]  }
0x235: {  	v10 =	vld [tilespmem:s17+$0x0];
	_ =	sdelay $0x4  }
0x236: {  	v9 =	vadd.f32 v10, v9;
	_ =	sdelay $0x1  }
0x237: {  	v10 =	vmul.f32 $2.000000030e-01, v9;
	_ =	sdelay $0x1  }
0x238: {  	v9 =	vmax.f32 v9, v10  }
0x239: {  	v9 =	vmul.f32 $1.442695020e+00, v9;
	_ =	sdelay $0x1  }
0x23a: {  	(erf) = vpow2.f32 v9;
	_ =	sdelay $0x2  }
.Ltmp6:
0x23b: {  	(pc) =	sbr.rel @p0 .LBB2_15-.Ltmp6, $3  }
0x23c: {  	_ =	sdelay $0x1  }
0x23d: {  	v9 =	vld [tilespmem:s10+$0x2B60]  }
0x23e: {  	v10 =	vld [tilespmem:s10+$0x2B50]  }
0x23f: {  	_ = 	snop  }
0x240: {  	v11 =	vpop (erf)  }
0x241: {  	v12 =	vperm.xlane v11, v3  }
0x242: {  	v13 =	vperm.xlane v11, v5  }
0x243: {  	s8 =	sadd.s32 $0x1, s8;
	v14 =	vperm.xlane v11, v6;
	v10 =	vmul.f32 v12, v10  }
0x244: {  	p0 =	sne.s32 s8, $0xD0;
	[tilespmem:s10+$0x8B90] =	vst v11;
	v11 =	vperm.xlane v11, v4;
	v7 =	vmul.f32 v13, v7  }
.Ltmp7:
0x245: {  	v8 =	vmul.f32 v14, v8;
	[tilespmem:s10+$0x8B50] =	vst v10;
	(pc) =	sbr.rel @p0 .LBB2_12-.Ltmp7, $4  }
0x246: {  	v9 =	vmul.f32 v11, v9;
	[tilespmem:s10+$0x8B70] =	vst v7  }
0x247: {  	[tilespmem:s10+$0x8B80] =	vst v8  }
0x248: {  	[tilespmem:s10+$0x8B60] =	vst v9  }
0x249: {  	[spmem:s2] =	stream.indirect.scatter.add.f32 [tilespmem:s13], [sflag:$0x3], $0x50, s26, s24, $0xb8;
	[tilespmem:$0x1AF80] =	vst v63  }
0x24a: {  	_ =	swait.ge [sflag:s14], $0x2800  }
0x24b: {  	[sflag:s14] =	ssyncset.done $0x0  }
0x24c: {  	[sflag:s14] =	ssyncadd.s32 $0xFFFFD800  }
0x24d: {  	_ =	swait.ge [sflag:s14], $0x2800  }
0x24e: {  	[sflag:s14] =	ssyncset.done $0x0  }
0x24f: {  	[sflag:s14] =	ssyncadd.s32 $0xFFFFD800  }
0x250: {  	[bflag:$0x0] =	sbarrier.arrive $0xFFFF  }
0x251: {  	s8 =	rddreg [dreg:$0x6]  }
0x252: {  	[hbm:s8], [sflag:s15] =	dma.local [spmem:s16], $0x1F40  }
0x253: {  	_ =	swait.ge [sflag:s23], $0x1F40  }
0x254: {  	s3 =	sadd.s32 $0x1, s3;
	s20 =	rddreg [dreg:$0x7]  }
0x255: {  	p0 =	sne.s32 s3, s20  }
.Ltmp8:
0x256: {  	[sflag:s23] =	ssyncset.done $0x0;
	(pc) =	sbr.rel @p0 .LBB2_1-.Ltmp8, $4  }
0x257: {  	[sflag:s23] =	ssyncadd.s32 $0xFFFFE0C0  }
0x258: {  	[bflag:$0x0] =	sbarrier.arrive $0xFFFF  }
0x259: {  	s20 =	smov.u32 s9;
	s9 =	smov.u32 s7;
	s7 =	rddreg [dreg:$0x3]  }
0x25a: {  	s19 =	smov.u32 s21;
	s21 =	rddreg [dreg:$0x8]  }
0x25b: {  	_ =	sfence.sel $0x180000  }
0x25c: {  	[bflag:$0x0] =	sbarrier.arrive $0xFFFF  }
0x25d: {  	_ =	strace $0x9000004A  }
0x25e: {  	s0 =	stileid.u32;
	[bflag:$0x2] =	sbarrier.arrive $0xFFFF  }
0x25f: {  	p0 =	sne.s32 s0, $0x0;
	s0 =	rddreg [dreg:$0x2]  }
0x260: {  	s0 =	sadd.s32 @!p0 $0x100000, s0  }
0x261: {  	[sflag:s0] =	ssyncadd.tile.s32 @!p0 $0x1;
	_ =	shalt  }
.Lfunc_end2:
_tile_overlayer_lowered:
.L_overlay_start_2:
0x262: {  	(tag) =	ssettag $0x2  }
0x263: {  	s0 =	rddreg [dreg:$0x0];
	s2 =	stileid.u32  }
0x264: {  	s1 =	rddreg [dreg:$0x1];
	p0 =	sne.s32 s2, $0x0  }
0x265: {  	s3 =	rddreg [dreg:$0x2];
	[bflag:$0x3] =	sbarrier.arrive $0xFFFF;
	s2 =	simm.s32 @!p0 $0x1C04  }
0x266: {  	[timem:s3], [sflag:s2] =	dma.local @!p0 [hbm:s0], s1  }
0x267: {  	s0 =	simm.s32 @!p0 $0x4  }
0x268: {  	_ =	swait.ge @!p0 [sflag:s0], s1  }
0x269: {  	s1 =	ssub.s32 @!p0 $0x0, s1;
	[sflag:s0] =	ssyncset.done @!p0 $0x0  }
0x26a: {  	[sflag:s0] =	ssyncadd.s32 @!p0 s1  }
0x26b: {  	[bflag:$0x3] =	sbarrier.arrive $0xFFFF  }
0x26c: {  	_ =	shalt  }

// kernel: kernel.8.cloned.1.call-start
scs
__scs_entry_jumppad:
0x0: {  	(pc) =	sbr.rel $0x88, $3  }
0x1: {  	(tag) =	ssettag $0x0;
	lr =	simm.s32 $0x1  }
0x2: {  	[smem:$0x3F8A] =	sst lr;
	_ =	strace $0xD0000000  }
0x3: {  	_ = 	snop  }
0x4: {  	_ = 	snop  }
0x5: {  	_ = 	snop  }
0x6: {  	_ = 	snop  }
0x7: {  	_ = 	snop  }
__scs_overlays_trampoline_lowered:
0x8: {  	[smem:$0x3F99] =	sst s0  }
0x9: {  	[smem:$0x3F9A] =	sst s1  }
0xa: {  	[smem:$0x3F9B] =	sst s2  }
0xb: {  	[smem:$0x3F9C] =	sst s3  }
0xc: {  	[smem:$0x3F9D] =	sst s4  }
0xd: {  	[smem:$0x3F9E] =	sst s5  }
0xe: {  	[smem:$0x3F9F] =	sst s6  }
0xf: {  	[smem:$0x3FA0] =	sst s7  }
0x10: {  	[smem:$0x3FA1] =	sst s8  }
0x11: {  	[smem:$0x3FA2] =	sst s9;
	s0 =	simm.s32 @!p0 $0x0  }
0x12: {  	s1 =	sld [smem:$0x3F88];
	s0 =	simm.s32 @p0 $0x1  }
0x13: {  	[smem:$0x3FA3] =	sst s0;
	s0 =	simm.s32 @!p1 $0x0  }
0x14: {  	s2 =	sld [smem:$0x3F87];
	s0 =	simm.s32 @p1 $0x1  }
0x15: {  	[smem:$0x3FA4] =	sst s0;
	s0 =	simm.s32 @!p2 $0x0  }
0x16: {  	s3 =	sld [smem:$0x3FDB];
	s0 =	simm.s32 @p2 $0x1  }
0x17: {  	s4 =	simm.s32 $0x1BF5;
	[smem:$0x3FA6] =	sst s0  }
0x18: {  	s0 =	sld [smem:$0x3F89];
	_ =	swait.ge [sflag:s4], $0x0  }
0x19: {  	s7 =	sld [smem:$0x3F8A]  }
0x1a: {  	s8 =	sadd.s32 $0xFFFFE003, lr  }
0x1b: {  	s9 =	sadd.s32 $0xFFFFFEF7, lr;
	s5 =	simm.s32 $0xFFFFFFFF;
	p2 =	slt.u32 s8, $0xFFFFF086  }
0x1c: {  	p1 =	slt.u32 s9, $0xF7A;
	s5 =	simm.s32 @!p2 $0x0  }
0x1d: {  	s5 =	simm.s32 @p1 $0x1;
	p0 =	seq.s32 s7, s2  }
0x1e: {  	s7 =	smul.u32 @!p0 $0xF7A, s2;
	p2 =	seq.s32 @!p0 s5, $0x0  }
0x1f: {  	s9 =	smul.u32 $0xF7A, s1;
	s8 =	simm.s32 @!p0 $0x1BF5;
	p2 =	por !p2, p0  }
0x20: {  	[sflag:s8] =	ssyncset.s32 @!p0 $0xFFFFF086;
	s6 =	sadd.s32 @!p0 s3, s7;
	s7 =	simm.s32 @!p0 $0x108  }
0x21: {  	s3 =	sadd.s32 s3, s9;
	s6 =	sadd.s32 @!p0 $0x88, s6;
	s7 =	simm.s32 @p2 $0x1082  }
0x22: {  	[simem:s7], [sflag:s8] =	dma.local @!p0 [hbm:s6], $0xF7A  }
0x23: {  	s9 =	sor.u32 $0xD0000000, s2;
	s6 =	simm.s32 $0x108;
	_ =	swait.ge @!p0 [sflag:s8], $0x0  }
0x24: {  	s3 =	sadd.s32 $0x88, s3;
	s6 =	simm.s32 @!p1 $0x1082;
	[sflag:s4] =	ssyncset.s32 $0xFFFFF086  }
0x25: {  	[simem:s6], [sflag:s4] =	dma.local [hbm:s3], $0xF7A  }
0x26: {  	[smem:$0x3F8A] =	sst s1;
	(tag) =	ssettag s2;
	_ =	strace s9  }
0x27: {  	s1 =	sld [smem:$0x3F9A]  }
0x28: {  	s2 =	sld [smem:$0x3F9B]  }
0x29: {  	s4 =	sld [smem:$0x3F9D]  }
0x2a: {  	p0 =	seq.s32 s5, $0x0;
	s5 =	sld [smem:$0x3F9E]  }
0x2b: {  	s6 =	sld [smem:$0x3F9F]  }
0x2c: {  	s7 =	sld [smem:$0x3FA0]  }
0x2d: {  	s3 =	simm.s32 $0x108;
	s8 =	sld [smem:$0x3FA1]  }
0x2e: {  	s3 =	simm.s32 @!p0 $0x1082;
	s9 =	sld [smem:$0x3FA2]  }
0x2f: {  	lr =	sadd.s32 s0, s3;
	s0 =	sld [smem:$0x3F99]  }
0x30: {  	s3 =	sld [smem:$0x3F9C]  }
0x31: {  	[smem:$0x3FA5] =	sst s10  }
0x32: {  	s10 =	sld [smem:$0x3FA3];
	_ =	sdelay $0x3  }
0x33: {  	p0 =	seq.s32 s10, $0x1;
	s10 =	sld [smem:$0x3FA5];
	_ =	sdelay $0x3  }
0x34: {  	[smem:$0x3FA5] =	sst s10  }
0x35: {  	s10 =	sld [smem:$0x3FA4];
	_ =	sdelay $0x3  }
0x36: {  	p1 =	seq.s32 s10, $0x1;
	s10 =	sld [smem:$0x3FA5];
	_ =	sdelay $0x3  }
0x37: {  	[smem:$0x3FA5] =	sst s10  }
0x38: {  	s10 =	sld [smem:$0x3FA6]  }
0x39: {  	_ = 	snop;
	(pc) =	sbr.ind lr, $3  }
0x3a: {  	_ = 	snop  }
0x3b: {  	_ = 	snop  }
0x3c: {  	p2 =	seq.s32 s10, $0x1;
	s10 =	sld [smem:$0x3FA5]  }
0x3d: {  	_ =	shalt  }
0x3e: {  	_ =	shalt  }
0x3f: {  	_ =	shalt  }
0x40: {  	_ =	shalt  }
0x41: {  	_ =	shalt  }
0x42: {  	_ =	shalt  }
0x43: {  	_ =	shalt  }
0x44: {  	_ =	shalt  }
0x45: {  	_ =	shalt  }
0x46: {  	_ =	shalt  }
0x47: {  	_ =	shalt  }
0x48: {  	_ =	shalt  }
0x49: {  	_ =	shalt  }
0x4a: {  	_ =	shalt  }
0x4b: {  	_ =	shalt  }
0x4c: {  	_ =	shalt  }
0x4d: {  	_ =	shalt  }
0x4e: {  	_ =	shalt  }
0x4f: {  	_ =	shalt  }
0x50: {  	_ =	shalt  }
0x51: {  	_ =	shalt  }
0x52: {  	_ =	shalt  }
0x53: {  	_ =	shalt  }
0x54: {  	_ =	shalt  }
0x55: {  	_ =	shalt  }
0x56: {  	_ =	shalt  }
0x57: {  	_ =	shalt  }
0x58: {  	_ =	shalt  }
0x59: {  	_ =	shalt  }
0x5a: {  	_ =	shalt  }
0x5b: {  	_ =	shalt  }
0x5c: {  	_ =	shalt  }
0x5d: {  	_ =	shalt  }
0x5e: {  	_ =	shalt  }
0x5f: {  	_ =	shalt  }
0x60: {  	_ =	shalt  }
0x61: {  	_ =	shalt  }
0x62: {  	_ =	shalt  }
0x63: {  	_ =	shalt  }
0x64: {  	_ =	shalt  }
0x65: {  	_ =	shalt  }
0x66: {  	_ =	shalt  }
0x67: {  	_ =	shalt  }
0x68: {  	_ =	shalt  }
0x69: {  	_ =	shalt  }
0x6a: {  	_ =	shalt  }
0x6b: {  	_ =	shalt  }
0x6c: {  	_ =	shalt  }
0x6d: {  	_ =	shalt  }
0x6e: {  	_ =	shalt  }
0x6f: {  	_ =	shalt  }
0x70: {  	_ =	shalt  }
0x71: {  	_ =	shalt  }
0x72: {  	_ =	shalt  }
0x73: {  	_ =	shalt  }
0x74: {  	_ =	shalt  }
0x75: {  	_ =	shalt  }
0x76: {  	_ =	shalt  }
0x77: {  	_ =	shalt  }
0x78: {  	_ =	shalt  }
0x79: {  	_ =	shalt  }
0x7a: {  	_ =	shalt  }
0x7b: {  	_ =	shalt  }
0x7c: {  	_ =	shalt  }
0x7d: {  	_ =	shalt  }
0x7e: {  	_ =	shalt  }
0x7f: {  	_ =	shalt  }
0x80: {  	_ =	shalt  }
0x81: {  	_ =	shalt  }
0x82: {  	_ =	shalt  }
0x83: {  	_ =	shalt  }
0x84: {  	_ =	shalt  }
0x85: {  	_ =	shalt  }
0x86: {  	_ =	shalt  }
0x87: {  	_ =	shalt  }
.Lfunc_end0:
.L_simem_size_0:
called_computation_lowered:
.L_overlay_start_0:
0x88: {  	s2 =	sld [smem:$0x3FD9]  }
0x89: {  	s3 =	sld [smem:$0x3FFE];
	_ =	sdelay $0x1  }
0x8a: {  	s1 =	srdreg.scid  }
0x8b: {  	s0 =	sand.u32 $0x1, s1  }
0x8c: {  	s16 =	sshll.u32 s0, $0xA;
	s2 =	sadd.s32 s3, s2  }
0x8d: {  	s2 =	sadd.s32 s2, s16  }
0x8e: {  	[smem:$0x3FB1] =	sst s2  }
0x8f: {  	_ = 	snop  }
0x90: {  	(tm) =	ssettm $0x1  }
0x91: {  	s17 =	sld [smem:$0x3FFB];
	_ =	sdelay $0x3  }
0x92: {  	_ =	strace s17  }
0x93: {  	s2 =	sld [smem:$0x3FFC];
	_ =	sdelay $0x3  }
0x94: {  	_ =	strace s2  }
0x95: {  	s2 =	sld [smem:$0x3FFD];
	_ =	sdelay $0x3  }
0x96: {  	_ =	strace s2  }
0x97: {  	_ =	strace $0x8FFFFFFF  }
0x98: {  	s18 =	sld [smem:$0x3FDB];
	_ =	sdelay $0x1  }
0x99: {  	s19 =	simm.s32 $_scs_section_size  }
0x9a: {  	s4 =	simm.s32 $_size__tile_overlayer_lowered;
	s5 =	simm.s32 $_tile_overlayer_lowered  }
0x9b: {  	s22 =	simm.s32 $0x1BFF;
	s21 =	sshll.u32 s5, $0x1;
	s2 =	sadd.s32 s19, s18  }
0x9c: {  	s6 =	simm.s32 $0x0;
	s20 =	sshll.u32 s4, $0x1;
	s4 =	sadd.s32 s21, s2  }
0x9d: {  	[timem:s6], [sflag:s22] =	dma.local [hbm:s4], s20  }
0x9e: {  	_ =	swait.ge [sflag:s22], s20  }
0x9f: {  	s3 =	ssub.s32 $0x0, s20;
	[sflag:s22] =	ssyncset.done $0x0  }
0xa0: {  	[sflag:s22] =	ssyncadd.s32 s3;
	_ =	sdelay $0x1  }
0xa1: {  	s23 =	simm.s32 $0x1B8B  }
0xa2: {  	_ =	swait.ge [sflag:s23], $0x1  }
0xa3: {  	[sflag:s23] =	ssyncset.done $0x0  }
0xa4: {  	s25 =	simm.s32 $0x1B8E;
	s24 =	sld [smem:$0x3FFE];
	[sflag:s23] =	ssyncadd.s32 $0xFFFFFFFF  }
0xa5: {  	s26 =	simm.s32 $execute0_lowered;
	[smem:$0x3FD2] =	sst s25  }
0xa6: {  	s4 =	sshll.u32 s26, $0x1;
	_ =	strace $0x80000046;
	[dreg:$0x1] =	wrdreg $0xFFFFFFFF  }
0xa7: {  	s28 =	simm.s32 $_size_execute0_lowered;
	s2 =	sadd.s32 s2, s4;
	[dreg:$0x0] =	wrdreg $0x0  }
0xa8: {  	s4 =	sshll.u32 s28, $0x1;
	[dreg:$0x2] =	wrdreg s2  }
0xa9: {  	[dreg:$0x3] =	wrdreg s4  }
0xaa: {  	[dreg:$0x4] =	wrdreg $0xC0  }
0xab: {  	_ =	task [dreg:s6], $0x5FFFF  }
0xac: {  	[dreg:$0x1] =	wrdreg $0xFFFFFFFF  }
0xad: {  	[dreg:$0x0] =	wrdreg $0x60  }
0xae: {  	[dreg:$0x2] =	wrdreg s24  }
0xaf: {  	[dreg:$0x3] =	wrdreg $0xB3000  }
0xb0: {  	[dreg:$0x4] =	wrdreg $0x9  }
0xb1: {  	_ =	task.clear_ibuf [dreg:s6], $0x5FFFF;
	_ =	strace $0x90000046  }
0xb2: {  	s29 =	simm.s32 $0x9;
	_ =	strace $0x80000048  }
0xb3: {  	_ =	swait.ge [sflag:s29], $0x1  }
0xb4: {  	[sflag:s29] =	ssyncadd.s32 $0xFFFFFFFF  }
0xb5: {  	_ =	strace $0x90000048  }
0xb6: {  	_ =	sfence  }
0xb7: {  	s30 =	sld [smem:$0x0];
	_ =	sdelay $0x2  }
0xb8: {  	s31 =	sshll.u32 s1, $0xD;
	s1 =	sshrl.u32 s1, $0x2  }
0xb9: {  	s3 =	sand.u32 $0x4000, s31;
	s1 =	sadd.s32 s1, s30  }
0xba: {  	s0 =	sor.u32 s3, s0;
	s1 =	sshll.u32 s1, $0x11  }
0xbb: {  	s0 =	sor.u32 s1, s0  }
0xbc: {  	s0 =	sadd.s32 $0x8F2B, s0  }
0xbd: {  	[sflag:s0] =	ssyncadd.remote.s32 $0x1  }
0xbe: {  	_ =	sfence.sel $0xFFFF  }
0xbf: {  	[dreg:$0x0] =	wrdreg $0xFFFFFFFF;
	(pc) =	sbr.abs _section_cstart, $3  }
0xc0: {  	[dreg:$0x1] =	wrdreg $0xFFFFFFFF  }
0xc1: {  	_ =	task.clear_ibuf [dreg:s6], $0x2FFFF;
	_ =	strace $0x9FFFFFFF  }
0xc2: {  	(tm) =	ssettm $0x7FFFFFFF  }
0xc3: {  	_ =	shalt  }
tec
execute0_lowered:
.L_overlay_start_1:
0x0: {  	(tag) =	ssettag $0x1  }
0x1: {  	s0 =	rddreg [dreg:$0x0]  }
0x2: {  	s2 =	rddreg [dreg:$0x1];
	s16 =	stileid.u32  }
0x3: {  	s3 =	simm.s32 $0x0;
	s6 =	srdreg.scid;
	s1 =	smul.u32 $0x3F200, s16  }
0x4: {  	s28 =	simm.s32 $0x100;
	s29 =	simm.s32 $0x1;
	s8 =	smul.u32 $0x1A0, s16  }
0x5: {  	s30 =	simm.s32 $0x2;
	s31 =	simm.s32 $0x2B00;
	s9 =	smul.u32 $0x3400, s16  }
0x6: {  	[smem:$0x7FF] =	sst s3;
	s4 =	sadd.s32 $0x95000, s0;
	s11 =	smul.u32 $0x320, s16  }
0x7: {  	s5 =	sadd.s32 $0x2400, s0;
	s7 =	sand.u32 $0x1, s6;
	s16 =	smul.u32 $0x3E800, s16  }
0x8: {  	s6 =	sadd.s32 $0x7C800, s0;
	s0 =	sadd.s32 $0xC9000, s0;
	s13 =	smul.u32 $0x3200, s7  }
0x9: {  	_ =	strace $0x80000047;
	s10 =	ssub.s32 $0x2, s7;
	s14 =	smul.u32 $0xFFFFCE00, s7  }
0xa: {  	s15 =	sor.u32 $0x2, s7;
	s12 =	sshrl.u32 s10, $0x1;
	s1 =	sshrl.u32 s1, $0x2  }
0xb: {  	s26 =	smul.u32 $0x3200, s15;
	s9 =	sadd.s32 s4, s9;
	s17 =	sshrl.u32 s16, $0x2  }
0xc: {  	s18 =	smul.u32 $0xFFFFCE00, s15;
	s7 =	sadd.s32 s1, s2;
	s25 =	sadd.s32 s11, s13  }
0xd: {  	s10 =	ssub.s32 s10, s12;
	s20 =	sadd.s32 $0x20, s9;
	s12 =	sor.u32 $0x3, s8  }
0xe: {  	v0 =	vmov s14;
	s14 =	simm.s32 $0x3;
	s22 =	smax.u32 s10, $0x1;
	[dreg:$0x3] =	wrdreg s7  }
0xf: {  	s19 =	sadd.s32 $0xF000, s7;
	s23 =	sadd.s32 $0x5000, s7;
	[dreg:$0x7] =	wrdreg s22  }
0x10: {  	s1 =	smul.u32 $0xA, s25;
	s24 =	sadd.s32 $0x7800, s7;
	[dreg:$0x9] =	wrdreg s23  }
0x11: {  	s13 =	sadd.s32 s11, s26;
	s25 =	sadd.s32 $0xA000, s7;
	[dreg:$0xa] =	wrdreg s24  }
0x12: {  	s11 =	sor.u32 $0x2, s8;
	s26 =	sadd.s32 $0xC800, s7;
	[dreg:$0xb] =	wrdreg s25  }
0x13: {  	s21 =	sadd.s32 $0x2800, s7;
	s13 =	smul.u32 $0xA, s13;
	[dreg:$0xc] =	wrdreg s26  }
0x14: {  	s22 =	simm.s32 $0x6300;
	s23 =	simm.s32 $0x4;
	s24 =	simm.s32 $0x80  }
0x15: {  	v3 =	vlaneseq.u32;
	s25 =	simm.s32 $0x200;
	[dreg:$0x8] =	wrdreg s21;
	s1 =	sadd.s32 s0, s1  }
0x16: {  	v3 =	vshrl.u32 v3, $0x3;
	s26 =	simm.s32 $0x280;
	[dreg:$0x4] =	wrdreg s1;
	s1 =	sadd.s32 s17, s2  }
0x17: {  	v2 =	vimm.f32 $0.0e+00;
	v4 =	vor.u32 $0x2, v3;
	s0 =	sadd.s32 s0, s13;
	s13 =	simm.s32 $0x8B00;
	[dreg:$0x5] =	wrdreg s1  }
0x18: {  	v5 =	vor.u32 $0x4, v3;
	v6 =	vor.u32 $0x6, v3;
	v1 =	vmov s18;
	[dreg:$0x6] =	wrdreg s0;
	s0 =	simm.s32 $0x180;
	s1 =	simm.s32 $0x5B00  }
.LBB2_1:
0x19: {  	s10 =	simm.s32 $0x140;
	s8 =	simm.s32 $0x0  }
.LBB2_2:
0x1a: {  	p0 =	sne.s32 s10, $0x9EC0;
	[tilespmem:s8+$0x6340] =	vst v2;
	s15 =	smov.u32 s10;
	s10 =	sadd.s32 $0x140, s10  }
.Ltmp0:
0x1b: {  	[tilespmem:s8+$0x6330] =	vst v2;
	(pc) =	sbr.rel @p0 .LBB2_2-.Ltmp0, $4  }
0x1c: {  	[tilespmem:s8+$0x6320] =	vst v2  }
0x1d: {  	[tilespmem:s8+$0x6300] =	vst v2  }
0x1e: {  	[tilespmem:s8+$0x6310] =	vst v2  }
0x1f: {  	s8 =	sshra.s32 s15, $0x2  }
0x20: {  	[tilespmem:s8+$0x6340] =	vst v2  }
0x21: {  	[tilespmem:s8+$0x6330] =	vst v2  }
0x22: {  	[tilespmem:s8+$0x6320] =	vst v2  }
0x23: {  	[tilespmem:s8+$0x6300] =	vst v2  }
0x24: {  	[tilespmem:s8+$0x6310] =	vst v2  }
0x25: {  	[spmem:s7] =	stream.linear.scatter [tilespmem:s22], [sflag:$0x4], $0x2800, $0x38;
	[tilespmem:$0x1AF80] =	vst v63  }
0x26: {  	_ =	swait.ge [sflag:s23], $0x2800  }
0x27: {  	[sflag:s23] =	ssyncset.done $0x0  }
0x28: {  	[sflag:s23] =	ssyncadd.s32 $0xFFFFD800  }
0x29: {  	[spmem:s21] =	stream.linear.scatter [tilespmem:s22], [sflag:$0x4], $0x2800, $0x38;
	[tilespmem:$0x1AF80] =	vst v63  }
0x2a: {  	_ =	swait.ge [sflag:s23], $0x2800  }
0x2b: {  	[sflag:s23] =	ssyncset.done $0x0  }
0x2c: {  	s18 =	rddreg [dreg:$0x9];
	[sflag:s23] =	ssyncadd.s32 $0xFFFFD800  }
0x2d: {  	[spmem:s18] =	stream.linear.scatter [tilespmem:s22], [sflag:$0x4], $0x2800, $0x38;
	[tilespmem:$0x1AF80] =	vst v63  }
0x2e: {  	_ =	swait.ge [sflag:s23], $0x2800  }
0x2f: {  	[sflag:s23] =	ssyncset.done $0x0  }
0x30: {  	s10 =	rddreg [dreg:$0xa];
	[sflag:s23] =	ssyncadd.s32 $0xFFFFD800  }
0x31: {  	[spmem:s10] =	stream.linear.scatter [tilespmem:s22], [sflag:$0x4], $0x2800, $0x38;
	[tilespmem:$0x1AF80] =	vst v63  }
0x32: {  	_ =	swait.ge [sflag:s23], $0x2800  }
0x33: {  	[sflag:s23] =	ssyncset.done $0x0  }
0x34: {  	s15 =	rddreg [dreg:$0xb];
	[sflag:s23] =	ssyncadd.s32 $0xFFFFD800  }
0x35: {  	[spmem:s15] =	stream.linear.scatter [tilespmem:s22], [sflag:$0x4], $0x2800, $0x38;
	[tilespmem:$0x1AF80] =	vst v63  }
0x36: {  	_ =	swait.ge [sflag:s23], $0x2800  }
0x37: {  	[sflag:s23] =	ssyncset.done $0x0  }
0x38: {  	s16 =	rddreg [dreg:$0xc];
	[sflag:s23] =	ssyncadd.s32 $0xFFFFD800  }
0x39: {  	[spmem:s16] =	stream.linear.scatter [tilespmem:s22], [sflag:$0x4], $0x2800, $0x38;
	[tilespmem:$0x1AF80] =	vst v63  }
0x3a: {  	_ =	swait.ge [sflag:s23], $0x2800  }
0x3b: {  	[sflag:s23] =	ssyncset.done $0x0  }
0x3c: {  	[sflag:s23] =	ssyncadd.s32 $0xFFFFD800  }
0x3d: {  	[spmem:s19] =	stream.linear.scatter [tilespmem:s22], [sflag:$0x4], $0xC80, $0x38;
	[tilespmem:$0x1AF80] =	vst v63  }
0x3e: {  	_ =	swait.ge [sflag:s23], $0xC80  }
0x3f: {  	[sflag:s23] =	ssyncset.done $0x0  }
0x40: {  	[sflag:s23] =	ssyncadd.s32 $0xFFFFF380  }
0x41: {  	s15 =	simm.s32 $0x0;
	[bflag:$0x0] =	sbarrier.arrive $0xFFFF  }
0x42: {  	[tilespmem:s15], [sflag:$0x4] =	stream.linear.gather [hbm4b:s9+s15], $0x100, $0x38;
	[tilespmem:$0x1AF80] =	vst v63  }
0x43: {  	_ =	swait.ge [sflag:s23], $0x100  }
0x44: {  	[sflag:s23] =	ssyncset.done $0x0  }
0x45: {  	s17 =	simm.s32 $0x300;
	[sflag:s23] =	ssyncadd.s32 $0xFFFFFF00  }
0x46: {  	[tilespmem:s17], [sflag:$0x1] =	stream.indirect.gather [hbm4b:s5+s24], $0x50, s15, s24, $0xb8;
	[tilespmem:$0x1AF80] =	vst v63  }
0x47: {  	s18 =	simm.s32 $0x5300  }
0x48: {  	[tilespmem:s18], [sflag:$0x1] =	stream.indirect.gather [hbm4b:s6+s24], $0x10, s24, s24, $0xb8;
	[tilespmem:$0x1AF80] =	vst v63  }
0x49: {  	_ = 	snop  }
0x4a: {  	[tilespmem:s28], [sflag:$0x2] =	stream.linear.gather [hbm4b:s20+s15], $0x100, $0x38;
	[tilespmem:$0x1AF80] =	vst v63  }
.LBB2_4:
0x4b: {  	_ =	swait.ge [sflag:s29], $0x2800  }
0x4c: {  	[sflag:s29] =	ssyncset.done $0x0  }
0x4d: {  	[sflag:s29] =	ssyncadd.s32 $0xFFFFD800  }
0x4e: {  	_ =	swait.ge [sflag:s29], $0x800  }
0x4f: {  	p1 =	seq.s32 s15, $0x0;
	[sflag:s29] =	ssyncset.done $0x0  }
0x50: {  	s8 =	simm.s32 @!p1 $0x3;
	[sflag:s29] =	ssyncadd.s32 $0xFFFFF800  }
0x51: {  	_ =	swait.ge @!p1 [sflag:s8], $0x2800  }
0x52: {  	[sflag:s8] =	ssyncset.done @!p1 $0x0  }
0x53: {  	[sflag:s8] =	ssyncadd.s32 @!p1 $0xFFFFD800  }
0x54: {  	v7 =	vld [tilespmem:$0x80]  }
0x55: {  	v8 =	vld [tilespmem:$0x90]  }
0x56: {  	v9 =	vld [tilespmem:$0xA0]  }
0x57: {  	v10 =	vld [tilespmem:$0xB0]  }
0x58: {  	v11 =	vld [tilespmem:$0xC0]  }
0x59: {  	v12 =	vld [tilespmem:$0xD0];
	v7 =	vadd.s32 v0, v7  }
0x5a: {  	v13 =	vld [tilespmem:$0xE0];
	v8 =	vadd.s32 v0, v8;
	v7 =	vmin.u32 v7, $0x3200  }
0x5b: {  	[tilespmem:$0x200] =	vst v7;
	v7 =	vmin.u32 v8, $0x3200;
	v8 =	vadd.s32 v0, v9;
	v9 =	vld [tilespmem:$0xF0]  }
0x5c: {  	[tilespmem:$0x210] =	vst v7;
	v7 =	vmin.u32 v8, $0x3200;
	v8 =	vadd.s32 v0, v10  }
0x5d: {  	[tilespmem:$0x220] =	vst v7;
	v7 =	vmin.u32 v8, $0x3200;
	v8 =	vadd.s32 v0, v11  }
0x5e: {  	[tilespmem:$0x230] =	vst v7;
	v7 =	vmin.u32 v8, $0x3200;
	v8 =	vadd.s32 v0, v12  }
0x5f: {  	[tilespmem:$0x240] =	vst v7;
	v7 =	vmin.u32 v8, $0x3200;
	v8 =	vadd.s32 v0, v13  }
0x60: {  	[tilespmem:$0x250] =	vst v7;
	v7 =	vmin.u32 v8, $0x3200;
	v8 =	vadd.s32 v0, v9  }
0x61: {  	[tilespmem:$0x260] =	vst v7;
	v7 =	vmin.u32 v8, $0x3200  }
0x62: {  	[tilespmem:$0x270] =	vst v7  }
0x63: {  	_ =	swait.ge [sflag:s30], $0x100  }
0x64: {  	p0 =	seq.s32 s15, $0xCF;
	s8 =	sshll.u32 s15, $0x1;
	[sflag:s30] =	ssyncset.done $0x0  }
0x65: {  	s10 =	sadd.s32 @!p0 s8, s11;
	[sflag:s30] =	ssyncadd.s32 $0xFFFFFF00  }
0x66: {  	[tilespmem:s31], [sflag:$0x1] =	stream.indirect.gather [hbm4b:s5+s24], $0x50, s28, s24, $0xb8;
	[tilespmem:$0x1AF80] =	vst v63  }
0x67: {  	s10 =	sshll.u32 @!p0 s10, $0x5  }
0x68: {  	[tilespmem:s1], [sflag:$0x1] =	stream.indirect.gather [hbm4b:s6+s24], $0x10, s0, s24, $0xb8;
	[tilespmem:$0x1AF80] =	vst v63  }
0x69: {  	s16 =	simm.s32 @!p0 $0x0;
	s10 =	sadd.s32 @!p0 s4, s10  }
0x6a: {  	[tilespmem:s16], [sflag:$0x2] =	stream.linear.gather @!p0 [hbm4b:s10+s16], $0x100, $0x38;
	[tilespmem:$0x1AF80] =	vst v63  }
0x6b: {  	s10 =	simm.s32 $0x0  }
0x6c: {  	s16 =	simm.s32 $0x5310;
	v7 =	vld [tilespmem:s10+$0x340]  }
0x6d: {  	v8 =	vld [tilespmem:s16+$0xFFFFFFF0];
	_ =	sdelay $0x4  }
0x6e: {  	v7 =	vadd.f32 v8, v7;
	_ =	sdelay $0x1  }
0x6f: {  	v8 =	vmul.f32 $2.000000030e-01, v7;
	_ =	sdelay $0x1  }
0x70: {  	v7 =	vmax.f32 v7, v8  }
0x71: {  	v7 =	vmul.f32 $1.442695020e+00, v7;
	_ =	sdelay $0x1  }
0x72: {  	(erf) = vpow2.f32 v7;
	_ =	sdelay $0x6  }
0x73: {  	v9 =	vld [tilespmem:s10+$0x330]  }
0x74: {  	v10 =	vld [tilespmem:s10+$0x300]  }
0x75: {  	v11 =	vld [tilespmem:s10+$0x310];
	v62 =	vpop (erf)  }
0x76: {  	v63 =	vld [tilespmem:s10+$0x320];
	v14 =	vperm.xlane v62, v6  }
0x77: {  	v15 =	vperm.xlane v62, v3  }
0x78: {  	v16 =	vperm.xlane v62, v4;
	v9 =	vmul.f32 v14, v9  }
0x79: {  	[tilespmem:s10+$0x6340] =	vst v62;
	v12 =	vperm.xlane v62, v5;
	v10 =	vmul.f32 v15, v10  }
0x7a: {  	v11 =	vmul.f32 v16, v11;
	[tilespmem:s10+$0x6330] =	vst v9  }
0x7b: {  	v9 =	vmul.f32 v12, v63;
	[tilespmem:s10+$0x6300] =	vst v10  }
0x7c: {  	[tilespmem:s10+$0x6310] =	vst v11  }
0x7d: {  	[tilespmem:s10+$0x6320] =	vst v9;
	v9 =	vld [tilespmem:s10+$0x390]  }
0x7e: {  	v10 =	vld [tilespmem:s16+$0x0];
	_ =	sdelay $0x4  }
0x7f: {  	v9 =	vadd.f32 v10, v9;
	_ =	sdelay $0x1  }
0x80: {  	v10 =	vmul.f32 $2.000000030e-01, v9;
	_ =	sdelay $0x1  }
0x81: {  	v9 =	vmax.f32 v9, v10  }
0x82: {  	v10 =	vmul.f32 $1.442695020e+00, v9;
	_ =	sdelay $0x1  }
0x83: {  	(erf) = vpow2.f32 v10;
	_ =	sdelay $0x2  }
0x84: {  	v8 =	vld [tilespmem:s10+$0x380]  }
0x85: {  	v7 =	vld [tilespmem:s10+$0x370]  }
0x86: {  	v9 =	vld [tilespmem:s10+$0x360]  }
0x87: {  	s17 =	simm.s32 $0x280;
	v10 =	vld [tilespmem:s10+$0x350]  }
.LBB2_5:
0x88: {  	p2 =	sne.s32 s17, $0x9D80  }
0x89: {  	s16 =	sadd.s32 $0x20, s16;
	s18 =	smov.u32 s17;
	s17 =	sadd.s32 $0x280, s17  }
0x8a: {  	v11 =	vpop (erf)  }
0x8b: {  	[tilespmem:s10+$0x6390] =	vst v11;
	v12 =	vperm.xlane v11, v3;
	v13 =	vperm.xlane v11, v4  }
0x8c: {  	v14 =	vperm.xlane v11, v5;
	v11 =	vperm.xlane v11, v6  }
0x8d: {  	v10 =	vmul.f32 v12, v10;
	v9 =	vmul.f32 v13, v9  }
0x8e: {  	v7 =	vmul.f32 v14, v7;
	v8 =	vmul.f32 v11, v8  }
0x8f: {  	s18 =	sshra.s32 s18, $0x2;
	[tilespmem:s10+$0x6350] =	vst v10  }
0x90: {  	v10 =	vld [tilespmem:s18+$0x340];
	[tilespmem:s10+$0x6370] =	vst v7  }
0x91: {  	v7 =	vld [tilespmem:s18+$0x370];
	[tilespmem:s10+$0x6380] =	vst v8  }
0x92: {  	v8 =	vld [tilespmem:s18+$0x380];
	[tilespmem:s10+$0x6360] =	vst v9;
	s10 =	smov.u32 s18  }
0x93: {  	v9 =	vld [tilespmem:s16+$0xFFFFFFF0];
	_ =	sdelay $0x4  }
0x94: {  	v9 =	vadd.f32 v9, v10;
	_ =	sdelay $0x1  }
0x95: {  	v10 =	vmul.f32 $2.000000030e-01, v9;
	_ =	sdelay $0x1  }
0x96: {  	v9 =	vmax.f32 v9, v10  }
0x97: {  	v9 =	vmul.f32 $1.442695020e+00, v9;
	_ =	sdelay $0x1  }
0x98: {  	(erf) = vpow2.f32 v9;
	_ =	sdelay $0x4  }
0x99: {  	v9 =	vld [tilespmem:s10+$0x320]  }
0x9a: {  	v10 =	vld [tilespmem:s10+$0x330]  }
0x9b: {  	v11 =	vld [tilespmem:s10+$0x300]  }
0x9c: {  	v12 =	vld [tilespmem:s10+$0x310]  }
0x9d: {  	v13 =	vpop (erf)  }
0x9e: {  	[tilespmem:s10+$0x6340] =	vst v13;
	v14 =	vperm.xlane v13, v3;
	v15 =	vperm.xlane v13, v6  }
0x9f: {  	v16 =	vperm.xlane v13, v4;
	v13 =	vperm.xlane v13, v5  }
0xa0: {  	v11 =	vmul.f32 v14, v11;
	v10 =	vmul.f32 v15, v10  }
0xa1: {  	v9 =	vmul.f32 v13, v9;
	v12 =	vmul.f32 v16, v12  }
0xa2: {  	[tilespmem:s10+$0x6330] =	vst v10  }
0xa3: {  	[tilespmem:s10+$0x6300] =	vst v11  }
0xa4: {  	[tilespmem:s10+$0x6310] =	vst v12  }
0xa5: {  	[tilespmem:s10+$0x6320] =	vst v9;
	v9 =	vld [tilespmem:s10+$0x390]  }
0xa6: {  	v10 =	vld [tilespmem:s16+$0x0];
	_ =	sdelay $0x4  }
0xa7: {  	v9 =	vadd.f32 v10, v9;
	_ =	sdelay $0x1  }
0xa8: {  	v10 =	vmul.f32 $2.000000030e-01, v9;
	_ =	sdelay $0x1  }
0xa9: {  	v9 =	vmax.f32 v9, v10  }
0xaa: {  	v9 =	vmul.f32 $1.442695020e+00, v9;
	_ =	sdelay $0x1  }
0xab: {  	(erf) = vpow2.f32 v9;
	_ =	sdelay $0x2  }
.Ltmp1:
0xac: {  	(pc) =	sbr.rel @p2 .LBB2_5-.Ltmp1, $3  }
0xad: {  	_ =	sdelay $0x1  }
0xae: {  	v9 =	vld [tilespmem:s10+$0x360]  }
0xaf: {  	v10 =	vld [tilespmem:s10+$0x350]  }
0xb0: {  	_ = 	snop  }
0xb1: {  	v11 =	vpop (erf)  }
0xb2: {  	v12 =	vperm.xlane v11, v3  }
0xb3: {  	v13 =	vperm.xlane v11, v5  }
0xb4: {  	v14 =	vperm.xlane v11, v6;
	v10 =	vmul.f32 v12, v10  }
0xb5: {  	[tilespmem:s10+$0x6390] =	vst v11;
	v11 =	vperm.xlane v11, v4;
	v7 =	vmul.f32 v13, v7  }
0xb6: {  	v8 =	vmul.f32 v14, v8;
	[tilespmem:s10+$0x6350] =	vst v10  }
0xb7: {  	v9 =	vmul.f32 v11, v9;
	[tilespmem:s10+$0x6370] =	vst v7  }
0xb8: {  	[tilespmem:s10+$0x6380] =	vst v8  }
0xb9: {  	[tilespmem:s10+$0x6360] =	vst v9  }
0xba: {  	[spmem:s2] =	stream.indirect.scatter.add.f32 [tilespmem:s22], [sflag:$0x3], $0x50, s25, s24, $0xb8;
	[tilespmem:$0x1AF80] =	vst v63  }
0xbb: {  	_ =	swait.ge [sflag:s29], $0x2800  }
0xbc: {  	[sflag:s29] =	ssyncset.done $0x0  }
0xbd: {  	[sflag:s29] =	ssyncadd.s32 $0xFFFFD800  }
0xbe: {  	_ =	swait.ge [sflag:s29], $0x800  }
0xbf: {  	[sflag:s29] =	ssyncset.done $0x0  }
0xc0: {  	s10 =	simm.s32 @!p1 $0x3;
	[sflag:s29] =	ssyncadd.s32 $0xFFFFF800  }
0xc1: {  	_ =	swait.ge @!p1 [sflag:s10], $0x2800  }
0xc2: {  	[sflag:s10] =	ssyncset.done @!p1 $0x0  }
0xc3: {  	[sflag:s10] =	ssyncadd.s32 @!p1 $0xFFFFD800  }
0xc4: {  	v7 =	vld [tilespmem:$0x180]  }
0xc5: {  	v8 =	vld [tilespmem:$0x190]  }
0xc6: {  	v9 =	vld [tilespmem:$0x1A0]  }
0xc7: {  	v10 =	vld [tilespmem:$0x1B0]  }
0xc8: {  	v11 =	vld [tilespmem:$0x1C0]  }
0xc9: {  	v59 =	vld [tilespmem:$0x1D0];
	v7 =	vadd.s32 v0, v7  }
0xca: {  	v60 =	vld [tilespmem:$0x1E0];
	v8 =	vadd.s32 v0, v8;
	v7 =	vmin.u32 v7, $0x3200  }
0xcb: {  	[tilespmem:$0x280] =	vst v7;
	v7 =	vmin.u32 v8, $0x3200;
	v8 =	vadd.s32 v0, v9;
	v9 =	vld [tilespmem:$0x1F0]  }
0xcc: {  	[tilespmem:$0x290] =	vst v7;
	v7 =	vmin.u32 v8, $0x3200;
	v8 =	vadd.s32 v0, v10  }
0xcd: {  	[tilespmem:$0x2A0] =	vst v7;
	v7 =	vmin.u32 v8, $0x3200;
	v8 =	vadd.s32 v0, v11  }
0xce: {  	[tilespmem:$0x2B0] =	vst v7;
	v7 =	vmin.u32 v8, $0x3200;
	v8 =	vadd.s32 v0, v59  }
0xcf: {  	[tilespmem:$0x2C0] =	vst v7;
	v7 =	vmin.u32 v8, $0x3200;
	v8 =	vadd.s32 v0, v60  }
0xd0: {  	[tilespmem:$0x2D0] =	vst v7;
	v7 =	vmin.u32 v8, $0x3200;
	v8 =	vadd.s32 v0, v9  }
0xd1: {  	[tilespmem:$0x2E0] =	vst v7;
	v7 =	vmin.u32 v8, $0x3200  }
0xd2: {  	s10 =	simm.s32 @!p0 $0x2;
	[tilespmem:$0x2F0] =	vst v7  }
0xd3: {  	_ =	swait.ge @!p0 [sflag:s10], $0x100  }
0xd4: {  	s16 =	simm.s32 @!p0 $0x0;
	s17 =	simm.s32 @!p0 $0x300;
	[sflag:s10] =	ssyncset.done @!p0 $0x0  }
0xd5: {  	s8 =	sadd.s32 @!p0 s8, s12;
	[sflag:s10] =	ssyncadd.s32 @!p0 $0xFFFFFF00;
	s10 =	simm.s32 @!p0 $0x80  }
0xd6: {  	[tilespmem:s17], [sflag:$0x1] =	stream.indirect.gather @!p0 [hbm4b:s5+s10], $0x50, s16, s10, $0xb8;
	[tilespmem:$0x1AF80] =	vst v63  }
0xd7: {  	s8 =	sshll.u32 @!p0 s8, $0x5;
	s17 =	simm.s32 @!p0 $0x5300  }
0xd8: {  	[tilespmem:s17], [sflag:$0x1] =	stream.indirect.gather @!p0 [hbm4b:s6+s10], $0x10, s10, s10, $0xb8;
	[tilespmem:$0x1AF80] =	vst v63  }
0xd9: {  	s8 =	sadd.s32 @!p0 s4, s8;
	s10 =	simm.s32 @!p0 $0x100  }
0xda: {  	[tilespmem:s10], [sflag:$0x2] =	stream.linear.gather @!p0 [hbm4b:s8+s16], $0x100, $0x38;
	[tilespmem:$0x1AF80] =	vst v63  }
0xdb: {  	s8 =	simm.s32 $0x0  }
0xdc: {  	s10 =	simm.s32 $0x5B10;
	v7 =	vld [tilespmem:s8+$0x2B40]  }
0xdd: {  	v8 =	vld [tilespmem:s10+$0xFFFFFFF0];
	_ =	sdelay $0x4  }
0xde: {  	v7 =	vadd.f32 v8, v7;
	_ =	sdelay $0x1  }
0xdf: {  	v8 =	vmul.f32 $2.000000030e-01, v7;
	_ =	sdelay $0x1  }
0xe0: {  	v7 =	vmax.f32 v7, v8  }
0xe1: {  	v7 =	vmul.f32 $1.442695020e+00, v7;
	_ =	sdelay $0x1  }
0xe2: {  	(erf) = vpow2.f32 v7;
	_ =	sdelay $0x6  }
0xe3: {  	v9 =	vld [tilespmem:s8+$0x2B30]  }
0xe4: {  	v10 =	vld [tilespmem:s8+$0x2B00]  }
0xe5: {  	v11 =	vld [tilespmem:s8+$0x2B10];
	v61 =	vpop (erf)  }
0xe6: {  	v62 =	vld [tilespmem:s8+$0x2B20];
	v63 =	vperm.xlane v61, v6  }
0xe7: {  	v15 =	vperm.xlane v61, v3  }
0xe8: {  	v16 =	vperm.xlane v61, v4;
	v9 =	vmul.f32 v63, v9  }
0xe9: {  	[tilespmem:s8+$0x8B40] =	vst v61;
	v12 =	vperm.xlane v61, v5;
	v10 =	vmul.f32 v15, v10  }
0xea: {  	v11 =	vmul.f32 v16, v11;
	[tilespmem:s8+$0x8B30] =	vst v9  }
0xeb: {  	v9 =	vmul.f32 v12, v62;
	[tilespmem:s8+$0x8B00] =	vst v10  }
0xec: {  	[tilespmem:s8+$0x8B10] =	vst v11  }
0xed: {  	[tilespmem:s8+$0x8B20] =	vst v9;
	v9 =	vld [tilespmem:s8+$0x2B90]  }
0xee: {  	v10 =	vld [tilespmem:s10+$0x0];
	_ =	sdelay $0x4  }
0xef: {  	v9 =	vadd.f32 v10, v9;
	_ =	sdelay $0x1  }
0xf0: {  	v10 =	vmul.f32 $2.000000030e-01, v9;
	_ =	sdelay $0x1  }
0xf1: {  	v9 =	vmax.f32 v9, v10  }
0xf2: {  	v10 =	vmul.f32 $1.442695020e+00, v9;
	_ =	sdelay $0x1  }
0xf3: {  	(erf) = vpow2.f32 v10;
	_ =	sdelay $0x2  }
0xf4: {  	v8 =	vld [tilespmem:s8+$0x2B80]  }
0xf5: {  	v7 =	vld [tilespmem:s8+$0x2B70]  }
0xf6: {  	v9 =	vld [tilespmem:s8+$0x2B60]  }
0xf7: {  	s16 =	simm.s32 $0x280;
	v10 =	vld [tilespmem:s8+$0x2B50]  }
.LBB2_7:
0xf8: {  	p0 =	sne.s32 s16, $0x9D80  }
0xf9: {  	s10 =	sadd.s32 $0x20, s10;
	s17 =	smov.u32 s16;
	s16 =	sadd.s32 $0x280, s16  }
0xfa: {  	v11 =	vpop (erf)  }
0xfb: {  	[tilespmem:s8+$0x8B90] =	vst v11;
	v12 =	vperm.xlane v11, v3;
	v13 =	vperm.xlane v11, v4  }
0xfc: {  	v14 =	vperm.xlane v11, v5;
	v11 =	vperm.xlane v11, v6  }
0xfd: {  	v10 =	vmul.f32 v12, v10;
	v9 =	vmul.f32 v13, v9  }
0xfe: {  	v7 =	vmul.f32 v14, v7;
	v8 =	vmul.f32 v11, v8  }
0xff: {  	s17 =	sshra.s32 s17, $0x2;
	[tilespmem:s8+$0x8B50] =	vst v10  }
0x100: {  	v10 =	vld [tilespmem:s17+$0x2B40];
	[tilespmem:s8+$0x8B70] =	vst v7  }
0x101: {  	v7 =	vld [tilespmem:s17+$0x2B70];
	[tilespmem:s8+$0x8B80] =	vst v8  }
0x102: {  	v8 =	vld [tilespmem:s17+$0x2B80];
	[tilespmem:s8+$0x8B60] =	vst v9;
	s8 =	smov.u32 s17  }
0x103: {  	v9 =	vld [tilespmem:s10+$0xFFFFFFF0];
	_ =	sdelay $0x4  }
0x104: {  	v9 =	vadd.f32 v9, v10;
	_ =	sdelay $0x1  }
0x105: {  	v10 =	vmul.f32 $2.000000030e-01, v9;
	_ =	sdelay $0x1  }
0x106: {  	v9 =	vmax.f32 v9, v10  }
0x107: {  	v9 =	vmul.f32 $1.442695020e+00, v9;
	_ =	sdelay $0x1  }
0x108: {  	(erf) = vpow2.f32 v9;
	_ =	sdelay $0x4  }
0x109: {  	v9 =	vld [tilespmem:s8+$0x2B20]  }
0x10a: {  	v10 =	vld [tilespmem:s8+$0x2B30]  }
0x10b: {  	v11 =	vld [tilespmem:s8+$0x2B00]  }
0x10c: {  	v12 =	vld [tilespmem:s8+$0x2B10]  }
0x10d: {  	v13 =	vpop (erf)  }
0x10e: {  	[tilespmem:s8+$0x8B40] =	vst v13;
	v14 =	vperm.xlane v13, v3;
	v15 =	vperm.xlane v13, v6  }
0x10f: {  	v16 =	vperm.xlane v13, v4;
	v13 =	vperm.xlane v13, v5  }
0x110: {  	v11 =	vmul.f32 v14, v11;
	v10 =	vmul.f32 v15, v10  }
0x111: {  	v9 =	vmul.f32 v13, v9;
	v12 =	vmul.f32 v16, v12  }
0x112: {  	[tilespmem:s8+$0x8B30] =	vst v10  }
0x113: {  	[tilespmem:s8+$0x8B00] =	vst v11  }
0x114: {  	[tilespmem:s8+$0x8B10] =	vst v12  }
0x115: {  	[tilespmem:s8+$0x8B20] =	vst v9;
	v9 =	vld [tilespmem:s8+$0x2B90]  }
0x116: {  	v10 =	vld [tilespmem:s10+$0x0];
	_ =	sdelay $0x4  }
0x117: {  	v9 =	vadd.f32 v10, v9;
	_ =	sdelay $0x1  }
0x118: {  	v10 =	vmul.f32 $2.000000030e-01, v9;
	_ =	sdelay $0x1  }
0x119: {  	v9 =	vmax.f32 v9, v10  }
0x11a: {  	v9 =	vmul.f32 $1.442695020e+00, v9;
	_ =	sdelay $0x1  }
0x11b: {  	(erf) = vpow2.f32 v9;
	_ =	sdelay $0x2  }
.Ltmp2:
0x11c: {  	(pc) =	sbr.rel @p0 .LBB2_7-.Ltmp2, $3  }
0x11d: {  	_ =	sdelay $0x1  }
0x11e: {  	v9 =	vld [tilespmem:s8+$0x2B60]  }
0x11f: {  	v10 =	vld [tilespmem:s8+$0x2B50]  }
0x120: {  	_ = 	snop  }
0x121: {  	v11 =	vpop (erf)  }
0x122: {  	v12 =	vperm.xlane v11, v3  }
0x123: {  	v13 =	vperm.xlane v11, v5  }
0x124: {  	s15 =	sadd.s32 $0x1, s15;
	v14 =	vperm.xlane v11, v6;
	v10 =	vmul.f32 v12, v10  }
0x125: {  	p0 =	sne.s32 s15, $0xD0;
	[tilespmem:s8+$0x8B90] =	vst v11;
	v11 =	vperm.xlane v11, v4;
	v7 =	vmul.f32 v13, v7  }
.Ltmp3:
0x126: {  	v8 =	vmul.f32 v14, v8;
	[tilespmem:s8+$0x8B50] =	vst v10;
	(pc) =	sbr.rel @p0 .LBB2_4-.Ltmp3, $4  }
0x127: {  	v9 =	vmul.f32 v11, v9;
	[tilespmem:s8+$0x8B70] =	vst v7  }
0x128: {  	[tilespmem:s8+$0x8B80] =	vst v8  }
0x129: {  	[tilespmem:s8+$0x8B60] =	vst v9  }
0x12a: {  	[spmem:s2] =	stream.indirect.scatter.add.f32 [tilespmem:s13], [sflag:$0x3], $0x50, s26, s24, $0xb8;
	[tilespmem:$0x1AF80] =	vst v63  }
0x12b: {  	_ =	swait.ge [sflag:s14], $0x2800  }
0x12c: {  	[sflag:s14] =	ssyncset.done $0x0  }
0x12d: {  	[sflag:s14] =	ssyncadd.s32 $0xFFFFD800  }
0x12e: {  	_ =	swait.ge [sflag:s14], $0x2800  }
0x12f: {  	[sflag:s14] =	ssyncset.done $0x0  }
0x130: {  	[sflag:s14] =	ssyncadd.s32 $0xFFFFD800  }
0x131: {  	s8 =	stileid.u32;
	[bflag:$0x0] =	sbarrier.arrive $0xFFFF  }
0x132: {  	s8 =	sshll.u32 s8, $0x6;
	s17 =	rddreg [dreg:$0x5]  }
0x133: {  	s15 =	sor.u32 $0x1C04, s8;
	s18 =	rddreg [dreg:$0x4];
	s16 =	sshrl.u32 s17, $0x3  }
0x134: {  	[hbm:s18], [sflag:s15] =	dma.local [spmem:s16], $0x1F40  }
0x135: {  	_ =	swait.ge [sflag:s23], $0x1F40  }
0x136: {  	[sflag:s23] =	ssyncset.done $0x0  }
0x137: {  	[sflag:s23] =	ssyncadd.s32 $0xFFFFE0C0  }
0x138: {  	s10 =	simm.s32 $0x140;
	s8 =	simm.s32 $0x0;
	[bflag:$0x0] =	sbarrier.arrive $0xFFFF  }
.LBB2_10:
0x139: {  	p0 =	sne.s32 s10, $0x9EC0;
	[tilespmem:s8+$0x6340] =	vst v2;
	s17 =	smov.u32 s10;
	s10 =	sadd.s32 $0x140, s10  }
.Ltmp4:
0x13a: {  	[tilespmem:s8+$0x6330] =	vst v2;
	(pc) =	sbr.rel @p0 .LBB2_10-.Ltmp4, $4  }
0x13b: {  	[tilespmem:s8+$0x6320] =	vst v2  }
0x13c: {  	[tilespmem:s8+$0x6300] =	vst v2  }
0x13d: {  	[tilespmem:s8+$0x6310] =	vst v2  }
0x13e: {  	s8 =	sshra.s32 s17, $0x2  }
0x13f: {  	[tilespmem:s8+$0x6340] =	vst v2  }
0x140: {  	[tilespmem:s8+$0x6330] =	vst v2  }
0x141: {  	[tilespmem:s8+$0x6320] =	vst v2  }
0x142: {  	[tilespmem:s8+$0x6300] =	vst v2  }
0x143: {  	[tilespmem:s8+$0x6310] =	vst v2  }
0x144: {  	[spmem:s7] =	stream.linear.scatter [tilespmem:s22], [sflag:$0x4], $0x2800, $0x38;
	[tilespmem:$0x1AF80] =	vst v63  }
0x145: {  	_ =	swait.ge [sflag:s23], $0x2800  }
0x146: {  	[sflag:s23] =	ssyncset.done $0x0  }
0x147: {  	[sflag:s23] =	ssyncadd.s32 $0xFFFFD800  }
0x148: {  	[spmem:s21] =	stream.linear.scatter [tilespmem:s22], [sflag:$0x4], $0x2800, $0x38;
	[tilespmem:$0x1AF80] =	vst v63  }
0x149: {  	_ =	swait.ge [sflag:s23], $0x2800  }
0x14a: {  	[sflag:s23] =	ssyncset.done $0x0  }
0x14b: {  	s21 =	rddreg [dreg:$0x9];
	[sflag:s23] =	ssyncadd.s32 $0xFFFFD800  }
0x14c: {  	[spmem:s21] =	stream.linear.scatter [tilespmem:s22], [sflag:$0x4], $0x2800, $0x38;
	[tilespmem:$0x1AF80] =	vst v63  }
0x14d: {  	_ =	swait.ge [sflag:s23], $0x2800  }
0x14e: {  	[sflag:s23] =	ssyncset.done $0x0  }
0x14f: {  	s8 =	rddreg [dreg:$0xa];
	[sflag:s23] =	ssyncadd.s32 $0xFFFFD800  }
0x150: {  	[spmem:s8] =	stream.linear.scatter [tilespmem:s22], [sflag:$0x4], $0x2800, $0x38;
	[tilespmem:$0x1AF80] =	vst v63  }
0x151: {  	_ =	swait.ge [sflag:s23], $0x2800  }
0x152: {  	[sflag:s23] =	ssyncset.done $0x0  }
0x153: {  	s10 =	rddreg [dreg:$0xb];
	[sflag:s23] =	ssyncadd.s32 $0xFFFFD800  }
0x154: {  	[spmem:s10] =	stream.linear.scatter [tilespmem:s22], [sflag:$0x4], $0x2800, $0x38;
	[tilespmem:$0x1AF80] =	vst v63  }
0x155: {  	_ =	swait.ge [sflag:s23], $0x2800  }
0x156: {  	[sflag:s23] =	ssyncset.done $0x0  }
0x157: {  	s17 =	rddreg [dreg:$0xc];
	[sflag:s23] =	ssyncadd.s32 $0xFFFFD800  }
0x158: {  	[spmem:s17] =	stream.linear.scatter [tilespmem:s22], [sflag:$0x4], $0x2800, $0x38;
	[tilespmem:$0x1AF80] =	vst v63  }
0x159: {  	_ =	swait.ge [sflag:s23], $0x2800  }
0x15a: {  	[sflag:s23] =	ssyncset.done $0x0  }
0x15b: {  	[sflag:s23] =	ssyncadd.s32 $0xFFFFD800  }
0x15c: {  	[spmem:s19] =	stream.linear.scatter [tilespmem:s22], [sflag:$0x4], $0xC80, $0x38;
	[tilespmem:$0x1AF80] =	vst v63  }
0x15d: {  	_ =	swait.ge [sflag:s23], $0xC80  }
0x15e: {  	[sflag:s23] =	ssyncset.done $0x0  }
0x15f: {  	[sflag:s23] =	ssyncadd.s32 $0xFFFFF380  }
0x160: {  	s8 =	simm.s32 $0x0;
	[bflag:$0x0] =	sbarrier.arrive $0xFFFF  }
0x161: {  	[tilespmem:s8], [sflag:$0x4] =	stream.linear.gather [hbm4b:s9+s8], $0x100, $0x38;
	[tilespmem:$0x1AF80] =	vst v63  }
0x162: {  	_ =	swait.ge [sflag:s23], $0x100  }
0x163: {  	[sflag:s23] =	ssyncset.done $0x0  }
0x164: {  	s18 =	simm.s32 $0x300;
	[sflag:s23] =	ssyncadd.s32 $0xFFFFFF00  }
0x165: {  	[tilespmem:s18], [sflag:$0x1] =	stream.indirect.gather [hbm4b:s5+s24], $0x50, s8, s24, $0xb8;
	[tilespmem:$0x1AF80] =	vst v63  }
0x166: {  	s21 =	smov.u32 s19;
	s19 =	simm.s32 $0x5300  }
0x167: {  	[tilespmem:s19], [sflag:$0x1] =	stream.indirect.gather [hbm4b:s6+s24], $0x10, s24, s24, $0xb8;
	[tilespmem:$0x1AF80] =	vst v63  }
0x168: {  	s7 =	smov.u32 s9;
	s9 =	smov.u32 s20  }
0x169: {  	[tilespmem:s28], [sflag:$0x2] =	stream.linear.gather [hbm4b:s20+s8], $0x100, $0x38;
	[tilespmem:$0x1AF80] =	vst v63  }
.LBB2_12:
0x16a: {  	_ =	swait.ge [sflag:s29], $0x2800  }
0x16b: {  	[sflag:s29] =	ssyncset.done $0x0  }
0x16c: {  	[sflag:s29] =	ssyncadd.s32 $0xFFFFD800  }
0x16d: {  	_ =	swait.ge [sflag:s29], $0x800  }
0x16e: {  	p1 =	seq.s32 s8, $0x0;
	[sflag:s29] =	ssyncset.done $0x0  }
0x16f: {  	s10 =	simm.s32 @!p1 $0x3;
	[sflag:s29] =	ssyncadd.s32 $0xFFFFF800  }
0x170: {  	_ =	swait.ge @!p1 [sflag:s10], $0x2800  }
0x171: {  	[sflag:s10] =	ssyncset.done @!p1 $0x0  }
0x172: {  	[sflag:s10] =	ssyncadd.s32 @!p1 $0xFFFFD800  }
0x173: {  	v7 =	vld [tilespmem:$0x80]  }
0x174: {  	v8 =	vld [tilespmem:$0x90]  }
0x175: {  	v9 =	vld [tilespmem:$0xA0]  }
0x176: {  	v10 =	vld [tilespmem:$0xB0]  }
0x177: {  	v11 =	vld [tilespmem:$0xC0]  }
0x178: {  	v12 =	vld [tilespmem:$0xD0];
	v7 =	vadd.s32 v1, v7  }
0x179: {  	v13 =	vld [tilespmem:$0xE0];
	v8 =	vadd.s32 v1, v8;
	v7 =	vmin.u32 v7, $0x3200  }
0x17a: {  	[tilespmem:$0x200] =	vst v7;
	v7 =	vmin.u32 v8, $0x3200;
	v8 =	vadd.s32 v1, v9;
	v9 =	vld [tilespmem:$0xF0]  }
0x17b: {  	[tilespmem:$0x210] =	vst v7;
	v7 =	vmin.u32 v8, $0x3200;
	v8 =	vadd.s32 v1, v10  }
0x17c: {  	[tilespmem:$0x220] =	vst v7;
	v7 =	vmin.u32 v8, $0x3200;
	v8 =	vadd.s32 v1, v11  }
0x17d: {  	[tilespmem:$0x230] =	vst v7;
	v7 =	vmin.u32 v8, $0x3200;
	v8 =	vadd.s32 v1, v12  }
0x17e: {  	[tilespmem:$0x240] =	vst v7;
	v7 =	vmin.u32 v8, $0x3200;
	v8 =	vadd.s32 v1, v13  }
0x17f: {  	[tilespmem:$0x250] =	vst v7;
	v7 =	vmin.u32 v8, $0x3200;
	v8 =	vadd.s32 v1, v9  }
0x180: {  	[tilespmem:$0x260] =	vst v7;
	v7 =	vmin.u32 v8, $0x3200  }
0x181: {  	[tilespmem:$0x270] =	vst v7  }
0x182: {  	_ =	swait.ge [sflag:s30], $0x100  }
0x183: {  	p0 =	seq.s32 s8, $0xCF;
	s10 =	sshll.u32 s8, $0x1;
	[sflag:s30] =	ssyncset.done $0x0  }
0x184: {  	s17 =	sadd.s32 @!p0 s10, s11;
	[sflag:s30] =	ssyncadd.s32 $0xFFFFFF00  }
0x185: {  	[tilespmem:s31], [sflag:$0x1] =	stream.indirect.gather [hbm4b:s5+s24], $0x50, s28, s24, $0xb8;
	[tilespmem:$0x1AF80] =	vst v63  }
0x186: {  	s17 =	sshll.u32 @!p0 s17, $0x5  }
0x187: {  	[tilespmem:s1], [sflag:$0x1] =	stream.indirect.gather [hbm4b:s6+s24], $0x10, s0, s24, $0xb8;
	[tilespmem:$0x1AF80] =	vst v63  }
0x188: {  	s18 =	simm.s32 @!p0 $0x0;
	s17 =	sadd.s32 @!p0 s4, s17  }
0x189: {  	[tilespmem:s18], [sflag:$0x2] =	stream.linear.gather @!p0 [hbm4b:s17+s18], $0x100, $0x38;
	[tilespmem:$0x1AF80] =	vst v63  }
0x18a: {  	s17 =	simm.s32 $0x0  }
0x18b: {  	s18 =	simm.s32 $0x5310;
	v7 =	vld [tilespmem:s17+$0x340]  }
0x18c: {  	v8 =	vld [tilespmem:s18+$0xFFFFFFF0];
	_ =	sdelay $0x4  }
0x18d: {  	v7 =	vadd.f32 v8, v7;
	_ =	sdelay $0x1  }
0x18e: {  	v8 =	vmul.f32 $2.000000030e-01, v7;
	_ =	sdelay $0x1  }
0x18f: {  	v7 =	vmax.f32 v7, v8  }
0x190: {  	v7 =	vmul.f32 $1.442695020e+00, v7;
	_ =	sdelay $0x1  }
0x191: {  	(erf) = vpow2.f32 v7;
	_ =	sdelay $0x6  }
0x192: {  	v9 =	vld [tilespmem:s17+$0x330]  }
0x193: {  	v10 =	vld [tilespmem:s17+$0x300]  }
0x194: {  	v11 =	vld [tilespmem:s17+$0x310];
	v62 =	vpop (erf)  }
0x195: {  	v63 =	vld [tilespmem:s17+$0x320];
	v14 =	vperm.xlane v62, v6  }
0x196: {  	v15 =	vperm.xlane v62, v3  }
0x197: {  	v16 =	vperm.xlane v62, v4;
	v9 =	vmul.f32 v14, v9  }
0x198: {  	[tilespmem:s17+$0x6340] =	vst v62;
	v12 =	vperm.xlane v62, v5;
	v10 =	vmul.f32 v15, v10  }
0x199: {  	v11 =	vmul.f32 v16, v11;
	[tilespmem:s17+$0x6330] =	vst v9  }
0x19a: {  	v9 =	vmul.f32 v12, v63;
	[tilespmem:s17+$0x6300] =	vst v10  }
0x19b: {  	[tilespmem:s17+$0x6310] =	vst v11  }
0x19c: {  	[tilespmem:s17+$0x6320] =	vst v9;
	v9 =	vld [tilespmem:s17+$0x390]  }
0x19d: {  	v10 =	vld [tilespmem:s18+$0x0];
	_ =	sdelay $0x4  }
0x19e: {  	v9 =	vadd.f32 v10, v9;
	_ =	sdelay $0x1  }
0x19f: {  	v10 =	vmul.f32 $2.000000030e-01, v9;
	_ =	sdelay $0x1  }
0x1a0: {  	v9 =	vmax.f32 v9, v10  }
0x1a1: {  	v10 =	vmul.f32 $1.442695020e+00, v9;
	_ =	sdelay $0x1  }
0x1a2: {  	(erf) = vpow2.f32 v10;
	_ =	sdelay $0x2  }
0x1a3: {  	v8 =	vld [tilespmem:s17+$0x380]  }
0x1a4: {  	v7 =	vld [tilespmem:s17+$0x370]  }
0x1a5: {  	v9 =	vld [tilespmem:s17+$0x360]  }
0x1a6: {  	s19 =	simm.s32 $0x280;
	v10 =	vld [tilespmem:s17+$0x350]  }
.LBB2_13:
0x1a7: {  	p2 =	sne.s32 s19, $0x9D80  }
0x1a8: {  	s18 =	sadd.s32 $0x20, s18;
	s20 =	smov.u32 s19;
	s19 =	sadd.s32 $0x280, s19  }
0x1a9: {  	v11 =	vpop (erf)  }
0x1aa: {  	[tilespmem:s17+$0x6390] =	vst v11;
	v12 =	vperm.xlane v11, v3;
	v13 =	vperm.xlane v11, v4  }
0x1ab: {  	v14 =	vperm.xlane v11, v5;
	v11 =	vperm.xlane v11, v6  }
0x1ac: {  	v10 =	vmul.f32 v12, v10;
	v9 =	vmul.f32 v13, v9  }
0x1ad: {  	v7 =	vmul.f32 v14, v7;
	v8 =	vmul.f32 v11, v8  }
0x1ae: {  	s20 =	sshra.s32 s20, $0x2;
	[tilespmem:s17+$0x6350] =	vst v10  }
0x1af: {  	v10 =	vld [tilespmem:s20+$0x340];
	[tilespmem:s17+$0x6370] =	vst v7  }
0x1b0: {  	v7 =	vld [tilespmem:s20+$0x370];
	[tilespmem:s17+$0x6380] =	vst v8  }
0x1b1: {  	v8 =	vld [tilespmem:s20+$0x380];
	[tilespmem:s17+$0x6360] =	vst v9;
	s17 =	smov.u32 s20  }
0x1b2: {  	v9 =	vld [tilespmem:s18+$0xFFFFFFF0];
	_ =	sdelay $0x4  }
0x1b3: {  	v9 =	vadd.f32 v9, v10;
	_ =	sdelay $0x1  }
0x1b4: {  	v10 =	vmul.f32 $2.000000030e-01, v9;
	_ =	sdelay $0x1  }
0x1b5: {  	v9 =	vmax.f32 v9, v10  }
0x1b6: {  	v9 =	vmul.f32 $1.442695020e+00, v9;
	_ =	sdelay $0x1  }
0x1b7: {  	(erf) = vpow2.f32 v9;
	_ =	sdelay $0x4  }
0x1b8: {  	v9 =	vld [tilespmem:s17+$0x320]  }
0x1b9: {  	v10 =	vld [tilespmem:s17+$0x330]  }
0x1ba: {  	v11 =	vld [tilespmem:s17+$0x300]  }
0x1bb: {  	v12 =	vld [tilespmem:s17+$0x310]  }
0x1bc: {  	v13 =	vpop (erf)  }
0x1bd: {  	[tilespmem:s17+$0x6340] =	vst v13;
	v14 =	vperm.xlane v13, v3;
	v15 =	vperm.xlane v13, v6  }
0x1be: {  	v16 =	vperm.xlane v13, v4;
	v13 =	vperm.xlane v13, v5  }
0x1bf: {  	v11 =	vmul.f32 v14, v11;
	v10 =	vmul.f32 v15, v10  }
0x1c0: {  	v9 =	vmul.f32 v13, v9;
	v12 =	vmul.f32 v16, v12  }
0x1c1: {  	[tilespmem:s17+$0x6330] =	vst v10  }
0x1c2: {  	[tilespmem:s17+$0x6300] =	vst v11  }
0x1c3: {  	[tilespmem:s17+$0x6310] =	vst v12  }
0x1c4: {  	[tilespmem:s17+$0x6320] =	vst v9;
	v9 =	vld [tilespmem:s17+$0x390]  }
0x1c5: {  	v10 =	vld [tilespmem:s18+$0x0];
	_ =	sdelay $0x4  }
0x1c6: {  	v9 =	vadd.f32 v10, v9;
	_ =	sdelay $0x1  }
0x1c7: {  	v10 =	vmul.f32 $2.000000030e-01, v9;
	_ =	sdelay $0x1  }
0x1c8: {  	v9 =	vmax.f32 v9, v10  }
0x1c9: {  	v9 =	vmul.f32 $1.442695020e+00, v9;
	_ =	sdelay $0x1  }
0x1ca: {  	(erf) = vpow2.f32 v9;
	_ =	sdelay $0x2  }
.Ltmp5:
0x1cb: {  	(pc) =	sbr.rel @p2 .LBB2_13-.Ltmp5, $3  }
0x1cc: {  	_ =	sdelay $0x1  }
0x1cd: {  	v9 =	vld [tilespmem:s17+$0x360]  }
0x1ce: {  	v10 =	vld [tilespmem:s17+$0x350]  }
0x1cf: {  	_ = 	snop  }
0x1d0: {  	v11 =	vpop (erf)  }
0x1d1: {  	v12 =	vperm.xlane v11, v3  }
0x1d2: {  	v13 =	vperm.xlane v11, v5  }
0x1d3: {  	v14 =	vperm.xlane v11, v6;
	v10 =	vmul.f32 v12, v10  }
0x1d4: {  	[tilespmem:s17+$0x6390] =	vst v11;
	v11 =	vperm.xlane v11, v4;
	v7 =	vmul.f32 v13, v7  }
0x1d5: {  	v8 =	vmul.f32 v14, v8;
	[tilespmem:s17+$0x6350] =	vst v10  }
0x1d6: {  	v9 =	vmul.f32 v11, v9;
	[tilespmem:s17+$0x6370] =	vst v7  }
0x1d7: {  	[tilespmem:s17+$0x6380] =	vst v8  }
0x1d8: {  	[tilespmem:s17+$0x6360] =	vst v9  }
0x1d9: {  	[spmem:s2] =	stream.indirect.scatter.add.f32 [tilespmem:s22], [sflag:$0x3], $0x50, s25, s24, $0xb8;
	[tilespmem:$0x1AF80] =	vst v63  }
0x1da: {  	_ =	swait.ge [sflag:s29], $0x2800  }
0x1db: {  	[sflag:s29] =	ssyncset.done $0x0  }
0x1dc: {  	[sflag:s29] =	ssyncadd.s32 $0xFFFFD800  }
0x1dd: {  	_ =	swait.ge [sflag:s29], $0x800  }
0x1de: {  	[sflag:s29] =	ssyncset.done $0x0  }
0x1df: {  	s17 =	simm.s32 @!p1 $0x3;
	[sflag:s29] =	ssyncadd.s32 $0xFFFFF800  }
0x1e0: {  	_ =	swait.ge @!p1 [sflag:s17], $0x2800  }
0x1e1: {  	[sflag:s17] =	ssyncset.done @!p1 $0x0  }
0x1e2: {  	[sflag:s17] =	ssyncadd.s32 @!p1 $0xFFFFD800  }
0x1e3: {  	v7 =	vld [tilespmem:$0x180]  }
0x1e4: {  	v8 =	vld [tilespmem:$0x190]  }
0x1e5: {  	v9 =	vld [tilespmem:$0x1A0]  }
0x1e6: {  	v10 =	vld [tilespmem:$0x1B0]  }
0x1e7: {  	v11 =	vld [tilespmem:$0x1C0]  }
0x1e8: {  	v59 =	vld [tilespmem:$0x1D0];
	v7 =	vadd.s32 v1, v7  }
0x1e9: {  	v60 =	vld [tilespmem:$0x1E0];
	v8 =	vadd.s32 v1, v8;
	v7 =	vmin.u32 v7, $0x3200  }
0x1ea: {  	[tilespmem:$0x280] =	vst v7;
	v7 =	vmin.u32 v8, $0x3200;
	v8 =	vadd.s32 v1, v9;
	v9 =	vld [tilespmem:$0x1F0]  }
0x1eb: {  	[tilespmem:$0x290] =	vst v7;
	v7 =	vmin.u32 v8, $0x3200;
	v8 =	vadd.s32 v1, v10  }
0x1ec: {  	[tilespmem:$0x2A0] =	vst v7;
	v7 =	vmin.u32 v8, $0x3200;
	v8 =	vadd.s32 v1, v11  }
0x1ed: {  	[tilespmem:$0x2B0] =	vst v7;
	v7 =	vmin.u32 v8, $0x3200;
	v8 =	vadd.s32 v1, v59  }
0x1ee: {  	[tilespmem:$0x2C0] =	vst v7;
	v7 =	vmin.u32 v8, $0x3200;
	v8 =	vadd.s32 v1, v60  }
0x1ef: {  	[tilespmem:$0x2D0] =	vst v7;
	v7 =	vmin.u32 v8, $0x3200;
	v8 =	vadd.s32 v1, v9  }
0x1f0: {  	[tilespmem:$0x2E0] =	vst v7;
	v7 =	vmin.u32 v8, $0x3200  }
0x1f1: {  	s17 =	simm.s32 @!p0 $0x2;
	[tilespmem:$0x2F0] =	vst v7  }
0x1f2: {  	_ =	swait.ge @!p0 [sflag:s17], $0x100  }
0x1f3: {  	s18 =	simm.s32 @!p0 $0x0;
	s19 =	simm.s32 @!p0 $0x300;
	[sflag:s17] =	ssyncset.done @!p0 $0x0  }
0x1f4: {  	s10 =	sadd.s32 @!p0 s10, s12;
	[sflag:s17] =	ssyncadd.s32 @!p0 $0xFFFFFF00;
	s17 =	simm.s32 @!p0 $0x80  }
0x1f5: {  	[tilespmem:s19], [sflag:$0x1] =	stream.indirect.gather @!p0 [hbm4b:s5+s17], $0x50, s18, s17, $0xb8;
	[tilespmem:$0x1AF80] =	vst v63  }
0x1f6: {  	s10 =	sshll.u32 @!p0 s10, $0x5;
	s19 =	simm.s32 @!p0 $0x5300  }
0x1f7: {  	[tilespmem:s19], [sflag:$0x1] =	stream.indirect.gather @!p0 [hbm4b:s6+s17], $0x10, s17, s17, $0xb8;
	[tilespmem:$0x1AF80] =	vst v63  }
0x1f8: {  	s10 =	sadd.s32 @!p0 s4, s10;
	s17 =	simm.s32 @!p0 $0x100  }
0x1f9: {  	[tilespmem:s17], [sflag:$0x2] =	stream.linear.gather @!p0 [hbm4b:s10+s18], $0x100, $0x38;
	[tilespmem:$0x1AF80] =	vst v63  }
0x1fa: {  	s10 =	simm.s32 $0x0  }
0x1fb: {  	s17 =	simm.s32 $0x5B10;
	v7 =	vld [tilespmem:s10+$0x2B40]  }
0x1fc: {  	v8 =	vld [tilespmem:s17+$0xFFFFFFF0];
	_ =	sdelay $0x4  }
0x1fd: {  	v7 =	vadd.f32 v8, v7;
	_ =	sdelay $0x1  }
0x1fe: {  	v8 =	vmul.f32 $2.000000030e-01, v7;
	_ =	sdelay $0x1  }
0x1ff: {  	v7 =	vmax.f32 v7, v8  }
0x200: {  	v7 =	vmul.f32 $1.442695020e+00, v7;
	_ =	sdelay $0x1  }
0x201: {  	(erf) = vpow2.f32 v7;
	_ =	sdelay $0x6  }
0x202: {  	v9 =	vld [tilespmem:s10+$0x2B30]  }
0x203: {  	v10 =	vld [tilespmem:s10+$0x2B00]  }
0x204: {  	v11 =	vld [tilespmem:s10+$0x2B10];
	v61 =	vpop (erf)  }
0x205: {  	v62 =	vld [tilespmem:s10+$0x2B20];
	v63 =	vperm.xlane v61, v6  }
0x206: {  	v15 =	vperm.xlane v61, v3  }
0x207: {  	v16 =	vperm.xlane v61, v4;
	v9 =	vmul.f32 v63, v9  }
0x208: {  	[tilespmem:s10+$0x8B40] =	vst v61;
	v12 =	vperm.xlane v61, v5;
	v10 =	vmul.f32 v15, v10  }
0x209: {  	v11 =	vmul.f32 v16, v11;
	[tilespmem:s10+$0x8B30] =	vst v9  }
0x20a: {  	v9 =	vmul.f32 v12, v62;
	[tilespmem:s10+$0x8B00] =	vst v10  }
0x20b: {  	[tilespmem:s10+$0x8B10] =	vst v11  }
0x20c: {  	[tilespmem:s10+$0x8B20] =	vst v9;
	v9 =	vld [tilespmem:s10+$0x2B90]  }
0x20d: {  	v10 =	vld [tilespmem:s17+$0x0];
	_ =	sdelay $0x4  }
0x20e: {  	v9 =	vadd.f32 v10, v9;
	_ =	sdelay $0x1  }
0x20f: {  	v10 =	vmul.f32 $2.000000030e-01, v9;
	_ =	sdelay $0x1  }
0x210: {  	v9 =	vmax.f32 v9, v10  }
0x211: {  	v10 =	vmul.f32 $1.442695020e+00, v9;
	_ =	sdelay $0x1  }
0x212: {  	(erf) = vpow2.f32 v10;
	_ =	sdelay $0x2  }
0x213: {  	v8 =	vld [tilespmem:s10+$0x2B80]  }
0x214: {  	v7 =	vld [tilespmem:s10+$0x2B70]  }
0x215: {  	v9 =	vld [tilespmem:s10+$0x2B60]  }
0x216: {  	s18 =	simm.s32 $0x280;
	v10 =	vld [tilespmem:s10+$0x2B50]  }
.LBB2_15:
0x217: {  	p0 =	sne.s32 s18, $0x9D80  }
0x218: {  	s17 =	sadd.s32 $0x20, s17;
	s19 =	smov.u32 s18;
	s18 =	sadd.s32 $0x280, s18  }
0x219: {  	v11 =	vpop (erf)  }
0x21a: {  	[tilespmem:s10+$0x8B90] =	vst v11;
	v12 =	vperm.xlane v11, v3;
	v13 =	vperm.xlane v11, v4  }
0x21b: {  	v14 =	vperm.xlane v11, v5;
	v11 =	vperm.xlane v11, v6  }
0x21c: {  	v10 =	vmul.f32 v12, v10;
	v9 =	vmul.f32 v13, v9  }
0x21d: {  	v7 =	vmul.f32 v14, v7;
	v8 =	vmul.f32 v11, v8  }
0x21e: {  	s19 =	sshra.s32 s19, $0x2;
	[tilespmem:s10+$0x8B50] =	vst v10  }
0x21f: {  	v10 =	vld [tilespmem:s19+$0x2B40];
	[tilespmem:s10+$0x8B70] =	vst v7  }
0x220: {  	v7 =	vld [tilespmem:s19+$0x2B70];
	[tilespmem:s10+$0x8B80] =	vst v8  }
0x221: {  	v8 =	vld [tilespmem:s19+$0x2B80];
	[tilespmem:s10+$0x8B60] =	vst v9;
	s10 =	smov.u32 s19  }
0x222: {  	v9 =	vld [tilespmem:s17+$0xFFFFFFF0];
	_ =	sdelay $0x4  }
0x223: {  	v9 =	vadd.f32 v9, v10;
	_ =	sdelay $0x1  }
0x224: {  	v10 =	vmul.f32 $2.000000030e-01, v9;
	_ =	sdelay $0x1  }
0x225: {  	v9 =	vmax.f32 v9, v10  }
0x226: {  	v9 =	vmul.f32 $1.442695020e+00, v9;
	_ =	sdelay $0x1  }
0x227: {  	(erf) = vpow2.f32 v9;
	_ =	sdelay $0x4  }
0x228: {  	v9 =	vld [tilespmem:s10+$0x2B20]  }
0x229: {  	v10 =	vld [tilespmem:s10+$0x2B30]  }
0x22a: {  	v11 =	vld [tilespmem:s10+$0x2B00]  }
0x22b: {  	v12 =	vld [tilespmem:s10+$0x2B10]  }
0x22c: {  	v13 =	vpop (erf)  }
0x22d: {  	[tilespmem:s10+$0x8B40] =	vst v13;
	v14 =	vperm.xlane v13, v3;
	v15 =	vperm.xlane v13, v6  }
0x22e: {  	v16 =	vperm.xlane v13, v4;
	v13 =	vperm.xlane v13, v5  }
0x22f: {  	v11 =	vmul.f32 v14, v11;
	v10 =	vmul.f32 v15, v10  }
0x230: {  	v9 =	vmul.f32 v13, v9;
	v12 =	vmul.f32 v16, v12  }
0x231: {  	[tilespmem:s10+$0x8B30] =	vst v10  }
0x232: {  	[tilespmem:s10+$0x8B00] =	vst v11  }
0x233: {  	[tilespmem:s10+$0x8B10] =	vst v12  }
0x234: {  	[tilespmem:s10+$0x8B20] =	vst v9;
	v9 =	vld [tilespmem:s10+$0x2B90]  }
0x235: {  	v10 =	vld [tilespmem:s17+$0x0];
	_ =	sdelay $0x4  }
0x236: {  	v9 =	vadd.f32 v10, v9;
	_ =	sdelay $0x1  }
0x237: {  	v10 =	vmul.f32 $2.000000030e-01, v9;
	_ =	sdelay $0x1  }
0x238: {  	v9 =	vmax.f32 v9, v10  }
0x239: {  	v9 =	vmul.f32 $1.442695020e+00, v9;
	_ =	sdelay $0x1  }
0x23a: {  	(erf) = vpow2.f32 v9;
	_ =	sdelay $0x2  }
.Ltmp6:
0x23b: {  	(pc) =	sbr.rel @p0 .LBB2_15-.Ltmp6, $3  }
0x23c: {  	_ =	sdelay $0x1  }
0x23d: {  	v9 =	vld [tilespmem:s10+$0x2B60]  }
0x23e: {  	v10 =	vld [tilespmem:s10+$0x2B50]  }
0x23f: {  	_ = 	snop  }
0x240: {  	v11 =	vpop (erf)  }
0x241: {  	v12 =	vperm.xlane v11, v3  }
0x242: {  	v13 =	vperm.xlane v11, v5  }
0x243: {  	s8 =	sadd.s32 $0x1, s8;
	v14 =	vperm.xlane v11, v6;
	v10 =	vmul.f32 v12, v10  }
0x244: {  	p0 =	sne.s32 s8, $0xD0;
	[tilespmem:s10+$0x8B90] =	vst v11;
	v11 =	vperm.xlane v11, v4;
	v7 =	vmul.f32 v13, v7  }
.Ltmp7:
0x245: {  	v8 =	vmul.f32 v14, v8;
	[tilespmem:s10+$0x8B50] =	vst v10;
	(pc) =	sbr.rel @p0 .LBB2_12-.Ltmp7, $4  }
0x246: {  	v9 =	vmul.f32 v11, v9;
	[tilespmem:s10+$0x8B70] =	vst v7  }
0x247: {  	[tilespmem:s10+$0x8B80] =	vst v8  }
0x248: {  	[tilespmem:s10+$0x8B60] =	vst v9  }
0x249: {  	[spmem:s2] =	stream.indirect.scatter.add.f32 [tilespmem:s13], [sflag:$0x3], $0x50, s26, s24, $0xb8;
	[tilespmem:$0x1AF80] =	vst v63  }
0x24a: {  	_ =	swait.ge [sflag:s14], $0x2800  }
0x24b: {  	[sflag:s14] =	ssyncset.done $0x0  }
0x24c: {  	[sflag:s14] =	ssyncadd.s32 $0xFFFFD800  }
0x24d: {  	_ =	swait.ge [sflag:s14], $0x2800  }
0x24e: {  	[sflag:s14] =	ssyncset.done $0x0  }
0x24f: {  	[sflag:s14] =	ssyncadd.s32 $0xFFFFD800  }
0x250: {  	[bflag:$0x0] =	sbarrier.arrive $0xFFFF  }
0x251: {  	s8 =	rddreg [dreg:$0x6]  }
0x252: {  	[hbm:s8], [sflag:s15] =	dma.local [spmem:s16], $0x1F40  }
0x253: {  	_ =	swait.ge [sflag:s23], $0x1F40  }
0x254: {  	s3 =	sadd.s32 $0x1, s3;
	s20 =	rddreg [dreg:$0x7]  }
0x255: {  	p0 =	sne.s32 s3, s20  }
.Ltmp8:
0x256: {  	[sflag:s23] =	ssyncset.done $0x0;
	(pc) =	sbr.rel @p0 .LBB2_1-.Ltmp8, $4  }
0x257: {  	[sflag:s23] =	ssyncadd.s32 $0xFFFFE0C0  }
0x258: {  	[bflag:$0x0] =	sbarrier.arrive $0xFFFF  }
0x259: {  	s20 =	smov.u32 s9;
	s9 =	smov.u32 s7;
	s7 =	rddreg [dreg:$0x3]  }
0x25a: {  	s19 =	smov.u32 s21;
	s21 =	rddreg [dreg:$0x8]  }
0x25b: {  	_ =	sfence.sel $0x180000  }
0x25c: {  	[bflag:$0x0] =	sbarrier.arrive $0xFFFF  }
0x25d: {  	_ =	strace $0x90000047  }
0x25e: {  	s0 =	stileid.u32;
	[bflag:$0x2] =	sbarrier.arrive $0xFFFF  }
0x25f: {  	p0 =	sne.s32 s0, $0x0;
	s0 =	rddreg [dreg:$0x2]  }
0x260: {  	s0 =	sadd.s32 @!p0 $0x100000, s0  }
0x261: {  	[sflag:s0] =	ssyncadd.tile.s32 @!p0 $0x1;
	_ =	shalt  }
.Lfunc_end2:
_tile_overlayer_lowered:
.L_overlay_start_2:
0x262: {  	(tag) =	ssettag $0x2  }
0x263: {  	s0 =	rddreg [dreg:$0x0];
	s2 =	stileid.u32  }
0x264: {  	s1 =	rddreg [dreg:$0x1];
	p0 =	sne.s32 s2, $0x0  }
0x265: {  	s3 =	rddreg [dreg:$0x2];
	[bflag:$0x3] =	sbarrier.arrive $0xFFFF;
	s2 =	simm.s32 @!p0 $0x1C04  }
0x266: {  	[timem:s3], [sflag:s2] =	dma.local @!p0 [hbm:s0], s1  }
0x267: {  	s0 =	simm.s32 @!p0 $0x4  }
0x268: {  	_ =	swait.ge @!p0 [sflag:s0], s1  }
0x269: {  	s1 =	ssub.s32 @!p0 $0x0, s1;
	[sflag:s0] =	ssyncset.done @!p0 $0x0  }
0x26a: {  	[sflag:s0] =	ssyncadd.s32 @!p0 s1  }
0x26b: {  	[bflag:$0x3] =	sbarrier.arrive $0xFFFF  }
0x26c: {  	_ =	shalt  }

</sc_bundles>
